<compile_context>
chip_gen: v7x
topology: tpu7x:2x2x1
jax: 0.10.2.dev20260603
libtpu: 0.0.44.dev20260713+nightly
codegen_flags: <defaults>
</compile_context>

<pallas_src>
import functools

import jax
import jax.numpy as jnp
from jax import lax
from jax.experimental import pallas as pl
from jax.experimental.pallas import tpu as pltpu
from jax.experimental.pallas import tpu_sc as plsc

_N = 16 * 3 * 512 * 512
_ROWS = 24576
_COLS = 512

_NC = 1
_NS = 16
_NW = _NC * _NS
_SC_ROWS = 4096
_W_ROWS = _SC_ROWS // _NW
_CH = 32
_NCH = _W_ROWS // _CH
_NBUF = 3

_TC_ROWS = _ROWS - _SC_ROWS
_K = 4
_STEPS = 10
_BR = _TC_ROWS // (_K * _STEPS)
_TC_BASE = _SC_ROWS // _BR


def _tc_kernel(*refs):
    a_refs = refs[:_K]
    b_refs = refs[_K:2 * _K]
    o_ref = refs[2 * _K]
    acc_ref = refs[2 * _K + 1]
    i = pl.program_id(0)

    total = jnp.zeros((8, _COLS), jnp.float32)
    for k in range(_K):
        d = jnp.abs(a_refs[k][...] - b_refs[k][...])
        total = total + jnp.sum(d.reshape(_BR // 8, 8, _COLS), axis=0)

    @pl.when(i == 0)
    def _init():
        acc_ref[...] = total

    @pl.when(i > 0)
    def _acc():
        acc_ref[...] += total

    @pl.when(i == _STEPS - 1)
    def _fin():
        o_ref[0, 0] = jnp.sum(acc_ref[...]) * (1.0 / _N)


def _make_tc_spec(k):
    return pl.BlockSpec(
        (_BR, _COLS), lambda i, k=k: (_TC_BASE + k * _STEPS + i, 0)
    )


def _tc_partial(a, b):
    in_specs = [_make_tc_spec(k) for k in range(_K)] * 2
    out = pl.pallas_call(
        _tc_kernel,
        grid=(_STEPS,),
        in_specs=in_specs,
        out_specs=pl.BlockSpec(
            (1, 1), lambda i: (0, 0), memory_space=pltpu.SMEM
        ),
        out_shape=jax.ShapeDtypeStruct((1, 1), jnp.float32),
        scratch_shapes=[pltpu.VMEM((8, _COLS), jnp.float32)],
        cost_estimate=pl.CostEstimate(
            flops=3 * _TC_ROWS * _COLS,
            transcendentals=0,
            bytes_accessed=2 * 4 * _TC_ROWS * _COLS,
        ),
    )(*([a] * _K + [b] * _K))
    return out[0, 0]


def _sc_partial(a, b):
    mesh = plsc.VectorSubcoreMesh(
        core_axis_name="c", subcore_axis_name="s",
        num_cores=_NC, num_subcores=_NS,
    )

    buf_types = [pltpu.VMEM((_CH, _COLS), jnp.float32)] * (2 * _NBUF)
    sem_types = [pltpu.SemaphoreType.DMA] * (2 * _NBUF)

    @functools.partial(
        pl.kernel,
        out_type=jax.ShapeDtypeStruct((_NW, 16), jnp.float32),
        mesh=mesh,
        scratch_types=buf_types + [pltpu.VMEM((16,), jnp.float32)] + sem_types,
        cost_estimate=pl.CostEstimate(
            flops=3 * _SC_ROWS * _COLS,
            transcendentals=0,
            bytes_accessed=2 * 4 * _SC_ROWS * _COLS,
        ),
    )
    def sc_kernel(a_hbm, b_hbm, o_hbm, *rest):
        abufs = rest[:_NBUF]
        bbufs = rest[_NBUF:2 * _NBUF]
        accv = rest[2 * _NBUF]
        asems = rest[2 * _NBUF + 1:2 * _NBUF + 1 + _NBUF]
        bsems = rest[2 * _NBUF + 1 + _NBUF:2 * _NBUF + 1 + 2 * _NBUF]
        wid = lax.axis_index("s") * _NC + lax.axis_index("c")
        base = wid * _W_ROWS

        def start(ci):
            slot = ci % _NBUF
            r0 = base + ci * _CH
            ca = pltpu.async_copy(
                a_hbm.at[pl.ds(r0, _CH)], abufs[slot], asems[slot]
            )
            cb = pltpu.async_copy(
                b_hbm.at[pl.ds(r0, _CH)], bbufs[slot], bsems[slot]
            )
            return ca, cb

        def accum_chunk(a_ref, b_ref, accs):
            def body(r, accs):
                new = list(accs)
                for t in range(32):
                    va = a_ref[r, pl.ds(t * 16, 16)]
                    vb = b_ref[r, pl.ds(t * 16, 16)]
                    new[t % 8] = new[t % 8] + jnp.abs(va - vb)
                return tuple(new)

            return plsc.parallel_loop(0, _CH, 1, unroll=2, carry=accs)(body)

        zero = jnp.zeros((16,), jnp.float32)
        accs = (zero,) * 8
        pending = [start(ci) for ci in range(min(_NBUF - 1, _NCH))]
        for ci in range(_NCH):
            if ci + _NBUF - 1 < _NCH:
                pending.append(start(ci + _NBUF - 1))
            ca, cb = pending.pop(0)
            ca.wait()
            cb.wait()
            slot = ci % _NBUF
            accs = accum_chunk(abufs[slot], bbufs[slot], accs)

        accv[...] = (
            ((accs[0] + accs[1]) + (accs[2] + accs[3]))
            + ((accs[4] + accs[5]) + (accs[6] + accs[7]))
        )
        pltpu.sync_copy(accv, o_hbm.at[wid])

    return sc_kernel(a, b)


def kernel(inp, tar, boxes, texts):
    a = inp.reshape(_ROWS, _COLS)
    b = tar.reshape(_ROWS, _COLS)
    sc_out = _sc_partial(a, b)
    tc_out = _tc_partial(a, b)
    return tc_out + jnp.sum(sc_out) * (1.0 / _N)

# --- scband reference (transcript-rebuilt; emitter-appended) ---
"""Pipeline reference for scband-semantic-pair-loss-80298708566624 (READ-ONLY COPY).

The authoritative reference and input builder live on the scoring server;
editing this copy changes nothing except your own understanding.
"""

import jax, jax.numpy as jnp
import numpy as np

def setup_inputs(seed: int = 0) -> dict:
    key = jax.random.key(seed)
    k1, k2 = jax.random.split(key)
    inp = jax.random.normal(k1, (16, 3, 512, 512), dtype=jnp.float32)
    tar = jax.random.normal(k2, (16, 3, 512, 512), dtype=jnp.float32)
    # boxes/texts are non-tensor sentinels; with p=1.0 the stochastic
    # text-region pairing branch is never taken (random.random() > 1.0 is False),
    # so forward deterministically reduces to main_loss = L1Loss(inp, tar).
    return {"inp": inp, "tar": tar, "boxes": 0, "texts": 0}

def reference(inp, tar, boxes, texts):
    # SemanticPairLoss.forward with p=1.0: tar is returned unmodified by the
    # per-sample loop, then main_loss (torch.nn.L1Loss default, mean reduction)
    # is applied: mean(|inp - tar|).
    return jnp.mean(jnp.abs(inp - tar))

if __name__ == "__main__":
    import jax
    _d = setup_inputs()
    print(jax.jit(kernel)(*tuple(_d.values())))

</pallas_src>

<mosaic_0001>
#map = affine_map<(d0, d1) -> (0, 0)>
module attributes {stable_mosaic.version = 14 : i64} {
  func.func @sc_kernel(%arg0: i32, %arg1: i32, %arg2: memref<24576x512xf32, #tpu.memory_space<hbm>>, %arg3: memref<24576x512xf32, #tpu.memory_space<hbm>>, %arg4: memref<16x16xf32, #tpu.memory_space<hbm>>, %arg5: memref<32x512xf32, #tpu.memory_space<vmem>>, %arg6: memref<32x512xf32, #tpu.memory_space<vmem>>, %arg7: memref<32x512xf32, #tpu.memory_space<vmem>>, %arg8: memref<32x512xf32, #tpu.memory_space<vmem>>, %arg9: memref<32x512xf32, #tpu.memory_space<vmem>>, %arg10: memref<32x512xf32, #tpu.memory_space<vmem>>, %arg11: memref<16xf32, #tpu.memory_space<vmem>>, %arg12: memref<!tpu.dma_semaphore, #tpu.memory_space<semaphore_mem>>, %arg13: memref<!tpu.dma_semaphore, #tpu.memory_space<semaphore_mem>>, %arg14: memref<!tpu.dma_semaphore, #tpu.memory_space<semaphore_mem>>, %arg15: memref<!tpu.dma_semaphore, #tpu.memory_space<semaphore_mem>>, %arg16: memref<!tpu.dma_semaphore, #tpu.memory_space<semaphore_mem>>, %arg17: memref<!tpu.dma_semaphore, #tpu.memory_space<semaphore_mem>>) attributes {dimension_semantics = [#tpu.dimension_semantics<core_parallel>, #tpu.dimension_semantics<subcore_parallel>], iteration_bounds = array<i64: 1, 16>, scalar_prefetch = 0 : i64, scratch_operands = 13 : i64, tpu.core_type = #tpu.core_type<sc_vector_subcore>, window_params = [{transform_indices = #map}, {transform_indices = #map}, {transform_indices = #map}]} {
    %mul3A = arith.constant 1 : i32
    %mul3A_0 = arith.muli %arg1, %mul3A : i32
    %add3A = arith.addi %mul3A_0, %arg0 : i32
    %mul3A_1 = arith.constant 256 : i32
    %mul3A_2 = arith.muli %add3A, %mul3A_1 : i32
    %broadcast_in_dim3A = arith.constant 0.000000e+00 : f32
    %broadcast_in_dim3A_3 = vector.broadcast %broadcast_in_dim3A : f32 to vector<16xf32>
    %add3A_4 = arith.constant 0 : i32
    %add3A_5 = arith.addi %mul3A_2, %add3A_4 : i32
    %dma_start3A = arith.constant 0 : i32
    %dma_start3A_6 = tpu.memref_slice %arg2[%add3A_5, %dma_start3A] : memref<24576x512xf32, #tpu.memory_space<hbm>> -> memref<32x512xf32, #tpu.memory_space<hbm>>
    %dma_start3A_7 = arith.constant 0 : i32
    %dma_start3A_8 = tpu.memref_slice %arg2[%add3A_5, %dma_start3A_7] : memref<24576x512xf32, #tpu.memory_space<hbm>> -> memref<32x512xf32, #tpu.memory_space<hbm>>
    tpu.enqueue_dma source(%dma_start3A_8 : memref<32x512xf32, #tpu.memory_space<hbm>>) target(%arg5 : memref<32x512xf32, #tpu.memory_space<vmem>>) target_semaphore(%arg12 : memref<!tpu.dma_semaphore, #tpu.memory_space<semaphore_mem>>)
    %dma_start3A_9 = arith.constant 0 : i32
    %dma_start3A_10 = tpu.memref_slice %arg3[%add3A_5, %dma_start3A_9] : memref<24576x512xf32, #tpu.memory_space<hbm>> -> memref<32x512xf32, #tpu.memory_space<hbm>>
    %dma_start3A_11 = arith.constant 0 : i32
    %dma_start3A_12 = tpu.memref_slice %arg3[%add3A_5, %dma_start3A_11] : memref<24576x512xf32, #tpu.memory_space<hbm>> -> memref<32x512xf32, #tpu.memory_space<hbm>>
    tpu.enqueue_dma source(%dma_start3A_12 : memref<32x512xf32, #tpu.memory_space<hbm>>) target(%arg8 : memref<32x512xf32, #tpu.memory_space<vmem>>) target_semaphore(%arg15 : memref<!tpu.dma_semaphore, #tpu.memory_space<semaphore_mem>>)
    %add3A_13 = arith.constant 32 : i32
    %add3A_14 = arith.addi %mul3A_2, %add3A_13 : i32
    %dma_start3A_15 = arith.constant 0 : i32
    %dma_start3A_16 = tpu.memref_slice %arg2[%add3A_14, %dma_start3A_15] : memref<24576x512xf32, #tpu.memory_space<hbm>> -> memref<32x512xf32, #tpu.memory_space<hbm>>
    %dma_start3A_17 = arith.constant 0 : i32
    %dma_start3A_18 = tpu.memref_slice %arg2[%add3A_14, %dma_start3A_17] : memref<24576x512xf32, #tpu.memory_space<hbm>> -> memref<32x512xf32, #tpu.memory_space<hbm>>
    tpu.enqueue_dma source(%dma_start3A_18 : memref<32x512xf32, #tpu.memory_space<hbm>>) target(%arg6 : memref<32x512xf32, #tpu.memory_space<vmem>>) target_semaphore(%arg13 : memref<!tpu.dma_semaphore, #tpu.memory_space<semaphore_mem>>)
    %dma_start3A_19 = arith.constant 0 : i32
    %dma_start3A_20 = tpu.memref_slice %arg3[%add3A_14, %dma_start3A_19] : memref<24576x512xf32, #tpu.memory_space<hbm>> -> memref<32x512xf32, #tpu.memory_space<hbm>>
    %dma_start3A_21 = arith.constant 0 : i32
    %dma_start3A_22 = tpu.memref_slice %arg3[%add3A_14, %dma_start3A_21] : memref<24576x512xf32, #tpu.memory_space<hbm>> -> memref<32x512xf32, #tpu.memory_space<hbm>>
    tpu.enqueue_dma source(%dma_start3A_22 : memref<32x512xf32, #tpu.memory_space<hbm>>) target(%arg9 : memref<32x512xf32, #tpu.memory_space<vmem>>) target_semaphore(%arg16 : memref<!tpu.dma_semaphore, #tpu.memory_space<semaphore_mem>>)
    %add3A_23 = arith.constant 64 : i32
    %add3A_24 = arith.addi %mul3A_2, %add3A_23 : i32
    %dma_start3A_25 = arith.constant 0 : i32
    %dma_start3A_26 = tpu.memref_slice %arg2[%add3A_24, %dma_start3A_25] : memref<24576x512xf32, #tpu.memory_space<hbm>> -> memref<32x512xf32, #tpu.memory_space<hbm>>
    %dma_start3A_27 = arith.constant 0 : i32
    %dma_start3A_28 = tpu.memref_slice %arg2[%add3A_24, %dma_start3A_27] : memref<24576x512xf32, #tpu.memory_space<hbm>> -> memref<32x512xf32, #tpu.memory_space<hbm>>
    tpu.enqueue_dma source(%dma_start3A_28 : memref<32x512xf32, #tpu.memory_space<hbm>>) target(%arg7 : memref<32x512xf32, #tpu.memory_space<vmem>>) target_semaphore(%arg14 : memref<!tpu.dma_semaphore, #tpu.memory_space<semaphore_mem>>)
    %dma_start3A_29 = arith.constant 0 : i32
    %dma_start3A_30 = tpu.memref_slice %arg3[%add3A_24, %dma_start3A_29] : memref<24576x512xf32, #tpu.memory_space<hbm>> -> memref<32x512xf32, #tpu.memory_space<hbm>>
    %dma_start3A_31 = arith.constant 0 : i32
    %dma_start3A_32 = tpu.memref_slice %arg3[%add3A_24, %dma_start3A_31] : memref<24576x512xf32, #tpu.memory_space<hbm>> -> memref<32x512xf32, #tpu.memory_space<hbm>>
    tpu.enqueue_dma source(%dma_start3A_32 : memref<32x512xf32, #tpu.memory_space<hbm>>) target(%arg10 : memref<32x512xf32, #tpu.memory_space<vmem>>) target_semaphore(%arg17 : memref<!tpu.dma_semaphore, #tpu.memory_space<semaphore_mem>>)
    %dma_wait3A = arith.constant 0 : i32
    %dma_wait3A_33 = tpu.memref_slice %arg2[%add3A_5, %dma_wait3A] : memref<24576x512xf32, #tpu.memory_space<hbm>> -> memref<32x512xf32, #tpu.memory_space<hbm>>
    %dma_wait3A_34 = arith.constant 0 : i32
    %dma_wait3A_35 = tpu.memref_slice %arg2[%add3A_5, %dma_wait3A_34] : memref<24576x512xf32, #tpu.memory_space<hbm>> -> memref<32x512xf32, #tpu.memory_space<hbm>>
    tpu.wait_dma2 semaphore(%arg12 : memref<!tpu.dma_semaphore, #tpu.memory_space<semaphore_mem>>) src(%dma_wait3A_35 : memref<32x512xf32, #tpu.memory_space<hbm>>) dst(%arg5 : memref<32x512xf32, #tpu.memory_space<vmem>>)
    %dma_wait3A_36 = arith.constant 0 : i32
    %dma_wait3A_37 = tpu.memref_slice %arg3[%add3A_5, %dma_wait3A_36] : memref<24576x512xf32, #tpu.memory_space<hbm>> -> memref<32x512xf32, #tpu.memory_space<hbm>>
    %dma_wait3A_38 = arith.constant 0 : i32
    %dma_wait3A_39 = tpu.memref_slice %arg3[%add3A_5, %dma_wait3A_38] : memref<24576x512xf32, #tpu.memory_space<hbm>> -> memref<32x512xf32, #tpu.memory_space<hbm>>
    tpu.wait_dma2 semaphore(%arg15 : memref<!tpu.dma_semaphore, #tpu.memory_space<semaphore_mem>>) src(%dma_wait3A_39 : memref<32x512xf32, #tpu.memory_space<hbm>>) dst(%arg8 : memref<32x512xf32, #tpu.memory_space<vmem>>)
    %parallel_loop3A = arith.constant 0 : i32
    %parallel_loop3A_40 = arith.constant 32 : i32
    %parallel_loop3A_41 = arith.constant 1 : i32
    %parallel_loop3A_42:8 = scf.for %parallel_loop3A_187 = %parallel_loop3A to %parallel_loop3A_40 step %parallel_loop3A_41 iter_args(%parallel_loop3A_188 = %broadcast_in_dim3A_3, %parallel_loop3A_189 = %broadcast_in_dim3A_3, %parallel_loop3A_190 = %broadcast_in_dim3A_3, %parallel_loop3A_191 = %broadcast_in_dim3A_3, %parallel_loop3A_192 = %broadcast_in_dim3A_3, %parallel_loop3A_193 = %broadcast_in_dim3A_3, %parallel_loop3A_194 = %broadcast_in_dim3A_3, %parallel_loop3A_195 = %broadcast_in_dim3A_3) -> (vector<16xf32>, vector<16xf32>, vector<16xf32>, vector<16xf32>, vector<16xf32>, vector<16xf32>, vector<16xf32>, vector<16xf32>)  : i32 {
      %parallel_loop3A_196 = arith.index_cast %parallel_loop3A_187 : i32 to index
      %parallel_loop3A_197 = arith.constant 0 : index
      %parallel_loop3A_198 = tpu.vector_load %arg5[%parallel_loop3A_196, %parallel_loop3A_197] {strides = array<i32>} : memref<32x512xf32, #tpu.memory_space<vmem>>, vector<1x16xf32>,
      %parallel_loop3A_199 = vector.shape_cast %parallel_loop3A_198 : vector<1x16xf32> to vector<16xf32>
      %parallel_loop3A_200 = arith.index_cast %parallel_loop3A_187 : i32 to index
      %parallel_loop3A_201 = arith.constant 0 : index
      %parallel_loop3A_202 = tpu.vector_load %arg8[%parallel_loop3A_200, %parallel_loop3A_201] {strides = array<i32>} : memref<32x512xf32, #tpu.memory_space<vmem>>, vector<1x16xf32>,
      %parallel_loop3A_203 = vector.shape_cast %parallel_loop3A_202 : vector<1x16xf32> to vector<16xf32>
      %parallel_loop3A_204 = arith.subf %parallel_loop3A_199, %parallel_loop3A_203 : vector<16xf32>
      %parallel_loop3A_205 = math.absf %parallel_loop3A_204 : vector<16xf32>
      %parallel_loop3A_206 = arith.addf %parallel_loop3A_188, %parallel_loop3A_205 : vector<16xf32>
      %parallel_loop3A_207 = arith.index_cast %parallel_loop3A_187 : i32 to index
      %parallel_loop3A_208 = arith.constant 16 : index
      %parallel_loop3A_209 = tpu.vector_load %arg5[%parallel_loop3A_207, %parallel_loop3A_208] {strides = array<i32>} : memref<32x512xf32, #tpu.memory_space<vmem>>, vector<1x16xf32>,
      %parallel_loop3A_210 = vector.shape_cast %parallel_loop3A_209 : vector<1x16xf32> to vector<16xf32>
      %parallel_loop3A_211 = arith.index_cast %parallel_loop3A_187 : i32 to index
      %parallel_loop3A_212 = arith.constant 16 : index
      %parallel_loop3A_213 = tpu.vector_load %arg8[%parallel_loop3A_211, %parallel_loop3A_212] {strides = array<i32>} : memref<32x512xf32, #tpu.memory_space<vmem>>, vector<1x16xf32>,
      %parallel_loop3A_214 = vector.shape_cast %parallel_loop3A_213 : vector<1x16xf32> to vector<16xf32>
      %parallel_loop3A_215 = arith.subf %parallel_loop3A_210, %parallel_loop3A_214 : vector<16xf32>
      %parallel_loop3A_216 = math.absf %parallel_loop3A_215 : vector<16xf32>
      %parallel_loop3A_217 = arith.addf %parallel_loop3A_189, %parallel_loop3A_216 : vector<16xf32>
      %parallel_loop3A_218 = arith.index_cast %parallel_loop3A_187 : i32 to index
      %parallel_loop3A_219 = arith.constant 32 : index
      %parallel_loop3A_220 = tpu.vector_load %arg5[%parallel_loop3A_218, %parallel_loop3A_219] {strides = array<i32>} : memref<32x512xf32, #tpu.memory_space<vmem>>, vector<1x16xf32>,
      %parallel_loop3A_221 = vector.shape_cast %parallel_loop3A_220 : vector<1x16xf32> to vector<16xf32>
      %parallel_loop3A_222 = arith.index_cast %parallel_loop3A_187 : i32 to index
      %parallel_loop3A_223 = arith.constant 32 : index
      %parallel_loop3A_224 = tpu.vector_load %arg8[%parallel_loop3A_222, %parallel_loop3A_223] {strides = array<i32>} : memref<32x512xf32, #tpu.memory_space<vmem>>, vector<1x16xf32>,
      %parallel_loop3A_225 = vector.shape_cast %parallel_loop3A_224 : vector<1x16xf32> to vector<16xf32>
      %parallel_loop3A_226 = arith.subf %parallel_loop3A_221, %parallel_loop3A_225 : vector<16xf32>
      %parallel_loop3A_227 = math.absf %parallel_loop3A_226 : vector<16xf32>
      %parallel_loop3A_228 = arith.addf %parallel_loop3A_190, %parallel_loop3A_227 : vector<16xf32>
      %parallel_loop3A_229 = arith.index_cast %parallel_loop3A_187 : i32 to index
      %parallel_loop3A_230 = arith.constant 48 : index
      %parallel_loop3A_231 = tpu.vector_load %arg5[%parallel_loop3A_229, %parallel_loop3A_230] {strides = array<i32>} : memref<32x512xf32, #tpu.memory_space<vmem>>, vector<1x16xf32>,
      %parallel_loop3A_232 = vector.shape_cast %parallel_loop3A_231 : vector<1x16xf32> to vector<16xf32>
      %parallel_loop3A_233 = arith.index_cast %parallel_loop3A_187 : i32 to index
      %parallel_loop3A_234 = arith.constant 48 : index
      %parallel_loop3A_235 = tpu.vector_load %arg8[%parallel_loop3A_233, %parallel_loop3A_234] {strides = array<i32>} : memref<32x512xf32, #tpu.memory_space<vmem>>, vector<1x16xf32>,
      %parallel_loop3A_236 = vector.shape_cast %parallel_loop3A_235 : vector<1x16xf32> to vector<16xf32>
      %parallel_loop3A_237 = arith.subf %parallel_loop3A_232, %parallel_loop3A_236 : vector<16xf32>
      %parallel_loop3A_238 = math.absf %parallel_loop3A_237 : vector<16xf32>
      %parallel_loop3A_239 = arith.addf %parallel_loop3A_191, %parallel_loop3A_238 : vector<16xf32>
      %parallel_loop3A_240 = arith.index_cast %parallel_loop3A_187 : i32 to index
      %parallel_loop3A_241 = arith.constant 64 : index
      %parallel_loop3A_242 = tpu.vector_load %arg5[%parallel_loop3A_240, %parallel_loop3A_241] {strides = array<i32>} : memref<32x512xf32, #tpu.memory_space<vmem>>, vector<1x16xf32>,
      %parallel_loop3A_243 = vector.shape_cast %parallel_loop3A_242 : vector<1x16xf32> to vector<16xf32>
      %parallel_loop3A_244 = arith.index_cast %parallel_loop3A_187 : i32 to index
      %parallel_loop3A_245 = arith.constant 64 : index
      %parallel_loop3A_246 = tpu.vector_load %arg8[%parallel_loop3A_244, %parallel_loop3A_245] {strides = array<i32>} : memref<32x512xf32, #tpu.memory_space<vmem>>, vector<1x16xf32>,
      %parallel_loop3A_247 = vector.shape_cast %parallel_loop3A_246 : vector<1x16xf32> to vector<16xf32>
      %parallel_loop3A_248 = arith.subf %parallel_loop3A_243, %parallel_loop3A_247 : vector<16xf32>
      %parallel_loop3A_249 = math.absf %parallel_loop3A_248 : vector<16xf32>
      %parallel_loop3A_250 = arith.addf %parallel_loop3A_192, %parallel_loop3A_249 : vector<16xf32>
      %parallel_loop3A_251 = arith.index_cast %parallel_loop3A_187 : i32 to index
      %parallel_loop3A_252 = arith.constant 80 : index
      %parallel_loop3A_253 = tpu.vector_load %arg5[%parallel_loop3A_251, %parallel_loop3A_252] {strides = array<i32>} : memref<32x512xf32, #tpu.memory_space<vmem>>, vector<1x16xf32>,
      %parallel_loop3A_254 = vector.shape_cast %parallel_loop3A_253 : vector<1x16xf32> to vector<16xf32>
      %parallel_loop3A_255 = arith.index_cast %parallel_loop3A_187 : i32 to index
      %parallel_loop3A_256 = arith.constant 80 : index
      %parallel_loop3A_257 = tpu.vector_load %arg8[%parallel_loop3A_255, %parallel_loop3A_256] {strides = array<i32>} : memref<32x512xf32, #tpu.memory_space<vmem>>, vector<1x16xf32>,
      %parallel_loop3A_258 = vector.shape_cast %parallel_loop3A_257 : vector<1x16xf32> to vector<16xf32>
      %parallel_loop3A_259 = arith.subf %parallel_loop3A_254, %parallel_loop3A_258 : vector<16xf32>
      %parallel_loop3A_260 = math.absf %parallel_loop3A_259 : vector<16xf32>
      %parallel_loop3A_261 = arith.addf %parallel_loop3A_193, %parallel_loop3A_260 : vector<16xf32>
      %parallel_loop3A_262 = arith.index_cast %parallel_loop3A_187 : i32 to index
      %parallel_loop3A_263 = arith.constant 96 : index
      %parallel_loop3A_264 = tpu.vector_load %arg5[%parallel_loop3A_262, %parallel_loop3A_263] {strides = array<i32>} : memref<32x512xf32, #tpu.memory_space<vmem>>, vector<1x16xf32>,
      %parallel_loop3A_265 = vector.shape_cast %parallel_loop3A_264 : vector<1x16xf32> to vector<16xf32>
      %parallel_loop3A_266 = arith.index_cast %parallel_loop3A_187 : i32 to index
      %parallel_loop3A_267 = arith.constant 96 : index
      %parallel_loop3A_268 = tpu.vector_load %arg8[%parallel_loop3A_266, %parallel_loop3A_267] {strides = array<i32>} : memref<32x512xf32, #tpu.memory_space<vmem>>, vector<1x16xf32>,
      %parallel_loop3A_269 = vector.shape_cast %parallel_loop3A_268 : vector<1x16xf32> to vector<16xf32>
      %parallel_loop3A_270 = arith.subf %parallel_loop3A_265, %parallel_loop3A_269 : vector<16xf32>
      %parallel_loop3A_271 = math.absf %parallel_loop3A_270 : vector<16xf32>
      %parallel_loop3A_272 = arith.addf %parallel_loop3A_194, %parallel_loop3A_271 : vector<16xf32>
      %parallel_loop3A_273 = arith.index_cast %parallel_loop3A_187 : i32 to index
      %parallel_loop3A_274 = arith.constant 112 : index
      %parallel_loop3A_275 = tpu.vector_load %arg5[%parallel_loop3A_273, %parallel_loop3A_274] {strides = array<i32>} : memref<32x512xf32, #tpu.memory_space<vmem>>, vector<1x16xf32>,
      %parallel_loop3A_276 = vector.shape_cast %parallel_loop3A_275 : vector<1x16xf32> to vector<16xf32>
      %parallel_loop3A_277 = arith.index_cast %parallel_loop3A_187 : i32 to index
      %parallel_loop3A_278 = arith.constant 112 : index
      %parallel_loop3A_279 = tpu.vector_load %arg8[%parallel_loop3A_277, %parallel_loop3A_278] {strides = array<i32>} : memref<32x512xf32, #tpu.memory_space<vmem>>, vector<1x16xf32>,
      %parallel_loop3A_280 = vector.shape_cast %parallel_loop3A_279 : vector<1x16xf32> to vector<16xf32>
      %parallel_loop3A_281 = arith.subf %parallel_loop3A_276, %parallel_loop3A_280 : vector<16xf32>
      %parallel_loop3A_282 = math.absf %parallel_loop3A_281 : vector<16xf32>
      %parallel_loop3A_283 = arith.addf %parallel_loop3A_195, %parallel_loop3A_282 : vector<16xf32>
      %parallel_loop3A_284 = arith.index_cast %parallel_loop3A_187 : i32 to index
      %parallel_loop3A_285 = arith.constant 128 : index
      %parallel_loop3A_286 = tpu.vector_load %arg5[%parallel_loop3A_284, %parallel_loop3A_285] {strides = array<i32>} : memref<32x512xf32, #tpu.memory_space<vmem>>, vector<1x16xf32>,
      %parallel_loop3A_287 = vector.shape_cast %parallel_loop3A_286 : vector<1x16xf32> to vector<16xf32>
      %parallel_loop3A_288 = arith.index_cast %parallel_loop3A_187 : i32 to index
      %parallel_loop3A_289 = arith.constant 128 : index
      %parallel_loop3A_290 = tpu.vector_load %arg8[%parallel_loop3A_288, %parallel_loop3A_289] {strides = array<i32>} : memref<32x512xf32, #tpu.memory_space<vmem>>, vector<1x16xf32>,
      %parallel_loop3A_291 = vector.shape_cast %parallel_loop3A_290 : vector<1x16xf32> to vector<16xf32>
      %parallel_loop3A_292 = arith.subf %parallel_loop3A_287, %parallel_loop3A_291 : vector<16xf32>
      %parallel_loop3A_293 = math.absf %parallel_loop3A_292 : vector<16xf32>
      %parallel_loop3A_294 = arith.addf %parallel_loop3A_206, %parallel_loop3A_293 : vector<16xf32>
      %parallel_loop3A_295 = arith.index_cast %parallel_loop3A_187 : i32 to index
      %parallel_loop3A_296 = arith.constant 144 : index
      %parallel_loop3A_297 = tpu.vector_load %arg5[%parallel_loop3A_295, %parallel_loop3A_296] {strides = array<i32>} : memref<32x512xf32, #tpu.memory_space<vmem>>, vector<1x16xf32>,
      %parallel_loop3A_298 = vector.shape_cast %parallel_loop3A_297 : vector<1x16xf32> to vector<16xf32>
      %parallel_loop3A_299 = arith.index_cast %parallel_loop3A_187 : i32 to index
      %parallel_loop3A_300 = arith.constant 144 : index
      %parallel_loop3A_301 = tpu.vector_load %arg8[%parallel_loop3A_299, %parallel_loop3A_300] {strides = array<i32>} : memref<32x512xf32, #tpu.memory_space<vmem>>, vector<1x16xf32>,
      %parallel_loop3A_302 = vector.shape_cast %parallel_loop3A_301 : vector<1x16xf32> to vector<16xf32>
      %parallel_loop3A_303 = arith.subf %parallel_loop3A_298, %parallel_loop3A_302 : vector<16xf32>
      %parallel_loop3A_304 = math.absf %parallel_loop3A_303 : vector<16xf32>
      %parallel_loop3A_305 = arith.addf %parallel_loop3A_217, %parallel_loop3A_304 : vector<16xf32>
      %parallel_loop3A_306 = arith.index_cast %parallel_loop3A_187 : i32 to index
      %parallel_loop3A_307 = arith.constant 160 : index
      %parallel_loop3A_308 = tpu.vector_load %arg5[%parallel_loop3A_306, %parallel_loop3A_307] {strides = array<i32>} : memref<32x512xf32, #tpu.memory_space<vmem>>, vector<1x16xf32>,
      %parallel_loop3A_309 = vector.shape_cast %parallel_loop3A_308 : vector<1x16xf32> to vector<16xf32>
      %parallel_loop3A_310 = arith.index_cast %parallel_loop3A_187 : i32 to index
      %parallel_loop3A_311 = arith.constant 160 : index
      %parallel_loop3A_312 = tpu.vector_load %arg8[%parallel_loop3A_310, %parallel_loop3A_311] {strides = array<i32>} : memref<32x512xf32, #tpu.memory_space<vmem>>, vector<1x16xf32>,
      %parallel_loop3A_313 = vector.shape_cast %parallel_loop3A_312 : vector<1x16xf32> to vector<16xf32>
      %parallel_loop3A_314 = arith.subf %parallel_loop3A_309, %parallel_loop3A_313 : vector<16xf32>
      %parallel_loop3A_315 = math.absf %parallel_loop3A_314 : vector<16xf32>
      %parallel_loop3A_316 = arith.addf %parallel_loop3A_228, %parallel_loop3A_315 : vector<16xf32>
      %parallel_loop3A_317 = arith.index_cast %parallel_loop3A_187 : i32 to index
      %parallel_loop3A_318 = arith.constant 176 : index
      %parallel_loop3A_319 = tpu.vector_load %arg5[%parallel_loop3A_317, %parallel_loop3A_318] {strides = array<i32>} : memref<32x512xf32, #tpu.memory_space<vmem>>, vector<1x16xf32>,
      %parallel_loop3A_320 = vector.shape_cast %parallel_loop3A_319 : vector<1x16xf32> to vector<16xf32>
      %parallel_loop3A_321 = arith.index_cast %parallel_loop3A_187 : i32 to index
      %parallel_loop3A_322 = arith.constant 176 : index
      %parallel_loop3A_323 = tpu.vector_load %arg8[%parallel_loop3A_321, %parallel_loop3A_322] {strides = array<i32>} : memref<32x512xf32, #tpu.memory_space<vmem>>, vector<1x16xf32>,
      %parallel_loop3A_324 = vector.shape_cast %parallel_loop3A_323 : vector<1x16xf32> to vector<16xf32>
      %parallel_loop3A_325 = arith.subf %parallel_loop3A_320, %parallel_loop3A_324 : vector<16xf32>
      %parallel_loop3A_326 = math.absf %parallel_loop3A_325 : vector<16xf32>
      %parallel_loop3A_327 = arith.addf %parallel_loop3A_239, %parallel_loop3A_326 : vector<16xf32>
      %parallel_loop3A_328 = arith.index_cast %parallel_loop3A_187 : i32 to index
      %parallel_loop3A_329 = arith.constant 192 : index
      %parallel_loop3A_330 = tpu.vector_load %arg5[%parallel_loop3A_328, %parallel_loop3A_329] {strides = array<i32>} : memref<32x512xf32, #tpu.memory_space<vmem>>, vector<1x16xf32>,
      %parallel_loop3A_331 = vector.shape_cast %parallel_loop3A_330 : vector<1x16xf32> to vector<16xf32>
      %parallel_loop3A_332 = arith.index_cast %parallel_loop3A_187 : i32 to index
      %parallel_loop3A_333 = arith.constant 192 : index
      %parallel_loop3A_334 = tpu.vector_load %arg8[%parallel_loop3A_332, %parallel_loop3A_333] {strides = array<i32>} : memref<32x512xf32, #tpu.memory_space<vmem>>, vector<1x16xf32>,
      %parallel_loop3A_335 = vector.shape_cast %parallel_loop3A_334 : vector<1x16xf32> to vector<16xf32>
      %parallel_loop3A_336 = arith.subf %parallel_loop3A_331, %parallel_loop3A_335 : vector<16xf32>
      %parallel_loop3A_337 = math.absf %parallel_loop3A_336 : vector<16xf32>
      %parallel_loop3A_338 = arith.addf %parallel_loop3A_250, %parallel_loop3A_337 : vector<16xf32>
      %parallel_loop3A_339 = arith.index_cast %parallel_loop3A_187 : i32 to index
      %parallel_loop3A_340 = arith.constant 208 : index
      %parallel_loop3A_341 = tpu.vector_load %arg5[%parallel_loop3A_339, %parallel_loop3A_340] {strides = array<i32>} : memref<32x512xf32, #tpu.memory_space<vmem>>, vector<1x16xf32>,
      %parallel_loop3A_342 = vector.shape_cast %parallel_loop3A_341 : vector<1x16xf32> to vector<16xf32>
      %parallel_loop3A_343 = arith.index_cast %parallel_loop3A_187 : i32 to index
      %parallel_loop3A_344 = arith.constant 208 : index
      %parallel_loop3A_345 = tpu.vector_load %arg8[%parallel_loop3A_343, %parallel_loop3A_344] {strides = array<i32>} : memref<32x512xf32, #tpu.memory_space<vmem>>, vector<1x16xf32>,
      %parallel_loop3A_346 = vector.shape_cast %parallel_loop3A_345 : vector<1x16xf32> to vector<16xf32>
      %parallel_loop3A_347 = arith.subf %parallel_loop3A_342, %parallel_loop3A_346 : vector<16xf32>
      %parallel_loop3A_348 = math.absf %parallel_loop3A_347 : vector<16xf32>
      %parallel_loop3A_349 = arith.addf %parallel_loop3A_261, %parallel_loop3A_348 : vector<16xf32>
      %parallel_loop3A_350 = arith.index_cast %parallel_loop3A_187 : i32 to index
      %parallel_loop3A_351 = arith.constant 224 : index
      %parallel_loop3A_352 = tpu.vector_load %arg5[%parallel_loop3A_350, %parallel_loop3A_351] {strides = array<i32>} : memref<32x512xf32, #tpu.memory_space<vmem>>, vector<1x16xf32>,
      %parallel_loop3A_353 = vector.shape_cast %parallel_loop3A_352 : vector<1x16xf32> to vector<16xf32>
      %parallel_loop3A_354 = arith.index_cast %parallel_loop3A_187 : i32 to index
      %parallel_loop3A_355 = arith.constant 224 : index
      %parallel_loop3A_356 = tpu.vector_load %arg8[%parallel_loop3A_354, %parallel_loop3A_355] {strides = array<i32>} : memref<32x512xf32, #tpu.memory_space<vmem>>, vector<1x16xf32>,
      %parallel_loop3A_357 = vector.shape_cast %parallel_loop3A_356 : vector<1x16xf32> to vector<16xf32>
      %parallel_loop3A_358 = arith.subf %parallel_loop3A_353, %parallel_loop3A_357 : vector<16xf32>
      %parallel_loop3A_359 = math.absf %parallel_loop3A_358 : vector<16xf32>
      %parallel_loop3A_360 = arith.addf %parallel_loop3A_272, %parallel_loop3A_359 : vector<16xf32>
      %parallel_loop3A_361 = arith.index_cast %parallel_loop3A_187 : i32 to index
      %parallel_loop3A_362 = arith.constant 240 : index
      %parallel_loop3A_363 = tpu.vector_load %arg5[%parallel_loop3A_361, %parallel_loop3A_362] {strides = array<i32>} : memref<32x512xf32, #tpu.memory_space<vmem>>, vector<1x16xf32>,
      %parallel_loop3A_364 = vector.shape_cast %parallel_loop3A_363 : vector<1x16xf32> to vector<16xf32>
      %parallel_loop3A_365 = arith.index_cast %parallel_loop3A_187 : i32 to index
      %parallel_loop3A_366 = arith.constant 240 : index
      %parallel_loop3A_367 = tpu.vector_load %arg8[%parallel_loop3A_365, %parallel_loop3A_366] {strides = array<i32>} : memref<32x512xf32, #tpu.memory_space<vmem>>, vector<1x16xf32>,
      %parallel_loop3A_368 = vector.shape_cast %parallel_loop3A_367 : vector<1x16xf32> to vector<16xf32>
      %parallel_loop3A_369 = arith.subf %parallel_loop3A_364, %parallel_loop3A_368 : vector<16xf32>
      %parallel_loop3A_370 = math.absf %parallel_loop3A_369 : vector<16xf32>
      %parallel_loop3A_371 = arith.addf %parallel_loop3A_283, %parallel_loop3A_370 : vector<16xf32>
      %parallel_loop3A_372 = arith.index_cast %parallel_loop3A_187 : i32 to index
      %parallel_loop3A_373 = arith.constant 256 : index
      %parallel_loop3A_374 = tpu.vector_load %arg5[%parallel_loop3A_372, %parallel_loop3A_373] {strides = array<i32>} : memref<32x512xf32, #tpu.memory_space<vmem>>, vector<1x16xf32>,
      %parallel_loop3A_375 = vector.shape_cast %parallel_loop3A_374 : vector<1x16xf32> to vector<16xf32>
      %parallel_loop3A_376 = arith.index_cast %parallel_loop3A_187 : i32 to index
      %parallel_loop3A_377 = arith.constant 256 : index
      %parallel_loop3A_378 = tpu.vector_load %arg8[%parallel_loop3A_376, %parallel_loop3A_377] {strides = array<i32>} : memref<32x512xf32, #tpu.memory_space<vmem>>, vector<1x16xf32>,
      %parallel_loop3A_379 = vector.shape_cast %parallel_loop3A_378 : vector<1x16xf32> to vector<16xf32>
      %parallel_loop3A_380 = arith.subf %parallel_loop3A_375, %parallel_loop3A_379 : vector<16xf32>
      %parallel_loop3A_381 = math.absf %parallel_loop3A_380 : vector<16xf32>
      %parallel_loop3A_382 = arith.addf %parallel_loop3A_294, %parallel_loop3A_381 : vector<16xf32>
      %parallel_loop3A_383 = arith.index_cast %parallel_loop3A_187 : i32 to index
      %parallel_loop3A_384 = arith.constant 272 : index
      %parallel_loop3A_385 = tpu.vector_load %arg5[%parallel_loop3A_383, %parallel_loop3A_384] {strides = array<i32>} : memref<32x512xf32, #tpu.memory_space<vmem>>, vector<1x16xf32>,
      %parallel_loop3A_386 = vector.shape_cast %parallel_loop3A_385 : vector<1x16xf32> to vector<16xf32>
      %parallel_loop3A_387 = arith.index_cast %parallel_loop3A_187 : i32 to index
      %parallel_loop3A_388 = arith.constant 272 : index
      %parallel_loop3A_389 = tpu.vector_load %arg8[%parallel_loop3A_387, %parallel_loop3A_388] {strides = array<i32>} : memref<32x512xf32, #tpu.memory_space<vmem>>, vector<1x16xf32>,
      %parallel_loop3A_390 = vector.shape_cast %parallel_loop3A_389 : vector<1x16xf32> to vector<16xf32>
      %parallel_loop3A_391 = arith.subf %parallel_loop3A_386, %parallel_loop3A_390 : vector<16xf32>
      %parallel_loop3A_392 = math.absf %parallel_loop3A_391 : vector<16xf32>
      %parallel_loop3A_393 = arith.addf %parallel_loop3A_305, %parallel_loop3A_392 : vector<16xf32>
      %parallel_loop3A_394 = arith.index_cast %parallel_loop3A_187 : i32 to index
      %parallel_loop3A_395 = arith.constant 288 : index
      %parallel_loop3A_396 = tpu.vector_load %arg5[%parallel_loop3A_394, %parallel_loop3A_395] {strides = array<i32>} : memref<32x512xf32, #tpu.memory_space<vmem>>, vector<1x16xf32>,
      %parallel_loop3A_397 = vector.shape_cast %parallel_loop3A_396 : vector<1x16xf32> to vector<16xf32>
      %parallel_loop3A_398 = arith.index_cast %parallel_loop3A_187 : i32 to index
      %parallel_loop3A_399 = arith.constant 288 : index
      %parallel_loop3A_400 = tpu.vector_load %arg8[%parallel_loop3A_398, %parallel_loop3A_399] {strides = array<i32>} : memref<32x512xf32, #tpu.memory_space<vmem>>, vector<1x16xf32>,
      %parallel_loop3A_401 = vector.shape_cast %parallel_loop3A_400 : vector<1x16xf32> to vector<16xf32>
      %parallel_loop3A_402 = arith.subf %parallel_loop3A_397, %parallel_loop3A_401 : vector<16xf32>
      %parallel_loop3A_403 = math.absf %parallel_loop3A_402 : vector<16xf32>
      %parallel_loop3A_404 = arith.addf %parallel_loop3A_316, %parallel_loop3A_403 : vector<16xf32>
      %parallel_loop3A_405 = arith.index_cast %parallel_loop3A_187 : i32 to index
      %parallel_loop3A_406 = arith.constant 304 : index
      %parallel_loop3A_407 = tpu.vector_load %arg5[%parallel_loop3A_405, %parallel_loop3A_406] {strides = array<i32>} : memref<32x512xf32, #tpu.memory_space<vmem>>, vector<1x16xf32>,
      %parallel_loop3A_408 = vector.shape_cast %parallel_loop3A_407 : vector<1x16xf32> to vector<16xf32>
      %parallel_loop3A_409 = arith.index_cast %parallel_loop3A_187 : i32 to index
      %parallel_loop3A_410 = arith.constant 304 : index
      %parallel_loop3A_411 = tpu.vector_load %arg8[%parallel_loop3A_409, %parallel_loop3A_410] {strides = array<i32>} : memref<32x512xf32, #tpu.memory_space<vmem>>, vector<1x16xf32>,
      %parallel_loop3A_412 = vector.shape_cast %parallel_loop3A_411 : vector<1x16xf32> to vector<16xf32>
      %parallel_loop3A_413 = arith.subf %parallel_loop3A_408, %parallel_loop3A_412 : vector<16xf32>
      %parallel_loop3A_414 = math.absf %parallel_loop3A_413 : vector<16xf32>
      %parallel_loop3A_415 = arith.addf %parallel_loop3A_327, %parallel_loop3A_414 : vector<16xf32>
      %parallel_loop3A_416 = arith.index_cast %parallel_loop3A_187 : i32 to index
      %parallel_loop3A_417 = arith.constant 320 : index
      %parallel_loop3A_418 = tpu.vector_load %arg5[%parallel_loop3A_416, %parallel_loop3A_417] {strides = array<i32>} : memref<32x512xf32, #tpu.memory_space<vmem>>, vector<1x16xf32>,
      %parallel_loop3A_419 = vector.shape_cast %parallel_loop3A_418 : vector<1x16xf32> to vector<16xf32>
      %parallel_loop3A_420 = arith.index_cast %parallel_loop3A_187 : i32 to index
      %parallel_loop3A_421 = arith.constant 320 : index
      %parallel_loop3A_422 = tpu.vector_load %arg8[%parallel_loop3A_420, %parallel_loop3A_421] {strides = array<i32>} : memref<32x512xf32, #tpu.memory_space<vmem>>, vector<1x16xf32>,
      %parallel_loop3A_423 = vector.shape_cast %parallel_loop3A_422 : vector<1x16xf32> to vector<16xf32>
      %parallel_loop3A_424 = arith.subf %parallel_loop3A_419, %parallel_loop3A_423 : vector<16xf32>
      %parallel_loop3A_425 = math.absf %parallel_loop3A_424 : vector<16xf32>
      %parallel_loop3A_426 = arith.addf %parallel_loop3A_338, %parallel_loop3A_425 : vector<16xf32>
      %parallel_loop3A_427 = arith.index_cast %parallel_loop3A_187 : i32 to index
      %parallel_loop3A_428 = arith.constant 336 : index
      %parallel_loop3A_429 = tpu.vector_load %arg5[%parallel_loop3A_427, %parallel_loop3A_428] {strides = array<i32>} : memref<32x512xf32, #tpu.memory_space<vmem>>, vector<1x16xf32>,
      %parallel_loop3A_430 = vector.shape_cast %parallel_loop3A_429 : vector<1x16xf32> to vector<16xf32>
      %parallel_loop3A_431 = arith.index_cast %parallel_loop3A_187 : i32 to index
      %parallel_loop3A_432 = arith.constant 336 : index
      %parallel_loop3A_433 = tpu.vector_load %arg8[%parallel_loop3A_431, %parallel_loop3A_432] {strides = array<i32>} : memref<32x512xf32, #tpu.memory_space<vmem>>, vector<1x16xf32>,
      %parallel_loop3A_434 = vector.shape_cast %parallel_loop3A_433 : vector<1x16xf32> to vector<16xf32>
      %parallel_loop3A_435 = arith.subf %parallel_loop3A_430, %parallel_loop3A_434 : vector<16xf32>
      %parallel_loop3A_436 = math.absf %parallel_loop3A_435 : vector<16xf32>
      %parallel_loop3A_437 = arith.addf %parallel_loop3A_349, %parallel_loop3A_436 : vector<16xf32>
      %parallel_loop3A_438 = arith.index_cast %parallel_loop3A_187 : i32 to index
      %parallel_loop3A_439 = arith.constant 352 : index
      %parallel_loop3A_440 = tpu.vector_load %arg5[%parallel_loop3A_438, %parallel_loop3A_439] {strides = array<i32>} : memref<32x512xf32, #tpu.memory_space<vmem>>, vector<1x16xf32>,
      %parallel_loop3A_441 = vector.shape_cast %parallel_loop3A_440 : vector<1x16xf32> to vector<16xf32>
      %parallel_loop3A_442 = arith.index_cast %parallel_loop3A_187 : i32 to index
      %parallel_loop3A_443 = arith.constant 352 : index
      %parallel_loop3A_444 = tpu.vector_load %arg8[%parallel_loop3A_442, %parallel_loop3A_443] {strides = array<i32>} : memref<32x512xf32, #tpu.memory_space<vmem>>, vector<1x16xf32>,
      %parallel_loop3A_445 = vector.shape_cast %parallel_loop3A_444 : vector<1x16xf32> to vector<16xf32>
      %parallel_loop3A_446 = arith.subf %parallel_loop3A_441, %parallel_loop3A_445 : vector<16xf32>
      %parallel_loop3A_447 = math.absf %parallel_loop3A_446 : vector<16xf32>
      %parallel_loop3A_448 = arith.addf %parallel_loop3A_360, %parallel_loop3A_447 : vector<16xf32>
      %parallel_loop3A_449 = arith.index_cast %parallel_loop3A_187 : i32 to index
      %parallel_loop3A_450 = arith.constant 368 : index
      %parallel_loop3A_451 = tpu.vector_load %arg5[%parallel_loop3A_449, %parallel_loop3A_450] {strides = array<i32>} : memref<32x512xf32, #tpu.memory_space<vmem>>, vector<1x16xf32>,
      %parallel_loop3A_452 = vector.shape_cast %parallel_loop3A_451 : vector<1x16xf32> to vector<16xf32>
      %parallel_loop3A_453 = arith.index_cast %parallel_loop3A_187 : i32 to index
      %parallel_loop3A_454 = arith.constant 368 : index
      %parallel_loop3A_455 = tpu.vector_load %arg8[%parallel_loop3A_453, %parallel_loop3A_454] {strides = array<i32>} : memref<32x512xf32, #tpu.memory_space<vmem>>, vector<1x16xf32>,
      %parallel_loop3A_456 = vector.shape_cast %parallel_loop3A_455 : vector<1x16xf32> to vector<16xf32>
      %parallel_loop3A_457 = arith.subf %parallel_loop3A_452, %parallel_loop3A_456 : vector<16xf32>
      %parallel_loop3A_458 = math.absf %parallel_loop3A_457 : vector<16xf32>
      %parallel_loop3A_459 = arith.addf %parallel_loop3A_371, %parallel_loop3A_458 : vector<16xf32>
      %parallel_loop3A_460 = arith.index_cast %parallel_loop3A_187 : i32 to index
      %parallel_loop3A_461 = arith.constant 384 : index
      %parallel_loop3A_462 = tpu.vector_load %arg5[%parallel_loop3A_460, %parallel_loop3A_461] {strides = array<i32>} : memref<32x512xf32, #tpu.memory_space<vmem>>, vector<1x16xf32>,
      %parallel_loop3A_463 = vector.shape_cast %parallel_loop3A_462 : vector<1x16xf32> to vector<16xf32>
      %parallel_loop3A_464 = arith.index_cast %parallel_loop3A_187 : i32 to index
      %parallel_loop3A_465 = arith.constant 384 : index
      %parallel_loop3A_466 = tpu.vector_load %arg8[%parallel_loop3A_464, %parallel_loop3A_465] {strides = array<i32>} : memref<32x512xf32, #tpu.memory_space<vmem>>, vector<1x16xf32>,
      %parallel_loop3A_467 = vector.shape_cast %parallel_loop3A_466 : vector<1x16xf32> to vector<16xf32>
      %parallel_loop3A_468 = arith.subf %parallel_loop3A_463, %parallel_loop3A_467 : vector<16xf32>
      %parallel_loop3A_469 = math.absf %parallel_loop3A_468 : vector<16xf32>
      %parallel_loop3A_470 = arith.addf %parallel_loop3A_382, %parallel_loop3A_469 : vector<16xf32>
      %parallel_loop3A_471 = arith.index_cast %parallel_loop3A_187 : i32 to index
      %parallel_loop3A_472 = arith.constant 400 : index
      %parallel_loop3A_473 = tpu.vector_load %arg5[%parallel_loop3A_471, %parallel_loop3A_472] {strides = array<i32>} : memref<32x512xf32, #tpu.memory_space<vmem>>, vector<1x16xf32>,
      %parallel_loop3A_474 = vector.shape_cast %parallel_loop3A_473 : vector<1x16xf32> to vector<16xf32>
      %parallel_loop3A_475 = arith.index_cast %parallel_loop3A_187 : i32 to index
      %parallel_loop3A_476 = arith.constant 400 : index
      %parallel_loop3A_477 = tpu.vector_load %arg8[%parallel_loop3A_475, %parallel_loop3A_476] {strides = array<i32>} : memref<32x512xf32, #tpu.memory_space<vmem>>, vector<1x16xf32>,
      %parallel_loop3A_478 = vector.shape_cast %parallel_loop3A_477 : vector<1x16xf32> to vector<16xf32>
      %parallel_loop3A_479 = arith.subf %parallel_loop3A_474, %parallel_loop3A_478 : vector<16xf32>
      %parallel_loop3A_480 = math.absf %parallel_loop3A_479 : vector<16xf32>
      %parallel_loop3A_481 = arith.addf %parallel_loop3A_393, %parallel_loop3A_480 : vector<16xf32>
      %parallel_loop3A_482 = arith.index_cast %parallel_loop3A_187 : i32 to index
      %parallel_loop3A_483 = arith.constant 416 : index
      %parallel_loop3A_484 = tpu.vector_load %arg5[%parallel_loop3A_482, %parallel_loop3A_483] {strides = array<i32>} : memref<32x512xf32, #tpu.memory_space<vmem>>, vector<1x16xf32>,
      %parallel_loop3A_485 = vector.shape_cast %parallel_loop3A_484 : vector<1x16xf32> to vector<16xf32>
      %parallel_loop3A_486 = arith.index_cast %parallel_loop3A_187 : i32 to index
      %parallel_loop3A_487 = arith.constant 416 : index
      %parallel_loop3A_488 = tpu.vector_load %arg8[%parallel_loop3A_486, %parallel_loop3A_487] {strides = array<i32>} : memref<32x512xf32, #tpu.memory_space<vmem>>, vector<1x16xf32>,
      %parallel_loop3A_489 = vector.shape_cast %parallel_loop3A_488 : vector<1x16xf32> to vector<16xf32>
      %parallel_loop3A_490 = arith.subf %parallel_loop3A_485, %parallel_loop3A_489 : vector<16xf32>
      %parallel_loop3A_491 = math.absf %parallel_loop3A_490 : vector<16xf32>
      %parallel_loop3A_492 = arith.addf %parallel_loop3A_404, %parallel_loop3A_491 : vector<16xf32>
      %parallel_loop3A_493 = arith.index_cast %parallel_loop3A_187 : i32 to index
      %parallel_loop3A_494 = arith.constant 432 : index
      %parallel_loop3A_495 = tpu.vector_load %arg5[%parallel_loop3A_493, %parallel_loop3A_494] {strides = array<i32>} : memref<32x512xf32, #tpu.memory_space<vmem>>, vector<1x16xf32>,
      %parallel_loop3A_496 = vector.shape_cast %parallel_loop3A_495 : vector<1x16xf32> to vector<16xf32>
      %parallel_loop3A_497 = arith.index_cast %parallel_loop3A_187 : i32 to index
      %parallel_loop3A_498 = arith.constant 432 : index
      %parallel_loop3A_499 = tpu.vector_load %arg8[%parallel_loop3A_497, %parallel_loop3A_498] {strides = array<i32>} : memref<32x512xf32, #tpu.memory_space<vmem>>, vector<1x16xf32>,
      %parallel_loop3A_500 = vector.shape_cast %parallel_loop3A_499 : vector<1x16xf32> to vector<16xf32>
      %parallel_loop3A_501 = arith.subf %parallel_loop3A_496, %parallel_loop3A_500 : vector<16xf32>
      %parallel_loop3A_502 = math.absf %parallel_loop3A_501 : vector<16xf32>
      %parallel_loop3A_503 = arith.addf %parallel_loop3A_415, %parallel_loop3A_502 : vector<16xf32>
      %parallel_loop3A_504 = arith.index_cast %parallel_loop3A_187 : i32 to index
      %parallel_loop3A_505 = arith.constant 448 : index
      %parallel_loop3A_506 = tpu.vector_load %arg5[%parallel_loop3A_504, %parallel_loop3A_505] {strides = array<i32>} : memref<32x512xf32, #tpu.memory_space<vmem>>, vector<1x16xf32>,
      %parallel_loop3A_507 = vector.shape_cast %parallel_loop3A_506 : vector<1x16xf32> to vector<16xf32>
      %parallel_loop3A_508 = arith.index_cast %parallel_loop3A_187 : i32 to index
      %parallel_loop3A_509 = arith.constant 448 : index
      %parallel_loop3A_510 = tpu.vector_load %arg8[%parallel_loop3A_508, %parallel_loop3A_509] {strides = array<i32>} : memref<32x512xf32, #tpu.memory_space<vmem>>, vector<1x16xf32>,
      %parallel_loop3A_511 = vector.shape_cast %parallel_loop3A_510 : vector<1x16xf32> to vector<16xf32>
      %parallel_loop3A_512 = arith.subf %parallel_loop3A_507, %parallel_loop3A_511 : vector<16xf32>
      %parallel_loop3A_513 = math.absf %parallel_loop3A_512 : vector<16xf32>
      %parallel_loop3A_514 = arith.addf %parallel_loop3A_426, %parallel_loop3A_513 : vector<16xf32>
      %parallel_loop3A_515 = arith.index_cast %parallel_loop3A_187 : i32 to index
      %parallel_loop3A_516 = arith.constant 464 : index
      %parallel_loop3A_517 = tpu.vector_load %arg5[%parallel_loop3A_515, %parallel_loop3A_516] {strides = array<i32>} : memref<32x512xf32, #tpu.memory_space<vmem>>, vector<1x16xf32>,
      %parallel_loop3A_518 = vector.shape_cast %parallel_loop3A_517 : vector<1x16xf32> to vector<16xf32>
      %parallel_loop3A_519 = arith.index_cast %parallel_loop3A_187 : i32 to index
      %parallel_loop3A_520 = arith.constant 464 : index
      %parallel_loop3A_521 = tpu.vector_load %arg8[%parallel_loop3A_519, %parallel_loop3A_520] {strides = array<i32>} : memref<32x512xf32, #tpu.memory_space<vmem>>, vector<1x16xf32>,
      %parallel_loop3A_522 = vector.shape_cast %parallel_loop3A_521 : vector<1x16xf32> to vector<16xf32>
      %parallel_loop3A_523 = arith.subf %parallel_loop3A_518, %parallel_loop3A_522 : vector<16xf32>
      %parallel_loop3A_524 = math.absf %parallel_loop3A_523 : vector<16xf32>
      %parallel_loop3A_525 = arith.addf %parallel_loop3A_437, %parallel_loop3A_524 : vector<16xf32>
      %parallel_loop3A_526 = arith.index_cast %parallel_loop3A_187 : i32 to index
      %parallel_loop3A_527 = arith.constant 480 : index
      %parallel_loop3A_528 = tpu.vector_load %arg5[%parallel_loop3A_526, %parallel_loop3A_527] {strides = array<i32>} : memref<32x512xf32, #tpu.memory_space<vmem>>, vector<1x16xf32>,
      %parallel_loop3A_529 = vector.shape_cast %parallel_loop3A_528 : vector<1x16xf32> to vector<16xf32>
      %parallel_loop3A_530 = arith.index_cast %parallel_loop3A_187 : i32 to index
      %parallel_loop3A_531 = arith.constant 480 : index
      %parallel_loop3A_532 = tpu.vector_load %arg8[%parallel_loop3A_530, %parallel_loop3A_531] {strides = array<i32>} : memref<32x512xf32, #tpu.memory_space<vmem>>, vector<1x16xf32>,
      %parallel_loop3A_533 = vector.shape_cast %parallel_loop3A_532 : vector<1x16xf32> to vector<16xf32>
      %parallel_loop3A_534 = arith.subf %parallel_loop3A_529, %parallel_loop3A_533 : vector<16xf32>
      %parallel_loop3A_535 = math.absf %parallel_loop3A_534 : vector<16xf32>
      %parallel_loop3A_536 = arith.addf %parallel_loop3A_448, %parallel_loop3A_535 : vector<16xf32>
      %parallel_loop3A_537 = arith.index_cast %parallel_loop3A_187 : i32 to index
      %parallel_loop3A_538 = arith.constant 496 : index
      %parallel_loop3A_539 = tpu.vector_load %arg5[%parallel_loop3A_537, %parallel_loop3A_538] {strides = array<i32>} : memref<32x512xf32, #tpu.memory_space<vmem>>, vector<1x16xf32>,
      %parallel_loop3A_540 = vector.shape_cast %parallel_loop3A_539 : vector<1x16xf32> to vector<16xf32>
      %parallel_loop3A_541 = arith.index_cast %parallel_loop3A_187 : i32 to index
      %parallel_loop3A_542 = arith.constant 496 : index
      %parallel_loop3A_543 = tpu.vector_load %arg8[%parallel_loop3A_541, %parallel_loop3A_542] {strides = array<i32>} : memref<32x512xf32, #tpu.memory_space<vmem>>, vector<1x16xf32>,
      %parallel_loop3A_544 = vector.shape_cast %parallel_loop3A_543 : vector<1x16xf32> to vector<16xf32>
      %parallel_loop3A_545 = arith.subf %parallel_loop3A_540, %parallel_loop3A_544 : vector<16xf32>
      %parallel_loop3A_546 = math.absf %parallel_loop3A_545 : vector<16xf32>
      %parallel_loop3A_547 = arith.addf %parallel_loop3A_459, %parallel_loop3A_546 : vector<16xf32>
      scf.yield %parallel_loop3A_470, %parallel_loop3A_481, %parallel_loop3A_492, %parallel_loop3A_503, %parallel_loop3A_514, %parallel_loop3A_525, %parallel_loop3A_536, %parallel_loop3A_547 : vector<16xf32>, vector<16xf32>, vector<16xf32>, vector<16xf32>, vector<16xf32>, vector<16xf32>, vector<16xf32>, vector<16xf32>
    } {sc.loop_unroll_factor = 2 : i64, sc.parallel_access}
    %add3A_43 = arith.constant 96 : i32
    %add3A_44 = arith.addi %mul3A_2, %add3A_43 : i32
    %dma_start3A_45 = arith.constant 0 : i32
    %dma_start3A_46 = tpu.memref_slice %arg2[%add3A_44, %dma_start3A_45] : memref<24576x512xf32, #tpu.memory_space<hbm>> -> memref<32x512xf32, #tpu.memory_space<hbm>>
    %dma_start3A_47 = arith.constant 0 : i32
    %dma_start3A_48 = tpu.memref_slice %arg2[%add3A_44, %dma_start3A_47] : memref<24576x512xf32, #tpu.memory_space<hbm>> -> memref<32x512xf32, #tpu.memory_space<hbm>>
    tpu.enqueue_dma source(%dma_start3A_48 : memref<32x512xf32, #tpu.memory_space<hbm>>) target(%arg5 : memref<32x512xf32, #tpu.memory_space<vmem>>) target_semaphore(%arg12 : memref<!tpu.dma_semaphore, #tpu.memory_space<semaphore_mem>>)
    %dma_start3A_49 = arith.constant 0 : i32
    %dma_start3A_50 = tpu.memref_slice %arg3[%add3A_44, %dma_start3A_49] : memref<24576x512xf32, #tpu.memory_space<hbm>> -> memref<32x512xf32, #tpu.memory_space<hbm>>
    %dma_start3A_51 = arith.constant 0 : i32
    %dma_start3A_52 = tpu.memref_slice %arg3[%add3A_44, %dma_start3A_51] : memref<24576x512xf32, #tpu.memory_space<hbm>> -> memref<32x512xf32, #tpu.memory_space<hbm>>
    tpu.enqueue_dma source(%dma_start3A_52 : memref<32x512xf32, #tpu.memory_space<hbm>>) target(%arg8 : memref<32x512xf32, #tpu.memory_space<vmem>>) target_semaphore(%arg15 : memref<!tpu.dma_semaphore, #tpu.memory_space<semaphore_mem>>)
    %dma_wait3A_53 = arith.constant 0 : i32
    %dma_wait3A_54 = tpu.memref_slice %arg2[%add3A_14, %dma_wait3A_53] : memref<24576x512xf32, #tpu.memory_space<hbm>> -> memref<32x512xf32, #tpu.memory_space<hbm>>
    %dma_wait3A_55 = arith.constant 0 : i32
    %dma_wait3A_56 = tpu.memref_slice %arg2[%add3A_14, %dma_wait3A_55] : memref<24576x512xf32, #tpu.memory_space<hbm>> -> memref<32x512xf32, #tpu.memory_space<hbm>>
    tpu.wait_dma2 semaphore(%arg13 : memref<!tpu.dma_semaphore, #tpu.memory_space<semaphore_mem>>) src(%dma_wait3A_56 : memref<32x512xf32, #tpu.memory_space<hbm>>) dst(%arg6 : memref<32x512xf32, #tpu.memory_space<vmem>>)
    %dma_wait3A_57 = arith.constant 0 : i32
    %dma_wait3A_58 = tpu.memref_slice %arg3[%add3A_14, %dma_wait3A_57] : memref<24576x512xf32, #tpu.memory_space<hbm>> -> memref<32x512xf32, #tpu.memory_space<hbm>>
    %dma_wait3A_59 = arith.constant 0 : i32
    %dma_wait3A_60 = tpu.memref_slice %arg3[%add3A_14, %dma_wait3A_59] : memref<24576x512xf32, #tpu.memory_space<hbm>> -> memref<32x512xf32, #tpu.memory_space<hbm>>
    tpu.wait_dma2 semaphore(%arg16 : memref<!tpu.dma_semaphore, #tpu.memory_space<semaphore_mem>>) src(%dma_wait3A_60 : memref<32x512xf32, #tpu.memory_space<hbm>>) dst(%arg9 : memref<32x512xf32, #tpu.memory_space<vmem>>)
    %parallel_loop3A_61 = arith.constant 0 : i32
    %parallel_loop3A_62 = arith.constant 32 : i32
    %parallel_loop3A_63 = arith.constant 1 : i32
    %parallel_loop3A_64:8 = scf.for %parallel_loop3A_187 = %parallel_loop3A_61 to %parallel_loop3A_62 step %parallel_loop3A_63 iter_args(%parallel_loop3A_188 = %parallel_loop3A_42#0, %parallel_loop3A_189 = %parallel_loop3A_42#1, %parallel_loop3A_190 = %parallel_loop3A_42#2, %parallel_loop3A_191 = %parallel_loop3A_42#3, %parallel_loop3A_192 = %parallel_loop3A_42#4, %parallel_loop3A_193 = %parallel_loop3A_42#5, %parallel_loop3A_194 = %parallel_loop3A_42#6, %parallel_loop3A_195 = %parallel_loop3A_42#7) -> (vector<16xf32>, vector<16xf32>, vector<16xf32>, vector<16xf32>, vector<16xf32>, vector<16xf32>, vector<16xf32>, vector<16xf32>)  : i32 {
      %parallel_loop3A_196 = arith.index_cast %parallel_loop3A_187 : i32 to index
      %parallel_loop3A_197 = arith.constant 0 : index
      %parallel_loop3A_198 = tpu.vector_load %arg6[%parallel_loop3A_196, %parallel_loop3A_197] {strides = array<i32>} : memref<32x512xf32, #tpu.memory_space<vmem>>, vector<1x16xf32>,
      %parallel_loop3A_199 = vector.shape_cast %parallel_loop3A_198 : vector<1x16xf32> to vector<16xf32>
      %parallel_loop3A_200 = arith.index_cast %parallel_loop3A_187 : i32 to index
      %parallel_loop3A_201 = arith.constant 0 : index
      %parallel_loop3A_202 = tpu.vector_load %arg9[%parallel_loop3A_200, %parallel_loop3A_201] {strides = array<i32>} : memref<32x512xf32, #tpu.memory_space<vmem>>, vector<1x16xf32>,
      %parallel_loop3A_203 = vector.shape_cast %parallel_loop3A_202 : vector<1x16xf32> to vector<16xf32>
      %parallel_loop3A_204 = arith.subf %parallel_loop3A_199, %parallel_loop3A_203 : vector<16xf32>
      %parallel_loop3A_205 = math.absf %parallel_loop3A_204 : vector<16xf32>
      %parallel_loop3A_206 = arith.addf %parallel_loop3A_188, %parallel_loop3A_205 : vector<16xf32>
      %parallel_loop3A_207 = arith.index_cast %parallel_loop3A_187 : i32 to index
      %parallel_loop3A_208 = arith.constant 16 : index
      %parallel_loop3A_209 = tpu.vector_load %arg6[%parallel_loop3A_207, %parallel_loop3A_208] {strides = array<i32>} : memref<32x512xf32, #tpu.memory_space<vmem>>, vector<1x16xf32>,
      %parallel_loop3A_210 = vector.shape_cast %parallel_loop3A_209 : vector<1x16xf32> to vector<16xf32>
      %parallel_loop3A_211 = arith.index_cast %parallel_loop3A_187 : i32 to index
      %parallel_loop3A_212 = arith.constant 16 : index
      %parallel_loop3A_213 = tpu.vector_load %arg9[%parallel_loop3A_211, %parallel_loop3A_212] {strides = array<i32>} : memref<32x512xf32, #tpu.memory_space<vmem>>, vector<1x16xf32>,
      %parallel_loop3A_214 = vector.shape_cast %parallel_loop3A_213 : vector<1x16xf32> to vector<16xf32>
      %parallel_loop3A_215 = arith.subf %parallel_loop3A_210, %parallel_loop3A_214 : vector<16xf32>
      %parallel_loop3A_216 = math.absf %parallel_loop3A_215 : vector<16xf32>
      %parallel_loop3A_217 = arith.addf %parallel_loop3A_189, %parallel_loop3A_216 : vector<16xf32>
      %parallel_loop3A_218 = arith.index_cast %parallel_loop3A_187 : i32 to index
      %parallel_loop3A_219 = arith.constant 32 : index
      %parallel_loop3A_220 = tpu.vector_load %arg6[%parallel_loop3A_218, %parallel_loop3A_219] {strides = array<i32>} : memref<32x512xf32, #tpu.memory_space<vmem>>, vector<1x16xf32>,
      %parallel_loop3A_221 = vector.shape_cast %parallel_loop3A_220 : vector<1x16xf32> to vector<16xf32>
      %parallel_loop3A_222 = arith.index_cast %parallel_loop3A_187 : i32 to index
      %parallel_loop3A_223 = arith.constant 32 : index
      %parallel_loop3A_224 = tpu.vector_load %arg9[%parallel_loop3A_222, %parallel_loop3A_223] {strides = array<i32>} : memref<32x512xf32, #tpu.memory_space<vmem>>, vector<1x16xf32>,
      %parallel_loop3A_225 = vector.shape_cast %parallel_loop3A_224 : vector<1x16xf32> to vector<16xf32>
      %parallel_loop3A_226 = arith.subf %parallel_loop3A_221, %parallel_loop3A_225 : vector<16xf32>
      %parallel_loop3A_227 = math.absf %parallel_loop3A_226 : vector<16xf32>
      %parallel_loop3A_228 = arith.addf %parallel_loop3A_190, %parallel_loop3A_227 : vector<16xf32>
      %parallel_loop3A_229 = arith.index_cast %parallel_loop3A_187 : i32 to index
      %parallel_loop3A_230 = arith.constant 48 : index
      %parallel_loop3A_231 = tpu.vector_load %arg6[%parallel_loop3A_229, %parallel_loop3A_230] {strides = array<i32>} : memref<32x512xf32, #tpu.memory_space<vmem>>, vector<1x16xf32>,
      %parallel_loop3A_232 = vector.shape_cast %parallel_loop3A_231 : vector<1x16xf32> to vector<16xf32>
      %parallel_loop3A_233 = arith.index_cast %parallel_loop3A_187 : i32 to index
      %parallel_loop3A_234 = arith.constant 48 : index
      %parallel_loop3A_235 = tpu.vector_load %arg9[%parallel_loop3A_233, %parallel_loop3A_234] {strides = array<i32>} : memref<32x512xf32, #tpu.memory_space<vmem>>, vector<1x16xf32>,
      %parallel_loop3A_236 = vector.shape_cast %parallel_loop3A_235 : vector<1x16xf32> to vector<16xf32>
      %parallel_loop3A_237 = arith.subf %parallel_loop3A_232, %parallel_loop3A_236 : vector<16xf32>
      %parallel_loop3A_238 = math.absf %parallel_loop3A_237 : vector<16xf32>
      %parallel_loop3A_239 = arith.addf %parallel_loop3A_191, %parallel_loop3A_238 : vector<16xf32>
      %parallel_loop3A_240 = arith.index_cast %parallel_loop3A_187 : i32 to index
      %parallel_loop3A_241 = arith.constant 64 : index
      %parallel_loop3A_242 = tpu.vector_load %arg6[%parallel_loop3A_240, %parallel_loop3A_241] {strides = array<i32>} : memref<32x512xf32, #tpu.memory_space<vmem>>, vector<1x16xf32>,
      %parallel_loop3A_243 = vector.shape_cast %parallel_loop3A_242 : vector<1x16xf32> to vector<16xf32>
      %parallel_loop3A_244 = arith.index_cast %parallel_loop3A_187 : i32 to index
      %parallel_loop3A_245 = arith.constant 64 : index
      %parallel_loop3A_246 = tpu.vector_load %arg9[%parallel_loop3A_244, %parallel_loop3A_245] {strides = array<i32>} : memref<32x512xf32, #tpu.memory_space<vmem>>, vector<1x16xf32>,
      %parallel_loop3A_247 = vector.shape_cast %parallel_loop3A_246 : vector<1x16xf32> to vector<16xf32>
      %parallel_loop3A_248 = arith.subf %parallel_loop3A_243, %parallel_loop3A_247 : vector<16xf32>
      %parallel_loop3A_249 = math.absf %parallel_loop3A_248 : vector<16xf32>
      %parallel_loop3A_250 = arith.addf %parallel_loop3A_192, %parallel_loop3A_249 : vector<16xf32>
      %parallel_loop3A_251 = arith.index_cast %parallel_loop3A_187 : i32 to index
      %parallel_loop3A_252 = arith.constant 80 : index
      %parallel_loop3A_253 = tpu.vector_load %arg6[%parallel_loop3A_251, %parallel_loop3A_252] {strides = array<i32>} : memref<32x512xf32, #tpu.memory_space<vmem>>, vector<1x16xf32>,
      %parallel_loop3A_254 = vector.shape_cast %parallel_loop3A_253 : vector<1x16xf32> to vector<16xf32>
      %parallel_loop3A_255 = arith.index_cast %parallel_loop3A_187 : i32 to index
      %parallel_loop3A_256 = arith.constant 80 : index
      %parallel_loop3A_257 = tpu.vector_load %arg9[%parallel_loop3A_255, %parallel_loop3A_256] {strides = array<i32>} : memref<32x512xf32, #tpu.memory_space<vmem>>, vector<1x16xf32>,
      %parallel_loop3A_258 = vector.shape_cast %parallel_loop3A_257 : vector<1x16xf32> to vector<16xf32>
      %parallel_loop3A_259 = arith.subf %parallel_loop3A_254, %parallel_loop3A_258 : vector<16xf32>
      %parallel_loop3A_260 = math.absf %parallel_loop3A_259 : vector<16xf32>
      %parallel_loop3A_261 = arith.addf %parallel_loop3A_193, %parallel_loop3A_260 : vector<16xf32>
      %parallel_loop3A_262 = arith.index_cast %parallel_loop3A_187 : i32 to index
      %parallel_loop3A_263 = arith.constant 96 : index
      %parallel_loop3A_264 = tpu.vector_load %arg6[%parallel_loop3A_262, %parallel_loop3A_263] {strides = array<i32>} : memref<32x512xf32, #tpu.memory_space<vmem>>, vector<1x16xf32>,
      %parallel_loop3A_265 = vector.shape_cast %parallel_loop3A_264 : vector<1x16xf32> to vector<16xf32>
      %parallel_loop3A_266 = arith.index_cast %parallel_loop3A_187 : i32 to index
      %parallel_loop3A_267 = arith.constant 96 : index
      %parallel_loop3A_268 = tpu.vector_load %arg9[%parallel_loop3A_266, %parallel_loop3A_267] {strides = array<i32>} : memref<32x512xf32, #tpu.memory_space<vmem>>, vector<1x16xf32>,
      %parallel_loop3A_269 = vector.shape_cast %parallel_loop3A_268 : vector<1x16xf32> to vector<16xf32>
      %parallel_loop3A_270 = arith.subf %parallel_loop3A_265, %parallel_loop3A_269 : vector<16xf32>
      %parallel_loop3A_271 = math.absf %parallel_loop3A_270 : vector<16xf32>
      %parallel_loop3A_272 = arith.addf %parallel_loop3A_194, %parallel_loop3A_271 : vector<16xf32>
      %parallel_loop3A_273 = arith.index_cast %parallel_loop3A_187 : i32 to index
      %parallel_loop3A_274 = arith.constant 112 : index
      %parallel_loop3A_275 = tpu.vector_load %arg6[%parallel_loop3A_273, %parallel_loop3A_274] {strides = array<i32>} : memref<32x512xf32, #tpu.memory_space<vmem>>, vector<1x16xf32>,
      %parallel_loop3A_276 = vector.shape_cast %parallel_loop3A_275 : vector<1x16xf32> to vector<16xf32>
      %parallel_loop3A_277 = arith.index_cast %parallel_loop3A_187 : i32 to index
      %parallel_loop3A_278 = arith.constant 112 : index
      %parallel_loop3A_279 = tpu.vector_load %arg9[%parallel_loop3A_277, %parallel_loop3A_278] {strides = array<i32>} : memref<32x512xf32, #tpu.memory_space<vmem>>, vector<1x16xf32>,
      %parallel_loop3A_280 = vector.shape_cast %parallel_loop3A_279 : vector<1x16xf32> to vector<16xf32>
      %parallel_loop3A_281 = arith.subf %parallel_loop3A_276, %parallel_loop3A_280 : vector<16xf32>
      %parallel_loop3A_282 = math.absf %parallel_loop3A_281 : vector<16xf32>
      %parallel_loop3A_283 = arith.addf %parallel_loop3A_195, %parallel_loop3A_282 : vector<16xf32>
      %parallel_loop3A_284 = arith.index_cast %parallel_loop3A_187 : i32 to index
      %parallel_loop3A_285 = arith.constant 128 : index
      %parallel_loop3A_286 = tpu.vector_load %arg6[%parallel_loop3A_284, %parallel_loop3A_285] {strides = array<i32>} : memref<32x512xf32, #tpu.memory_space<vmem>>, vector<1x16xf32>,
      %parallel_loop3A_287 = vector.shape_cast %parallel_loop3A_286 : vector<1x16xf32> to vector<16xf32>
      %parallel_loop3A_288 = arith.index_cast %parallel_loop3A_187 : i32 to index
      %parallel_loop3A_289 = arith.constant 128 : index
      %parallel_loop3A_290 = tpu.vector_load %arg9[%parallel_loop3A_288, %parallel_loop3A_289] {strides = array<i32>} : memref<32x512xf32, #tpu.memory_space<vmem>>, vector<1x16xf32>,
      %parallel_loop3A_291 = vector.shape_cast %parallel_loop3A_290 : vector<1x16xf32> to vector<16xf32>
      %parallel_loop3A_292 = arith.subf %parallel_loop3A_287, %parallel_loop3A_291 : vector<16xf32>
      %parallel_loop3A_293 = math.absf %parallel_loop3A_292 : vector<16xf32>
      %parallel_loop3A_294 = arith.addf %parallel_loop3A_206, %parallel_loop3A_293 : vector<16xf32>
      %parallel_loop3A_295 = arith.index_cast %parallel_loop3A_187 : i32 to index
      %parallel_loop3A_296 = arith.constant 144 : index
      %parallel_loop3A_297 = tpu.vector_load %arg6[%parallel_loop3A_295, %parallel_loop3A_296] {strides = array<i32>} : memref<32x512xf32, #tpu.memory_space<vmem>>, vector<1x16xf32>,
      %parallel_loop3A_298 = vector.shape_cast %parallel_loop3A_297 : vector<1x16xf32> to vector<16xf32>
      %parallel_loop3A_299 = arith.index_cast %parallel_loop3A_187 : i32 to index
      %parallel_loop3A_300 = arith.constant 144 : index
      %parallel_loop3A_301 = tpu.vector_load %arg9[%parallel_loop3A_299, %parallel_loop3A_300] {strides = array<i32>} : memref<32x512xf32, #tpu.memory_space<vmem>>, vector<1x16xf32>,
      %parallel_loop3A_302 = vector.shape_cast %parallel_loop3A_301 : vector<1x16xf32> to vector<16xf32>
      %parallel_loop3A_303 = arith.subf %parallel_loop3A_298, %parallel_loop3A_302 : vector<16xf32>
      %parallel_loop3A_304 = math.absf %parallel_loop3A_303 : vector<16xf32>
      %parallel_loop3A_305 = arith.addf %parallel_loop3A_217, %parallel_loop3A_304 : vector<16xf32>
      %parallel_loop3A_306 = arith.index_cast %parallel_loop3A_187 : i32 to index
      %parallel_loop3A_307 = arith.constant 160 : index
      %parallel_loop3A_308 = tpu.vector_load %arg6[%parallel_loop3A_306, %parallel_loop3A_307] {strides = array<i32>} : memref<32x512xf32, #tpu.memory_space<vmem>>, vector<1x16xf32>,
      %parallel_loop3A_309 = vector.shape_cast %parallel_loop3A_308 : vector<1x16xf32> to vector<16xf32>
      %parallel_loop3A_310 = arith.index_cast %parallel_loop3A_187 : i32 to index
      %parallel_loop3A_311 = arith.constant 160 : index
      %parallel_loop3A_312 = tpu.vector_load %arg9[%parallel_loop3A_310, %parallel_loop3A_311] {strides = array<i32>} : memref<32x512xf32, #tpu.memory_space<vmem>>, vector<1x16xf32>,
      %parallel_loop3A_313 = vector.shape_cast %parallel_loop3A_312 : vector<1x16xf32> to vector<16xf32>
      %parallel_loop3A_314 = arith.subf %parallel_loop3A_309, %parallel_loop3A_313 : vector<16xf32>
      %parallel_loop3A_315 = math.absf %parallel_loop3A_314 : vector<16xf32>
      %parallel_loop3A_316 = arith.addf %parallel_loop3A_228, %parallel_loop3A_315 : vector<16xf32>
      %parallel_loop3A_317 = arith.index_cast %parallel_loop3A_187 : i32 to index
      %parallel_loop3A_318 = arith.constant 176 : index
      %parallel_loop3A_319 = tpu.vector_load %arg6[%parallel_loop3A_317, %parallel_loop3A_318] {strides = array<i32>} : memref<32x512xf32, #tpu.memory_space<vmem>>, vector<1x16xf32>,
      %parallel_loop3A_320 = vector.shape_cast %parallel_loop3A_319 : vector<1x16xf32> to vector<16xf32>
      %parallel_loop3A_321 = arith.index_cast %parallel_loop3A_187 : i32 to index
      %parallel_loop3A_322 = arith.constant 176 : index
      %parallel_loop3A_323 = tpu.vector_load %arg9[%parallel_loop3A_321, %parallel_loop3A_322] {strides = array<i32>} : memref<32x512xf32, #tpu.memory_space<vmem>>, vector<1x16xf32>,
      %parallel_loop3A_324 = vector.shape_cast %parallel_loop3A_323 : vector<1x16xf32> to vector<16xf32>
      %parallel_loop3A_325 = arith.subf %parallel_loop3A_320, %parallel_loop3A_324 : vector<16xf32>
      %parallel_loop3A_326 = math.absf %parallel_loop3A_325 : vector<16xf32>
      %parallel_loop3A_327 = arith.addf %parallel_loop3A_239, %parallel_loop3A_326 : vector<16xf32>
      %parallel_loop3A_328 = arith.index_cast %parallel_loop3A_187 : i32 to index
      %parallel_loop3A_329 = arith.constant 192 : index
      %parallel_loop3A_330 = tpu.vector_load %arg6[%parallel_loop3A_328, %parallel_loop3A_329] {strides = array<i32>} : memref<32x512xf32, #tpu.memory_space<vmem>>, vector<1x16xf32>,
      %parallel_loop3A_331 = vector.shape_cast %parallel_loop3A_330 : vector<1x16xf32> to vector<16xf32>
      %parallel_loop3A_332 = arith.index_cast %parallel_loop3A_187 : i32 to index
      %parallel_loop3A_333 = arith.constant 192 : index
      %parallel_loop3A_334 = tpu.vector_load %arg9[%parallel_loop3A_332, %parallel_loop3A_333] {strides = array<i32>} : memref<32x512xf32, #tpu.memory_space<vmem>>, vector<1x16xf32>,
      %parallel_loop3A_335 = vector.shape_cast %parallel_loop3A_334 : vector<1x16xf32> to vector<16xf32>
      %parallel_loop3A_336 = arith.subf %parallel_loop3A_331, %parallel_loop3A_335 : vector<16xf32>
      %parallel_loop3A_337 = math.absf %parallel_loop3A_336 : vector<16xf32>
      %parallel_loop3A_338 = arith.addf %parallel_loop3A_250, %parallel_loop3A_337 : vector<16xf32>
      %parallel_loop3A_339 = arith.index_cast %parallel_loop3A_187 : i32 to index
      %parallel_loop3A_340 = arith.constant 208 : index
      %parallel_loop3A_341 = tpu.vector_load %arg6[%parallel_loop3A_339, %parallel_loop3A_340] {strides = array<i32>} : memref<32x512xf32, #tpu.memory_space<vmem>>, vector<1x16xf32>,
      %parallel_loop3A_342 = vector.shape_cast %parallel_loop3A_341 : vector<1x16xf32> to vector<16xf32>
      %parallel_loop3A_343 = arith.index_cast %parallel_loop3A_187 : i32 to index
      %parallel_loop3A_344 = arith.constant 208 : index
      %parallel_loop3A_345 = tpu.vector_load %arg9[%parallel_loop3A_343, %parallel_loop3A_344] {strides = array<i32>} : memref<32x512xf32, #tpu.memory_space<vmem>>, vector<1x16xf32>,
      %parallel_loop3A_346 = vector.shape_cast %parallel_loop3A_345 : vector<1x16xf32> to vector<16xf32>
      %parallel_loop3A_347 = arith.subf %parallel_loop3A_342, %parallel_loop3A_346 : vector<16xf32>
      %parallel_loop3A_348 = math.absf %parallel_loop3A_347 : vector<16xf32>
      %parallel_loop3A_349 = arith.addf %parallel_loop3A_261, %parallel_loop3A_348 : vector<16xf32>
      %parallel_loop3A_350 = arith.index_cast %parallel_loop3A_187 : i32 to index
      %parallel_loop3A_351 = arith.constant 224 : index
      %parallel_loop3A_352 = tpu.vector_load %arg6[%parallel_loop3A_350, %parallel_loop3A_351] {strides = array<i32>} : memref<32x512xf32, #tpu.memory_space<vmem>>, vector<1x16xf32>,
      %parallel_loop3A_353 = vector.shape_cast %parallel_loop3A_352 : vector<1x16xf32> to vector<16xf32>
      %parallel_loop3A_354 = arith.index_cast %parallel_loop3A_187 : i32 to index
      %parallel_loop3A_355 = arith.constant 224 : index
      %parallel_loop3A_356 = tpu.vector_load %arg9[%parallel_loop3A_354, %parallel_loop3A_355] {strides = array<i32>} : memref<32x512xf32, #tpu.memory_space<vmem>>, vector<1x16xf32>,
      %parallel_loop3A_357 = vector.shape_cast %parallel_loop3A_356 : vector<1x16xf32> to vector<16xf32>
      %parallel_loop3A_358 = arith.subf %parallel_loop3A_353, %parallel_loop3A_357 : vector<16xf32>
      %parallel_loop3A_359 = math.absf %parallel_loop3A_358 : vector<16xf32>
      %parallel_loop3A_360 = arith.addf %parallel_loop3A_272, %parallel_loop3A_359 : vector<16xf32>
      %parallel_loop3A_361 = arith.index_cast %parallel_loop3A_187 : i32 to index
      %parallel_loop3A_362 = arith.constant 240 : index
      %parallel_loop3A_363 = tpu.vector_load %arg6[%parallel_loop3A_361, %parallel_loop3A_362] {strides = array<i32>} : memref<32x512xf32, #tpu.memory_space<vmem>>, vector<1x16xf32>,
      %parallel_loop3A_364 = vector.shape_cast %parallel_loop3A_363 : vector<1x16xf32> to vector<16xf32>
      %parallel_loop3A_365 = arith.index_cast %parallel_loop3A_187 : i32 to index
      %parallel_loop3A_366 = arith.constant 240 : index
      %parallel_loop3A_367 = tpu.vector_load %arg9[%parallel_loop3A_365, %parallel_loop3A_366] {strides = array<i32>} : memref<32x512xf32, #tpu.memory_space<vmem>>, vector<1x16xf32>,
      %parallel_loop3A_368 = vector.shape_cast %parallel_loop3A_367 : vector<1x16xf32> to vector<16xf32>
      %parallel_loop3A_369 = arith.subf %parallel_loop3A_364, %parallel_loop3A_368 : vector<16xf32>
      %parallel_loop3A_370 = math.absf %parallel_loop3A_369 : vector<16xf32>
      %parallel_loop3A_371 = arith.addf %parallel_loop3A_283, %parallel_loop3A_370 : vector<16xf32>
      %parallel_loop3A_372 = arith.index_cast %parallel_loop3A_187 : i32 to index
      %parallel_loop3A_373 = arith.constant 256 : index
      %parallel_loop3A_374 = tpu.vector_load %arg6[%parallel_loop3A_372, %parallel_loop3A_373] {strides = array<i32>} : memref<32x512xf32, #tpu.memory_space<vmem>>, vector<1x16xf32>,
      %parallel_loop3A_375 = vector.shape_cast %parallel_loop3A_374 : vector<1x16xf32> to vector<16xf32>
      %parallel_loop3A_376 = arith.index_cast %parallel_loop3A_187 : i32 to index
      %parallel_loop3A_377 = arith.constant 256 : index
      %parallel_loop3A_378 = tpu.vector_load %arg9[%parallel_loop3A_376, %parallel_loop3A_377] {strides = array<i32>} : memref<32x512xf32, #tpu.memory_space<vmem>>, vector<1x16xf32>,
      %parallel_loop3A_379 = vector.shape_cast %parallel_loop3A_378 : vector<1x16xf32> to vector<16xf32>
      %parallel_loop3A_380 = arith.subf %parallel_loop3A_375, %parallel_loop3A_379 : vector<16xf32>
      %parallel_loop3A_381 = math.absf %parallel_loop3A_380 : vector<16xf32>
      %parallel_loop3A_382 = arith.addf %parallel_loop3A_294, %parallel_loop3A_381 : vector<16xf32>
      %parallel_loop3A_383 = arith.index_cast %parallel_loop3A_187 : i32 to index
      %parallel_loop3A_384 = arith.constant 272 : index
      %parallel_loop3A_385 = tpu.vector_load %arg6[%parallel_loop3A_383, %parallel_loop3A_384] {strides = array<i32>} : memref<32x512xf32, #tpu.memory_space<vmem>>, vector<1x16xf32>,
      %parallel_loop3A_386 = vector.shape_cast %parallel_loop3A_385 : vector<1x16xf32> to vector<16xf32>
      %parallel_loop3A_387 = arith.index_cast %parallel_loop3A_187 : i32 to index
      %parallel_loop3A_388 = arith.constant 272 : index
      %parallel_loop3A_389 = tpu.vector_load %arg9[%parallel_loop3A_387, %parallel_loop3A_388] {strides = array<i32>} : memref<32x512xf32, #tpu.memory_space<vmem>>, vector<1x16xf32>,
      %parallel_loop3A_390 = vector.shape_cast %parallel_loop3A_389 : vector<1x16xf32> to vector<16xf32>
      %parallel_loop3A_391 = arith.subf %parallel_loop3A_386, %parallel_loop3A_390 : vector<16xf32>
      %parallel_loop3A_392 = math.absf %parallel_loop3A_391 : vector<16xf32>
      %parallel_loop3A_393 = arith.addf %parallel_loop3A_305, %parallel_loop3A_392 : vector<16xf32>
      %parallel_loop3A_394 = arith.index_cast %parallel_loop3A_187 : i32 to index
      %parallel_loop3A_395 = arith.constant 288 : index
      %parallel_loop3A_396 = tpu.vector_load %arg6[%parallel_loop3A_394, %parallel_loop3A_395] {strides = array<i32>} : memref<32x512xf32, #tpu.memory_space<vmem>>, vector<1x16xf32>,
      %parallel_loop3A_397 = vector.shape_cast %parallel_loop3A_396 : vector<1x16xf32> to vector<16xf32>
      %parallel_loop3A_398 = arith.index_cast %parallel_loop3A_187 : i32 to index
      %parallel_loop3A_399 = arith.constant 288 : index
      %parallel_loop3A_400 = tpu.vector_load %arg9[%parallel_loop3A_398, %parallel_loop3A_399] {strides = array<i32>} : memref<32x512xf32, #tpu.memory_space<vmem>>, vector<1x16xf32>,
      %parallel_loop3A_401 = vector.shape_cast %parallel_loop3A_400 : vector<1x16xf32> to vector<16xf32>
      %parallel_loop3A_402 = arith.subf %parallel_loop3A_397, %parallel_loop3A_401 : vector<16xf32>
      %parallel_loop3A_403 = math.absf %parallel_loop3A_402 : vector<16xf32>
      %parallel_loop3A_404 = arith.addf %parallel_loop3A_316, %parallel_loop3A_403 : vector<16xf32>
      %parallel_loop3A_405 = arith.index_cast %parallel_loop3A_187 : i32 to index
      %parallel_loop3A_406 = arith.constant 304 : index
      %parallel_loop3A_407 = tpu.vector_load %arg6[%parallel_loop3A_405, %parallel_loop3A_406] {strides = array<i32>} : memref<32x512xf32, #tpu.memory_space<vmem>>, vector<1x16xf32>,
      %parallel_loop3A_408 = vector.shape_cast %parallel_loop3A_407 : vector<1x16xf32> to vector<16xf32>
      %parallel_loop3A_409 = arith.index_cast %parallel_loop3A_187 : i32 to index
      %parallel_loop3A_410 = arith.constant 304 : index
      %parallel_loop3A_411 = tpu.vector_load %arg9[%parallel_loop3A_409, %parallel_loop3A_410] {strides = array<i32>} : memref<32x512xf32, #tpu.memory_space<vmem>>, vector<1x16xf32>,
      %parallel_loop3A_412 = vector.shape_cast %parallel_loop3A_411 : vector<1x16xf32> to vector<16xf32>
      %parallel_loop3A_413 = arith.subf %parallel_loop3A_408, %parallel_loop3A_412 : vector<16xf32>
      %parallel_loop3A_414 = math.absf %parallel_loop3A_413 : vector<16xf32>
      %parallel_loop3A_415 = arith.addf %parallel_loop3A_327, %parallel_loop3A_414 : vector<16xf32>
      %parallel_loop3A_416 = arith.index_cast %parallel_loop3A_187 : i32 to index
      %parallel_loop3A_417 = arith.constant 320 : index
      %parallel_loop3A_418 = tpu.vector_load %arg6[%parallel_loop3A_416, %parallel_loop3A_417] {strides = array<i32>} : memref<32x512xf32, #tpu.memory_space<vmem>>, vector<1x16xf32>,
      %parallel_loop3A_419 = vector.shape_cast %parallel_loop3A_418 : vector<1x16xf32> to vector<16xf32>
      %parallel_loop3A_420 = arith.index_cast %parallel_loop3A_187 : i32 to index
      %parallel_loop3A_421 = arith.constant 320 : index
      %parallel_loop3A_422 = tpu.vector_load %arg9[%parallel_loop3A_420, %parallel_loop3A_421] {strides = array<i32>} : memref<32x512xf32, #tpu.memory_space<vmem>>, vector<1x16xf32>,
      %parallel_loop3A_423 = vector.shape_cast %parallel_loop3A_422 : vector<1x16xf32> to vector<16xf32>
      %parallel_loop3A_424 = arith.subf %parallel_loop3A_419, %parallel_loop3A_423 : vector<16xf32>
      %parallel_loop3A_425 = math.absf %parallel_loop3A_424 : vector<16xf32>
      %parallel_loop3A_426 = arith.addf %parallel_loop3A_338, %parallel_loop3A_425 : vector<16xf32>
      %parallel_loop3A_427 = arith.index_cast %parallel_loop3A_187 : i32 to index
      %parallel_loop3A_428 = arith.constant 336 : index
      %parallel_loop3A_429 = tpu.vector_load %arg6[%parallel_loop3A_427, %parallel_loop3A_428] {strides = array<i32>} : memref<32x512xf32, #tpu.memory_space<vmem>>, vector<1x16xf32>,
      %parallel_loop3A_430 = vector.shape_cast %parallel_loop3A_429 : vector<1x16xf32> to vector<16xf32>
      %parallel_loop3A_431 = arith.index_cast %parallel_loop3A_187 : i32 to index
      %parallel_loop3A_432 = arith.constant 336 : index
      %parallel_loop3A_433 = tpu.vector_load %arg9[%parallel_loop3A_431, %parallel_loop3A_432] {strides = array<i32>} : memref<32x512xf32, #tpu.memory_space<vmem>>, vector<1x16xf32>,
      %parallel_loop3A_434 = vector.shape_cast %parallel_loop3A_433 : vector<1x16xf32> to vector<16xf32>
      %parallel_loop3A_435 = arith.subf %parallel_loop3A_430, %parallel_loop3A_434 : vector<16xf32>
      %parallel_loop3A_436 = math.absf %parallel_loop3A_435 : vector<16xf32>
      %parallel_loop3A_437 = arith.addf %parallel_loop3A_349, %parallel_loop3A_436 : vector<16xf32>
      %parallel_loop3A_438 = arith.index_cast %parallel_loop3A_187 : i32 to index
      %parallel_loop3A_439 = arith.constant 352 : index
      %parallel_loop3A_440 = tpu.vector_load %arg6[%parallel_loop3A_438, %parallel_loop3A_439] {strides = array<i32>} : memref<32x512xf32, #tpu.memory_space<vmem>>, vector<1x16xf32>,
      %parallel_loop3A_441 = vector.shape_cast %parallel_loop3A_440 : vector<1x16xf32> to vector<16xf32>
      %parallel_loop3A_442 = arith.index_cast %parallel_loop3A_187 : i32 to index
      %parallel_loop3A_443 = arith.constant 352 : index
      %parallel_loop3A_444 = tpu.vector_load %arg9[%parallel_loop3A_442, %parallel_loop3A_443] {strides = array<i32>} : memref<32x512xf32, #tpu.memory_space<vmem>>, vector<1x16xf32>,
      %parallel_loop3A_445 = vector.shape_cast %parallel_loop3A_444 : vector<1x16xf32> to vector<16xf32>
      %parallel_loop3A_446 = arith.subf %parallel_loop3A_441, %parallel_loop3A_445 : vector<16xf32>
      %parallel_loop3A_447 = math.absf %parallel_loop3A_446 : vector<16xf32>
      %parallel_loop3A_448 = arith.addf %parallel_loop3A_360, %parallel_loop3A_447 : vector<16xf32>
      %parallel_loop3A_449 = arith.index_cast %parallel_loop3A_187 : i32 to index
      %parallel_loop3A_450 = arith.constant 368 : index
      %parallel_loop3A_451 = tpu.vector_load %arg6[%parallel_loop3A_449, %parallel_loop3A_450] {strides = array<i32>} : memref<32x512xf32, #tpu.memory_space<vmem>>, vector<1x16xf32>,
      %parallel_loop3A_452 = vector.shape_cast %parallel_loop3A_451 : vector<1x16xf32> to vector<16xf32>
      %parallel_loop3A_453 = arith.index_cast %parallel_loop3A_187 : i32 to index
      %parallel_loop3A_454 = arith.constant 368 : index
      %parallel_loop3A_455 = tpu.vector_load %arg9[%parallel_loop3A_453, %parallel_loop3A_454] {strides = array<i32>} : memref<32x512xf32, #tpu.memory_space<vmem>>, vector<1x16xf32>,
      %parallel_loop3A_456 = vector.shape_cast %parallel_loop3A_455 : vector<1x16xf32> to vector<16xf32>
      %parallel_loop3A_457 = arith.subf %parallel_loop3A_452, %parallel_loop3A_456 : vector<16xf32>
      %parallel_loop3A_458 = math.absf %parallel_loop3A_457 : vector<16xf32>
      %parallel_loop3A_459 = arith.addf %parallel_loop3A_371, %parallel_loop3A_458 : vector<16xf32>
      %parallel_loop3A_460 = arith.index_cast %parallel_loop3A_187 : i32 to index
      %parallel_loop3A_461 = arith.constant 384 : index
      %parallel_loop3A_462 = tpu.vector_load %arg6[%parallel_loop3A_460, %parallel_loop3A_461] {strides = array<i32>} : memref<32x512xf32, #tpu.memory_space<vmem>>, vector<1x16xf32>,
      %parallel_loop3A_463 = vector.shape_cast %parallel_loop3A_462 : vector<1x16xf32> to vector<16xf32>
      %parallel_loop3A_464 = arith.index_cast %parallel_loop3A_187 : i32 to index
      %parallel_loop3A_465 = arith.constant 384 : index
      %parallel_loop3A_466 = tpu.vector_load %arg9[%parallel_loop3A_464, %parallel_loop3A_465] {strides = array<i32>} : memref<32x512xf32, #tpu.memory_space<vmem>>, vector<1x16xf32>,
      %parallel_loop3A_467 = vector.shape_cast %parallel_loop3A_466 : vector<1x16xf32> to vector<16xf32>
      %parallel_loop3A_468 = arith.subf %parallel_loop3A_463, %parallel_loop3A_467 : vector<16xf32>
      %parallel_loop3A_469 = math.absf %parallel_loop3A_468 : vector<16xf32>
      %parallel_loop3A_470 = arith.addf %parallel_loop3A_382, %parallel_loop3A_469 : vector<16xf32>
      %parallel_loop3A_471 = arith.index_cast %parallel_loop3A_187 : i32 to index
      %parallel_loop3A_472 = arith.constant 400 : index
      %parallel_loop3A_473 = tpu.vector_load %arg6[%parallel_loop3A_471, %parallel_loop3A_472] {strides = array<i32>} : memref<32x512xf32, #tpu.memory_space<vmem>>, vector<1x16xf32>,
      %parallel_loop3A_474 = vector.shape_cast %parallel_loop3A_473 : vector<1x16xf32> to vector<16xf32>
      %parallel_loop3A_475 = arith.index_cast %parallel_loop3A_187 : i32 to index
      %parallel_loop3A_476 = arith.constant 400 : index
      %parallel_loop3A_477 = tpu.vector_load %arg9[%parallel_loop3A_475, %parallel_loop3A_476] {strides = array<i32>} : memref<32x512xf32, #tpu.memory_space<vmem>>, vector<1x16xf32>,
      %parallel_loop3A_478 = vector.shape_cast %parallel_loop3A_477 : vector<1x16xf32> to vector<16xf32>
      %parallel_loop3A_479 = arith.subf %parallel_loop3A_474, %parallel_loop3A_478 : vector<16xf32>
      %parallel_loop3A_480 = math.absf %parallel_loop3A_479 : vector<16xf32>
      %parallel_loop3A_481 = arith.addf %parallel_loop3A_393, %parallel_loop3A_480 : vector<16xf32>
      %parallel_loop3A_482 = arith.index_cast %parallel_loop3A_187 : i32 to index
      %parallel_loop3A_483 = arith.constant 416 : index
      %parallel_loop3A_484 = tpu.vector_load %arg6[%parallel_loop3A_482, %parallel_loop3A_483] {strides = array<i32>} : memref<32x512xf32, #tpu.memory_space<vmem>>, vector<1x16xf32>,
      %parallel_loop3A_485 = vector.shape_cast %parallel_loop3A_484 : vector<1x16xf32> to vector<16xf32>
      %parallel_loop3A_486 = arith.index_cast %parallel_loop3A_187 : i32 to index
      %parallel_loop3A_487 = arith.constant 416 : index
      %parallel_loop3A_488 = tpu.vector_load %arg9[%parallel_loop3A_486, %parallel_loop3A_487] {strides = array<i32>} : memref<32x512xf32, #tpu.memory_space<vmem>>, vector<1x16xf32>,
      %parallel_loop3A_489 = vector.shape_cast %parallel_loop3A_488 : vector<1x16xf32> to vector<16xf32>
      %parallel_loop3A_490 = arith.subf %parallel_loop3A_485, %parallel_loop3A_489 : vector<16xf32>
      %parallel_loop3A_491 = math.absf %parallel_loop3A_490 : vector<16xf32>
      %parallel_loop3A_492 = arith.addf %parallel_loop3A_404, %parallel_loop3A_491 : vector<16xf32>
      %parallel_loop3A_493 = arith.index_cast %parallel_loop3A_187 : i32 to index
      %parallel_loop3A_494 = arith.constant 432 : index
      %parallel_loop3A_495 = tpu.vector_load %arg6[%parallel_loop3A_493, %parallel_loop3A_494] {strides = array<i32>} : memref<32x512xf32, #tpu.memory_space<vmem>>, vector<1x16xf32>,
      %parallel_loop3A_496 = vector.shape_cast %parallel_loop3A_495 : vector<1x16xf32> to vector<16xf32>
      %parallel_loop3A_497 = arith.index_cast %parallel_loop3A_187 : i32 to index
      %parallel_loop3A_498 = arith.constant 432 : index
      %parallel_loop3A_499 = tpu.vector_load %arg9[%parallel_loop3A_497, %parallel_loop3A_498] {strides = array<i32>} : memref<32x512xf32, #tpu.memory_space<vmem>>, vector<1x16xf32>,
      %parallel_loop3A_500 = vector.shape_cast %parallel_loop3A_499 : vector<1x16xf32> to vector<16xf32>
      %parallel_loop3A_501 = arith.subf %parallel_loop3A_496, %parallel_loop3A_500 : vector<16xf32>
      %parallel_loop3A_502 = math.absf %parallel_loop3A_501 : vector<16xf32>
      %parallel_loop3A_503 = arith.addf %parallel_loop3A_415, %parallel_loop3A_502 : vector<16xf32>
      %parallel_loop3A_504 = arith.index_cast %parallel_loop3A_187 : i32 to index
      %parallel_loop3A_505 = arith.constant 448 : index
      %parallel_loop3A_506 = tpu.vector_load %arg6[%parallel_loop3A_504, %parallel_loop3A_505] {strides = array<i32>} : memref<32x512xf32, #tpu.memory_space<vmem>>, vector<1x16xf32>,
      %parallel_loop3A_507 = vector.shape_cast %parallel_loop3A_506 : vector<1x16xf32> to vector<16xf32>
      %parallel_loop3A_508 = arith.index_cast %parallel_loop3A_187 : i32 to index
      %parallel_loop3A_509 = arith.constant 448 : index
      %parallel_loop3A_510 = tpu.vector_load %arg9[%parallel_loop3A_508, %parallel_loop3A_509] {strides = array<i32>} : memref<32x512xf32, #tpu.memory_space<vmem>>, vector<1x16xf32>,
      %parallel_loop3A_511 = vector.shape_cast %parallel_loop3A_510 : vector<1x16xf32> to vector<16xf32>
      %parallel_loop3A_512 = arith.subf %parallel_loop3A_507, %parallel_loop3A_511 : vector<16xf32>
      %parallel_loop3A_513 = math.absf %parallel_loop3A_512 : vector<16xf32>
      %parallel_loop3A_514 = arith.addf %parallel_loop3A_426, %parallel_loop3A_513 : vector<16xf32>
      %parallel_loop3A_515 = arith.index_cast %parallel_loop3A_187 : i32 to index
      %parallel_loop3A_516 = arith.constant 464 : index
      %parallel_loop3A_517 = tpu.vector_load %arg6[%parallel_loop3A_515, %parallel_loop3A_516] {strides = array<i32>} : memref<32x512xf32, #tpu.memory_space<vmem>>, vector<1x16xf32>,
      %parallel_loop3A_518 = vector.shape_cast %parallel_loop3A_517 : vector<1x16xf32> to vector<16xf32>
      %parallel_loop3A_519 = arith.index_cast %parallel_loop3A_187 : i32 to index
      %parallel_loop3A_520 = arith.constant 464 : index
      %parallel_loop3A_521 = tpu.vector_load %arg9[%parallel_loop3A_519, %parallel_loop3A_520] {strides = array<i32>} : memref<32x512xf32, #tpu.memory_space<vmem>>, vector<1x16xf32>,
      %parallel_loop3A_522 = vector.shape_cast %parallel_loop3A_521 : vector<1x16xf32> to vector<16xf32>
      %parallel_loop3A_523 = arith.subf %parallel_loop3A_518, %parallel_loop3A_522 : vector<16xf32>
      %parallel_loop3A_524 = math.absf %parallel_loop3A_523 : vector<16xf32>
      %parallel_loop3A_525 = arith.addf %parallel_loop3A_437, %parallel_loop3A_524 : vector<16xf32>
      %parallel_loop3A_526 = arith.index_cast %parallel_loop3A_187 : i32 to index
      %parallel_loop3A_527 = arith.constant 480 : index
      %parallel_loop3A_528 = tpu.vector_load %arg6[%parallel_loop3A_526, %parallel_loop3A_527] {strides = array<i32>} : memref<32x512xf32, #tpu.memory_space<vmem>>, vector<1x16xf32>,
      %parallel_loop3A_529 = vector.shape_cast %parallel_loop3A_528 : vector<1x16xf32> to vector<16xf32>
      %parallel_loop3A_530 = arith.index_cast %parallel_loop3A_187 : i32 to index
      %parallel_loop3A_531 = arith.constant 480 : index
      %parallel_loop3A_532 = tpu.vector_load %arg9[%parallel_loop3A_530, %parallel_loop3A_531] {strides = array<i32>} : memref<32x512xf32, #tpu.memory_space<vmem>>, vector<1x16xf32>,
      %parallel_loop3A_533 = vector.shape_cast %parallel_loop3A_532 : vector<1x16xf32> to vector<16xf32>
      %parallel_loop3A_534 = arith.subf %parallel_loop3A_529, %parallel_loop3A_533 : vector<16xf32>
      %parallel_loop3A_535 = math.absf %parallel_loop3A_534 : vector<16xf32>
      %parallel_loop3A_536 = arith.addf %parallel_loop3A_448, %parallel_loop3A_535 : vector<16xf32>
      %parallel_loop3A_537 = arith.index_cast %parallel_loop3A_187 : i32 to index
      %parallel_loop3A_538 = arith.constant 496 : index
      %parallel_loop3A_539 = tpu.vector_load %arg6[%parallel_loop3A_537, %parallel_loop3A_538] {strides = array<i32>} : memref<32x512xf32, #tpu.memory_space<vmem>>, vector<1x16xf32>,
      %parallel_loop3A_540 = vector.shape_cast %parallel_loop3A_539 : vector<1x16xf32> to vector<16xf32>
      %parallel_loop3A_541 = arith.index_cast %parallel_loop3A_187 : i32 to index
      %parallel_loop3A_542 = arith.constant 496 : index
      %parallel_loop3A_543 = tpu.vector_load %arg9[%parallel_loop3A_541, %parallel_loop3A_542] {strides = array<i32>} : memref<32x512xf32, #tpu.memory_space<vmem>>, vector<1x16xf32>,
      %parallel_loop3A_544 = vector.shape_cast %parallel_loop3A_543 : vector<1x16xf32> to vector<16xf32>
      %parallel_loop3A_545 = arith.subf %parallel_loop3A_540, %parallel_loop3A_544 : vector<16xf32>
      %parallel_loop3A_546 = math.absf %parallel_loop3A_545 : vector<16xf32>
      %parallel_loop3A_547 = arith.addf %parallel_loop3A_459, %parallel_loop3A_546 : vector<16xf32>
      scf.yield %parallel_loop3A_470, %parallel_loop3A_481, %parallel_loop3A_492, %parallel_loop3A_503, %parallel_loop3A_514, %parallel_loop3A_525, %parallel_loop3A_536, %parallel_loop3A_547 : vector<16xf32>, vector<16xf32>, vector<16xf32>, vector<16xf32>, vector<16xf32>, vector<16xf32>, vector<16xf32>, vector<16xf32>
    } {sc.loop_unroll_factor = 2 : i64, sc.parallel_access}
    %add3A_65 = arith.constant 128 : i32
    %add3A_66 = arith.addi %mul3A_2, %add3A_65 : i32
    %dma_start3A_67 = arith.constant 0 : i32
    %dma_start3A_68 = tpu.memref_slice %arg2[%add3A_66, %dma_start3A_67] : memref<24576x512xf32, #tpu.memory_space<hbm>> -> memref<32x512xf32, #tpu.memory_space<hbm>>
    %dma_start3A_69 = arith.constant 0 : i32
    %dma_start3A_70 = tpu.memref_slice %arg2[%add3A_66, %dma_start3A_69] : memref<24576x512xf32, #tpu.memory_space<hbm>> -> memref<32x512xf32, #tpu.memory_space<hbm>>
    tpu.enqueue_dma source(%dma_start3A_70 : memref<32x512xf32, #tpu.memory_space<hbm>>) target(%arg6 : memref<32x512xf32, #tpu.memory_space<vmem>>) target_semaphore(%arg13 : memref<!tpu.dma_semaphore, #tpu.memory_space<semaphore_mem>>)
    %dma_start3A_71 = arith.constant 0 : i32
    %dma_start3A_72 = tpu.memref_slice %arg3[%add3A_66, %dma_start3A_71] : memref<24576x512xf32, #tpu.memory_space<hbm>> -> memref<32x512xf32, #tpu.memory_space<hbm>>
    %dma_start3A_73 = arith.constant 0 : i32
    %dma_start3A_74 = tpu.memref_slice %arg3[%add3A_66, %dma_start3A_73] : memref<24576x512xf32, #tpu.memory_space<hbm>> -> memref<32x512xf32, #tpu.memory_space<hbm>>
    tpu.enqueue_dma source(%dma_start3A_74 : memref<32x512xf32, #tpu.memory_space<hbm>>) target(%arg9 : memref<32x512xf32, #tpu.memory_space<vmem>>) target_semaphore(%arg16 : memref<!tpu.dma_semaphore, #tpu.memory_space<semaphore_mem>>)
    %dma_wait3A_75 = arith.constant 0 : i32
    %dma_wait3A_76 = tpu.memref_slice %arg2[%add3A_24, %dma_wait3A_75] : memref<24576x512xf32, #tpu.memory_space<hbm>> -> memref<32x512xf32, #tpu.memory_space<hbm>>
    %dma_wait3A_77 = arith.constant 0 : i32
    %dma_wait3A_78 = tpu.memref_slice %arg2[%add3A_24, %dma_wait3A_77] : memref<24576x512xf32, #tpu.memory_space<hbm>> -> memref<32x512xf32, #tpu.memory_space<hbm>>
    tpu.wait_dma2 semaphore(%arg14 : memref<!tpu.dma_semaphore, #tpu.memory_space<semaphore_mem>>) src(%dma_wait3A_78 : memref<32x512xf32, #tpu.memory_space<hbm>>) dst(%arg7 : memref<32x512xf32, #tpu.memory_space<vmem>>)
    %dma_wait3A_79 = arith.constant 0 : i32
    %dma_wait3A_80 = tpu.memref_slice %arg3[%add3A_24, %dma_wait3A_79] : memref<24576x512xf32, #tpu.memory_space<hbm>> -> memref<32x512xf32, #tpu.memory_space<hbm>>
    %dma_wait3A_81 = arith.constant 0 : i32
    %dma_wait3A_82 = tpu.memref_slice %arg3[%add3A_24, %dma_wait3A_81] : memref<24576x512xf32, #tpu.memory_space<hbm>> -> memref<32x512xf32, #tpu.memory_space<hbm>>
    tpu.wait_dma2 semaphore(%arg17 : memref<!tpu.dma_semaphore, #tpu.memory_space<semaphore_mem>>) src(%dma_wait3A_82 : memref<32x512xf32, #tpu.memory_space<hbm>>) dst(%arg10 : memref<32x512xf32, #tpu.memory_space<vmem>>)
    %parallel_loop3A_83 = arith.constant 0 : i32
    %parallel_loop3A_84 = arith.constant 32 : i32
    %parallel_loop3A_85 = arith.constant 1 : i32
    %parallel_loop3A_86:8 = scf.for %parallel_loop3A_187 = %parallel_loop3A_83 to %parallel_loop3A_84 step %parallel_loop3A_85 iter_args(%parallel_loop3A_188 = %parallel_loop3A_64#0, %parallel_loop3A_189 = %parallel_loop3A_64#1, %parallel_loop3A_190 = %parallel_loop3A_64#2, %parallel_loop3A_191 = %parallel_loop3A_64#3, %parallel_loop3A_192 = %parallel_loop3A_64#4, %parallel_loop3A_193 = %parallel_loop3A_64#5, %parallel_loop3A_194 = %parallel_loop3A_64#6, %parallel_loop3A_195 = %parallel_loop3A_64#7) -> (vector<16xf32>, vector<16xf32>, vector<16xf32>, vector<16xf32>, vector<16xf32>, vector<16xf32>, vector<16xf32>, vector<16xf32>)  : i32 {
      %parallel_loop3A_196 = arith.index_cast %parallel_loop3A_187 : i32 to index
      %parallel_loop3A_197 = arith.constant 0 : index
      %parallel_loop3A_198 = tpu.vector_load %arg7[%parallel_loop3A_196, %parallel_loop3A_197] {strides = array<i32>} : memref<32x512xf32, #tpu.memory_space<vmem>>, vector<1x16xf32>,
      %parallel_loop3A_199 = vector.shape_cast %parallel_loop3A_198 : vector<1x16xf32> to vector<16xf32>
      %parallel_loop3A_200 = arith.index_cast %parallel_loop3A_187 : i32 to index
      %parallel_loop3A_201 = arith.constant 0 : index
      %parallel_loop3A_202 = tpu.vector_load %arg10[%parallel_loop3A_200, %parallel_loop3A_201] {strides = array<i32>} : memref<32x512xf32, #tpu.memory_space<vmem>>, vector<1x16xf32>,
      %parallel_loop3A_203 = vector.shape_cast %parallel_loop3A_202 : vector<1x16xf32> to vector<16xf32>
      %parallel_loop3A_204 = arith.subf %parallel_loop3A_199, %parallel_loop3A_203 : vector<16xf32>
      %parallel_loop3A_205 = math.absf %parallel_loop3A_204 : vector<16xf32>
      %parallel_loop3A_206 = arith.addf %parallel_loop3A_188, %parallel_loop3A_205 : vector<16xf32>
      %parallel_loop3A_207 = arith.index_cast %parallel_loop3A_187 : i32 to index
      %parallel_loop3A_208 = arith.constant 16 : index
      %parallel_loop3A_209 = tpu.vector_load %arg7[%parallel_loop3A_207, %parallel_loop3A_208] {strides = array<i32>} : memref<32x512xf32, #tpu.memory_space<vmem>>, vector<1x16xf32>,
      %parallel_loop3A_210 = vector.shape_cast %parallel_loop3A_209 : vector<1x16xf32> to vector<16xf32>
      %parallel_loop3A_211 = arith.index_cast %parallel_loop3A_187 : i32 to index
      %parallel_loop3A_212 = arith.constant 16 : index
      %parallel_loop3A_213 = tpu.vector_load %arg10[%parallel_loop3A_211, %parallel_loop3A_212] {strides = array<i32>} : memref<32x512xf32, #tpu.memory_space<vmem>>, vector<1x16xf32>,
      %parallel_loop3A_214 = vector.shape_cast %parallel_loop3A_213 : vector<1x16xf32> to vector<16xf32>
      %parallel_loop3A_215 = arith.subf %parallel_loop3A_210, %parallel_loop3A_214 : vector<16xf32>
      %parallel_loop3A_216 = math.absf %parallel_loop3A_215 : vector<16xf32>
      %parallel_loop3A_217 = arith.addf %parallel_loop3A_189, %parallel_loop3A_216 : vector<16xf32>
      %parallel_loop3A_218 = arith.index_cast %parallel_loop3A_187 : i32 to index
      %parallel_loop3A_219 = arith.constant 32 : index
      %parallel_loop3A_220 = tpu.vector_load %arg7[%parallel_loop3A_218, %parallel_loop3A_219] {strides = array<i32>} : memref<32x512xf32, #tpu.memory_space<vmem>>, vector<1x16xf32>,
      %parallel_loop3A_221 = vector.shape_cast %parallel_loop3A_220 : vector<1x16xf32> to vector<16xf32>
      %parallel_loop3A_222 = arith.index_cast %parallel_loop3A_187 : i32 to index
      %parallel_loop3A_223 = arith.constant 32 : index
      %parallel_loop3A_224 = tpu.vector_load %arg10[%parallel_loop3A_222, %parallel_loop3A_223] {strides = array<i32>} : memref<32x512xf32, #tpu.memory_space<vmem>>, vector<1x16xf32>,
      %parallel_loop3A_225 = vector.shape_cast %parallel_loop3A_224 : vector<1x16xf32> to vector<16xf32>
      %parallel_loop3A_226 = arith.subf %parallel_loop3A_221, %parallel_loop3A_225 : vector<16xf32>
      %parallel_loop3A_227 = math.absf %parallel_loop3A_226 : vector<16xf32>
      %parallel_loop3A_228 = arith.addf %parallel_loop3A_190, %parallel_loop3A_227 : vector<16xf32>
      %parallel_loop3A_229 = arith.index_cast %parallel_loop3A_187 : i32 to index
      %parallel_loop3A_230 = arith.constant 48 : index
      %parallel_loop3A_231 = tpu.vector_load %arg7[%parallel_loop3A_229, %parallel_loop3A_230] {strides = array<i32>} : memref<32x512xf32, #tpu.memory_space<vmem>>, vector<1x16xf32>,
      %parallel_loop3A_232 = vector.shape_cast %parallel_loop3A_231 : vector<1x16xf32> to vector<16xf32>
      %parallel_loop3A_233 = arith.index_cast %parallel_loop3A_187 : i32 to index
      %parallel_loop3A_234 = arith.constant 48 : index
      %parallel_loop3A_235 = tpu.vector_load %arg10[%parallel_loop3A_233, %parallel_loop3A_234] {strides = array<i32>} : memref<32x512xf32, #tpu.memory_space<vmem>>, vector<1x16xf32>,
      %parallel_loop3A_236 = vector.shape_cast %parallel_loop3A_235 : vector<1x16xf32> to vector<16xf32>
      %parallel_loop3A_237 = arith.subf %parallel_loop3A_232, %parallel_loop3A_236 : vector<16xf32>
      %parallel_loop3A_238 = math.absf %parallel_loop3A_237 : vector<16xf32>
      %parallel_loop3A_239 = arith.addf %parallel_loop3A_191, %parallel_loop3A_238 : vector<16xf32>
      %parallel_loop3A_240 = arith.index_cast %parallel_loop3A_187 : i32 to index
      %parallel_loop3A_241 = arith.constant 64 : index
      %parallel_loop3A_242 = tpu.vector_load %arg7[%parallel_loop3A_240, %parallel_loop3A_241] {strides = array<i32>} : memref<32x512xf32, #tpu.memory_space<vmem>>, vector<1x16xf32>,
      %parallel_loop3A_243 = vector.shape_cast %parallel_loop3A_242 : vector<1x16xf32> to vector<16xf32>
      %parallel_loop3A_244 = arith.index_cast %parallel_loop3A_187 : i32 to index
      %parallel_loop3A_245 = arith.constant 64 : index
      %parallel_loop3A_246 = tpu.vector_load %arg10[%parallel_loop3A_244, %parallel_loop3A_245] {strides = array<i32>} : memref<32x512xf32, #tpu.memory_space<vmem>>, vector<1x16xf32>,
      %parallel_loop3A_247 = vector.shape_cast %parallel_loop3A_246 : vector<1x16xf32> to vector<16xf32>
      %parallel_loop3A_248 = arith.subf %parallel_loop3A_243, %parallel_loop3A_247 : vector<16xf32>
      %parallel_loop3A_249 = math.absf %parallel_loop3A_248 : vector<16xf32>
      %parallel_loop3A_250 = arith.addf %parallel_loop3A_192, %parallel_loop3A_249 : vector<16xf32>
      %parallel_loop3A_251 = arith.index_cast %parallel_loop3A_187 : i32 to index
      %parallel_loop3A_252 = arith.constant 80 : index
      %parallel_loop3A_253 = tpu.vector_load %arg7[%parallel_loop3A_251, %parallel_loop3A_252] {strides = array<i32>} : memref<32x512xf32, #tpu.memory_space<vmem>>, vector<1x16xf32>,
      %parallel_loop3A_254 = vector.shape_cast %parallel_loop3A_253 : vector<1x16xf32> to vector<16xf32>
      %parallel_loop3A_255 = arith.index_cast %parallel_loop3A_187 : i32 to index
      %parallel_loop3A_256 = arith.constant 80 : index
      %parallel_loop3A_257 = tpu.vector_load %arg10[%parallel_loop3A_255, %parallel_loop3A_256] {strides = array<i32>} : memref<32x512xf32, #tpu.memory_space<vmem>>, vector<1x16xf32>,
      %parallel_loop3A_258 = vector.shape_cast %parallel_loop3A_257 : vector<1x16xf32> to vector<16xf32>
      %parallel_loop3A_259 = arith.subf %parallel_loop3A_254, %parallel_loop3A_258 : vector<16xf32>
      %parallel_loop3A_260 = math.absf %parallel_loop3A_259 : vector<16xf32>
      %parallel_loop3A_261 = arith.addf %parallel_loop3A_193, %parallel_loop3A_260 : vector<16xf32>
      %parallel_loop3A_262 = arith.index_cast %parallel_loop3A_187 : i32 to index
      %parallel_loop3A_263 = arith.constant 96 : index
      %parallel_loop3A_264 = tpu.vector_load %arg7[%parallel_loop3A_262, %parallel_loop3A_263] {strides = array<i32>} : memref<32x512xf32, #tpu.memory_space<vmem>>, vector<1x16xf32>,
      %parallel_loop3A_265 = vector.shape_cast %parallel_loop3A_264 : vector<1x16xf32> to vector<16xf32>
      %parallel_loop3A_266 = arith.index_cast %parallel_loop3A_187 : i32 to index
      %parallel_loop3A_267 = arith.constant 96 : index
      %parallel_loop3A_268 = tpu.vector_load %arg10[%parallel_loop3A_266, %parallel_loop3A_267] {strides = array<i32>} : memref<32x512xf32, #tpu.memory_space<vmem>>, vector<1x16xf32>,
      %parallel_loop3A_269 = vector.shape_cast %parallel_loop3A_268 : vector<1x16xf32> to vector<16xf32>
      %parallel_loop3A_270 = arith.subf %parallel_loop3A_265, %parallel_loop3A_269 : vector<16xf32>
      %parallel_loop3A_271 = math.absf %parallel_loop3A_270 : vector<16xf32>
      %parallel_loop3A_272 = arith.addf %parallel_loop3A_194, %parallel_loop3A_271 : vector<16xf32>
      %parallel_loop3A_273 = arith.index_cast %parallel_loop3A_187 : i32 to index
      %parallel_loop3A_274 = arith.constant 112 : index
      %parallel_loop3A_275 = tpu.vector_load %arg7[%parallel_loop3A_273, %parallel_loop3A_274] {strides = array<i32>} : memref<32x512xf32, #tpu.memory_space<vmem>>, vector<1x16xf32>,
      %parallel_loop3A_276 = vector.shape_cast %parallel_loop3A_275 : vector<1x16xf32> to vector<16xf32>
      %parallel_loop3A_277 = arith.index_cast %parallel_loop3A_187 : i32 to index
      %parallel_loop3A_278 = arith.constant 112 : index
      %parallel_loop3A_279 = tpu.vector_load %arg10[%parallel_loop3A_277, %parallel_loop3A_278] {strides = array<i32>} : memref<32x512xf32, #tpu.memory_space<vmem>>, vector<1x16xf32>,
      %parallel_loop3A_280 = vector.shape_cast %parallel_loop3A_279 : vector<1x16xf32> to vector<16xf32>
      %parallel_loop3A_281 = arith.subf %parallel_loop3A_276, %parallel_loop3A_280 : vector<16xf32>
      %parallel_loop3A_282 = math.absf %parallel_loop3A_281 : vector<16xf32>
      %parallel_loop3A_283 = arith.addf %parallel_loop3A_195, %parallel_loop3A_282 : vector<16xf32>
      %parallel_loop3A_284 = arith.index_cast %parallel_loop3A_187 : i32 to index
      %parallel_loop3A_285 = arith.constant 128 : index
      %parallel_loop3A_286 = tpu.vector_load %arg7[%parallel_loop3A_284, %parallel_loop3A_285] {strides = array<i32>} : memref<32x512xf32, #tpu.memory_space<vmem>>, vector<1x16xf32>,
      %parallel_loop3A_287 = vector.shape_cast %parallel_loop3A_286 : vector<1x16xf32> to vector<16xf32>
      %parallel_loop3A_288 = arith.index_cast %parallel_loop3A_187 : i32 to index
      %parallel_loop3A_289 = arith.constant 128 : index
      %parallel_loop3A_290 = tpu.vector_load %arg10[%parallel_loop3A_288, %parallel_loop3A_289] {strides = array<i32>} : memref<32x512xf32, #tpu.memory_space<vmem>>, vector<1x16xf32>,
      %parallel_loop3A_291 = vector.shape_cast %parallel_loop3A_290 : vector<1x16xf32> to vector<16xf32>
      %parallel_loop3A_292 = arith.subf %parallel_loop3A_287, %parallel_loop3A_291 : vector<16xf32>
      %parallel_loop3A_293 = math.absf %parallel_loop3A_292 : vector<16xf32>
      %parallel_loop3A_294 = arith.addf %parallel_loop3A_206, %parallel_loop3A_293 : vector<16xf32>
      %parallel_loop3A_295 = arith.index_cast %parallel_loop3A_187 : i32 to index
      %parallel_loop3A_296 = arith.constant 144 : index
      %parallel_loop3A_297 = tpu.vector_load %arg7[%parallel_loop3A_295, %parallel_loop3A_296] {strides = array<i32>} : memref<32x512xf32, #tpu.memory_space<vmem>>, vector<1x16xf32>,
      %parallel_loop3A_298 = vector.shape_cast %parallel_loop3A_297 : vector<1x16xf32> to vector<16xf32>
      %parallel_loop3A_299 = arith.index_cast %parallel_loop3A_187 : i32 to index
      %parallel_loop3A_300 = arith.constant 144 : index
      %parallel_loop3A_301 = tpu.vector_load %arg10[%parallel_loop3A_299, %parallel_loop3A_300] {strides = array<i32>} : memref<32x512xf32, #tpu.memory_space<vmem>>, vector<1x16xf32>,
      %parallel_loop3A_302 = vector.shape_cast %parallel_loop3A_301 : vector<1x16xf32> to vector<16xf32>
      %parallel_loop3A_303 = arith.subf %parallel_loop3A_298, %parallel_loop3A_302 : vector<16xf32>
      %parallel_loop3A_304 = math.absf %parallel_loop3A_303 : vector<16xf32>
      %parallel_loop3A_305 = arith.addf %parallel_loop3A_217, %parallel_loop3A_304 : vector<16xf32>
      %parallel_loop3A_306 = arith.index_cast %parallel_loop3A_187 : i32 to index
      %parallel_loop3A_307 = arith.constant 160 : index
      %parallel_loop3A_308 = tpu.vector_load %arg7[%parallel_loop3A_306, %parallel_loop3A_307] {strides = array<i32>} : memref<32x512xf32, #tpu.memory_space<vmem>>, vector<1x16xf32>,
      %parallel_loop3A_309 = vector.shape_cast %parallel_loop3A_308 : vector<1x16xf32> to vector<16xf32>
      %parallel_loop3A_310 = arith.index_cast %parallel_loop3A_187 : i32 to index
      %parallel_loop3A_311 = arith.constant 160 : index
      %parallel_loop3A_312 = tpu.vector_load %arg10[%parallel_loop3A_310, %parallel_loop3A_311] {strides = array<i32>} : memref<32x512xf32, #tpu.memory_space<vmem>>, vector<1x16xf32>,
      %parallel_loop3A_313 = vector.shape_cast %parallel_loop3A_312 : vector<1x16xf32> to vector<16xf32>
      %parallel_loop3A_314 = arith.subf %parallel_loop3A_309, %parallel_loop3A_313 : vector<16xf32>
      %parallel_loop3A_315 = math.absf %parallel_loop3A_314 : vector<16xf32>
      %parallel_loop3A_316 = arith.addf %parallel_loop3A_228, %parallel_loop3A_315 : vector<16xf32>
      %parallel_loop3A_317 = arith.index_cast %parallel_loop3A_187 : i32 to index
      %parallel_loop3A_318 = arith.constant 176 : index
      %parallel_loop3A_319 = tpu.vector_load %arg7[%parallel_loop3A_317, %parallel_loop3A_318] {strides = array<i32>} : memref<32x512xf32, #tpu.memory_space<vmem>>, vector<1x16xf32>,
      %parallel_loop3A_320 = vector.shape_cast %parallel_loop3A_319 : vector<1x16xf32> to vector<16xf32>
      %parallel_loop3A_321 = arith.index_cast %parallel_loop3A_187 : i32 to index
      %parallel_loop3A_322 = arith.constant 176 : index
      %parallel_loop3A_323 = tpu.vector_load %arg10[%parallel_loop3A_321, %parallel_loop3A_322] {strides = array<i32>} : memref<32x512xf32, #tpu.memory_space<vmem>>, vector<1x16xf32>,
      %parallel_loop3A_324 = vector.shape_cast %parallel_loop3A_323 : vector<1x16xf32> to vector<16xf32>
      %parallel_loop3A_325 = arith.subf %parallel_loop3A_320, %parallel_loop3A_324 : vector<16xf32>
      %parallel_loop3A_326 = math.absf %parallel_loop3A_325 : vector<16xf32>
      %parallel_loop3A_327 = arith.addf %parallel_loop3A_239, %parallel_loop3A_326 : vector<16xf32>
      %parallel_loop3A_328 = arith.index_cast %parallel_loop3A_187 : i32 to index
      %parallel_loop3A_329 = arith.constant 192 : index
      %parallel_loop3A_330 = tpu.vector_load %arg7[%parallel_loop3A_328, %parallel_loop3A_329] {strides = array<i32>} : memref<32x512xf32, #tpu.memory_space<vmem>>, vector<1x16xf32>,
      %parallel_loop3A_331 = vector.shape_cast %parallel_loop3A_330 : vector<1x16xf32> to vector<16xf32>
      %parallel_loop3A_332 = arith.index_cast %parallel_loop3A_187 : i32 to index
      %parallel_loop3A_333 = arith.constant 192 : index
      %parallel_loop3A_334 = tpu.vector_load %arg10[%parallel_loop3A_332, %parallel_loop3A_333] {strides = array<i32>} : memref<32x512xf32, #tpu.memory_space<vmem>>, vector<1x16xf32>,
      %parallel_loop3A_335 = vector.shape_cast %parallel_loop3A_334 : vector<1x16xf32> to vector<16xf32>
      %parallel_loop3A_336 = arith.subf %parallel_loop3A_331, %parallel_loop3A_335 : vector<16xf32>
      %parallel_loop3A_337 = math.absf %parallel_loop3A_336 : vector<16xf32>
      %parallel_loop3A_338 = arith.addf %parallel_loop3A_250, %parallel_loop3A_337 : vector<16xf32>
      %parallel_loop3A_339 = arith.index_cast %parallel_loop3A_187 : i32 to index
      %parallel_loop3A_340 = arith.constant 208 : index
      %parallel_loop3A_341 = tpu.vector_load %arg7[%parallel_loop3A_339, %parallel_loop3A_340] {strides = array<i32>} : memref<32x512xf32, #tpu.memory_space<vmem>>, vector<1x16xf32>,
      %parallel_loop3A_342 = vector.shape_cast %parallel_loop3A_341 : vector<1x16xf32> to vector<16xf32>
      %parallel_loop3A_343 = arith.index_cast %parallel_loop3A_187 : i32 to index
      %parallel_loop3A_344 = arith.constant 208 : index
      %parallel_loop3A_345 = tpu.vector_load %arg10[%parallel_loop3A_343, %parallel_loop3A_344] {strides = array<i32>} : memref<32x512xf32, #tpu.memory_space<vmem>>, vector<1x16xf32>,
      %parallel_loop3A_346 = vector.shape_cast %parallel_loop3A_345 : vector<1x16xf32> to vector<16xf32>
      %parallel_loop3A_347 = arith.subf %parallel_loop3A_342, %parallel_loop3A_346 : vector<16xf32>
      %parallel_loop3A_348 = math.absf %parallel_loop3A_347 : vector<16xf32>
      %parallel_loop3A_349 = arith.addf %parallel_loop3A_261, %parallel_loop3A_348 : vector<16xf32>
      %parallel_loop3A_350 = arith.index_cast %parallel_loop3A_187 : i32 to index
      %parallel_loop3A_351 = arith.constant 224 : index
      %parallel_loop3A_352 = tpu.vector_load %arg7[%parallel_loop3A_350, %parallel_loop3A_351] {strides = array<i32>} : memref<32x512xf32, #tpu.memory_space<vmem>>, vector<1x16xf32>,
      %parallel_loop3A_353 = vector.shape_cast %parallel_loop3A_352 : vector<1x16xf32> to vector<16xf32>
      %parallel_loop3A_354 = arith.index_cast %parallel_loop3A_187 : i32 to index
      %parallel_loop3A_355 = arith.constant 224 : index
      %parallel_loop3A_356 = tpu.vector_load %arg10[%parallel_loop3A_354, %parallel_loop3A_355] {strides = array<i32>} : memref<32x512xf32, #tpu.memory_space<vmem>>, vector<1x16xf32>,
      %parallel_loop3A_357 = vector.shape_cast %parallel_loop3A_356 : vector<1x16xf32> to vector<16xf32>
      %parallel_loop3A_358 = arith.subf %parallel_loop3A_353, %parallel_loop3A_357 : vector<16xf32>
      %parallel_loop3A_359 = math.absf %parallel_loop3A_358 : vector<16xf32>
      %parallel_loop3A_360 = arith.addf %parallel_loop3A_272, %parallel_loop3A_359 : vector<16xf32>
      %parallel_loop3A_361 = arith.index_cast %parallel_loop3A_187 : i32 to index
      %parallel_loop3A_362 = arith.constant 240 : index
      %parallel_loop3A_363 = tpu.vector_load %arg7[%parallel_loop3A_361, %parallel_loop3A_362] {strides = array<i32>} : memref<32x512xf32, #tpu.memory_space<vmem>>, vector<1x16xf32>,
      %parallel_loop3A_364 = vector.shape_cast %parallel_loop3A_363 : vector<1x16xf32> to vector<16xf32>
      %parallel_loop3A_365 = arith.index_cast %parallel_loop3A_187 : i32 to index
      %parallel_loop3A_366 = arith.constant 240 : index
      %parallel_loop3A_367 = tpu.vector_load %arg10[%parallel_loop3A_365, %parallel_loop3A_366] {strides = array<i32>} : memref<32x512xf32, #tpu.memory_space<vmem>>, vector<1x16xf32>,
      %parallel_loop3A_368 = vector.shape_cast %parallel_loop3A_367 : vector<1x16xf32> to vector<16xf32>
      %parallel_loop3A_369 = arith.subf %parallel_loop3A_364, %parallel_loop3A_368 : vector<16xf32>
      %parallel_loop3A_370 = math.absf %parallel_loop3A_369 : vector<16xf32>
      %parallel_loop3A_371 = arith.addf %parallel_loop3A_283, %parallel_loop3A_370 : vector<16xf32>
      %parallel_loop3A_372 = arith.index_cast %parallel_loop3A_187 : i32 to index
      %parallel_loop3A_373 = arith.constant 256 : index
      %parallel_loop3A_374 = tpu.vector_load %arg7[%parallel_loop3A_372, %parallel_loop3A_373] {strides = array<i32>} : memref<32x512xf32, #tpu.memory_space<vmem>>, vector<1x16xf32>,
      %parallel_loop3A_375 = vector.shape_cast %parallel_loop3A_374 : vector<1x16xf32> to vector<16xf32>
      %parallel_loop3A_376 = arith.index_cast %parallel_loop3A_187 : i32 to index
      %parallel_loop3A_377 = arith.constant 256 : index
      %parallel_loop3A_378 = tpu.vector_load %arg10[%parallel_loop3A_376, %parallel_loop3A_377] {strides = array<i32>} : memref<32x512xf32, #tpu.memory_space<vmem>>, vector<1x16xf32>,
      %parallel_loop3A_379 = vector.shape_cast %parallel_loop3A_378 : vector<1x16xf32> to vector<16xf32>
      %parallel_loop3A_380 = arith.subf %parallel_loop3A_375, %parallel_loop3A_379 : vector<16xf32>
      %parallel_loop3A_381 = math.absf %parallel_loop3A_380 : vector<16xf32>
      %parallel_loop3A_382 = arith.addf %parallel_loop3A_294, %parallel_loop3A_381 : vector<16xf32>
      %parallel_loop3A_383 = arith.index_cast %parallel_loop3A_187 : i32 to index
      %parallel_loop3A_384 = arith.constant 272 : index
      %parallel_loop3A_385 = tpu.vector_load %arg7[%parallel_loop3A_383, %parallel_loop3A_384] {strides = array<i32>} : memref<32x512xf32, #tpu.memory_space<vmem>>, vector<1x16xf32>,
      %parallel_loop3A_386 = vector.shape_cast %parallel_loop3A_385 : vector<1x16xf32> to vector<16xf32>
      %parallel_loop3A_387 = arith.index_cast %parallel_loop3A_187 : i32 to index
      %parallel_loop3A_388 = arith.constant 272 : index
      %parallel_loop3A_389 = tpu.vector_load %arg10[%parallel_loop3A_387, %parallel_loop3A_388] {strides = array<i32>} : memref<32x512xf32, #tpu.memory_space<vmem>>, vector<1x16xf32>,
      %parallel_loop3A_390 = vector.shape_cast %parallel_loop3A_389 : vector<1x16xf32> to vector<16xf32>
      %parallel_loop3A_391 = arith.subf %parallel_loop3A_386, %parallel_loop3A_390 : vector<16xf32>
      %parallel_loop3A_392 = math.absf %parallel_loop3A_391 : vector<16xf32>
      %parallel_loop3A_393 = arith.addf %parallel_loop3A_305, %parallel_loop3A_392 : vector<16xf32>
      %parallel_loop3A_394 = arith.index_cast %parallel_loop3A_187 : i32 to index
      %parallel_loop3A_395 = arith.constant 288 : index
      %parallel_loop3A_396 = tpu.vector_load %arg7[%parallel_loop3A_394, %parallel_loop3A_395] {strides = array<i32>} : memref<32x512xf32, #tpu.memory_space<vmem>>, vector<1x16xf32>,
      %parallel_loop3A_397 = vector.shape_cast %parallel_loop3A_396 : vector<1x16xf32> to vector<16xf32>
      %parallel_loop3A_398 = arith.index_cast %parallel_loop3A_187 : i32 to index
      %parallel_loop3A_399 = arith.constant 288 : index
      %parallel_loop3A_400 = tpu.vector_load %arg10[%parallel_loop3A_398, %parallel_loop3A_399] {strides = array<i32>} : memref<32x512xf32, #tpu.memory_space<vmem>>, vector<1x16xf32>,
      %parallel_loop3A_401 = vector.shape_cast %parallel_loop3A_400 : vector<1x16xf32> to vector<16xf32>
      %parallel_loop3A_402 = arith.subf %parallel_loop3A_397, %parallel_loop3A_401 : vector<16xf32>
      %parallel_loop3A_403 = math.absf %parallel_loop3A_402 : vector<16xf32>
      %parallel_loop3A_404 = arith.addf %parallel_loop3A_316, %parallel_loop3A_403 : vector<16xf32>
      %parallel_loop3A_405 = arith.index_cast %parallel_loop3A_187 : i32 to index
      %parallel_loop3A_406 = arith.constant 304 : index
      %parallel_loop3A_407 = tpu.vector_load %arg7[%parallel_loop3A_405, %parallel_loop3A_406] {strides = array<i32>} : memref<32x512xf32, #tpu.memory_space<vmem>>, vector<1x16xf32>,
      %parallel_loop3A_408 = vector.shape_cast %parallel_loop3A_407 : vector<1x16xf32> to vector<16xf32>
      %parallel_loop3A_409 = arith.index_cast %parallel_loop3A_187 : i32 to index
      %parallel_loop3A_410 = arith.constant 304 : index
      %parallel_loop3A_411 = tpu.vector_load %arg10[%parallel_loop3A_409, %parallel_loop3A_410] {strides = array<i32>} : memref<32x512xf32, #tpu.memory_space<vmem>>, vector<1x16xf32>,
      %parallel_loop3A_412 = vector.shape_cast %parallel_loop3A_411 : vector<1x16xf32> to vector<16xf32>
      %parallel_loop3A_413 = arith.subf %parallel_loop3A_408, %parallel_loop3A_412 : vector<16xf32>
      %parallel_loop3A_414 = math.absf %parallel_loop3A_413 : vector<16xf32>
      %parallel_loop3A_415 = arith.addf %parallel_loop3A_327, %parallel_loop3A_414 : vector<16xf32>
      %parallel_loop3A_416 = arith.index_cast %parallel_loop3A_187 : i32 to index
      %parallel_loop3A_417 = arith.constant 320 : index
      %parallel_loop3A_418 = tpu.vector_load %arg7[%parallel_loop3A_416, %parallel_loop3A_417] {strides = array<i32>} : memref<32x512xf32, #tpu.memory_space<vmem>>, vector<1x16xf32>,
      %parallel_loop3A_419 = vector.shape_cast %parallel_loop3A_418 : vector<1x16xf32> to vector<16xf32>
      %parallel_loop3A_420 = arith.index_cast %parallel_loop3A_187 : i32 to index
      %parallel_loop3A_421 = arith.constant 320 : index
      %parallel_loop3A_422 = tpu.vector_load %arg10[%parallel_loop3A_420, %parallel_loop3A_421] {strides = array<i32>} : memref<32x512xf32, #tpu.memory_space<vmem>>, vector<1x16xf32>,
      %parallel_loop3A_423 = vector.shape_cast %parallel_loop3A_422 : vector<1x16xf32> to vector<16xf32>
      %parallel_loop3A_424 = arith.subf %parallel_loop3A_419, %parallel_loop3A_423 : vector<16xf32>
      %parallel_loop3A_425 = math.absf %parallel_loop3A_424 : vector<16xf32>
      %parallel_loop3A_426 = arith.addf %parallel_loop3A_338, %parallel_loop3A_425 : vector<16xf32>
      %parallel_loop3A_427 = arith.index_cast %parallel_loop3A_187 : i32 to index
      %parallel_loop3A_428 = arith.constant 336 : index
      %parallel_loop3A_429 = tpu.vector_load %arg7[%parallel_loop3A_427, %parallel_loop3A_428] {strides = array<i32>} : memref<32x512xf32, #tpu.memory_space<vmem>>, vector<1x16xf32>,
      %parallel_loop3A_430 = vector.shape_cast %parallel_loop3A_429 : vector<1x16xf32> to vector<16xf32>
      %parallel_loop3A_431 = arith.index_cast %parallel_loop3A_187 : i32 to index
      %parallel_loop3A_432 = arith.constant 336 : index
      %parallel_loop3A_433 = tpu.vector_load %arg10[%parallel_loop3A_431, %parallel_loop3A_432] {strides = array<i32>} : memref<32x512xf32, #tpu.memory_space<vmem>>, vector<1x16xf32>,
      %parallel_loop3A_434 = vector.shape_cast %parallel_loop3A_433 : vector<1x16xf32> to vector<16xf32>
      %parallel_loop3A_435 = arith.subf %parallel_loop3A_430, %parallel_loop3A_434 : vector<16xf32>
      %parallel_loop3A_436 = math.absf %parallel_loop3A_435 : vector<16xf32>
      %parallel_loop3A_437 = arith.addf %parallel_loop3A_349, %parallel_loop3A_436 : vector<16xf32>
      %parallel_loop3A_438 = arith.index_cast %parallel_loop3A_187 : i32 to index
      %parallel_loop3A_439 = arith.constant 352 : index
      %parallel_loop3A_440 = tpu.vector_load %arg7[%parallel_loop3A_438, %parallel_loop3A_439] {strides = array<i32>} : memref<32x512xf32, #tpu.memory_space<vmem>>, vector<1x16xf32>,
      %parallel_loop3A_441 = vector.shape_cast %parallel_loop3A_440 : vector<1x16xf32> to vector<16xf32>
      %parallel_loop3A_442 = arith.index_cast %parallel_loop3A_187 : i32 to index
      %parallel_loop3A_443 = arith.constant 352 : index
      %parallel_loop3A_444 = tpu.vector_load %arg10[%parallel_loop3A_442, %parallel_loop3A_443] {strides = array<i32>} : memref<32x512xf32, #tpu.memory_space<vmem>>, vector<1x16xf32>,
      %parallel_loop3A_445 = vector.shape_cast %parallel_loop3A_444 : vector<1x16xf32> to vector<16xf32>
      %parallel_loop3A_446 = arith.subf %parallel_loop3A_441, %parallel_loop3A_445 : vector<16xf32>
      %parallel_loop3A_447 = math.absf %parallel_loop3A_446 : vector<16xf32>
      %parallel_loop3A_448 = arith.addf %parallel_loop3A_360, %parallel_loop3A_447 : vector<16xf32>
      %parallel_loop3A_449 = arith.index_cast %parallel_loop3A_187 : i32 to index
      %parallel_loop3A_450 = arith.constant 368 : index
      %parallel_loop3A_451 = tpu.vector_load %arg7[%parallel_loop3A_449, %parallel_loop3A_450] {strides = array<i32>} : memref<32x512xf32, #tpu.memory_space<vmem>>, vector<1x16xf32>,
      %parallel_loop3A_452 = vector.shape_cast %parallel_loop3A_451 : vector<1x16xf32> to vector<16xf32>
      %parallel_loop3A_453 = arith.index_cast %parallel_loop3A_187 : i32 to index
      %parallel_loop3A_454 = arith.constant 368 : index
      %parallel_loop3A_455 = tpu.vector_load %arg10[%parallel_loop3A_453, %parallel_loop3A_454] {strides = array<i32>} : memref<32x512xf32, #tpu.memory_space<vmem>>, vector<1x16xf32>,
      %parallel_loop3A_456 = vector.shape_cast %parallel_loop3A_455 : vector<1x16xf32> to vector<16xf32>
      %parallel_loop3A_457 = arith.subf %parallel_loop3A_452, %parallel_loop3A_456 : vector<16xf32>
      %parallel_loop3A_458 = math.absf %parallel_loop3A_457 : vector<16xf32>
      %parallel_loop3A_459 = arith.addf %parallel_loop3A_371, %parallel_loop3A_458 : vector<16xf32>
      %parallel_loop3A_460 = arith.index_cast %parallel_loop3A_187 : i32 to index
      %parallel_loop3A_461 = arith.constant 384 : index
      %parallel_loop3A_462 = tpu.vector_load %arg7[%parallel_loop3A_460, %parallel_loop3A_461] {strides = array<i32>} : memref<32x512xf32, #tpu.memory_space<vmem>>, vector<1x16xf32>,
      %parallel_loop3A_463 = vector.shape_cast %parallel_loop3A_462 : vector<1x16xf32> to vector<16xf32>
      %parallel_loop3A_464 = arith.index_cast %parallel_loop3A_187 : i32 to index
      %parallel_loop3A_465 = arith.constant 384 : index
      %parallel_loop3A_466 = tpu.vector_load %arg10[%parallel_loop3A_464, %parallel_loop3A_465] {strides = array<i32>} : memref<32x512xf32, #tpu.memory_space<vmem>>, vector<1x16xf32>,
      %parallel_loop3A_467 = vector.shape_cast %parallel_loop3A_466 : vector<1x16xf32> to vector<16xf32>
      %parallel_loop3A_468 = arith.subf %parallel_loop3A_463, %parallel_loop3A_467 : vector<16xf32>
      %parallel_loop3A_469 = math.absf %parallel_loop3A_468 : vector<16xf32>
      %parallel_loop3A_470 = arith.addf %parallel_loop3A_382, %parallel_loop3A_469 : vector<16xf32>
      %parallel_loop3A_471 = arith.index_cast %parallel_loop3A_187 : i32 to index
      %parallel_loop3A_472 = arith.constant 400 : index
      %parallel_loop3A_473 = tpu.vector_load %arg7[%parallel_loop3A_471, %parallel_loop3A_472] {strides = array<i32>} : memref<32x512xf32, #tpu.memory_space<vmem>>, vector<1x16xf32>,
      %parallel_loop3A_474 = vector.shape_cast %parallel_loop3A_473 : vector<1x16xf32> to vector<16xf32>
      %parallel_loop3A_475 = arith.index_cast %parallel_loop3A_187 : i32 to index
      %parallel_loop3A_476 = arith.constant 400 : index
      %parallel_loop3A_477 = tpu.vector_load %arg10[%parallel_loop3A_475, %parallel_loop3A_476] {strides = array<i32>} : memref<32x512xf32, #tpu.memory_space<vmem>>, vector<1x16xf32>,
      %parallel_loop3A_478 = vector.shape_cast %parallel_loop3A_477 : vector<1x16xf32> to vector<16xf32>
      %parallel_loop3A_479 = arith.subf %parallel_loop3A_474, %parallel_loop3A_478 : vector<16xf32>
      %parallel_loop3A_480 = math.absf %parallel_loop3A_479 : vector<16xf32>
      %parallel_loop3A_481 = arith.addf %parallel_loop3A_393, %parallel_loop3A_480 : vector<16xf32>
      %parallel_loop3A_482 = arith.index_cast %parallel_loop3A_187 : i32 to index
      %parallel_loop3A_483 = arith.constant 416 : index
      %parallel_loop3A_484 = tpu.vector_load %arg7[%parallel_loop3A_482, %parallel_loop3A_483] {strides = array<i32>} : memref<32x512xf32, #tpu.memory_space<vmem>>, vector<1x16xf32>,
      %parallel_loop3A_485 = vector.shape_cast %parallel_loop3A_484 : vector<1x16xf32> to vector<16xf32>
      %parallel_loop3A_486 = arith.index_cast %parallel_loop3A_187 : i32 to index
      %parallel_loop3A_487 = arith.constant 416 : index
      %parallel_loop3A_488 = tpu.vector_load %arg10[%parallel_loop3A_486, %parallel_loop3A_487] {strides = array<i32>} : memref<32x512xf32, #tpu.memory_space<vmem>>, vector<1x16xf32>,
      %parallel_loop3A_489 = vector.shape_cast %parallel_loop3A_488 : vector<1x16xf32> to vector<16xf32>
      %parallel_loop3A_490 = arith.subf %parallel_loop3A_485, %parallel_loop3A_489 : vector<16xf32>
      %parallel_loop3A_491 = math.absf %parallel_loop3A_490 : vector<16xf32>
      %parallel_loop3A_492 = arith.addf %parallel_loop3A_404, %parallel_loop3A_491 : vector<16xf32>
      %parallel_loop3A_493 = arith.index_cast %parallel_loop3A_187 : i32 to index
      %parallel_loop3A_494 = arith.constant 432 : index
      %parallel_loop3A_495 = tpu.vector_load %arg7[%parallel_loop3A_493, %parallel_loop3A_494] {strides = array<i32>} : memref<32x512xf32, #tpu.memory_space<vmem>>, vector<1x16xf32>,
      %parallel_loop3A_496 = vector.shape_cast %parallel_loop3A_495 : vector<1x16xf32> to vector<16xf32>
      %parallel_loop3A_497 = arith.index_cast %parallel_loop3A_187 : i32 to index
      %parallel_loop3A_498 = arith.constant 432 : index
      %parallel_loop3A_499 = tpu.vector_load %arg10[%parallel_loop3A_497, %parallel_loop3A_498] {strides = array<i32>} : memref<32x512xf32, #tpu.memory_space<vmem>>, vector<1x16xf32>,
      %parallel_loop3A_500 = vector.shape_cast %parallel_loop3A_499 : vector<1x16xf32> to vector<16xf32>
      %parallel_loop3A_501 = arith.subf %parallel_loop3A_496, %parallel_loop3A_500 : vector<16xf32>
      %parallel_loop3A_502 = math.absf %parallel_loop3A_501 : vector<16xf32>
      %parallel_loop3A_503 = arith.addf %parallel_loop3A_415, %parallel_loop3A_502 : vector<16xf32>
      %parallel_loop3A_504 = arith.index_cast %parallel_loop3A_187 : i32 to index
      %parallel_loop3A_505 = arith.constant 448 : index
      %parallel_loop3A_506 = tpu.vector_load %arg7[%parallel_loop3A_504, %parallel_loop3A_505] {strides = array<i32>} : memref<32x512xf32, #tpu.memory_space<vmem>>, vector<1x16xf32>,
      %parallel_loop3A_507 = vector.shape_cast %parallel_loop3A_506 : vector<1x16xf32> to vector<16xf32>
      %parallel_loop3A_508 = arith.index_cast %parallel_loop3A_187 : i32 to index
      %parallel_loop3A_509 = arith.constant 448 : index
      %parallel_loop3A_510 = tpu.vector_load %arg10[%parallel_loop3A_508, %parallel_loop3A_509] {strides = array<i32>} : memref<32x512xf32, #tpu.memory_space<vmem>>, vector<1x16xf32>,
      %parallel_loop3A_511 = vector.shape_cast %parallel_loop3A_510 : vector<1x16xf32> to vector<16xf32>
      %parallel_loop3A_512 = arith.subf %parallel_loop3A_507, %parallel_loop3A_511 : vector<16xf32>
      %parallel_loop3A_513 = math.absf %parallel_loop3A_512 : vector<16xf32>
      %parallel_loop3A_514 = arith.addf %parallel_loop3A_426, %parallel_loop3A_513 : vector<16xf32>
      %parallel_loop3A_515 = arith.index_cast %parallel_loop3A_187 : i32 to index
      %parallel_loop3A_516 = arith.constant 464 : index
      %parallel_loop3A_517 = tpu.vector_load %arg7[%parallel_loop3A_515, %parallel_loop3A_516] {strides = array<i32>} : memref<32x512xf32, #tpu.memory_space<vmem>>, vector<1x16xf32>,
      %parallel_loop3A_518 = vector.shape_cast %parallel_loop3A_517 : vector<1x16xf32> to vector<16xf32>
      %parallel_loop3A_519 = arith.index_cast %parallel_loop3A_187 : i32 to index
      %parallel_loop3A_520 = arith.constant 464 : index
      %parallel_loop3A_521 = tpu.vector_load %arg10[%parallel_loop3A_519, %parallel_loop3A_520] {strides = array<i32>} : memref<32x512xf32, #tpu.memory_space<vmem>>, vector<1x16xf32>,
      %parallel_loop3A_522 = vector.shape_cast %parallel_loop3A_521 : vector<1x16xf32> to vector<16xf32>
      %parallel_loop3A_523 = arith.subf %parallel_loop3A_518, %parallel_loop3A_522 : vector<16xf32>
      %parallel_loop3A_524 = math.absf %parallel_loop3A_523 : vector<16xf32>
      %parallel_loop3A_525 = arith.addf %parallel_loop3A_437, %parallel_loop3A_524 : vector<16xf32>
      %parallel_loop3A_526 = arith.index_cast %parallel_loop3A_187 : i32 to index
      %parallel_loop3A_527 = arith.constant 480 : index
      %parallel_loop3A_528 = tpu.vector_load %arg7[%parallel_loop3A_526, %parallel_loop3A_527] {strides = array<i32>} : memref<32x512xf32, #tpu.memory_space<vmem>>, vector<1x16xf32>,
      %parallel_loop3A_529 = vector.shape_cast %parallel_loop3A_528 : vector<1x16xf32> to vector<16xf32>
      %parallel_loop3A_530 = arith.index_cast %parallel_loop3A_187 : i32 to index
      %parallel_loop3A_531 = arith.constant 480 : index
      %parallel_loop3A_532 = tpu.vector_load %arg10[%parallel_loop3A_530, %parallel_loop3A_531] {strides = array<i32>} : memref<32x512xf32, #tpu.memory_space<vmem>>, vector<1x16xf32>,
      %parallel_loop3A_533 = vector.shape_cast %parallel_loop3A_532 : vector<1x16xf32> to vector<16xf32>
      %parallel_loop3A_534 = arith.subf %parallel_loop3A_529, %parallel_loop3A_533 : vector<16xf32>
      %parallel_loop3A_535 = math.absf %parallel_loop3A_534 : vector<16xf32>
      %parallel_loop3A_536 = arith.addf %parallel_loop3A_448, %parallel_loop3A_535 : vector<16xf32>
      %parallel_loop3A_537 = arith.index_cast %parallel_loop3A_187 : i32 to index
      %parallel_loop3A_538 = arith.constant 496 : index
      %parallel_loop3A_539 = tpu.vector_load %arg7[%parallel_loop3A_537, %parallel_loop3A_538] {strides = array<i32>} : memref<32x512xf32, #tpu.memory_space<vmem>>, vector<1x16xf32>,
      %parallel_loop3A_540 = vector.shape_cast %parallel_loop3A_539 : vector<1x16xf32> to vector<16xf32>
      %parallel_loop3A_541 = arith.index_cast %parallel_loop3A_187 : i32 to index
      %parallel_loop3A_542 = arith.constant 496 : index
      %parallel_loop3A_543 = tpu.vector_load %arg10[%parallel_loop3A_541, %parallel_loop3A_542] {strides = array<i32>} : memref<32x512xf32, #tpu.memory_space<vmem>>, vector<1x16xf32>,
      %parallel_loop3A_544 = vector.shape_cast %parallel_loop3A_543 : vector<1x16xf32> to vector<16xf32>
      %parallel_loop3A_545 = arith.subf %parallel_loop3A_540, %parallel_loop3A_544 : vector<16xf32>
      %parallel_loop3A_546 = math.absf %parallel_loop3A_545 : vector<16xf32>
      %parallel_loop3A_547 = arith.addf %parallel_loop3A_459, %parallel_loop3A_546 : vector<16xf32>
      scf.yield %parallel_loop3A_470, %parallel_loop3A_481, %parallel_loop3A_492, %parallel_loop3A_503, %parallel_loop3A_514, %parallel_loop3A_525, %parallel_loop3A_536, %parallel_loop3A_547 : vector<16xf32>, vector<16xf32>, vector<16xf32>, vector<16xf32>, vector<16xf32>, vector<16xf32>, vector<16xf32>, vector<16xf32>
    } {sc.loop_unroll_factor = 2 : i64, sc.parallel_access}
    %add3A_87 = arith.constant 160 : i32
    %add3A_88 = arith.addi %mul3A_2, %add3A_87 : i32
    %dma_start3A_89 = arith.constant 0 : i32
    %dma_start3A_90 = tpu.memref_slice %arg2[%add3A_88, %dma_start3A_89] : memref<24576x512xf32, #tpu.memory_space<hbm>> -> memref<32x512xf32, #tpu.memory_space<hbm>>
    %dma_start3A_91 = arith.constant 0 : i32
    %dma_start3A_92 = tpu.memref_slice %arg2[%add3A_88, %dma_start3A_91] : memref<24576x512xf32, #tpu.memory_space<hbm>> -> memref<32x512xf32, #tpu.memory_space<hbm>>
    tpu.enqueue_dma source(%dma_start3A_92 : memref<32x512xf32, #tpu.memory_space<hbm>>) target(%arg7 : memref<32x512xf32, #tpu.memory_space<vmem>>) target_semaphore(%arg14 : memref<!tpu.dma_semaphore, #tpu.memory_space<semaphore_mem>>)
    %dma_start3A_93 = arith.constant 0 : i32
    %dma_start3A_94 = tpu.memref_slice %arg3[%add3A_88, %dma_start3A_93] : memref<24576x512xf32, #tpu.memory_space<hbm>> -> memref<32x512xf32, #tpu.memory_space<hbm>>
    %dma_start3A_95 = arith.constant 0 : i32
    %dma_start3A_96 = tpu.memref_slice %arg3[%add3A_88, %dma_start3A_95] : memref<24576x512xf32, #tpu.memory_space<hbm>> -> memref<32x512xf32, #tpu.memory_space<hbm>>
    tpu.enqueue_dma source(%dma_start3A_96 : memref<32x512xf32, #tpu.memory_space<hbm>>) target(%arg10 : memref<32x512xf32, #tpu.memory_space<vmem>>) target_semaphore(%arg17 : memref<!tpu.dma_semaphore, #tpu.memory_space<semaphore_mem>>)
    %dma_wait3A_97 = arith.constant 0 : i32
    %dma_wait3A_98 = tpu.memref_slice %arg2[%add3A_44, %dma_wait3A_97] : memref<24576x512xf32, #tpu.memory_space<hbm>> -> memref<32x512xf32, #tpu.memory_space<hbm>>
    %dma_wait3A_99 = arith.constant 0 : i32
    %dma_wait3A_100 = tpu.memref_slice %arg2[%add3A_44, %dma_wait3A_99] : memref<24576x512xf32, #tpu.memory_space<hbm>> -> memref<32x512xf32, #tpu.memory_space<hbm>>
    tpu.wait_dma2 semaphore(%arg12 : memref<!tpu.dma_semaphore, #tpu.memory_space<semaphore_mem>>) src(%dma_wait3A_100 : memref<32x512xf32, #tpu.memory_space<hbm>>) dst(%arg5 : memref<32x512xf32, #tpu.memory_space<vmem>>)
    %dma_wait3A_101 = arith.constant 0 : i32
    %dma_wait3A_102 = tpu.memref_slice %arg3[%add3A_44, %dma_wait3A_101] : memref<24576x512xf32, #tpu.memory_space<hbm>> -> memref<32x512xf32, #tpu.memory_space<hbm>>
    %dma_wait3A_103 = arith.constant 0 : i32
    %dma_wait3A_104 = tpu.memref_slice %arg3[%add3A_44, %dma_wait3A_103] : memref<24576x512xf32, #tpu.memory_space<hbm>> -> memref<32x512xf32, #tpu.memory_space<hbm>>
    tpu.wait_dma2 semaphore(%arg15 : memref<!tpu.dma_semaphore, #tpu.memory_space<semaphore_mem>>) src(%dma_wait3A_104 : memref<32x512xf32, #tpu.memory_space<hbm>>) dst(%arg8 : memref<32x512xf32, #tpu.memory_space<vmem>>)
    %parallel_loop3A_105 = arith.constant 0 : i32
    %parallel_loop3A_106 = arith.constant 32 : i32
    %parallel_loop3A_107 = arith.constant 1 : i32
    %parallel_loop3A_108:8 = scf.for %parallel_loop3A_187 = %parallel_loop3A_105 to %parallel_loop3A_106 step %parallel_loop3A_107 iter_args(%parallel_loop3A_188 = %parallel_loop3A_86#0, %parallel_loop3A_189 = %parallel_loop3A_86#1, %parallel_loop3A_190 = %parallel_loop3A_86#2, %parallel_loop3A_191 = %parallel_loop3A_86#3, %parallel_loop3A_192 = %parallel_loop3A_86#4, %parallel_loop3A_193 = %parallel_loop3A_86#5, %parallel_loop3A_194 = %parallel_loop3A_86#6, %parallel_loop3A_195 = %parallel_loop3A_86#7) -> (vector<16xf32>, vector<16xf32>, vector<16xf32>, vector<16xf32>, vector<16xf32>, vector<16xf32>, vector<16xf32>, vector<16xf32>)  : i32 {
      %parallel_loop3A_196 = arith.index_cast %parallel_loop3A_187 : i32 to index
      %parallel_loop3A_197 = arith.constant 0 : index
      %parallel_loop3A_198 = tpu.vector_load %arg5[%parallel_loop3A_196, %parallel_loop3A_197] {strides = array<i32>} : memref<32x512xf32, #tpu.memory_space<vmem>>, vector<1x16xf32>,
      %parallel_loop3A_199 = vector.shape_cast %parallel_loop3A_198 : vector<1x16xf32> to vector<16xf32>
      %parallel_loop3A_200 = arith.index_cast %parallel_loop3A_187 : i32 to index
      %parallel_loop3A_201 = arith.constant 0 : index
      %parallel_loop3A_202 = tpu.vector_load %arg8[%parallel_loop3A_200, %parallel_loop3A_201] {strides = array<i32>} : memref<32x512xf32, #tpu.memory_space<vmem>>, vector<1x16xf32>,
      %parallel_loop3A_203 = vector.shape_cast %parallel_loop3A_202 : vector<1x16xf32> to vector<16xf32>
      %parallel_loop3A_204 = arith.subf %parallel_loop3A_199, %parallel_loop3A_203 : vector<16xf32>
      %parallel_loop3A_205 = math.absf %parallel_loop3A_204 : vector<16xf32>
      %parallel_loop3A_206 = arith.addf %parallel_loop3A_188, %parallel_loop3A_205 : vector<16xf32>
      %parallel_loop3A_207 = arith.index_cast %parallel_loop3A_187 : i32 to index
      %parallel_loop3A_208 = arith.constant 16 : index
      %parallel_loop3A_209 = tpu.vector_load %arg5[%parallel_loop3A_207, %parallel_loop3A_208] {strides = array<i32>} : memref<32x512xf32, #tpu.memory_space<vmem>>, vector<1x16xf32>,
      %parallel_loop3A_210 = vector.shape_cast %parallel_loop3A_209 : vector<1x16xf32> to vector<16xf32>
      %parallel_loop3A_211 = arith.index_cast %parallel_loop3A_187 : i32 to index
      %parallel_loop3A_212 = arith.constant 16 : index
      %parallel_loop3A_213 = tpu.vector_load %arg8[%parallel_loop3A_211, %parallel_loop3A_212] {strides = array<i32>} : memref<32x512xf32, #tpu.memory_space<vmem>>, vector<1x16xf32>,
      %parallel_loop3A_214 = vector.shape_cast %parallel_loop3A_213 : vector<1x16xf32> to vector<16xf32>
      %parallel_loop3A_215 = arith.subf %parallel_loop3A_210, %parallel_loop3A_214 : vector<16xf32>
      %parallel_loop3A_216 = math.absf %parallel_loop3A_215 : vector<16xf32>
      %parallel_loop3A_217 = arith.addf %parallel_loop3A_189, %parallel_loop3A_216 : vector<16xf32>
      %parallel_loop3A_218 = arith.index_cast %parallel_loop3A_187 : i32 to index
      %parallel_loop3A_219 = arith.constant 32 : index
      %parallel_loop3A_220 = tpu.vector_load %arg5[%parallel_loop3A_218, %parallel_loop3A_219] {strides = array<i32>} : memref<32x512xf32, #tpu.memory_space<vmem>>, vector<1x16xf32>,
      %parallel_loop3A_221 = vector.shape_cast %parallel_loop3A_220 : vector<1x16xf32> to vector<16xf32>
      %parallel_loop3A_222 = arith.index_cast %parallel_loop3A_187 : i32 to index
      %parallel_loop3A_223 = arith.constant 32 : index
      %parallel_loop3A_224 = tpu.vector_load %arg8[%parallel_loop3A_222, %parallel_loop3A_223] {strides = array<i32>} : memref<32x512xf32, #tpu.memory_space<vmem>>, vector<1x16xf32>,
      %parallel_loop3A_225 = vector.shape_cast %parallel_loop3A_224 : vector<1x16xf32> to vector<16xf32>
      %parallel_loop3A_226 = arith.subf %parallel_loop3A_221, %parallel_loop3A_225 : vector<16xf32>
      %parallel_loop3A_227 = math.absf %parallel_loop3A_226 : vector<16xf32>
      %parallel_loop3A_228 = arith.addf %parallel_loop3A_190, %parallel_loop3A_227 : vector<16xf32>
      %parallel_loop3A_229 = arith.index_cast %parallel_loop3A_187 : i32 to index
      %parallel_loop3A_230 = arith.constant 48 : index
      %parallel_loop3A_231 = tpu.vector_load %arg5[%parallel_loop3A_229, %parallel_loop3A_230] {strides = array<i32>} : memref<32x512xf32, #tpu.memory_space<vmem>>, vector<1x16xf32>,
      %parallel_loop3A_232 = vector.shape_cast %parallel_loop3A_231 : vector<1x16xf32> to vector<16xf32>
      %parallel_loop3A_233 = arith.index_cast %parallel_loop3A_187 : i32 to index
      %parallel_loop3A_234 = arith.constant 48 : index
      %parallel_loop3A_235 = tpu.vector_load %arg8[%parallel_loop3A_233, %parallel_loop3A_234] {strides = array<i32>} : memref<32x512xf32, #tpu.memory_space<vmem>>, vector<1x16xf32>,
      %parallel_loop3A_236 = vector.shape_cast %parallel_loop3A_235 : vector<1x16xf32> to vector<16xf32>
      %parallel_loop3A_237 = arith.subf %parallel_loop3A_232, %parallel_loop3A_236 : vector<16xf32>
      %parallel_loop3A_238 = math.absf %parallel_loop3A_237 : vector<16xf32>
      %parallel_loop3A_239 = arith.addf %parallel_loop3A_191, %parallel_loop3A_238 : vector<16xf32>
      %parallel_loop3A_240 = arith.index_cast %parallel_loop3A_187 : i32 to index
      %parallel_loop3A_241 = arith.constant 64 : index
      %parallel_loop3A_242 = tpu.vector_load %arg5[%parallel_loop3A_240, %parallel_loop3A_241] {strides = array<i32>} : memref<32x512xf32, #tpu.memory_space<vmem>>, vector<1x16xf32>,
      %parallel_loop3A_243 = vector.shape_cast %parallel_loop3A_242 : vector<1x16xf32> to vector<16xf32>
      %parallel_loop3A_244 = arith.index_cast %parallel_loop3A_187 : i32 to index
      %parallel_loop3A_245 = arith.constant 64 : index
      %parallel_loop3A_246 = tpu.vector_load %arg8[%parallel_loop3A_244, %parallel_loop3A_245] {strides = array<i32>} : memref<32x512xf32, #tpu.memory_space<vmem>>, vector<1x16xf32>,
      %parallel_loop3A_247 = vector.shape_cast %parallel_loop3A_246 : vector<1x16xf32> to vector<16xf32>
      %parallel_loop3A_248 = arith.subf %parallel_loop3A_243, %parallel_loop3A_247 : vector<16xf32>
      %parallel_loop3A_249 = math.absf %parallel_loop3A_248 : vector<16xf32>
      %parallel_loop3A_250 = arith.addf %parallel_loop3A_192, %parallel_loop3A_249 : vector<16xf32>
      %parallel_loop3A_251 = arith.index_cast %parallel_loop3A_187 : i32 to index
      %parallel_loop3A_252 = arith.constant 80 : index
      %parallel_loop3A_253 = tpu.vector_load %arg5[%parallel_loop3A_251, %parallel_loop3A_252] {strides = array<i32>} : memref<32x512xf32, #tpu.memory_space<vmem>>, vector<1x16xf32>,
      %parallel_loop3A_254 = vector.shape_cast %parallel_loop3A_253 : vector<1x16xf32> to vector<16xf32>
      %parallel_loop3A_255 = arith.index_cast %parallel_loop3A_187 : i32 to index
      %parallel_loop3A_256 = arith.constant 80 : index
      %parallel_loop3A_257 = tpu.vector_load %arg8[%parallel_loop3A_255, %parallel_loop3A_256] {strides = array<i32>} : memref<32x512xf32, #tpu.memory_space<vmem>>, vector<1x16xf32>,
      %parallel_loop3A_258 = vector.shape_cast %parallel_loop3A_257 : vector<1x16xf32> to vector<16xf32>
      %parallel_loop3A_259 = arith.subf %parallel_loop3A_254, %parallel_loop3A_258 : vector<16xf32>
      %parallel_loop3A_260 = math.absf %parallel_loop3A_259 : vector<16xf32>
      %parallel_loop3A_261 = arith.addf %parallel_loop3A_193, %parallel_loop3A_260 : vector<16xf32>
      %parallel_loop3A_262 = arith.index_cast %parallel_loop3A_187 : i32 to index
      %parallel_loop3A_263 = arith.constant 96 : index
      %parallel_loop3A_264 = tpu.vector_load %arg5[%parallel_loop3A_262, %parallel_loop3A_263] {strides = array<i32>} : memref<32x512xf32, #tpu.memory_space<vmem>>, vector<1x16xf32>,
      %parallel_loop3A_265 = vector.shape_cast %parallel_loop3A_264 : vector<1x16xf32> to vector<16xf32>
      %parallel_loop3A_266 = arith.index_cast %parallel_loop3A_187 : i32 to index
      %parallel_loop3A_267 = arith.constant 96 : index
      %parallel_loop3A_268 = tpu.vector_load %arg8[%parallel_loop3A_266, %parallel_loop3A_267] {strides = array<i32>} : memref<32x512xf32, #tpu.memory_space<vmem>>, vector<1x16xf32>,
      %parallel_loop3A_269 = vector.shape_cast %parallel_loop3A_268 : vector<1x16xf32> to vector<16xf32>
      %parallel_loop3A_270 = arith.subf %parallel_loop3A_265, %parallel_loop3A_269 : vector<16xf32>
      %parallel_loop3A_271 = math.absf %parallel_loop3A_270 : vector<16xf32>
      %parallel_loop3A_272 = arith.addf %parallel_loop3A_194, %parallel_loop3A_271 : vector<16xf32>
      %parallel_loop3A_273 = arith.index_cast %parallel_loop3A_187 : i32 to index
      %parallel_loop3A_274 = arith.constant 112 : index
      %parallel_loop3A_275 = tpu.vector_load %arg5[%parallel_loop3A_273, %parallel_loop3A_274] {strides = array<i32>} : memref<32x512xf32, #tpu.memory_space<vmem>>, vector<1x16xf32>,
      %parallel_loop3A_276 = vector.shape_cast %parallel_loop3A_275 : vector<1x16xf32> to vector<16xf32>
      %parallel_loop3A_277 = arith.index_cast %parallel_loop3A_187 : i32 to index
      %parallel_loop3A_278 = arith.constant 112 : index
      %parallel_loop3A_279 = tpu.vector_load %arg8[%parallel_loop3A_277, %parallel_loop3A_278] {strides = array<i32>} : memref<32x512xf32, #tpu.memory_space<vmem>>, vector<1x16xf32>,
      %parallel_loop3A_280 = vector.shape_cast %parallel_loop3A_279 : vector<1x16xf32> to vector<16xf32>
      %parallel_loop3A_281 = arith.subf %parallel_loop3A_276, %parallel_loop3A_280 : vector<16xf32>
      %parallel_loop3A_282 = math.absf %parallel_loop3A_281 : vector<16xf32>
      %parallel_loop3A_283 = arith.addf %parallel_loop3A_195, %parallel_loop3A_282 : vector<16xf32>
      %parallel_loop3A_284 = arith.index_cast %parallel_loop3A_187 : i32 to index
      %parallel_loop3A_285 = arith.constant 128 : index
      %parallel_loop3A_286 = tpu.vector_load %arg5[%parallel_loop3A_284, %parallel_loop3A_285] {strides = array<i32>} : memref<32x512xf32, #tpu.memory_space<vmem>>, vector<1x16xf32>,
      %parallel_loop3A_287 = vector.shape_cast %parallel_loop3A_286 : vector<1x16xf32> to vector<16xf32>
      %parallel_loop3A_288 = arith.index_cast %parallel_loop3A_187 : i32 to index
      %parallel_loop3A_289 = arith.constant 128 : index
      %parallel_loop3A_290 = tpu.vector_load %arg8[%parallel_loop3A_288, %parallel_loop3A_289] {strides = array<i32>} : memref<32x512xf32, #tpu.memory_space<vmem>>, vector<1x16xf32>,
      %parallel_loop3A_291 = vector.shape_cast %parallel_loop3A_290 : vector<1x16xf32> to vector<16xf32>
      %parallel_loop3A_292 = arith.subf %parallel_loop3A_287, %parallel_loop3A_291 : vector<16xf32>
      %parallel_loop3A_293 = math.absf %parallel_loop3A_292 : vector<16xf32>
      %parallel_loop3A_294 = arith.addf %parallel_loop3A_206, %parallel_loop3A_293 : vector<16xf32>
      %parallel_loop3A_295 = arith.index_cast %parallel_loop3A_187 : i32 to index
      %parallel_loop3A_296 = arith.constant 144 : index
      %parallel_loop3A_297 = tpu.vector_load %arg5[%parallel_loop3A_295, %parallel_loop3A_296] {strides = array<i32>} : memref<32x512xf32, #tpu.memory_space<vmem>>, vector<1x16xf32>,
      %parallel_loop3A_298 = vector.shape_cast %parallel_loop3A_297 : vector<1x16xf32> to vector<16xf32>
      %parallel_loop3A_299 = arith.index_cast %parallel_loop3A_187 : i32 to index
      %parallel_loop3A_300 = arith.constant 144 : index
      %parallel_loop3A_301 = tpu.vector_load %arg8[%parallel_loop3A_299, %parallel_loop3A_300] {strides = array<i32>} : memref<32x512xf32, #tpu.memory_space<vmem>>, vector<1x16xf32>,
      %parallel_loop3A_302 = vector.shape_cast %parallel_loop3A_301 : vector<1x16xf32> to vector<16xf32>
      %parallel_loop3A_303 = arith.subf %parallel_loop3A_298, %parallel_loop3A_302 : vector<16xf32>
      %parallel_loop3A_304 = math.absf %parallel_loop3A_303 : vector<16xf32>
      %parallel_loop3A_305 = arith.addf %parallel_loop3A_217, %parallel_loop3A_304 : vector<16xf32>
      %parallel_loop3A_306 = arith.index_cast %parallel_loop3A_187 : i32 to index
      %parallel_loop3A_307 = arith.constant 160 : index
      %parallel_loop3A_308 = tpu.vector_load %arg5[%parallel_loop3A_306, %parallel_loop3A_307] {strides = array<i32>} : memref<32x512xf32, #tpu.memory_space<vmem>>, vector<1x16xf32>,
      %parallel_loop3A_309 = vector.shape_cast %parallel_loop3A_308 : vector<1x16xf32> to vector<16xf32>
      %parallel_loop3A_310 = arith.index_cast %parallel_loop3A_187 : i32 to index
      %parallel_loop3A_311 = arith.constant 160 : index
      %parallel_loop3A_312 = tpu.vector_load %arg8[%parallel_loop3A_310, %parallel_loop3A_311] {strides = array<i32>} : memref<32x512xf32, #tpu.memory_space<vmem>>, vector<1x16xf32>,
      %parallel_loop3A_313 = vector.shape_cast %parallel_loop3A_312 : vector<1x16xf32> to vector<16xf32>
      %parallel_loop3A_314 = arith.subf %parallel_loop3A_309, %parallel_loop3A_313 : vector<16xf32>
      %parallel_loop3A_315 = math.absf %parallel_loop3A_314 : vector<16xf32>
      %parallel_loop3A_316 = arith.addf %parallel_loop3A_228, %parallel_loop3A_315 : vector<16xf32>
      %parallel_loop3A_317 = arith.index_cast %parallel_loop3A_187 : i32 to index
      %parallel_loop3A_318 = arith.constant 176 : index
      %parallel_loop3A_319 = tpu.vector_load %arg5[%parallel_loop3A_317, %parallel_loop3A_318] {strides = array<i32>} : memref<32x512xf32, #tpu.memory_space<vmem>>, vector<1x16xf32>,
      %parallel_loop3A_320 = vector.shape_cast %parallel_loop3A_319 : vector<1x16xf32> to vector<16xf32>
      %parallel_loop3A_321 = arith.index_cast %parallel_loop3A_187 : i32 to index
      %parallel_loop3A_322 = arith.constant 176 : index
      %parallel_loop3A_323 = tpu.vector_load %arg8[%parallel_loop3A_321, %parallel_loop3A_322] {strides = array<i32>} : memref<32x512xf32, #tpu.memory_space<vmem>>, vector<1x16xf32>,
      %parallel_loop3A_324 = vector.shape_cast %parallel_loop3A_323 : vector<1x16xf32> to vector<16xf32>
      %parallel_loop3A_325 = arith.subf %parallel_loop3A_320, %parallel_loop3A_324 : vector<16xf32>
      %parallel_loop3A_326 = math.absf %parallel_loop3A_325 : vector<16xf32>
      %parallel_loop3A_327 = arith.addf %parallel_loop3A_239, %parallel_loop3A_326 : vector<16xf32>
      %parallel_loop3A_328 = arith.index_cast %parallel_loop3A_187 : i32 to index
      %parallel_loop3A_329 = arith.constant 192 : index
      %parallel_loop3A_330 = tpu.vector_load %arg5[%parallel_loop3A_328, %parallel_loop3A_329] {strides = array<i32>} : memref<32x512xf32, #tpu.memory_space<vmem>>, vector<1x16xf32>,
      %parallel_loop3A_331 = vector.shape_cast %parallel_loop3A_330 : vector<1x16xf32> to vector<16xf32>
      %parallel_loop3A_332 = arith.index_cast %parallel_loop3A_187 : i32 to index
      %parallel_loop3A_333 = arith.constant 192 : index
      %parallel_loop3A_334 = tpu.vector_load %arg8[%parallel_loop3A_332, %parallel_loop3A_333] {strides = array<i32>} : memref<32x512xf32, #tpu.memory_space<vmem>>, vector<1x16xf32>,
      %parallel_loop3A_335 = vector.shape_cast %parallel_loop3A_334 : vector<1x16xf32> to vector<16xf32>
      %parallel_loop3A_336 = arith.subf %parallel_loop3A_331, %parallel_loop3A_335 : vector<16xf32>
      %parallel_loop3A_337 = math.absf %parallel_loop3A_336 : vector<16xf32>
      %parallel_loop3A_338 = arith.addf %parallel_loop3A_250, %parallel_loop3A_337 : vector<16xf32>
      %parallel_loop3A_339 = arith.index_cast %parallel_loop3A_187 : i32 to index
      %parallel_loop3A_340 = arith.constant 208 : index
      %parallel_loop3A_341 = tpu.vector_load %arg5[%parallel_loop3A_339, %parallel_loop3A_340] {strides = array<i32>} : memref<32x512xf32, #tpu.memory_space<vmem>>, vector<1x16xf32>,
      %parallel_loop3A_342 = vector.shape_cast %parallel_loop3A_341 : vector<1x16xf32> to vector<16xf32>
      %parallel_loop3A_343 = arith.index_cast %parallel_loop3A_187 : i32 to index
      %parallel_loop3A_344 = arith.constant 208 : index
      %parallel_loop3A_345 = tpu.vector_load %arg8[%parallel_loop3A_343, %parallel_loop3A_344] {strides = array<i32>} : memref<32x512xf32, #tpu.memory_space<vmem>>, vector<1x16xf32>,
      %parallel_loop3A_346 = vector.shape_cast %parallel_loop3A_345 : vector<1x16xf32> to vector<16xf32>
      %parallel_loop3A_347 = arith.subf %parallel_loop3A_342, %parallel_loop3A_346 : vector<16xf32>
      %parallel_loop3A_348 = math.absf %parallel_loop3A_347 : vector<16xf32>
      %parallel_loop3A_349 = arith.addf %parallel_loop3A_261, %parallel_loop3A_348 : vector<16xf32>
      %parallel_loop3A_350 = arith.index_cast %parallel_loop3A_187 : i32 to index
      %parallel_loop3A_351 = arith.constant 224 : index
      %parallel_loop3A_352 = tpu.vector_load %arg5[%parallel_loop3A_350, %parallel_loop3A_351] {strides = array<i32>} : memref<32x512xf32, #tpu.memory_space<vmem>>, vector<1x16xf32>,
      %parallel_loop3A_353 = vector.shape_cast %parallel_loop3A_352 : vector<1x16xf32> to vector<16xf32>
      %parallel_loop3A_354 = arith.index_cast %parallel_loop3A_187 : i32 to index
      %parallel_loop3A_355 = arith.constant 224 : index
      %parallel_loop3A_356 = tpu.vector_load %arg8[%parallel_loop3A_354, %parallel_loop3A_355] {strides = array<i32>} : memref<32x512xf32, #tpu.memory_space<vmem>>, vector<1x16xf32>,
      %parallel_loop3A_357 = vector.shape_cast %parallel_loop3A_356 : vector<1x16xf32> to vector<16xf32>
      %parallel_loop3A_358 = arith.subf %parallel_loop3A_353, %parallel_loop3A_357 : vector<16xf32>
      %parallel_loop3A_359 = math.absf %parallel_loop3A_358 : vector<16xf32>
      %parallel_loop3A_360 = arith.addf %parallel_loop3A_272, %parallel_loop3A_359 : vector<16xf32>
      %parallel_loop3A_361 = arith.index_cast %parallel_loop3A_187 : i32 to index
      %parallel_loop3A_362 = arith.constant 240 : index
      %parallel_loop3A_363 = tpu.vector_load %arg5[%parallel_loop3A_361, %parallel_loop3A_362] {strides = array<i32>} : memref<32x512xf32, #tpu.memory_space<vmem>>, vector<1x16xf32>,
      %parallel_loop3A_364 = vector.shape_cast %parallel_loop3A_363 : vector<1x16xf32> to vector<16xf32>
      %parallel_loop3A_365 = arith.index_cast %parallel_loop3A_187 : i32 to index
      %parallel_loop3A_366 = arith.constant 240 : index
      %parallel_loop3A_367 = tpu.vector_load %arg8[%parallel_loop3A_365, %parallel_loop3A_366] {strides = array<i32>} : memref<32x512xf32, #tpu.memory_space<vmem>>, vector<1x16xf32>,
      %parallel_loop3A_368 = vector.shape_cast %parallel_loop3A_367 : vector<1x16xf32> to vector<16xf32>
      %parallel_loop3A_369 = arith.subf %parallel_loop3A_364, %parallel_loop3A_368 : vector<16xf32>
      %parallel_loop3A_370 = math.absf %parallel_loop3A_369 : vector<16xf32>
      %parallel_loop3A_371 = arith.addf %parallel_loop3A_283, %parallel_loop3A_370 : vector<16xf32>
      %parallel_loop3A_372 = arith.index_cast %parallel_loop3A_187 : i32 to index
      %parallel_loop3A_373 = arith.constant 256 : index
      %parallel_loop3A_374 = tpu.vector_load %arg5[%parallel_loop3A_372, %parallel_loop3A_373] {strides = array<i32>} : memref<32x512xf32, #tpu.memory_space<vmem>>, vector<1x16xf32>,
      %parallel_loop3A_375 = vector.shape_cast %parallel_loop3A_374 : vector<1x16xf32> to vector<16xf32>
      %parallel_loop3A_376 = arith.index_cast %parallel_loop3A_187 : i32 to index
      %parallel_loop3A_377 = arith.constant 256 : index
      %parallel_loop3A_378 = tpu.vector_load %arg8[%parallel_loop3A_376, %parallel_loop3A_377] {strides = array<i32>} : memref<32x512xf32, #tpu.memory_space<vmem>>, vector<1x16xf32>,
      %parallel_loop3A_379 = vector.shape_cast %parallel_loop3A_378 : vector<1x16xf32> to vector<16xf32>
      %parallel_loop3A_380 = arith.subf %parallel_loop3A_375, %parallel_loop3A_379 : vector<16xf32>
      %parallel_loop3A_381 = math.absf %parallel_loop3A_380 : vector<16xf32>
      %parallel_loop3A_382 = arith.addf %parallel_loop3A_294, %parallel_loop3A_381 : vector<16xf32>
      %parallel_loop3A_383 = arith.index_cast %parallel_loop3A_187 : i32 to index
      %parallel_loop3A_384 = arith.constant 272 : index
      %parallel_loop3A_385 = tpu.vector_load %arg5[%parallel_loop3A_383, %parallel_loop3A_384] {strides = array<i32>} : memref<32x512xf32, #tpu.memory_space<vmem>>, vector<1x16xf32>,
      %parallel_loop3A_386 = vector.shape_cast %parallel_loop3A_385 : vector<1x16xf32> to vector<16xf32>
      %parallel_loop3A_387 = arith.index_cast %parallel_loop3A_187 : i32 to index
      %parallel_loop3A_388 = arith.constant 272 : index
      %parallel_loop3A_389 = tpu.vector_load %arg8[%parallel_loop3A_387, %parallel_loop3A_388] {strides = array<i32>} : memref<32x512xf32, #tpu.memory_space<vmem>>, vector<1x16xf32>,
      %parallel_loop3A_390 = vector.shape_cast %parallel_loop3A_389 : vector<1x16xf32> to vector<16xf32>
      %parallel_loop3A_391 = arith.subf %parallel_loop3A_386, %parallel_loop3A_390 : vector<16xf32>
      %parallel_loop3A_392 = math.absf %parallel_loop3A_391 : vector<16xf32>
      %parallel_loop3A_393 = arith.addf %parallel_loop3A_305, %parallel_loop3A_392 : vector<16xf32>
      %parallel_loop3A_394 = arith.index_cast %parallel_loop3A_187 : i32 to index
      %parallel_loop3A_395 = arith.constant 288 : index
      %parallel_loop3A_396 = tpu.vector_load %arg5[%parallel_loop3A_394, %parallel_loop3A_395] {strides = array<i32>} : memref<32x512xf32, #tpu.memory_space<vmem>>, vector<1x16xf32>,
      %parallel_loop3A_397 = vector.shape_cast %parallel_loop3A_396 : vector<1x16xf32> to vector<16xf32>
      %parallel_loop3A_398 = arith.index_cast %parallel_loop3A_187 : i32 to index
      %parallel_loop3A_399 = arith.constant 288 : index
      %parallel_loop3A_400 = tpu.vector_load %arg8[%parallel_loop3A_398, %parallel_loop3A_399] {strides = array<i32>} : memref<32x512xf32, #tpu.memory_space<vmem>>, vector<1x16xf32>,
      %parallel_loop3A_401 = vector.shape_cast %parallel_loop3A_400 : vector<1x16xf32> to vector<16xf32>
      %parallel_loop3A_402 = arith.subf %parallel_loop3A_397, %parallel_loop3A_401 : vector<16xf32>
      %parallel_loop3A_403 = math.absf %parallel_loop3A_402 : vector<16xf32>
      %parallel_loop3A_404 = arith.addf %parallel_loop3A_316, %parallel_loop3A_403 : vector<16xf32>
      %parallel_loop3A_405 = arith.index_cast %parallel_loop3A_187 : i32 to index
      %parallel_loop3A_406 = arith.constant 304 : index
      %parallel_loop3A_407 = tpu.vector_load %arg5[%parallel_loop3A_405, %parallel_loop3A_406] {strides = array<i32>} : memref<32x512xf32, #tpu.memory_space<vmem>>, vector<1x16xf32>,
      %parallel_loop3A_408 = vector.shape_cast %parallel_loop3A_407 : vector<1x16xf32> to vector<16xf32>
      %parallel_loop3A_409 = arith.index_cast %parallel_loop3A_187 : i32 to index
      %parallel_loop3A_410 = arith.constant 304 : index
      %parallel_loop3A_411 = tpu.vector_load %arg8[%parallel_loop3A_409, %parallel_loop3A_410] {strides = array<i32>} : memref<32x512xf32, #tpu.memory_space<vmem>>, vector<1x16xf32>,
      %parallel_loop3A_412 = vector.shape_cast %parallel_loop3A_411 : vector<1x16xf32> to vector<16xf32>
      %parallel_loop3A_413 = arith.subf %parallel_loop3A_408, %parallel_loop3A_412 : vector<16xf32>
      %parallel_loop3A_414 = math.absf %parallel_loop3A_413 : vector<16xf32>
      %parallel_loop3A_415 = arith.addf %parallel_loop3A_327, %parallel_loop3A_414 : vector<16xf32>
      %parallel_loop3A_416 = arith.index_cast %parallel_loop3A_187 : i32 to index
      %parallel_loop3A_417 = arith.constant 320 : index
      %parallel_loop3A_418 = tpu.vector_load %arg5[%parallel_loop3A_416, %parallel_loop3A_417] {strides = array<i32>} : memref<32x512xf32, #tpu.memory_space<vmem>>, vector<1x16xf32>,
      %parallel_loop3A_419 = vector.shape_cast %parallel_loop3A_418 : vector<1x16xf32> to vector<16xf32>
      %parallel_loop3A_420 = arith.index_cast %parallel_loop3A_187 : i32 to index
      %parallel_loop3A_421 = arith.constant 320 : index
      %parallel_loop3A_422 = tpu.vector_load %arg8[%parallel_loop3A_420, %parallel_loop3A_421] {strides = array<i32>} : memref<32x512xf32, #tpu.memory_space<vmem>>, vector<1x16xf32>,
      %parallel_loop3A_423 = vector.shape_cast %parallel_loop3A_422 : vector<1x16xf32> to vector<16xf32>
      %parallel_loop3A_424 = arith.subf %parallel_loop3A_419, %parallel_loop3A_423 : vector<16xf32>
      %parallel_loop3A_425 = math.absf %parallel_loop3A_424 : vector<16xf32>
      %parallel_loop3A_426 = arith.addf %parallel_loop3A_338, %parallel_loop3A_425 : vector<16xf32>
      %parallel_loop3A_427 = arith.index_cast %parallel_loop3A_187 : i32 to index
      %parallel_loop3A_428 = arith.constant 336 : index
      %parallel_loop3A_429 = tpu.vector_load %arg5[%parallel_loop3A_427, %parallel_loop3A_428] {strides = array<i32>} : memref<32x512xf32, #tpu.memory_space<vmem>>, vector<1x16xf32>,
      %parallel_loop3A_430 = vector.shape_cast %parallel_loop3A_429 : vector<1x16xf32> to vector<16xf32>
      %parallel_loop3A_431 = arith.index_cast %parallel_loop3A_187 : i32 to index
      %parallel_loop3A_432 = arith.constant 336 : index
      %parallel_loop3A_433 = tpu.vector_load %arg8[%parallel_loop3A_431, %parallel_loop3A_432] {strides = array<i32>} : memref<32x512xf32, #tpu.memory_space<vmem>>, vector<1x16xf32>,
      %parallel_loop3A_434 = vector.shape_cast %parallel_loop3A_433 : vector<1x16xf32> to vector<16xf32>
      %parallel_loop3A_435 = arith.subf %parallel_loop3A_430, %parallel_loop3A_434 : vector<16xf32>
      %parallel_loop3A_436 = math.absf %parallel_loop3A_435 : vector<16xf32>
      %parallel_loop3A_437 = arith.addf %parallel_loop3A_349, %parallel_loop3A_436 : vector<16xf32>
      %parallel_loop3A_438 = arith.index_cast %parallel_loop3A_187 : i32 to index
      %parallel_loop3A_439 = arith.constant 352 : index
      %parallel_loop3A_440 = tpu.vector_load %arg5[%parallel_loop3A_438, %parallel_loop3A_439] {strides = array<i32>} : memref<32x512xf32, #tpu.memory_space<vmem>>, vector<1x16xf32>,
      %parallel_loop3A_441 = vector.shape_cast %parallel_loop3A_440 : vector<1x16xf32> to vector<16xf32>
      %parallel_loop3A_442 = arith.index_cast %parallel_loop3A_187 : i32 to index
      %parallel_loop3A_443 = arith.constant 352 : index
      %parallel_loop3A_444 = tpu.vector_load %arg8[%parallel_loop3A_442, %parallel_loop3A_443] {strides = array<i32>} : memref<32x512xf32, #tpu.memory_space<vmem>>, vector<1x16xf32>,
      %parallel_loop3A_445 = vector.shape_cast %parallel_loop3A_444 : vector<1x16xf32> to vector<16xf32>
      %parallel_loop3A_446 = arith.subf %parallel_loop3A_441, %parallel_loop3A_445 : vector<16xf32>
      %parallel_loop3A_447 = math.absf %parallel_loop3A_446 : vector<16xf32>
      %parallel_loop3A_448 = arith.addf %parallel_loop3A_360, %parallel_loop3A_447 : vector<16xf32>
      %parallel_loop3A_449 = arith.index_cast %parallel_loop3A_187 : i32 to index
      %parallel_loop3A_450 = arith.constant 368 : index
      %parallel_loop3A_451 = tpu.vector_load %arg5[%parallel_loop3A_449, %parallel_loop3A_450] {strides = array<i32>} : memref<32x512xf32, #tpu.memory_space<vmem>>, vector<1x16xf32>,
      %parallel_loop3A_452 = vector.shape_cast %parallel_loop3A_451 : vector<1x16xf32> to vector<16xf32>
      %parallel_loop3A_453 = arith.index_cast %parallel_loop3A_187 : i32 to index
      %parallel_loop3A_454 = arith.constant 368 : index
      %parallel_loop3A_455 = tpu.vector_load %arg8[%parallel_loop3A_453, %parallel_loop3A_454] {strides = array<i32>} : memref<32x512xf32, #tpu.memory_space<vmem>>, vector<1x16xf32>,
      %parallel_loop3A_456 = vector.shape_cast %parallel_loop3A_455 : vector<1x16xf32> to vector<16xf32>
      %parallel_loop3A_457 = arith.subf %parallel_loop3A_452, %parallel_loop3A_456 : vector<16xf32>
      %parallel_loop3A_458 = math.absf %parallel_loop3A_457 : vector<16xf32>
      %parallel_loop3A_459 = arith.addf %parallel_loop3A_371, %parallel_loop3A_458 : vector<16xf32>
      %parallel_loop3A_460 = arith.index_cast %parallel_loop3A_187 : i32 to index
      %parallel_loop3A_461 = arith.constant 384 : index
      %parallel_loop3A_462 = tpu.vector_load %arg5[%parallel_loop3A_460, %parallel_loop3A_461] {strides = array<i32>} : memref<32x512xf32, #tpu.memory_space<vmem>>, vector<1x16xf32>,
      %parallel_loop3A_463 = vector.shape_cast %parallel_loop3A_462 : vector<1x16xf32> to vector<16xf32>
      %parallel_loop3A_464 = arith.index_cast %parallel_loop3A_187 : i32 to index
      %parallel_loop3A_465 = arith.constant 384 : index
      %parallel_loop3A_466 = tpu.vector_load %arg8[%parallel_loop3A_464, %parallel_loop3A_465] {strides = array<i32>} : memref<32x512xf32, #tpu.memory_space<vmem>>, vector<1x16xf32>,
      %parallel_loop3A_467 = vector.shape_cast %parallel_loop3A_466 : vector<1x16xf32> to vector<16xf32>
      %parallel_loop3A_468 = arith.subf %parallel_loop3A_463, %parallel_loop3A_467 : vector<16xf32>
      %parallel_loop3A_469 = math.absf %parallel_loop3A_468 : vector<16xf32>
      %parallel_loop3A_470 = arith.addf %parallel_loop3A_382, %parallel_loop3A_469 : vector<16xf32>
      %parallel_loop3A_471 = arith.index_cast %parallel_loop3A_187 : i32 to index
      %parallel_loop3A_472 = arith.constant 400 : index
      %parallel_loop3A_473 = tpu.vector_load %arg5[%parallel_loop3A_471, %parallel_loop3A_472] {strides = array<i32>} : memref<32x512xf32, #tpu.memory_space<vmem>>, vector<1x16xf32>,
      %parallel_loop3A_474 = vector.shape_cast %parallel_loop3A_473 : vector<1x16xf32> to vector<16xf32>
      %parallel_loop3A_475 = arith.index_cast %parallel_loop3A_187 : i32 to index
      %parallel_loop3A_476 = arith.constant 400 : index
      %parallel_loop3A_477 = tpu.vector_load %arg8[%parallel_loop3A_475, %parallel_loop3A_476] {strides = array<i32>} : memref<32x512xf32, #tpu.memory_space<vmem>>, vector<1x16xf32>,
      %parallel_loop3A_478 = vector.shape_cast %parallel_loop3A_477 : vector<1x16xf32> to vector<16xf32>
      %parallel_loop3A_479 = arith.subf %parallel_loop3A_474, %parallel_loop3A_478 : vector<16xf32>
      %parallel_loop3A_480 = math.absf %parallel_loop3A_479 : vector<16xf32>
      %parallel_loop3A_481 = arith.addf %parallel_loop3A_393, %parallel_loop3A_480 : vector<16xf32>
      %parallel_loop3A_482 = arith.index_cast %parallel_loop3A_187 : i32 to index
      %parallel_loop3A_483 = arith.constant 416 : index
      %parallel_loop3A_484 = tpu.vector_load %arg5[%parallel_loop3A_482, %parallel_loop3A_483] {strides = array<i32>} : memref<32x512xf32, #tpu.memory_space<vmem>>, vector<1x16xf32>,
      %parallel_loop3A_485 = vector.shape_cast %parallel_loop3A_484 : vector<1x16xf32> to vector<16xf32>
      %parallel_loop3A_486 = arith.index_cast %parallel_loop3A_187 : i32 to index
      %parallel_loop3A_487 = arith.constant 416 : index
      %parallel_loop3A_488 = tpu.vector_load %arg8[%parallel_loop3A_486, %parallel_loop3A_487] {strides = array<i32>} : memref<32x512xf32, #tpu.memory_space<vmem>>, vector<1x16xf32>,
      %parallel_loop3A_489 = vector.shape_cast %parallel_loop3A_488 : vector<1x16xf32> to vector<16xf32>
      %parallel_loop3A_490 = arith.subf %parallel_loop3A_485, %parallel_loop3A_489 : vector<16xf32>
      %parallel_loop3A_491 = math.absf %parallel_loop3A_490 : vector<16xf32>
      %parallel_loop3A_492 = arith.addf %parallel_loop3A_404, %parallel_loop3A_491 : vector<16xf32>
      %parallel_loop3A_493 = arith.index_cast %parallel_loop3A_187 : i32 to index
      %parallel_loop3A_494 = arith.constant 432 : index
      %parallel_loop3A_495 = tpu.vector_load %arg5[%parallel_loop3A_493, %parallel_loop3A_494] {strides = array<i32>} : memref<32x512xf32, #tpu.memory_space<vmem>>, vector<1x16xf32>,
      %parallel_loop3A_496 = vector.shape_cast %parallel_loop3A_495 : vector<1x16xf32> to vector<16xf32>
      %parallel_loop3A_497 = arith.index_cast %parallel_loop3A_187 : i32 to index
      %parallel_loop3A_498 = arith.constant 432 : index
      %parallel_loop3A_499 = tpu.vector_load %arg8[%parallel_loop3A_497, %parallel_loop3A_498] {strides = array<i32>} : memref<32x512xf32, #tpu.memory_space<vmem>>, vector<1x16xf32>,
      %parallel_loop3A_500 = vector.shape_cast %parallel_loop3A_499 : vector<1x16xf32> to vector<16xf32>
      %parallel_loop3A_501 = arith.subf %parallel_loop3A_496, %parallel_loop3A_500 : vector<16xf32>
      %parallel_loop3A_502 = math.absf %parallel_loop3A_501 : vector<16xf32>
      %parallel_loop3A_503 = arith.addf %parallel_loop3A_415, %parallel_loop3A_502 : vector<16xf32>
      %parallel_loop3A_504 = arith.index_cast %parallel_loop3A_187 : i32 to index
      %parallel_loop3A_505 = arith.constant 448 : index
      %parallel_loop3A_506 = tpu.vector_load %arg5[%parallel_loop3A_504, %parallel_loop3A_505] {strides = array<i32>} : memref<32x512xf32, #tpu.memory_space<vmem>>, vector<1x16xf32>,
      %parallel_loop3A_507 = vector.shape_cast %parallel_loop3A_506 : vector<1x16xf32> to vector<16xf32>
      %parallel_loop3A_508 = arith.index_cast %parallel_loop3A_187 : i32 to index
      %parallel_loop3A_509 = arith.constant 448 : index
      %parallel_loop3A_510 = tpu.vector_load %arg8[%parallel_loop3A_508, %parallel_loop3A_509] {strides = array<i32>} : memref<32x512xf32, #tpu.memory_space<vmem>>, vector<1x16xf32>,
      %parallel_loop3A_511 = vector.shape_cast %parallel_loop3A_510 : vector<1x16xf32> to vector<16xf32>
      %parallel_loop3A_512 = arith.subf %parallel_loop3A_507, %parallel_loop3A_511 : vector<16xf32>
      %parallel_loop3A_513 = math.absf %parallel_loop3A_512 : vector<16xf32>
      %parallel_loop3A_514 = arith.addf %parallel_loop3A_426, %parallel_loop3A_513 : vector<16xf32>
      %parallel_loop3A_515 = arith.index_cast %parallel_loop3A_187 : i32 to index
      %parallel_loop3A_516 = arith.constant 464 : index
      %parallel_loop3A_517 = tpu.vector_load %arg5[%parallel_loop3A_515, %parallel_loop3A_516] {strides = array<i32>} : memref<32x512xf32, #tpu.memory_space<vmem>>, vector<1x16xf32>,
      %parallel_loop3A_518 = vector.shape_cast %parallel_loop3A_517 : vector<1x16xf32> to vector<16xf32>
      %parallel_loop3A_519 = arith.index_cast %parallel_loop3A_187 : i32 to index
      %parallel_loop3A_520 = arith.constant 464 : index
      %parallel_loop3A_521 = tpu.vector_load %arg8[%parallel_loop3A_519, %parallel_loop3A_520] {strides = array<i32>} : memref<32x512xf32, #tpu.memory_space<vmem>>, vector<1x16xf32>,
      %parallel_loop3A_522 = vector.shape_cast %parallel_loop3A_521 : vector<1x16xf32> to vector<16xf32>
      %parallel_loop3A_523 = arith.subf %parallel_loop3A_518, %parallel_loop3A_522 : vector<16xf32>
      %parallel_loop3A_524 = math.absf %parallel_loop3A_523 : vector<16xf32>
      %parallel_loop3A_525 = arith.addf %parallel_loop3A_437, %parallel_loop3A_524 : vector<16xf32>
      %parallel_loop3A_526 = arith.index_cast %parallel_loop3A_187 : i32 to index
      %parallel_loop3A_527 = arith.constant 480 : index
      %parallel_loop3A_528 = tpu.vector_load %arg5[%parallel_loop3A_526, %parallel_loop3A_527] {strides = array<i32>} : memref<32x512xf32, #tpu.memory_space<vmem>>, vector<1x16xf32>,
      %parallel_loop3A_529 = vector.shape_cast %parallel_loop3A_528 : vector<1x16xf32> to vector<16xf32>
      %parallel_loop3A_530 = arith.index_cast %parallel_loop3A_187 : i32 to index
      %parallel_loop3A_531 = arith.constant 480 : index
      %parallel_loop3A_532 = tpu.vector_load %arg8[%parallel_loop3A_530, %parallel_loop3A_531] {strides = array<i32>} : memref<32x512xf32, #tpu.memory_space<vmem>>, vector<1x16xf32>,
      %parallel_loop3A_533 = vector.shape_cast %parallel_loop3A_532 : vector<1x16xf32> to vector<16xf32>
      %parallel_loop3A_534 = arith.subf %parallel_loop3A_529, %parallel_loop3A_533 : vector<16xf32>
      %parallel_loop3A_535 = math.absf %parallel_loop3A_534 : vector<16xf32>
      %parallel_loop3A_536 = arith.addf %parallel_loop3A_448, %parallel_loop3A_535 : vector<16xf32>
      %parallel_loop3A_537 = arith.index_cast %parallel_loop3A_187 : i32 to index
      %parallel_loop3A_538 = arith.constant 496 : index
      %parallel_loop3A_539 = tpu.vector_load %arg5[%parallel_loop3A_537, %parallel_loop3A_538] {strides = array<i32>} : memref<32x512xf32, #tpu.memory_space<vmem>>, vector<1x16xf32>,
      %parallel_loop3A_540 = vector.shape_cast %parallel_loop3A_539 : vector<1x16xf32> to vector<16xf32>
      %parallel_loop3A_541 = arith.index_cast %parallel_loop3A_187 : i32 to index
      %parallel_loop3A_542 = arith.constant 496 : index
      %parallel_loop3A_543 = tpu.vector_load %arg8[%parallel_loop3A_541, %parallel_loop3A_542] {strides = array<i32>} : memref<32x512xf32, #tpu.memory_space<vmem>>, vector<1x16xf32>,
      %parallel_loop3A_544 = vector.shape_cast %parallel_loop3A_543 : vector<1x16xf32> to vector<16xf32>
      %parallel_loop3A_545 = arith.subf %parallel_loop3A_540, %parallel_loop3A_544 : vector<16xf32>
      %parallel_loop3A_546 = math.absf %parallel_loop3A_545 : vector<16xf32>
      %parallel_loop3A_547 = arith.addf %parallel_loop3A_459, %parallel_loop3A_546 : vector<16xf32>
      scf.yield %parallel_loop3A_470, %parallel_loop3A_481, %parallel_loop3A_492, %parallel_loop3A_503, %parallel_loop3A_514, %parallel_loop3A_525, %parallel_loop3A_536, %parallel_loop3A_547 : vector<16xf32>, vector<16xf32>, vector<16xf32>, vector<16xf32>, vector<16xf32>, vector<16xf32>, vector<16xf32>, vector<16xf32>
    } {sc.loop_unroll_factor = 2 : i64, sc.parallel_access}
    %add3A_109 = arith.constant 192 : i32
    %add3A_110 = arith.addi %mul3A_2, %add3A_109 : i32
    %dma_start3A_111 = arith.constant 0 : i32
    %dma_start3A_112 = tpu.memref_slice %arg2[%add3A_110, %dma_start3A_111] : memref<24576x512xf32, #tpu.memory_space<hbm>> -> memref<32x512xf32, #tpu.memory_space<hbm>>
    %dma_start3A_113 = arith.constant 0 : i32
    %dma_start3A_114 = tpu.memref_slice %arg2[%add3A_110, %dma_start3A_113] : memref<24576x512xf32, #tpu.memory_space<hbm>> -> memref<32x512xf32, #tpu.memory_space<hbm>>
    tpu.enqueue_dma source(%dma_start3A_114 : memref<32x512xf32, #tpu.memory_space<hbm>>) target(%arg5 : memref<32x512xf32, #tpu.memory_space<vmem>>) target_semaphore(%arg12 : memref<!tpu.dma_semaphore, #tpu.memory_space<semaphore_mem>>)
    %dma_start3A_115 = arith.constant 0 : i32
    %dma_start3A_116 = tpu.memref_slice %arg3[%add3A_110, %dma_start3A_115] : memref<24576x512xf32, #tpu.memory_space<hbm>> -> memref<32x512xf32, #tpu.memory_space<hbm>>
    %dma_start3A_117 = arith.constant 0 : i32
    %dma_start3A_118 = tpu.memref_slice %arg3[%add3A_110, %dma_start3A_117] : memref<24576x512xf32, #tpu.memory_space<hbm>> -> memref<32x512xf32, #tpu.memory_space<hbm>>
    tpu.enqueue_dma source(%dma_start3A_118 : memref<32x512xf32, #tpu.memory_space<hbm>>) target(%arg8 : memref<32x512xf32, #tpu.memory_space<vmem>>) target_semaphore(%arg15 : memref<!tpu.dma_semaphore, #tpu.memory_space<semaphore_mem>>)
    %dma_wait3A_119 = arith.constant 0 : i32
    %dma_wait3A_120 = tpu.memref_slice %arg2[%add3A_66, %dma_wait3A_119] : memref<24576x512xf32, #tpu.memory_space<hbm>> -> memref<32x512xf32, #tpu.memory_space<hbm>>
    %dma_wait3A_121 = arith.constant 0 : i32
    %dma_wait3A_122 = tpu.memref_slice %arg2[%add3A_66, %dma_wait3A_121] : memref<24576x512xf32, #tpu.memory_space<hbm>> -> memref<32x512xf32, #tpu.memory_space<hbm>>
    tpu.wait_dma2 semaphore(%arg13 : memref<!tpu.dma_semaphore, #tpu.memory_space<semaphore_mem>>) src(%dma_wait3A_122 : memref<32x512xf32, #tpu.memory_space<hbm>>) dst(%arg6 : memref<32x512xf32, #tpu.memory_space<vmem>>)
    %dma_wait3A_123 = arith.constant 0 : i32
    %dma_wait3A_124 = tpu.memref_slice %arg3[%add3A_66, %dma_wait3A_123] : memref<24576x512xf32, #tpu.memory_space<hbm>> -> memref<32x512xf32, #tpu.memory_space<hbm>>
    %dma_wait3A_125 = arith.constant 0 : i32
    %dma_wait3A_126 = tpu.memref_slice %arg3[%add3A_66, %dma_wait3A_125] : memref<24576x512xf32, #tpu.memory_space<hbm>> -> memref<32x512xf32, #tpu.memory_space<hbm>>
    tpu.wait_dma2 semaphore(%arg16 : memref<!tpu.dma_semaphore, #tpu.memory_space<semaphore_mem>>) src(%dma_wait3A_126 : memref<32x512xf32, #tpu.memory_space<hbm>>) dst(%arg9 : memref<32x512xf32, #tpu.memory_space<vmem>>)
    %parallel_loop3A_127 = arith.constant 0 : i32
    %parallel_loop3A_128 = arith.constant 32 : i32
    %parallel_loop3A_129 = arith.constant 1 : i32
    %parallel_loop3A_130:8 = scf.for %parallel_loop3A_187 = %parallel_loop3A_127 to %parallel_loop3A_128 step %parallel_loop3A_129 iter_args(%parallel_loop3A_188 = %parallel_loop3A_108#0, %parallel_loop3A_189 = %parallel_loop3A_108#1, %parallel_loop3A_190 = %parallel_loop3A_108#2, %parallel_loop3A_191 = %parallel_loop3A_108#3, %parallel_loop3A_192 = %parallel_loop3A_108#4, %parallel_loop3A_193 = %parallel_loop3A_108#5, %parallel_loop3A_194 = %parallel_loop3A_108#6, %parallel_loop3A_195 = %parallel_loop3A_108#7) -> (vector<16xf32>, vector<16xf32>, vector<16xf32>, vector<16xf32>, vector<16xf32>, vector<16xf32>, vector<16xf32>, vector<16xf32>)  : i32 {
      %parallel_loop3A_196 = arith.index_cast %parallel_loop3A_187 : i32 to index
      %parallel_loop3A_197 = arith.constant 0 : index
      %parallel_loop3A_198 = tpu.vector_load %arg6[%parallel_loop3A_196, %parallel_loop3A_197] {strides = array<i32>} : memref<32x512xf32, #tpu.memory_space<vmem>>, vector<1x16xf32>,
      %parallel_loop3A_199 = vector.shape_cast %parallel_loop3A_198 : vector<1x16xf32> to vector<16xf32>
      %parallel_loop3A_200 = arith.index_cast %parallel_loop3A_187 : i32 to index
      %parallel_loop3A_201 = arith.constant 0 : index
      %parallel_loop3A_202 = tpu.vector_load %arg9[%parallel_loop3A_200, %parallel_loop3A_201] {strides = array<i32>} : memref<32x512xf32, #tpu.memory_space<vmem>>, vector<1x16xf32>,
      %parallel_loop3A_203 = vector.shape_cast %parallel_loop3A_202 : vector<1x16xf32> to vector<16xf32>
      %parallel_loop3A_204 = arith.subf %parallel_loop3A_199, %parallel_loop3A_203 : vector<16xf32>
      %parallel_loop3A_205 = math.absf %parallel_loop3A_204 : vector<16xf32>
      %parallel_loop3A_206 = arith.addf %parallel_loop3A_188, %parallel_loop3A_205 : vector<16xf32>
      %parallel_loop3A_207 = arith.index_cast %parallel_loop3A_187 : i32 to index
      %parallel_loop3A_208 = arith.constant 16 : index
      %parallel_loop3A_209 = tpu.vector_load %arg6[%parallel_loop3A_207, %parallel_loop3A_208] {strides = array<i32>} : memref<32x512xf32, #tpu.memory_space<vmem>>, vector<1x16xf32>,
      %parallel_loop3A_210 = vector.shape_cast %parallel_loop3A_209 : vector<1x16xf32> to vector<16xf32>
      %parallel_loop3A_211 = arith.index_cast %parallel_loop3A_187 : i32 to index
      %parallel_loop3A_212 = arith.constant 16 : index
      %parallel_loop3A_213 = tpu.vector_load %arg9[%parallel_loop3A_211, %parallel_loop3A_212] {strides = array<i32>} : memref<32x512xf32, #tpu.memory_space<vmem>>, vector<1x16xf32>,
      %parallel_loop3A_214 = vector.shape_cast %parallel_loop3A_213 : vector<1x16xf32> to vector<16xf32>
      %parallel_loop3A_215 = arith.subf %parallel_loop3A_210, %parallel_loop3A_214 : vector<16xf32>
      %parallel_loop3A_216 = math.absf %parallel_loop3A_215 : vector<16xf32>
      %parallel_loop3A_217 = arith.addf %parallel_loop3A_189, %parallel_loop3A_216 : vector<16xf32>
      %parallel_loop3A_218 = arith.index_cast %parallel_loop3A_187 : i32 to index
      %parallel_loop3A_219 = arith.constant 32 : index
      %parallel_loop3A_220 = tpu.vector_load %arg6[%parallel_loop3A_218, %parallel_loop3A_219] {strides = array<i32>} : memref<32x512xf32, #tpu.memory_space<vmem>>, vector<1x16xf32>,
      %parallel_loop3A_221 = vector.shape_cast %parallel_loop3A_220 : vector<1x16xf32> to vector<16xf32>
      %parallel_loop3A_222 = arith.index_cast %parallel_loop3A_187 : i32 to index
      %parallel_loop3A_223 = arith.constant 32 : index
      %parallel_loop3A_224 = tpu.vector_load %arg9[%parallel_loop3A_222, %parallel_loop3A_223] {strides = array<i32>} : memref<32x512xf32, #tpu.memory_space<vmem>>, vector<1x16xf32>,
      %parallel_loop3A_225 = vector.shape_cast %parallel_loop3A_224 : vector<1x16xf32> to vector<16xf32>
      %parallel_loop3A_226 = arith.subf %parallel_loop3A_221, %parallel_loop3A_225 : vector<16xf32>
      %parallel_loop3A_227 = math.absf %parallel_loop3A_226 : vector<16xf32>
      %parallel_loop3A_228 = arith.addf %parallel_loop3A_190, %parallel_loop3A_227 : vector<16xf32>
      %parallel_loop3A_229 = arith.index_cast %parallel_loop3A_187 : i32 to index
      %parallel_loop3A_230 = arith.constant 48 : index
      %parallel_loop3A_231 = tpu.vector_load %arg6[%parallel_loop3A_229, %parallel_loop3A_230] {strides = array<i32>} : memref<32x512xf32, #tpu.memory_space<vmem>>, vector<1x16xf32>,
      %parallel_loop3A_232 = vector.shape_cast %parallel_loop3A_231 : vector<1x16xf32> to vector<16xf32>
      %parallel_loop3A_233 = arith.index_cast %parallel_loop3A_187 : i32 to index
      %parallel_loop3A_234 = arith.constant 48 : index
      %parallel_loop3A_235 = tpu.vector_load %arg9[%parallel_loop3A_233, %parallel_loop3A_234] {strides = array<i32>} : memref<32x512xf32, #tpu.memory_space<vmem>>, vector<1x16xf32>,
      %parallel_loop3A_236 = vector.shape_cast %parallel_loop3A_235 : vector<1x16xf32> to vector<16xf32>
      %parallel_loop3A_237 = arith.subf %parallel_loop3A_232, %parallel_loop3A_236 : vector<16xf32>
      %parallel_loop3A_238 = math.absf %parallel_loop3A_237 : vector<16xf32>
      %parallel_loop3A_239 = arith.addf %parallel_loop3A_191, %parallel_loop3A_238 : vector<16xf32>
      %parallel_loop3A_240 = arith.index_cast %parallel_loop3A_187 : i32 to index
      %parallel_loop3A_241 = arith.constant 64 : index
      %parallel_loop3A_242 = tpu.vector_load %arg6[%parallel_loop3A_240, %parallel_loop3A_241] {strides = array<i32>} : memref<32x512xf32, #tpu.memory_space<vmem>>, vector<1x16xf32>,
      %parallel_loop3A_243 = vector.shape_cast %parallel_loop3A_242 : vector<1x16xf32> to vector<16xf32>
      %parallel_loop3A_244 = arith.index_cast %parallel_loop3A_187 : i32 to index
      %parallel_loop3A_245 = arith.constant 64 : index
      %parallel_loop3A_246 = tpu.vector_load %arg9[%parallel_loop3A_244, %parallel_loop3A_245] {strides = array<i32>} : memref<32x512xf32, #tpu.memory_space<vmem>>, vector<1x16xf32>,
      %parallel_loop3A_247 = vector.shape_cast %parallel_loop3A_246 : vector<1x16xf32> to vector<16xf32>
      %parallel_loop3A_248 = arith.subf %parallel_loop3A_243, %parallel_loop3A_247 : vector<16xf32>
      %parallel_loop3A_249 = math.absf %parallel_loop3A_248 : vector<16xf32>
      %parallel_loop3A_250 = arith.addf %parallel_loop3A_192, %parallel_loop3A_249 : vector<16xf32>
      %parallel_loop3A_251 = arith.index_cast %parallel_loop3A_187 : i32 to index
      %parallel_loop3A_252 = arith.constant 80 : index
      %parallel_loop3A_253 = tpu.vector_load %arg6[%parallel_loop3A_251, %parallel_loop3A_252] {strides = array<i32>} : memref<32x512xf32, #tpu.memory_space<vmem>>, vector<1x16xf32>,
      %parallel_loop3A_254 = vector.shape_cast %parallel_loop3A_253 : vector<1x16xf32> to vector<16xf32>
      %parallel_loop3A_255 = arith.index_cast %parallel_loop3A_187 : i32 to index
      %parallel_loop3A_256 = arith.constant 80 : index
      %parallel_loop3A_257 = tpu.vector_load %arg9[%parallel_loop3A_255, %parallel_loop3A_256] {strides = array<i32>} : memref<32x512xf32, #tpu.memory_space<vmem>>, vector<1x16xf32>,
      %parallel_loop3A_258 = vector.shape_cast %parallel_loop3A_257 : vector<1x16xf32> to vector<16xf32>
      %parallel_loop3A_259 = arith.subf %parallel_loop3A_254, %parallel_loop3A_258 : vector<16xf32>
      %parallel_loop3A_260 = math.absf %parallel_loop3A_259 : vector<16xf32>
      %parallel_loop3A_261 = arith.addf %parallel_loop3A_193, %parallel_loop3A_260 : vector<16xf32>
      %parallel_loop3A_262 = arith.index_cast %parallel_loop3A_187 : i32 to index
      %parallel_loop3A_263 = arith.constant 96 : index
      %parallel_loop3A_264 = tpu.vector_load %arg6[%parallel_loop3A_262, %parallel_loop3A_263] {strides = array<i32>} : memref<32x512xf32, #tpu.memory_space<vmem>>, vector<1x16xf32>,
      %parallel_loop3A_265 = vector.shape_cast %parallel_loop3A_264 : vector<1x16xf32> to vector<16xf32>
      %parallel_loop3A_266 = arith.index_cast %parallel_loop3A_187 : i32 to index
      %parallel_loop3A_267 = arith.constant 96 : index
      %parallel_loop3A_268 = tpu.vector_load %arg9[%parallel_loop3A_266, %parallel_loop3A_267] {strides = array<i32>} : memref<32x512xf32, #tpu.memory_space<vmem>>, vector<1x16xf32>,
      %parallel_loop3A_269 = vector.shape_cast %parallel_loop3A_268 : vector<1x16xf32> to vector<16xf32>
      %parallel_loop3A_270 = arith.subf %parallel_loop3A_265, %parallel_loop3A_269 : vector<16xf32>
      %parallel_loop3A_271 = math.absf %parallel_loop3A_270 : vector<16xf32>
      %parallel_loop3A_272 = arith.addf %parallel_loop3A_194, %parallel_loop3A_271 : vector<16xf32>
      %parallel_loop3A_273 = arith.index_cast %parallel_loop3A_187 : i32 to index
      %parallel_loop3A_274 = arith.constant 112 : index
      %parallel_loop3A_275 = tpu.vector_load %arg6[%parallel_loop3A_273, %parallel_loop3A_274] {strides = array<i32>} : memref<32x512xf32, #tpu.memory_space<vmem>>, vector<1x16xf32>,
      %parallel_loop3A_276 = vector.shape_cast %parallel_loop3A_275 : vector<1x16xf32> to vector<16xf32>
      %parallel_loop3A_277 = arith.index_cast %parallel_loop3A_187 : i32 to index
      %parallel_loop3A_278 = arith.constant 112 : index
      %parallel_loop3A_279 = tpu.vector_load %arg9[%parallel_loop3A_277, %parallel_loop3A_278] {strides = array<i32>} : memref<32x512xf32, #tpu.memory_space<vmem>>, vector<1x16xf32>,
      %parallel_loop3A_280 = vector.shape_cast %parallel_loop3A_279 : vector<1x16xf32> to vector<16xf32>
      %parallel_loop3A_281 = arith.subf %parallel_loop3A_276, %parallel_loop3A_280 : vector<16xf32>
      %parallel_loop3A_282 = math.absf %parallel_loop3A_281 : vector<16xf32>
      %parallel_loop3A_283 = arith.addf %parallel_loop3A_195, %parallel_loop3A_282 : vector<16xf32>
      %parallel_loop3A_284 = arith.index_cast %parallel_loop3A_187 : i32 to index
      %parallel_loop3A_285 = arith.constant 128 : index
      %parallel_loop3A_286 = tpu.vector_load %arg6[%parallel_loop3A_284, %parallel_loop3A_285] {strides = array<i32>} : memref<32x512xf32, #tpu.memory_space<vmem>>, vector<1x16xf32>,
      %parallel_loop3A_287 = vector.shape_cast %parallel_loop3A_286 : vector<1x16xf32> to vector<16xf32>
      %parallel_loop3A_288 = arith.index_cast %parallel_loop3A_187 : i32 to index
      %parallel_loop3A_289 = arith.constant 128 : index
      %parallel_loop3A_290 = tpu.vector_load %arg9[%parallel_loop3A_288, %parallel_loop3A_289] {strides = array<i32>} : memref<32x512xf32, #tpu.memory_space<vmem>>, vector<1x16xf32>,
      %parallel_loop3A_291 = vector.shape_cast %parallel_loop3A_290 : vector<1x16xf32> to vector<16xf32>
      %parallel_loop3A_292 = arith.subf %parallel_loop3A_287, %parallel_loop3A_291 : vector<16xf32>
      %parallel_loop3A_293 = math.absf %parallel_loop3A_292 : vector<16xf32>
      %parallel_loop3A_294 = arith.addf %parallel_loop3A_206, %parallel_loop3A_293 : vector<16xf32>
      %parallel_loop3A_295 = arith.index_cast %parallel_loop3A_187 : i32 to index
      %parallel_loop3A_296 = arith.constant 144 : index
      %parallel_loop3A_297 = tpu.vector_load %arg6[%parallel_loop3A_295, %parallel_loop3A_296] {strides = array<i32>} : memref<32x512xf32, #tpu.memory_space<vmem>>, vector<1x16xf32>,
      %parallel_loop3A_298 = vector.shape_cast %parallel_loop3A_297 : vector<1x16xf32> to vector<16xf32>
      %parallel_loop3A_299 = arith.index_cast %parallel_loop3A_187 : i32 to index
      %parallel_loop3A_300 = arith.constant 144 : index
      %parallel_loop3A_301 = tpu.vector_load %arg9[%parallel_loop3A_299, %parallel_loop3A_300] {strides = array<i32>} : memref<32x512xf32, #tpu.memory_space<vmem>>, vector<1x16xf32>,
      %parallel_loop3A_302 = vector.shape_cast %parallel_loop3A_301 : vector<1x16xf32> to vector<16xf32>
      %parallel_loop3A_303 = arith.subf %parallel_loop3A_298, %parallel_loop3A_302 : vector<16xf32>
      %parallel_loop3A_304 = math.absf %parallel_loop3A_303 : vector<16xf32>
      %parallel_loop3A_305 = arith.addf %parallel_loop3A_217, %parallel_loop3A_304 : vector<16xf32>
      %parallel_loop3A_306 = arith.index_cast %parallel_loop3A_187 : i32 to index
      %parallel_loop3A_307 = arith.constant 160 : index
      %parallel_loop3A_308 = tpu.vector_load %arg6[%parallel_loop3A_306, %parallel_loop3A_307] {strides = array<i32>} : memref<32x512xf32, #tpu.memory_space<vmem>>, vector<1x16xf32>,
      %parallel_loop3A_309 = vector.shape_cast %parallel_loop3A_308 : vector<1x16xf32> to vector<16xf32>
      %parallel_loop3A_310 = arith.index_cast %parallel_loop3A_187 : i32 to index
      %parallel_loop3A_311 = arith.constant 160 : index
      %parallel_loop3A_312 = tpu.vector_load %arg9[%parallel_loop3A_310, %parallel_loop3A_311] {strides = array<i32>} : memref<32x512xf32, #tpu.memory_space<vmem>>, vector<1x16xf32>,
      %parallel_loop3A_313 = vector.shape_cast %parallel_loop3A_312 : vector<1x16xf32> to vector<16xf32>
      %parallel_loop3A_314 = arith.subf %parallel_loop3A_309, %parallel_loop3A_313 : vector<16xf32>
      %parallel_loop3A_315 = math.absf %parallel_loop3A_314 : vector<16xf32>
      %parallel_loop3A_316 = arith.addf %parallel_loop3A_228, %parallel_loop3A_315 : vector<16xf32>
      %parallel_loop3A_317 = arith.index_cast %parallel_loop3A_187 : i32 to index
      %parallel_loop3A_318 = arith.constant 176 : index
      %parallel_loop3A_319 = tpu.vector_load %arg6[%parallel_loop3A_317, %parallel_loop3A_318] {strides = array<i32>} : memref<32x512xf32, #tpu.memory_space<vmem>>, vector<1x16xf32>,
      %parallel_loop3A_320 = vector.shape_cast %parallel_loop3A_319 : vector<1x16xf32> to vector<16xf32>
      %parallel_loop3A_321 = arith.index_cast %parallel_loop3A_187 : i32 to index
      %parallel_loop3A_322 = arith.constant 176 : index
      %parallel_loop3A_323 = tpu.vector_load %arg9[%parallel_loop3A_321, %parallel_loop3A_322] {strides = array<i32>} : memref<32x512xf32, #tpu.memory_space<vmem>>, vector<1x16xf32>,
      %parallel_loop3A_324 = vector.shape_cast %parallel_loop3A_323 : vector<1x16xf32> to vector<16xf32>
      %parallel_loop3A_325 = arith.subf %parallel_loop3A_320, %parallel_loop3A_324 : vector<16xf32>
      %parallel_loop3A_326 = math.absf %parallel_loop3A_325 : vector<16xf32>
      %parallel_loop3A_327 = arith.addf %parallel_loop3A_239, %parallel_loop3A_326 : vector<16xf32>
      %parallel_loop3A_328 = arith.index_cast %parallel_loop3A_187 : i32 to index
      %parallel_loop3A_329 = arith.constant 192 : index
      %parallel_loop3A_330 = tpu.vector_load %arg6[%parallel_loop3A_328, %parallel_loop3A_329] {strides = array<i32>} : memref<32x512xf32, #tpu.memory_space<vmem>>, vector<1x16xf32>,
      %parallel_loop3A_331 = vector.shape_cast %parallel_loop3A_330 : vector<1x16xf32> to vector<16xf32>
      %parallel_loop3A_332 = arith.index_cast %parallel_loop3A_187 : i32 to index
      %parallel_loop3A_333 = arith.constant 192 : index
      %parallel_loop3A_334 = tpu.vector_load %arg9[%parallel_loop3A_332, %parallel_loop3A_333] {strides = array<i32>} : memref<32x512xf32, #tpu.memory_space<vmem>>, vector<1x16xf32>,
      %parallel_loop3A_335 = vector.shape_cast %parallel_loop3A_334 : vector<1x16xf32> to vector<16xf32>
      %parallel_loop3A_336 = arith.subf %parallel_loop3A_331, %parallel_loop3A_335 : vector<16xf32>
      %parallel_loop3A_337 = math.absf %parallel_loop3A_336 : vector<16xf32>
      %parallel_loop3A_338 = arith.addf %parallel_loop3A_250, %parallel_loop3A_337 : vector<16xf32>
      %parallel_loop3A_339 = arith.index_cast %parallel_loop3A_187 : i32 to index
      %parallel_loop3A_340 = arith.constant 208 : index
      %parallel_loop3A_341 = tpu.vector_load %arg6[%parallel_loop3A_339, %parallel_loop3A_340] {strides = array<i32>} : memref<32x512xf32, #tpu.memory_space<vmem>>, vector<1x16xf32>,
      %parallel_loop3A_342 = vector.shape_cast %parallel_loop3A_341 : vector<1x16xf32> to vector<16xf32>
      %parallel_loop3A_343 = arith.index_cast %parallel_loop3A_187 : i32 to index
      %parallel_loop3A_344 = arith.constant 208 : index
      %parallel_loop3A_345 = tpu.vector_load %arg9[%parallel_loop3A_343, %parallel_loop3A_344] {strides = array<i32>} : memref<32x512xf32, #tpu.memory_space<vmem>>, vector<1x16xf32>,
      %parallel_loop3A_346 = vector.shape_cast %parallel_loop3A_345 : vector<1x16xf32> to vector<16xf32>
      %parallel_loop3A_347 = arith.subf %parallel_loop3A_342, %parallel_loop3A_346 : vector<16xf32>
      %parallel_loop3A_348 = math.absf %parallel_loop3A_347 : vector<16xf32>
      %parallel_loop3A_349 = arith.addf %parallel_loop3A_261, %parallel_loop3A_348 : vector<16xf32>
      %parallel_loop3A_350 = arith.index_cast %parallel_loop3A_187 : i32 to index
      %parallel_loop3A_351 = arith.constant 224 : index
      %parallel_loop3A_352 = tpu.vector_load %arg6[%parallel_loop3A_350, %parallel_loop3A_351] {strides = array<i32>} : memref<32x512xf32, #tpu.memory_space<vmem>>, vector<1x16xf32>,
      %parallel_loop3A_353 = vector.shape_cast %parallel_loop3A_352 : vector<1x16xf32> to vector<16xf32>
      %parallel_loop3A_354 = arith.index_cast %parallel_loop3A_187 : i32 to index
      %parallel_loop3A_355 = arith.constant 224 : index
      %parallel_loop3A_356 = tpu.vector_load %arg9[%parallel_loop3A_354, %parallel_loop3A_355] {strides = array<i32>} : memref<32x512xf32, #tpu.memory_space<vmem>>, vector<1x16xf32>,
      %parallel_loop3A_357 = vector.shape_cast %parallel_loop3A_356 : vector<1x16xf32> to vector<16xf32>
      %parallel_loop3A_358 = arith.subf %parallel_loop3A_353, %parallel_loop3A_357 : vector<16xf32>
      %parallel_loop3A_359 = math.absf %parallel_loop3A_358 : vector<16xf32>
      %parallel_loop3A_360 = arith.addf %parallel_loop3A_272, %parallel_loop3A_359 : vector<16xf32>
      %parallel_loop3A_361 = arith.index_cast %parallel_loop3A_187 : i32 to index
      %parallel_loop3A_362 = arith.constant 240 : index
      %parallel_loop3A_363 = tpu.vector_load %arg6[%parallel_loop3A_361, %parallel_loop3A_362] {strides = array<i32>} : memref<32x512xf32, #tpu.memory_space<vmem>>, vector<1x16xf32>,
      %parallel_loop3A_364 = vector.shape_cast %parallel_loop3A_363 : vector<1x16xf32> to vector<16xf32>
      %parallel_loop3A_365 = arith.index_cast %parallel_loop3A_187 : i32 to index
      %parallel_loop3A_366 = arith.constant 240 : index
      %parallel_loop3A_367 = tpu.vector_load %arg9[%parallel_loop3A_365, %parallel_loop3A_366] {strides = array<i32>} : memref<32x512xf32, #tpu.memory_space<vmem>>, vector<1x16xf32>,
      %parallel_loop3A_368 = vector.shape_cast %parallel_loop3A_367 : vector<1x16xf32> to vector<16xf32>
      %parallel_loop3A_369 = arith.subf %parallel_loop3A_364, %parallel_loop3A_368 : vector<16xf32>
      %parallel_loop3A_370 = math.absf %parallel_loop3A_369 : vector<16xf32>
      %parallel_loop3A_371 = arith.addf %parallel_loop3A_283, %parallel_loop3A_370 : vector<16xf32>
      %parallel_loop3A_372 = arith.index_cast %parallel_loop3A_187 : i32 to index
      %parallel_loop3A_373 = arith.constant 256 : index
      %parallel_loop3A_374 = tpu.vector_load %arg6[%parallel_loop3A_372, %parallel_loop3A_373] {strides = array<i32>} : memref<32x512xf32, #tpu.memory_space<vmem>>, vector<1x16xf32>,
      %parallel_loop3A_375 = vector.shape_cast %parallel_loop3A_374 : vector<1x16xf32> to vector<16xf32>
      %parallel_loop3A_376 = arith.index_cast %parallel_loop3A_187 : i32 to index
      %parallel_loop3A_377 = arith.constant 256 : index
      %parallel_loop3A_378 = tpu.vector_load %arg9[%parallel_loop3A_376, %parallel_loop3A_377] {strides = array<i32>} : memref<32x512xf32, #tpu.memory_space<vmem>>, vector<1x16xf32>,
      %parallel_loop3A_379 = vector.shape_cast %parallel_loop3A_378 : vector<1x16xf32> to vector<16xf32>
      %parallel_loop3A_380 = arith.subf %parallel_loop3A_375, %parallel_loop3A_379 : vector<16xf32>
      %parallel_loop3A_381 = math.absf %parallel_loop3A_380 : vector<16xf32>
      %parallel_loop3A_382 = arith.addf %parallel_loop3A_294, %parallel_loop3A_381 : vector<16xf32>
      %parallel_loop3A_383 = arith.index_cast %parallel_loop3A_187 : i32 to index
      %parallel_loop3A_384 = arith.constant 272 : index
      %parallel_loop3A_385 = tpu.vector_load %arg6[%parallel_loop3A_383, %parallel_loop3A_384] {strides = array<i32>} : memref<32x512xf32, #tpu.memory_space<vmem>>, vector<1x16xf32>,
      %parallel_loop3A_386 = vector.shape_cast %parallel_loop3A_385 : vector<1x16xf32> to vector<16xf32>
      %parallel_loop3A_387 = arith.index_cast %parallel_loop3A_187 : i32 to index
      %parallel_loop3A_388 = arith.constant 272 : index
      %parallel_loop3A_389 = tpu.vector_load %arg9[%parallel_loop3A_387, %parallel_loop3A_388] {strides = array<i32>} : memref<32x512xf32, #tpu.memory_space<vmem>>, vector<1x16xf32>,
      %parallel_loop3A_390 = vector.shape_cast %parallel_loop3A_389 : vector<1x16xf32> to vector<16xf32>
      %parallel_loop3A_391 = arith.subf %parallel_loop3A_386, %parallel_loop3A_390 : vector<16xf32>
      %parallel_loop3A_392 = math.absf %parallel_loop3A_391 : vector<16xf32>
      %parallel_loop3A_393 = arith.addf %parallel_loop3A_305, %parallel_loop3A_392 : vector<16xf32>
      %parallel_loop3A_394 = arith.index_cast %parallel_loop3A_187 : i32 to index
      %parallel_loop3A_395 = arith.constant 288 : index
      %parallel_loop3A_396 = tpu.vector_load %arg6[%parallel_loop3A_394, %parallel_loop3A_395] {strides = array<i32>} : memref<32x512xf32, #tpu.memory_space<vmem>>, vector<1x16xf32>,
      %parallel_loop3A_397 = vector.shape_cast %parallel_loop3A_396 : vector<1x16xf32> to vector<16xf32>
      %parallel_loop3A_398 = arith.index_cast %parallel_loop3A_187 : i32 to index
      %parallel_loop3A_399 = arith.constant 288 : index
      %parallel_loop3A_400 = tpu.vector_load %arg9[%parallel_loop3A_398, %parallel_loop3A_399] {strides = array<i32>} : memref<32x512xf32, #tpu.memory_space<vmem>>, vector<1x16xf32>,
      %parallel_loop3A_401 = vector.shape_cast %parallel_loop3A_400 : vector<1x16xf32> to vector<16xf32>
      %parallel_loop3A_402 = arith.subf %parallel_loop3A_397, %parallel_loop3A_401 : vector<16xf32>
      %parallel_loop3A_403 = math.absf %parallel_loop3A_402 : vector<16xf32>
      %parallel_loop3A_404 = arith.addf %parallel_loop3A_316, %parallel_loop3A_403 : vector<16xf32>
      %parallel_loop3A_405 = arith.index_cast %parallel_loop3A_187 : i32 to index
      %parallel_loop3A_406 = arith.constant 304 : index
      %parallel_loop3A_407 = tpu.vector_load %arg6[%parallel_loop3A_405, %parallel_loop3A_406] {strides = array<i32>} : memref<32x512xf32, #tpu.memory_space<vmem>>, vector<1x16xf32>,
      %parallel_loop3A_408 = vector.shape_cast %parallel_loop3A_407 : vector<1x16xf32> to vector<16xf32>
      %parallel_loop3A_409 = arith.index_cast %parallel_loop3A_187 : i32 to index
      %parallel_loop3A_410 = arith.constant 304 : index
      %parallel_loop3A_411 = tpu.vector_load %arg9[%parallel_loop3A_409, %parallel_loop3A_410] {strides = array<i32>} : memref<32x512xf32, #tpu.memory_space<vmem>>, vector<1x16xf32>,
      %parallel_loop3A_412 = vector.shape_cast %parallel_loop3A_411 : vector<1x16xf32> to vector<16xf32>
      %parallel_loop3A_413 = arith.subf %parallel_loop3A_408, %parallel_loop3A_412 : vector<16xf32>
      %parallel_loop3A_414 = math.absf %parallel_loop3A_413 : vector<16xf32>
      %parallel_loop3A_415 = arith.addf %parallel_loop3A_327, %parallel_loop3A_414 : vector<16xf32>
      %parallel_loop3A_416 = arith.index_cast %parallel_loop3A_187 : i32 to index
      %parallel_loop3A_417 = arith.constant 320 : index
      %parallel_loop3A_418 = tpu.vector_load %arg6[%parallel_loop3A_416, %parallel_loop3A_417] {strides = array<i32>} : memref<32x512xf32, #tpu.memory_space<vmem>>, vector<1x16xf32>,
      %parallel_loop3A_419 = vector.shape_cast %parallel_loop3A_418 : vector<1x16xf32> to vector<16xf32>
      %parallel_loop3A_420 = arith.index_cast %parallel_loop3A_187 : i32 to index
      %parallel_loop3A_421 = arith.constant 320 : index
      %parallel_loop3A_422 = tpu.vector_load %arg9[%parallel_loop3A_420, %parallel_loop3A_421] {strides = array<i32>} : memref<32x512xf32, #tpu.memory_space<vmem>>, vector<1x16xf32>,
      %parallel_loop3A_423 = vector.shape_cast %parallel_loop3A_422 : vector<1x16xf32> to vector<16xf32>
      %parallel_loop3A_424 = arith.subf %parallel_loop3A_419, %parallel_loop3A_423 : vector<16xf32>
      %parallel_loop3A_425 = math.absf %parallel_loop3A_424 : vector<16xf32>
      %parallel_loop3A_426 = arith.addf %parallel_loop3A_338, %parallel_loop3A_425 : vector<16xf32>
      %parallel_loop3A_427 = arith.index_cast %parallel_loop3A_187 : i32 to index
      %parallel_loop3A_428 = arith.constant 336 : index
      %parallel_loop3A_429 = tpu.vector_load %arg6[%parallel_loop3A_427, %parallel_loop3A_428] {strides = array<i32>} : memref<32x512xf32, #tpu.memory_space<vmem>>, vector<1x16xf32>,
      %parallel_loop3A_430 = vector.shape_cast %parallel_loop3A_429 : vector<1x16xf32> to vector<16xf32>
      %parallel_loop3A_431 = arith.index_cast %parallel_loop3A_187 : i32 to index
      %parallel_loop3A_432 = arith.constant 336 : index
      %parallel_loop3A_433 = tpu.vector_load %arg9[%parallel_loop3A_431, %parallel_loop3A_432] {strides = array<i32>} : memref<32x512xf32, #tpu.memory_space<vmem>>, vector<1x16xf32>,
      %parallel_loop3A_434 = vector.shape_cast %parallel_loop3A_433 : vector<1x16xf32> to vector<16xf32>
      %parallel_loop3A_435 = arith.subf %parallel_loop3A_430, %parallel_loop3A_434 : vector<16xf32>
      %parallel_loop3A_436 = math.absf %parallel_loop3A_435 : vector<16xf32>
      %parallel_loop3A_437 = arith.addf %parallel_loop3A_349, %parallel_loop3A_436 : vector<16xf32>
      %parallel_loop3A_438 = arith.index_cast %parallel_loop3A_187 : i32 to index
      %parallel_loop3A_439 = arith.constant 352 : index
      %parallel_loop3A_440 = tpu.vector_load %arg6[%parallel_loop3A_438, %parallel_loop3A_439] {strides = array<i32>} : memref<32x512xf32, #tpu.memory_space<vmem>>, vector<1x16xf32>,
      %parallel_loop3A_441 = vector.shape_cast %parallel_loop3A_440 : vector<1x16xf32> to vector<16xf32>
      %parallel_loop3A_442 = arith.index_cast %parallel_loop3A_187 : i32 to index
      %parallel_loop3A_443 = arith.constant 352 : index
      %parallel_loop3A_444 = tpu.vector_load %arg9[%parallel_loop3A_442, %parallel_loop3A_443] {strides = array<i32>} : memref<32x512xf32, #tpu.memory_space<vmem>>, vector<1x16xf32>,
      %parallel_loop3A_445 = vector.shape_cast %parallel_loop3A_444 : vector<1x16xf32> to vector<16xf32>
      %parallel_loop3A_446 = arith.subf %parallel_loop3A_441, %parallel_loop3A_445 : vector<16xf32>
      %parallel_loop3A_447 = math.absf %parallel_loop3A_446 : vector<16xf32>
      %parallel_loop3A_448 = arith.addf %parallel_loop3A_360, %parallel_loop3A_447 : vector<16xf32>
      %parallel_loop3A_449 = arith.index_cast %parallel_loop3A_187 : i32 to index
      %parallel_loop3A_450 = arith.constant 368 : index
      %parallel_loop3A_451 = tpu.vector_load %arg6[%parallel_loop3A_449, %parallel_loop3A_450] {strides = array<i32>} : memref<32x512xf32, #tpu.memory_space<vmem>>, vector<1x16xf32>,
      %parallel_loop3A_452 = vector.shape_cast %parallel_loop3A_451 : vector<1x16xf32> to vector<16xf32>
      %parallel_loop3A_453 = arith.index_cast %parallel_loop3A_187 : i32 to index
      %parallel_loop3A_454 = arith.constant 368 : index
      %parallel_loop3A_455 = tpu.vector_load %arg9[%parallel_loop3A_453, %parallel_loop3A_454] {strides = array<i32>} : memref<32x512xf32, #tpu.memory_space<vmem>>, vector<1x16xf32>,
      %parallel_loop3A_456 = vector.shape_cast %parallel_loop3A_455 : vector<1x16xf32> to vector<16xf32>
      %parallel_loop3A_457 = arith.subf %parallel_loop3A_452, %parallel_loop3A_456 : vector<16xf32>
      %parallel_loop3A_458 = math.absf %parallel_loop3A_457 : vector<16xf32>
      %parallel_loop3A_459 = arith.addf %parallel_loop3A_371, %parallel_loop3A_458 : vector<16xf32>
      %parallel_loop3A_460 = arith.index_cast %parallel_loop3A_187 : i32 to index
      %parallel_loop3A_461 = arith.constant 384 : index
      %parallel_loop3A_462 = tpu.vector_load %arg6[%parallel_loop3A_460, %parallel_loop3A_461] {strides = array<i32>} : memref<32x512xf32, #tpu.memory_space<vmem>>, vector<1x16xf32>,
      %parallel_loop3A_463 = vector.shape_cast %parallel_loop3A_462 : vector<1x16xf32> to vector<16xf32>
      %parallel_loop3A_464 = arith.index_cast %parallel_loop3A_187 : i32 to index
      %parallel_loop3A_465 = arith.constant 384 : index
      %parallel_loop3A_466 = tpu.vector_load %arg9[%parallel_loop3A_464, %parallel_loop3A_465] {strides = array<i32>} : memref<32x512xf32, #tpu.memory_space<vmem>>, vector<1x16xf32>,
      %parallel_loop3A_467 = vector.shape_cast %parallel_loop3A_466 : vector<1x16xf32> to vector<16xf32>
      %parallel_loop3A_468 = arith.subf %parallel_loop3A_463, %parallel_loop3A_467 : vector<16xf32>
      %parallel_loop3A_469 = math.absf %parallel_loop3A_468 : vector<16xf32>
      %parallel_loop3A_470 = arith.addf %parallel_loop3A_382, %parallel_loop3A_469 : vector<16xf32>
      %parallel_loop3A_471 = arith.index_cast %parallel_loop3A_187 : i32 to index
      %parallel_loop3A_472 = arith.constant 400 : index
      %parallel_loop3A_473 = tpu.vector_load %arg6[%parallel_loop3A_471, %parallel_loop3A_472] {strides = array<i32>} : memref<32x512xf32, #tpu.memory_space<vmem>>, vector<1x16xf32>,
      %parallel_loop3A_474 = vector.shape_cast %parallel_loop3A_473 : vector<1x16xf32> to vector<16xf32>
      %parallel_loop3A_475 = arith.index_cast %parallel_loop3A_187 : i32 to index
      %parallel_loop3A_476 = arith.constant 400 : index
      %parallel_loop3A_477 = tpu.vector_load %arg9[%parallel_loop3A_475, %parallel_loop3A_476] {strides = array<i32>} : memref<32x512xf32, #tpu.memory_space<vmem>>, vector<1x16xf32>,
      %parallel_loop3A_478 = vector.shape_cast %parallel_loop3A_477 : vector<1x16xf32> to vector<16xf32>
      %parallel_loop3A_479 = arith.subf %parallel_loop3A_474, %parallel_loop3A_478 : vector<16xf32>
      %parallel_loop3A_480 = math.absf %parallel_loop3A_479 : vector<16xf32>
      %parallel_loop3A_481 = arith.addf %parallel_loop3A_393, %parallel_loop3A_480 : vector<16xf32>
      %parallel_loop3A_482 = arith.index_cast %parallel_loop3A_187 : i32 to index
      %parallel_loop3A_483 = arith.constant 416 : index
      %parallel_loop3A_484 = tpu.vector_load %arg6[%parallel_loop3A_482, %parallel_loop3A_483] {strides = array<i32>} : memref<32x512xf32, #tpu.memory_space<vmem>>, vector<1x16xf32>,
      %parallel_loop3A_485 = vector.shape_cast %parallel_loop3A_484 : vector<1x16xf32> to vector<16xf32>
      %parallel_loop3A_486 = arith.index_cast %parallel_loop3A_187 : i32 to index
      %parallel_loop3A_487 = arith.constant 416 : index
      %parallel_loop3A_488 = tpu.vector_load %arg9[%parallel_loop3A_486, %parallel_loop3A_487] {strides = array<i32>} : memref<32x512xf32, #tpu.memory_space<vmem>>, vector<1x16xf32>,
      %parallel_loop3A_489 = vector.shape_cast %parallel_loop3A_488 : vector<1x16xf32> to vector<16xf32>
      %parallel_loop3A_490 = arith.subf %parallel_loop3A_485, %parallel_loop3A_489 : vector<16xf32>
      %parallel_loop3A_491 = math.absf %parallel_loop3A_490 : vector<16xf32>
      %parallel_loop3A_492 = arith.addf %parallel_loop3A_404, %parallel_loop3A_491 : vector<16xf32>
      %parallel_loop3A_493 = arith.index_cast %parallel_loop3A_187 : i32 to index
      %parallel_loop3A_494 = arith.constant 432 : index
      %parallel_loop3A_495 = tpu.vector_load %arg6[%parallel_loop3A_493, %parallel_loop3A_494] {strides = array<i32>} : memref<32x512xf32, #tpu.memory_space<vmem>>, vector<1x16xf32>,
      %parallel_loop3A_496 = vector.shape_cast %parallel_loop3A_495 : vector<1x16xf32> to vector<16xf32>
      %parallel_loop3A_497 = arith.index_cast %parallel_loop3A_187 : i32 to index
      %parallel_loop3A_498 = arith.constant 432 : index
      %parallel_loop3A_499 = tpu.vector_load %arg9[%parallel_loop3A_497, %parallel_loop3A_498] {strides = array<i32>} : memref<32x512xf32, #tpu.memory_space<vmem>>, vector<1x16xf32>,
      %parallel_loop3A_500 = vector.shape_cast %parallel_loop3A_499 : vector<1x16xf32> to vector<16xf32>
      %parallel_loop3A_501 = arith.subf %parallel_loop3A_496, %parallel_loop3A_500 : vector<16xf32>
      %parallel_loop3A_502 = math.absf %parallel_loop3A_501 : vector<16xf32>
      %parallel_loop3A_503 = arith.addf %parallel_loop3A_415, %parallel_loop3A_502 : vector<16xf32>
      %parallel_loop3A_504 = arith.index_cast %parallel_loop3A_187 : i32 to index
      %parallel_loop3A_505 = arith.constant 448 : index
      %parallel_loop3A_506 = tpu.vector_load %arg6[%parallel_loop3A_504, %parallel_loop3A_505] {strides = array<i32>} : memref<32x512xf32, #tpu.memory_space<vmem>>, vector<1x16xf32>,
      %parallel_loop3A_507 = vector.shape_cast %parallel_loop3A_506 : vector<1x16xf32> to vector<16xf32>
      %parallel_loop3A_508 = arith.index_cast %parallel_loop3A_187 : i32 to index
      %parallel_loop3A_509 = arith.constant 448 : index
      %parallel_loop3A_510 = tpu.vector_load %arg9[%parallel_loop3A_508, %parallel_loop3A_509] {strides = array<i32>} : memref<32x512xf32, #tpu.memory_space<vmem>>, vector<1x16xf32>,
      %parallel_loop3A_511 = vector.shape_cast %parallel_loop3A_510 : vector<1x16xf32> to vector<16xf32>
      %parallel_loop3A_512 = arith.subf %parallel_loop3A_507, %parallel_loop3A_511 : vector<16xf32>
      %parallel_loop3A_513 = math.absf %parallel_loop3A_512 : vector<16xf32>
      %parallel_loop3A_514 = arith.addf %parallel_loop3A_426, %parallel_loop3A_513 : vector<16xf32>
      %parallel_loop3A_515 = arith.index_cast %parallel_loop3A_187 : i32 to index
      %parallel_loop3A_516 = arith.constant 464 : index
      %parallel_loop3A_517 = tpu.vector_load %arg6[%parallel_loop3A_515, %parallel_loop3A_516] {strides = array<i32>} : memref<32x512xf32, #tpu.memory_space<vmem>>, vector<1x16xf32>,
      %parallel_loop3A_518 = vector.shape_cast %parallel_loop3A_517 : vector<1x16xf32> to vector<16xf32>
      %parallel_loop3A_519 = arith.index_cast %parallel_loop3A_187 : i32 to index
      %parallel_loop3A_520 = arith.constant 464 : index
      %parallel_loop3A_521 = tpu.vector_load %arg9[%parallel_loop3A_519, %parallel_loop3A_520] {strides = array<i32>} : memref<32x512xf32, #tpu.memory_space<vmem>>, vector<1x16xf32>,
      %parallel_loop3A_522 = vector.shape_cast %parallel_loop3A_521 : vector<1x16xf32> to vector<16xf32>
      %parallel_loop3A_523 = arith.subf %parallel_loop3A_518, %parallel_loop3A_522 : vector<16xf32>
      %parallel_loop3A_524 = math.absf %parallel_loop3A_523 : vector<16xf32>
      %parallel_loop3A_525 = arith.addf %parallel_loop3A_437, %parallel_loop3A_524 : vector<16xf32>
      %parallel_loop3A_526 = arith.index_cast %parallel_loop3A_187 : i32 to index
      %parallel_loop3A_527 = arith.constant 480 : index
      %parallel_loop3A_528 = tpu.vector_load %arg6[%parallel_loop3A_526, %parallel_loop3A_527] {strides = array<i32>} : memref<32x512xf32, #tpu.memory_space<vmem>>, vector<1x16xf32>,
      %parallel_loop3A_529 = vector.shape_cast %parallel_loop3A_528 : vector<1x16xf32> to vector<16xf32>
      %parallel_loop3A_530 = arith.index_cast %parallel_loop3A_187 : i32 to index
      %parallel_loop3A_531 = arith.constant 480 : index
      %parallel_loop3A_532 = tpu.vector_load %arg9[%parallel_loop3A_530, %parallel_loop3A_531] {strides = array<i32>} : memref<32x512xf32, #tpu.memory_space<vmem>>, vector<1x16xf32>,
      %parallel_loop3A_533 = vector.shape_cast %parallel_loop3A_532 : vector<1x16xf32> to vector<16xf32>
      %parallel_loop3A_534 = arith.subf %parallel_loop3A_529, %parallel_loop3A_533 : vector<16xf32>
      %parallel_loop3A_535 = math.absf %parallel_loop3A_534 : vector<16xf32>
      %parallel_loop3A_536 = arith.addf %parallel_loop3A_448, %parallel_loop3A_535 : vector<16xf32>
      %parallel_loop3A_537 = arith.index_cast %parallel_loop3A_187 : i32 to index
      %parallel_loop3A_538 = arith.constant 496 : index
      %parallel_loop3A_539 = tpu.vector_load %arg6[%parallel_loop3A_537, %parallel_loop3A_538] {strides = array<i32>} : memref<32x512xf32, #tpu.memory_space<vmem>>, vector<1x16xf32>,
      %parallel_loop3A_540 = vector.shape_cast %parallel_loop3A_539 : vector<1x16xf32> to vector<16xf32>
      %parallel_loop3A_541 = arith.index_cast %parallel_loop3A_187 : i32 to index
      %parallel_loop3A_542 = arith.constant 496 : index
      %parallel_loop3A_543 = tpu.vector_load %arg9[%parallel_loop3A_541, %parallel_loop3A_542] {strides = array<i32>} : memref<32x512xf32, #tpu.memory_space<vmem>>, vector<1x16xf32>,
      %parallel_loop3A_544 = vector.shape_cast %parallel_loop3A_543 : vector<1x16xf32> to vector<16xf32>
      %parallel_loop3A_545 = arith.subf %parallel_loop3A_540, %parallel_loop3A_544 : vector<16xf32>
      %parallel_loop3A_546 = math.absf %parallel_loop3A_545 : vector<16xf32>
      %parallel_loop3A_547 = arith.addf %parallel_loop3A_459, %parallel_loop3A_546 : vector<16xf32>
      scf.yield %parallel_loop3A_470, %parallel_loop3A_481, %parallel_loop3A_492, %parallel_loop3A_503, %parallel_loop3A_514, %parallel_loop3A_525, %parallel_loop3A_536, %parallel_loop3A_547 : vector<16xf32>, vector<16xf32>, vector<16xf32>, vector<16xf32>, vector<16xf32>, vector<16xf32>, vector<16xf32>, vector<16xf32>
    } {sc.loop_unroll_factor = 2 : i64, sc.parallel_access}
    %add3A_131 = arith.constant 224 : i32
    %add3A_132 = arith.addi %mul3A_2, %add3A_131 : i32
    %dma_start3A_133 = arith.constant 0 : i32
    %dma_start3A_134 = tpu.memref_slice %arg2[%add3A_132, %dma_start3A_133] : memref<24576x512xf32, #tpu.memory_space<hbm>> -> memref<32x512xf32, #tpu.memory_space<hbm>>
    %dma_start3A_135 = arith.constant 0 : i32
    %dma_start3A_136 = tpu.memref_slice %arg2[%add3A_132, %dma_start3A_135] : memref<24576x512xf32, #tpu.memory_space<hbm>> -> memref<32x512xf32, #tpu.memory_space<hbm>>
    tpu.enqueue_dma source(%dma_start3A_136 : memref<32x512xf32, #tpu.memory_space<hbm>>) target(%arg6 : memref<32x512xf32, #tpu.memory_space<vmem>>) target_semaphore(%arg13 : memref<!tpu.dma_semaphore, #tpu.memory_space<semaphore_mem>>)
    %dma_start3A_137 = arith.constant 0 : i32
    %dma_start3A_138 = tpu.memref_slice %arg3[%add3A_132, %dma_start3A_137] : memref<24576x512xf32, #tpu.memory_space<hbm>> -> memref<32x512xf32, #tpu.memory_space<hbm>>
    %dma_start3A_139 = arith.constant 0 : i32
    %dma_start3A_140 = tpu.memref_slice %arg3[%add3A_132, %dma_start3A_139] : memref<24576x512xf32, #tpu.memory_space<hbm>> -> memref<32x512xf32, #tpu.memory_space<hbm>>
    tpu.enqueue_dma source(%dma_start3A_140 : memref<32x512xf32, #tpu.memory_space<hbm>>) target(%arg9 : memref<32x512xf32, #tpu.memory_space<vmem>>) target_semaphore(%arg16 : memref<!tpu.dma_semaphore, #tpu.memory_space<semaphore_mem>>)
    %dma_wait3A_141 = arith.constant 0 : i32
    %dma_wait3A_142 = tpu.memref_slice %arg2[%add3A_88, %dma_wait3A_141] : memref<24576x512xf32, #tpu.memory_space<hbm>> -> memref<32x512xf32, #tpu.memory_space<hbm>>
    %dma_wait3A_143 = arith.constant 0 : i32
    %dma_wait3A_144 = tpu.memref_slice %arg2[%add3A_88, %dma_wait3A_143] : memref<24576x512xf32, #tpu.memory_space<hbm>> -> memref<32x512xf32, #tpu.memory_space<hbm>>
    tpu.wait_dma2 semaphore(%arg14 : memref<!tpu.dma_semaphore, #tpu.memory_space<semaphore_mem>>) src(%dma_wait3A_144 : memref<32x512xf32, #tpu.memory_space<hbm>>) dst(%arg7 : memref<32x512xf32, #tpu.memory_space<vmem>>)
    %dma_wait3A_145 = arith.constant 0 : i32
    %dma_wait3A_146 = tpu.memref_slice %arg3[%add3A_88, %dma_wait3A_145] : memref<24576x512xf32, #tpu.memory_space<hbm>> -> memref<32x512xf32, #tpu.memory_space<hbm>>
    %dma_wait3A_147 = arith.constant 0 : i32
    %dma_wait3A_148 = tpu.memref_slice %arg3[%add3A_88, %dma_wait3A_147] : memref<24576x512xf32, #tpu.memory_space<hbm>> -> memref<32x512xf32, #tpu.memory_space<hbm>>
    tpu.wait_dma2 semaphore(%arg17 : memref<!tpu.dma_semaphore, #tpu.memory_space<semaphore_mem>>) src(%dma_wait3A_148 : memref<32x512xf32, #tpu.memory_space<hbm>>) dst(%arg10 : memref<32x512xf32, #tpu.memory_space<vmem>>)
    %parallel_loop3A_149 = arith.constant 0 : i32
    %parallel_loop3A_150 = arith.constant 32 : i32
    %parallel_loop3A_151 = arith.constant 1 : i32
    %parallel_loop3A_152:8 = scf.for %parallel_loop3A_187 = %parallel_loop3A_149 to %parallel_loop3A_150 step %parallel_loop3A_151 iter_args(%parallel_loop3A_188 = %parallel_loop3A_130#0, %parallel_loop3A_189 = %parallel_loop3A_130#1, %parallel_loop3A_190 = %parallel_loop3A_130#2, %parallel_loop3A_191 = %parallel_loop3A_130#3, %parallel_loop3A_192 = %parallel_loop3A_130#4, %parallel_loop3A_193 = %parallel_loop3A_130#5, %parallel_loop3A_194 = %parallel_loop3A_130#6, %parallel_loop3A_195 = %parallel_loop3A_130#7) -> (vector<16xf32>, vector<16xf32>, vector<16xf32>, vector<16xf32>, vector<16xf32>, vector<16xf32>, vector<16xf32>, vector<16xf32>)  : i32 {
      %parallel_loop3A_196 = arith.index_cast %parallel_loop3A_187 : i32 to index
      %parallel_loop3A_197 = arith.constant 0 : index
      %parallel_loop3A_198 = tpu.vector_load %arg7[%parallel_loop3A_196, %parallel_loop3A_197] {strides = array<i32>} : memref<32x512xf32, #tpu.memory_space<vmem>>, vector<1x16xf32>,
      %parallel_loop3A_199 = vector.shape_cast %parallel_loop3A_198 : vector<1x16xf32> to vector<16xf32>
      %parallel_loop3A_200 = arith.index_cast %parallel_loop3A_187 : i32 to index
      %parallel_loop3A_201 = arith.constant 0 : index
      %parallel_loop3A_202 = tpu.vector_load %arg10[%parallel_loop3A_200, %parallel_loop3A_201] {strides = array<i32>} : memref<32x512xf32, #tpu.memory_space<vmem>>, vector<1x16xf32>,
      %parallel_loop3A_203 = vector.shape_cast %parallel_loop3A_202 : vector<1x16xf32> to vector<16xf32>
      %parallel_loop3A_204 = arith.subf %parallel_loop3A_199, %parallel_loop3A_203 : vector<16xf32>
      %parallel_loop3A_205 = math.absf %parallel_loop3A_204 : vector<16xf32>
      %parallel_loop3A_206 = arith.addf %parallel_loop3A_188, %parallel_loop3A_205 : vector<16xf32>
      %parallel_loop3A_207 = arith.index_cast %parallel_loop3A_187 : i32 to index
      %parallel_loop3A_208 = arith.constant 16 : index
      %parallel_loop3A_209 = tpu.vector_load %arg7[%parallel_loop3A_207, %parallel_loop3A_208] {strides = array<i32>} : memref<32x512xf32, #tpu.memory_space<vmem>>, vector<1x16xf32>,
      %parallel_loop3A_210 = vector.shape_cast %parallel_loop3A_209 : vector<1x16xf32> to vector<16xf32>
      %parallel_loop3A_211 = arith.index_cast %parallel_loop3A_187 : i32 to index
      %parallel_loop3A_212 = arith.constant 16 : index
      %parallel_loop3A_213 = tpu.vector_load %arg10[%parallel_loop3A_211, %parallel_loop3A_212] {strides = array<i32>} : memref<32x512xf32, #tpu.memory_space<vmem>>, vector<1x16xf32>,
      %parallel_loop3A_214 = vector.shape_cast %parallel_loop3A_213 : vector<1x16xf32> to vector<16xf32>
      %parallel_loop3A_215 = arith.subf %parallel_loop3A_210, %parallel_loop3A_214 : vector<16xf32>
      %parallel_loop3A_216 = math.absf %parallel_loop3A_215 : vector<16xf32>
      %parallel_loop3A_217 = arith.addf %parallel_loop3A_189, %parallel_loop3A_216 : vector<16xf32>
      %parallel_loop3A_218 = arith.index_cast %parallel_loop3A_187 : i32 to index
      %parallel_loop3A_219 = arith.constant 32 : index
      %parallel_loop3A_220 = tpu.vector_load %arg7[%parallel_loop3A_218, %parallel_loop3A_219] {strides = array<i32>} : memref<32x512xf32, #tpu.memory_space<vmem>>, vector<1x16xf32>,
      %parallel_loop3A_221 = vector.shape_cast %parallel_loop3A_220 : vector<1x16xf32> to vector<16xf32>
      %parallel_loop3A_222 = arith.index_cast %parallel_loop3A_187 : i32 to index
      %parallel_loop3A_223 = arith.constant 32 : index
      %parallel_loop3A_224 = tpu.vector_load %arg10[%parallel_loop3A_222, %parallel_loop3A_223] {strides = array<i32>} : memref<32x512xf32, #tpu.memory_space<vmem>>, vector<1x16xf32>,
      %parallel_loop3A_225 = vector.shape_cast %parallel_loop3A_224 : vector<1x16xf32> to vector<16xf32>
      %parallel_loop3A_226 = arith.subf %parallel_loop3A_221, %parallel_loop3A_225 : vector<16xf32>
      %parallel_loop3A_227 = math.absf %parallel_loop3A_226 : vector<16xf32>
      %parallel_loop3A_228 = arith.addf %parallel_loop3A_190, %parallel_loop3A_227 : vector<16xf32>
      %parallel_loop3A_229 = arith.index_cast %parallel_loop3A_187 : i32 to index
      %parallel_loop3A_230 = arith.constant 48 : index
      %parallel_loop3A_231 = tpu.vector_load %arg7[%parallel_loop3A_229, %parallel_loop3A_230] {strides = array<i32>} : memref<32x512xf32, #tpu.memory_space<vmem>>, vector<1x16xf32>,
      %parallel_loop3A_232 = vector.shape_cast %parallel_loop3A_231 : vector<1x16xf32> to vector<16xf32>
      %parallel_loop3A_233 = arith.index_cast %parallel_loop3A_187 : i32 to index
      %parallel_loop3A_234 = arith.constant 48 : index
      %parallel_loop3A_235 = tpu.vector_load %arg10[%parallel_loop3A_233, %parallel_loop3A_234] {strides = array<i32>} : memref<32x512xf32, #tpu.memory_space<vmem>>, vector<1x16xf32>,
      %parallel_loop3A_236 = vector.shape_cast %parallel_loop3A_235 : vector<1x16xf32> to vector<16xf32>
      %parallel_loop3A_237 = arith.subf %parallel_loop3A_232, %parallel_loop3A_236 : vector<16xf32>
      %parallel_loop3A_238 = math.absf %parallel_loop3A_237 : vector<16xf32>
      %parallel_loop3A_239 = arith.addf %parallel_loop3A_191, %parallel_loop3A_238 : vector<16xf32>
      %parallel_loop3A_240 = arith.index_cast %parallel_loop3A_187 : i32 to index
      %parallel_loop3A_241 = arith.constant 64 : index
      %parallel_loop3A_242 = tpu.vector_load %arg7[%parallel_loop3A_240, %parallel_loop3A_241] {strides = array<i32>} : memref<32x512xf32, #tpu.memory_space<vmem>>, vector<1x16xf32>,
      %parallel_loop3A_243 = vector.shape_cast %parallel_loop3A_242 : vector<1x16xf32> to vector<16xf32>
      %parallel_loop3A_244 = arith.index_cast %parallel_loop3A_187 : i32 to index
      %parallel_loop3A_245 = arith.constant 64 : index
      %parallel_loop3A_246 = tpu.vector_load %arg10[%parallel_loop3A_244, %parallel_loop3A_245] {strides = array<i32>} : memref<32x512xf32, #tpu.memory_space<vmem>>, vector<1x16xf32>,
      %parallel_loop3A_247 = vector.shape_cast %parallel_loop3A_246 : vector<1x16xf32> to vector<16xf32>
      %parallel_loop3A_248 = arith.subf %parallel_loop3A_243, %parallel_loop3A_247 : vector<16xf32>
      %parallel_loop3A_249 = math.absf %parallel_loop3A_248 : vector<16xf32>
      %parallel_loop3A_250 = arith.addf %parallel_loop3A_192, %parallel_loop3A_249 : vector<16xf32>
      %parallel_loop3A_251 = arith.index_cast %parallel_loop3A_187 : i32 to index
      %parallel_loop3A_252 = arith.constant 80 : index
      %parallel_loop3A_253 = tpu.vector_load %arg7[%parallel_loop3A_251, %parallel_loop3A_252] {strides = array<i32>} : memref<32x512xf32, #tpu.memory_space<vmem>>, vector<1x16xf32>,
      %parallel_loop3A_254 = vector.shape_cast %parallel_loop3A_253 : vector<1x16xf32> to vector<16xf32>
      %parallel_loop3A_255 = arith.index_cast %parallel_loop3A_187 : i32 to index
      %parallel_loop3A_256 = arith.constant 80 : index
      %parallel_loop3A_257 = tpu.vector_load %arg10[%parallel_loop3A_255, %parallel_loop3A_256] {strides = array<i32>} : memref<32x512xf32, #tpu.memory_space<vmem>>, vector<1x16xf32>,
      %parallel_loop3A_258 = vector.shape_cast %parallel_loop3A_257 : vector<1x16xf32> to vector<16xf32>
      %parallel_loop3A_259 = arith.subf %parallel_loop3A_254, %parallel_loop3A_258 : vector<16xf32>
      %parallel_loop3A_260 = math.absf %parallel_loop3A_259 : vector<16xf32>
      %parallel_loop3A_261 = arith.addf %parallel_loop3A_193, %parallel_loop3A_260 : vector<16xf32>
      %parallel_loop3A_262 = arith.index_cast %parallel_loop3A_187 : i32 to index
      %parallel_loop3A_263 = arith.constant 96 : index
      %parallel_loop3A_264 = tpu.vector_load %arg7[%parallel_loop3A_262, %parallel_loop3A_263] {strides = array<i32>} : memref<32x512xf32, #tpu.memory_space<vmem>>, vector<1x16xf32>,
      %parallel_loop3A_265 = vector.shape_cast %parallel_loop3A_264 : vector<1x16xf32> to vector<16xf32>
      %parallel_loop3A_266 = arith.index_cast %parallel_loop3A_187 : i32 to index
      %parallel_loop3A_267 = arith.constant 96 : index
      %parallel_loop3A_268 = tpu.vector_load %arg10[%parallel_loop3A_266, %parallel_loop3A_267] {strides = array<i32>} : memref<32x512xf32, #tpu.memory_space<vmem>>, vector<1x16xf32>,
      %parallel_loop3A_269 = vector.shape_cast %parallel_loop3A_268 : vector<1x16xf32> to vector<16xf32>
      %parallel_loop3A_270 = arith.subf %parallel_loop3A_265, %parallel_loop3A_269 : vector<16xf32>
      %parallel_loop3A_271 = math.absf %parallel_loop3A_270 : vector<16xf32>
      %parallel_loop3A_272 = arith.addf %parallel_loop3A_194, %parallel_loop3A_271 : vector<16xf32>
      %parallel_loop3A_273 = arith.index_cast %parallel_loop3A_187 : i32 to index
      %parallel_loop3A_274 = arith.constant 112 : index
      %parallel_loop3A_275 = tpu.vector_load %arg7[%parallel_loop3A_273, %parallel_loop3A_274] {strides = array<i32>} : memref<32x512xf32, #tpu.memory_space<vmem>>, vector<1x16xf32>,
      %parallel_loop3A_276 = vector.shape_cast %parallel_loop3A_275 : vector<1x16xf32> to vector<16xf32>
      %parallel_loop3A_277 = arith.index_cast %parallel_loop3A_187 : i32 to index
      %parallel_loop3A_278 = arith.constant 112 : index
      %parallel_loop3A_279 = tpu.vector_load %arg10[%parallel_loop3A_277, %parallel_loop3A_278] {strides = array<i32>} : memref<32x512xf32, #tpu.memory_space<vmem>>, vector<1x16xf32>,
      %parallel_loop3A_280 = vector.shape_cast %parallel_loop3A_279 : vector<1x16xf32> to vector<16xf32>
      %parallel_loop3A_281 = arith.subf %parallel_loop3A_276, %parallel_loop3A_280 : vector<16xf32>
      %parallel_loop3A_282 = math.absf %parallel_loop3A_281 : vector<16xf32>
      %parallel_loop3A_283 = arith.addf %parallel_loop3A_195, %parallel_loop3A_282 : vector<16xf32>
      %parallel_loop3A_284 = arith.index_cast %parallel_loop3A_187 : i32 to index
      %parallel_loop3A_285 = arith.constant 128 : index
      %parallel_loop3A_286 = tpu.vector_load %arg7[%parallel_loop3A_284, %parallel_loop3A_285] {strides = array<i32>} : memref<32x512xf32, #tpu.memory_space<vmem>>, vector<1x16xf32>,
      %parallel_loop3A_287 = vector.shape_cast %parallel_loop3A_286 : vector<1x16xf32> to vector<16xf32>
      %parallel_loop3A_288 = arith.index_cast %parallel_loop3A_187 : i32 to index
      %parallel_loop3A_289 = arith.constant 128 : index
      %parallel_loop3A_290 = tpu.vector_load %arg10[%parallel_loop3A_288, %parallel_loop3A_289] {strides = array<i32>} : memref<32x512xf32, #tpu.memory_space<vmem>>, vector<1x16xf32>,
      %parallel_loop3A_291 = vector.shape_cast %parallel_loop3A_290 : vector<1x16xf32> to vector<16xf32>
      %parallel_loop3A_292 = arith.subf %parallel_loop3A_287, %parallel_loop3A_291 : vector<16xf32>
      %parallel_loop3A_293 = math.absf %parallel_loop3A_292 : vector<16xf32>
      %parallel_loop3A_294 = arith.addf %parallel_loop3A_206, %parallel_loop3A_293 : vector<16xf32>
      %parallel_loop3A_295 = arith.index_cast %parallel_loop3A_187 : i32 to index
      %parallel_loop3A_296 = arith.constant 144 : index
      %parallel_loop3A_297 = tpu.vector_load %arg7[%parallel_loop3A_295, %parallel_loop3A_296] {strides = array<i32>} : memref<32x512xf32, #tpu.memory_space<vmem>>, vector<1x16xf32>,
      %parallel_loop3A_298 = vector.shape_cast %parallel_loop3A_297 : vector<1x16xf32> to vector<16xf32>
      %parallel_loop3A_299 = arith.index_cast %parallel_loop3A_187 : i32 to index
      %parallel_loop3A_300 = arith.constant 144 : index
      %parallel_loop3A_301 = tpu.vector_load %arg10[%parallel_loop3A_299, %parallel_loop3A_300] {strides = array<i32>} : memref<32x512xf32, #tpu.memory_space<vmem>>, vector<1x16xf32>,
      %parallel_loop3A_302 = vector.shape_cast %parallel_loop3A_301 : vector<1x16xf32> to vector<16xf32>
      %parallel_loop3A_303 = arith.subf %parallel_loop3A_298, %parallel_loop3A_302 : vector<16xf32>
      %parallel_loop3A_304 = math.absf %parallel_loop3A_303 : vector<16xf32>
      %parallel_loop3A_305 = arith.addf %parallel_loop3A_217, %parallel_loop3A_304 : vector<16xf32>
      %parallel_loop3A_306 = arith.index_cast %parallel_loop3A_187 : i32 to index
      %parallel_loop3A_307 = arith.constant 160 : index
      %parallel_loop3A_308 = tpu.vector_load %arg7[%parallel_loop3A_306, %parallel_loop3A_307] {strides = array<i32>} : memref<32x512xf32, #tpu.memory_space<vmem>>, vector<1x16xf32>,
      %parallel_loop3A_309 = vector.shape_cast %parallel_loop3A_308 : vector<1x16xf32> to vector<16xf32>
      %parallel_loop3A_310 = arith.index_cast %parallel_loop3A_187 : i32 to index
      %parallel_loop3A_311 = arith.constant 160 : index
      %parallel_loop3A_312 = tpu.vector_load %arg10[%parallel_loop3A_310, %parallel_loop3A_311] {strides = array<i32>} : memref<32x512xf32, #tpu.memory_space<vmem>>, vector<1x16xf32>,
      %parallel_loop3A_313 = vector.shape_cast %parallel_loop3A_312 : vector<1x16xf32> to vector<16xf32>
      %parallel_loop3A_314 = arith.subf %parallel_loop3A_309, %parallel_loop3A_313 : vector<16xf32>
      %parallel_loop3A_315 = math.absf %parallel_loop3A_314 : vector<16xf32>
      %parallel_loop3A_316 = arith.addf %parallel_loop3A_228, %parallel_loop3A_315 : vector<16xf32>
      %parallel_loop3A_317 = arith.index_cast %parallel_loop3A_187 : i32 to index
      %parallel_loop3A_318 = arith.constant 176 : index
      %parallel_loop3A_319 = tpu.vector_load %arg7[%parallel_loop3A_317, %parallel_loop3A_318] {strides = array<i32>} : memref<32x512xf32, #tpu.memory_space<vmem>>, vector<1x16xf32>,
      %parallel_loop3A_320 = vector.shape_cast %parallel_loop3A_319 : vector<1x16xf32> to vector<16xf32>
      %parallel_loop3A_321 = arith.index_cast %parallel_loop3A_187 : i32 to index
      %parallel_loop3A_322 = arith.constant 176 : index
      %parallel_loop3A_323 = tpu.vector_load %arg10[%parallel_loop3A_321, %parallel_loop3A_322] {strides = array<i32>} : memref<32x512xf32, #tpu.memory_space<vmem>>, vector<1x16xf32>,
      %parallel_loop3A_324 = vector.shape_cast %parallel_loop3A_323 : vector<1x16xf32> to vector<16xf32>
      %parallel_loop3A_325 = arith.subf %parallel_loop3A_320, %parallel_loop3A_324 : vector<16xf32>
      %parallel_loop3A_326 = math.absf %parallel_loop3A_325 : vector<16xf32>
      %parallel_loop3A_327 = arith.addf %parallel_loop3A_239, %parallel_loop3A_326 : vector<16xf32>
      %parallel_loop3A_328 = arith.index_cast %parallel_loop3A_187 : i32 to index
      %parallel_loop3A_329 = arith.constant 192 : index
      %parallel_loop3A_330 = tpu.vector_load %arg7[%parallel_loop3A_328, %parallel_loop3A_329] {strides = array<i32>} : memref<32x512xf32, #tpu.memory_space<vmem>>, vector<1x16xf32>,
      %parallel_loop3A_331 = vector.shape_cast %parallel_loop3A_330 : vector<1x16xf32> to vector<16xf32>
      %parallel_loop3A_332 = arith.index_cast %parallel_loop3A_187 : i32 to index
      %parallel_loop3A_333 = arith.constant 192 : index
      %parallel_loop3A_334 = tpu.vector_load %arg10[%parallel_loop3A_332, %parallel_loop3A_333] {strides = array<i32>} : memref<32x512xf32, #tpu.memory_space<vmem>>, vector<1x16xf32>,
      %parallel_loop3A_335 = vector.shape_cast %parallel_loop3A_334 : vector<1x16xf32> to vector<16xf32>
      %parallel_loop3A_336 = arith.subf %parallel_loop3A_331, %parallel_loop3A_335 : vector<16xf32>
      %parallel_loop3A_337 = math.absf %parallel_loop3A_336 : vector<16xf32>
      %parallel_loop3A_338 = arith.addf %parallel_loop3A_250, %parallel_loop3A_337 : vector<16xf32>
      %parallel_loop3A_339 = arith.index_cast %parallel_loop3A_187 : i32 to index
      %parallel_loop3A_340 = arith.constant 208 : index
      %parallel_loop3A_341 = tpu.vector_load %arg7[%parallel_loop3A_339, %parallel_loop3A_340] {strides = array<i32>} : memref<32x512xf32, #tpu.memory_space<vmem>>, vector<1x16xf32>,
      %parallel_loop3A_342 = vector.shape_cast %parallel_loop3A_341 : vector<1x16xf32> to vector<16xf32>
      %parallel_loop3A_343 = arith.index_cast %parallel_loop3A_187 : i32 to index
      %parallel_loop3A_344 = arith.constant 208 : index
      %parallel_loop3A_345 = tpu.vector_load %arg10[%parallel_loop3A_343, %parallel_loop3A_344] {strides = array<i32>} : memref<32x512xf32, #tpu.memory_space<vmem>>, vector<1x16xf32>,
      %parallel_loop3A_346 = vector.shape_cast %parallel_loop3A_345 : vector<1x16xf32> to vector<16xf32>
      %parallel_loop3A_347 = arith.subf %parallel_loop3A_342, %parallel_loop3A_346 : vector<16xf32>
      %parallel_loop3A_348 = math.absf %parallel_loop3A_347 : vector<16xf32>
      %parallel_loop3A_349 = arith.addf %parallel_loop3A_261, %parallel_loop3A_348 : vector<16xf32>
      %parallel_loop3A_350 = arith.index_cast %parallel_loop3A_187 : i32 to index
      %parallel_loop3A_351 = arith.constant 224 : index
      %parallel_loop3A_352 = tpu.vector_load %arg7[%parallel_loop3A_350, %parallel_loop3A_351] {strides = array<i32>} : memref<32x512xf32, #tpu.memory_space<vmem>>, vector<1x16xf32>,
      %parallel_loop3A_353 = vector.shape_cast %parallel_loop3A_352 : vector<1x16xf32> to vector<16xf32>
      %parallel_loop3A_354 = arith.index_cast %parallel_loop3A_187 : i32 to index
      %parallel_loop3A_355 = arith.constant 224 : index
      %parallel_loop3A_356 = tpu.vector_load %arg10[%parallel_loop3A_354, %parallel_loop3A_355] {strides = array<i32>} : memref<32x512xf32, #tpu.memory_space<vmem>>, vector<1x16xf32>,
      %parallel_loop3A_357 = vector.shape_cast %parallel_loop3A_356 : vector<1x16xf32> to vector<16xf32>
      %parallel_loop3A_358 = arith.subf %parallel_loop3A_353, %parallel_loop3A_357 : vector<16xf32>
      %parallel_loop3A_359 = math.absf %parallel_loop3A_358 : vector<16xf32>
      %parallel_loop3A_360 = arith.addf %parallel_loop3A_272, %parallel_loop3A_359 : vector<16xf32>
      %parallel_loop3A_361 = arith.index_cast %parallel_loop3A_187 : i32 to index
      %parallel_loop3A_362 = arith.constant 240 : index
      %parallel_loop3A_363 = tpu.vector_load %arg7[%parallel_loop3A_361, %parallel_loop3A_362] {strides = array<i32>} : memref<32x512xf32, #tpu.memory_space<vmem>>, vector<1x16xf32>,
      %parallel_loop3A_364 = vector.shape_cast %parallel_loop3A_363 : vector<1x16xf32> to vector<16xf32>
      %parallel_loop3A_365 = arith.index_cast %parallel_loop3A_187 : i32 to index
      %parallel_loop3A_366 = arith.constant 240 : index
      %parallel_loop3A_367 = tpu.vector_load %arg10[%parallel_loop3A_365, %parallel_loop3A_366] {strides = array<i32>} : memref<32x512xf32, #tpu.memory_space<vmem>>, vector<1x16xf32>,
      %parallel_loop3A_368 = vector.shape_cast %parallel_loop3A_367 : vector<1x16xf32> to vector<16xf32>
      %parallel_loop3A_369 = arith.subf %parallel_loop3A_364, %parallel_loop3A_368 : vector<16xf32>
      %parallel_loop3A_370 = math.absf %parallel_loop3A_369 : vector<16xf32>
      %parallel_loop3A_371 = arith.addf %parallel_loop3A_283, %parallel_loop3A_370 : vector<16xf32>
      %parallel_loop3A_372 = arith.index_cast %parallel_loop3A_187 : i32 to index
      %parallel_loop3A_373 = arith.constant 256 : index
      %parallel_loop3A_374 = tpu.vector_load %arg7[%parallel_loop3A_372, %parallel_loop3A_373] {strides = array<i32>} : memref<32x512xf32, #tpu.memory_space<vmem>>, vector<1x16xf32>,
      %parallel_loop3A_375 = vector.shape_cast %parallel_loop3A_374 : vector<1x16xf32> to vector<16xf32>
      %parallel_loop3A_376 = arith.index_cast %parallel_loop3A_187 : i32 to index
      %parallel_loop3A_377 = arith.constant 256 : index
      %parallel_loop3A_378 = tpu.vector_load %arg10[%parallel_loop3A_376, %parallel_loop3A_377] {strides = array<i32>} : memref<32x512xf32, #tpu.memory_space<vmem>>, vector<1x16xf32>,
      %parallel_loop3A_379 = vector.shape_cast %parallel_loop3A_378 : vector<1x16xf32> to vector<16xf32>
      %parallel_loop3A_380 = arith.subf %parallel_loop3A_375, %parallel_loop3A_379 : vector<16xf32>
      %parallel_loop3A_381 = math.absf %parallel_loop3A_380 : vector<16xf32>
      %parallel_loop3A_382 = arith.addf %parallel_loop3A_294, %parallel_loop3A_381 : vector<16xf32>
      %parallel_loop3A_383 = arith.index_cast %parallel_loop3A_187 : i32 to index
      %parallel_loop3A_384 = arith.constant 272 : index
      %parallel_loop3A_385 = tpu.vector_load %arg7[%parallel_loop3A_383, %parallel_loop3A_384] {strides = array<i32>} : memref<32x512xf32, #tpu.memory_space<vmem>>, vector<1x16xf32>,
      %parallel_loop3A_386 = vector.shape_cast %parallel_loop3A_385 : vector<1x16xf32> to vector<16xf32>
      %parallel_loop3A_387 = arith.index_cast %parallel_loop3A_187 : i32 to index
      %parallel_loop3A_388 = arith.constant 272 : index
      %parallel_loop3A_389 = tpu.vector_load %arg10[%parallel_loop3A_387, %parallel_loop3A_388] {strides = array<i32>} : memref<32x512xf32, #tpu.memory_space<vmem>>, vector<1x16xf32>,
      %parallel_loop3A_390 = vector.shape_cast %parallel_loop3A_389 : vector<1x16xf32> to vector<16xf32>
      %parallel_loop3A_391 = arith.subf %parallel_loop3A_386, %parallel_loop3A_390 : vector<16xf32>
      %parallel_loop3A_392 = math.absf %parallel_loop3A_391 : vector<16xf32>
      %parallel_loop3A_393 = arith.addf %parallel_loop3A_305, %parallel_loop3A_392 : vector<16xf32>
      %parallel_loop3A_394 = arith.index_cast %parallel_loop3A_187 : i32 to index
      %parallel_loop3A_395 = arith.constant 288 : index
      %parallel_loop3A_396 = tpu.vector_load %arg7[%parallel_loop3A_394, %parallel_loop3A_395] {strides = array<i32>} : memref<32x512xf32, #tpu.memory_space<vmem>>, vector<1x16xf32>,
      %parallel_loop3A_397 = vector.shape_cast %parallel_loop3A_396 : vector<1x16xf32> to vector<16xf32>
      %parallel_loop3A_398 = arith.index_cast %parallel_loop3A_187 : i32 to index
      %parallel_loop3A_399 = arith.constant 288 : index
      %parallel_loop3A_400 = tpu.vector_load %arg10[%parallel_loop3A_398, %parallel_loop3A_399] {strides = array<i32>} : memref<32x512xf32, #tpu.memory_space<vmem>>, vector<1x16xf32>,
      %parallel_loop3A_401 = vector.shape_cast %parallel_loop3A_400 : vector<1x16xf32> to vector<16xf32>
      %parallel_loop3A_402 = arith.subf %parallel_loop3A_397, %parallel_loop3A_401 : vector<16xf32>
      %parallel_loop3A_403 = math.absf %parallel_loop3A_402 : vector<16xf32>
      %parallel_loop3A_404 = arith.addf %parallel_loop3A_316, %parallel_loop3A_403 : vector<16xf32>
      %parallel_loop3A_405 = arith.index_cast %parallel_loop3A_187 : i32 to index
      %parallel_loop3A_406 = arith.constant 304 : index
      %parallel_loop3A_407 = tpu.vector_load %arg7[%parallel_loop3A_405, %parallel_loop3A_406] {strides = array<i32>} : memref<32x512xf32, #tpu.memory_space<vmem>>, vector<1x16xf32>,
      %parallel_loop3A_408 = vector.shape_cast %parallel_loop3A_407 : vector<1x16xf32> to vector<16xf32>
      %parallel_loop3A_409 = arith.index_cast %parallel_loop3A_187 : i32 to index
      %parallel_loop3A_410 = arith.constant 304 : index
      %parallel_loop3A_411 = tpu.vector_load %arg10[%parallel_loop3A_409, %parallel_loop3A_410] {strides = array<i32>} : memref<32x512xf32, #tpu.memory_space<vmem>>, vector<1x16xf32>,
      %parallel_loop3A_412 = vector.shape_cast %parallel_loop3A_411 : vector<1x16xf32> to vector<16xf32>
      %parallel_loop3A_413 = arith.subf %parallel_loop3A_408, %parallel_loop3A_412 : vector<16xf32>
      %parallel_loop3A_414 = math.absf %parallel_loop3A_413 : vector<16xf32>
      %parallel_loop3A_415 = arith.addf %parallel_loop3A_327, %parallel_loop3A_414 : vector<16xf32>
      %parallel_loop3A_416 = arith.index_cast %parallel_loop3A_187 : i32 to index
      %parallel_loop3A_417 = arith.constant 320 : index
      %parallel_loop3A_418 = tpu.vector_load %arg7[%parallel_loop3A_416, %parallel_loop3A_417] {strides = array<i32>} : memref<32x512xf32, #tpu.memory_space<vmem>>, vector<1x16xf32>,
      %parallel_loop3A_419 = vector.shape_cast %parallel_loop3A_418 : vector<1x16xf32> to vector<16xf32>
      %parallel_loop3A_420 = arith.index_cast %parallel_loop3A_187 : i32 to index
      %parallel_loop3A_421 = arith.constant 320 : index
      %parallel_loop3A_422 = tpu.vector_load %arg10[%parallel_loop3A_420, %parallel_loop3A_421] {strides = array<i32>} : memref<32x512xf32, #tpu.memory_space<vmem>>, vector<1x16xf32>,
      %parallel_loop3A_423 = vector.shape_cast %parallel_loop3A_422 : vector<1x16xf32> to vector<16xf32>
      %parallel_loop3A_424 = arith.subf %parallel_loop3A_419, %parallel_loop3A_423 : vector<16xf32>
      %parallel_loop3A_425 = math.absf %parallel_loop3A_424 : vector<16xf32>
      %parallel_loop3A_426 = arith.addf %parallel_loop3A_338, %parallel_loop3A_425 : vector<16xf32>
      %parallel_loop3A_427 = arith.index_cast %parallel_loop3A_187 : i32 to index
      %parallel_loop3A_428 = arith.constant 336 : index
      %parallel_loop3A_429 = tpu.vector_load %arg7[%parallel_loop3A_427, %parallel_loop3A_428] {strides = array<i32>} : memref<32x512xf32, #tpu.memory_space<vmem>>, vector<1x16xf32>,
      %parallel_loop3A_430 = vector.shape_cast %parallel_loop3A_429 : vector<1x16xf32> to vector<16xf32>
      %parallel_loop3A_431 = arith.index_cast %parallel_loop3A_187 : i32 to index
      %parallel_loop3A_432 = arith.constant 336 : index
      %parallel_loop3A_433 = tpu.vector_load %arg10[%parallel_loop3A_431, %parallel_loop3A_432] {strides = array<i32>} : memref<32x512xf32, #tpu.memory_space<vmem>>, vector<1x16xf32>,
      %parallel_loop3A_434 = vector.shape_cast %parallel_loop3A_433 : vector<1x16xf32> to vector<16xf32>
      %parallel_loop3A_435 = arith.subf %parallel_loop3A_430, %parallel_loop3A_434 : vector<16xf32>
      %parallel_loop3A_436 = math.absf %parallel_loop3A_435 : vector<16xf32>
      %parallel_loop3A_437 = arith.addf %parallel_loop3A_349, %parallel_loop3A_436 : vector<16xf32>
      %parallel_loop3A_438 = arith.index_cast %parallel_loop3A_187 : i32 to index
      %parallel_loop3A_439 = arith.constant 352 : index
      %parallel_loop3A_440 = tpu.vector_load %arg7[%parallel_loop3A_438, %parallel_loop3A_439] {strides = array<i32>} : memref<32x512xf32, #tpu.memory_space<vmem>>, vector<1x16xf32>,
      %parallel_loop3A_441 = vector.shape_cast %parallel_loop3A_440 : vector<1x16xf32> to vector<16xf32>
      %parallel_loop3A_442 = arith.index_cast %parallel_loop3A_187 : i32 to index
      %parallel_loop3A_443 = arith.constant 352 : index
      %parallel_loop3A_444 = tpu.vector_load %arg10[%parallel_loop3A_442, %parallel_loop3A_443] {strides = array<i32>} : memref<32x512xf32, #tpu.memory_space<vmem>>, vector<1x16xf32>,
      %parallel_loop3A_445 = vector.shape_cast %parallel_loop3A_444 : vector<1x16xf32> to vector<16xf32>
      %parallel_loop3A_446 = arith.subf %parallel_loop3A_441, %parallel_loop3A_445 : vector<16xf32>
      %parallel_loop3A_447 = math.absf %parallel_loop3A_446 : vector<16xf32>
      %parallel_loop3A_448 = arith.addf %parallel_loop3A_360, %parallel_loop3A_447 : vector<16xf32>
      %parallel_loop3A_449 = arith.index_cast %parallel_loop3A_187 : i32 to index
      %parallel_loop3A_450 = arith.constant 368 : index
      %parallel_loop3A_451 = tpu.vector_load %arg7[%parallel_loop3A_449, %parallel_loop3A_450] {strides = array<i32>} : memref<32x512xf32, #tpu.memory_space<vmem>>, vector<1x16xf32>,
      %parallel_loop3A_452 = vector.shape_cast %parallel_loop3A_451 : vector<1x16xf32> to vector<16xf32>
      %parallel_loop3A_453 = arith.index_cast %parallel_loop3A_187 : i32 to index
      %parallel_loop3A_454 = arith.constant 368 : index
      %parallel_loop3A_455 = tpu.vector_load %arg10[%parallel_loop3A_453, %parallel_loop3A_454] {strides = array<i32>} : memref<32x512xf32, #tpu.memory_space<vmem>>, vector<1x16xf32>,
      %parallel_loop3A_456 = vector.shape_cast %parallel_loop3A_455 : vector<1x16xf32> to vector<16xf32>
      %parallel_loop3A_457 = arith.subf %parallel_loop3A_452, %parallel_loop3A_456 : vector<16xf32>
      %parallel_loop3A_458 = math.absf %parallel_loop3A_457 : vector<16xf32>
      %parallel_loop3A_459 = arith.addf %parallel_loop3A_371, %parallel_loop3A_458 : vector<16xf32>
      %parallel_loop3A_460 = arith.index_cast %parallel_loop3A_187 : i32 to index
      %parallel_loop3A_461 = arith.constant 384 : index
      %parallel_loop3A_462 = tpu.vector_load %arg7[%parallel_loop3A_460, %parallel_loop3A_461] {strides = array<i32>} : memref<32x512xf32, #tpu.memory_space<vmem>>, vector<1x16xf32>,
      %parallel_loop3A_463 = vector.shape_cast %parallel_loop3A_462 : vector<1x16xf32> to vector<16xf32>
      %parallel_loop3A_464 = arith.index_cast %parallel_loop3A_187 : i32 to index
      %parallel_loop3A_465 = arith.constant 384 : index
      %parallel_loop3A_466 = tpu.vector_load %arg10[%parallel_loop3A_464, %parallel_loop3A_465] {strides = array<i32>} : memref<32x512xf32, #tpu.memory_space<vmem>>, vector<1x16xf32>,
      %parallel_loop3A_467 = vector.shape_cast %parallel_loop3A_466 : vector<1x16xf32> to vector<16xf32>
      %parallel_loop3A_468 = arith.subf %parallel_loop3A_463, %parallel_loop3A_467 : vector<16xf32>
      %parallel_loop3A_469 = math.absf %parallel_loop3A_468 : vector<16xf32>
      %parallel_loop3A_470 = arith.addf %parallel_loop3A_382, %parallel_loop3A_469 : vector<16xf32>
      %parallel_loop3A_471 = arith.index_cast %parallel_loop3A_187 : i32 to index
      %parallel_loop3A_472 = arith.constant 400 : index
      %parallel_loop3A_473 = tpu.vector_load %arg7[%parallel_loop3A_471, %parallel_loop3A_472] {strides = array<i32>} : memref<32x512xf32, #tpu.memory_space<vmem>>, vector<1x16xf32>,
      %parallel_loop3A_474 = vector.shape_cast %parallel_loop3A_473 : vector<1x16xf32> to vector<16xf32>
      %parallel_loop3A_475 = arith.index_cast %parallel_loop3A_187 : i32 to index
      %parallel_loop3A_476 = arith.constant 400 : index
      %parallel_loop3A_477 = tpu.vector_load %arg10[%parallel_loop3A_475, %parallel_loop3A_476] {strides = array<i32>} : memref<32x512xf32, #tpu.memory_space<vmem>>, vector<1x16xf32>,
      %parallel_loop3A_478 = vector.shape_cast %parallel_loop3A_477 : vector<1x16xf32> to vector<16xf32>
      %parallel_loop3A_479 = arith.subf %parallel_loop3A_474, %parallel_loop3A_478 : vector<16xf32>
      %parallel_loop3A_480 = math.absf %parallel_loop3A_479 : vector<16xf32>
      %parallel_loop3A_481 = arith.addf %parallel_loop3A_393, %parallel_loop3A_480 : vector<16xf32>
      %parallel_loop3A_482 = arith.index_cast %parallel_loop3A_187 : i32 to index
      %parallel_loop3A_483 = arith.constant 416 : index
      %parallel_loop3A_484 = tpu.vector_load %arg7[%parallel_loop3A_482, %parallel_loop3A_483] {strides = array<i32>} : memref<32x512xf32, #tpu.memory_space<vmem>>, vector<1x16xf32>,
      %parallel_loop3A_485 = vector.shape_cast %parallel_loop3A_484 : vector<1x16xf32> to vector<16xf32>
      %parallel_loop3A_486 = arith.index_cast %parallel_loop3A_187 : i32 to index
      %parallel_loop3A_487 = arith.constant 416 : index
      %parallel_loop3A_488 = tpu.vector_load %arg10[%parallel_loop3A_486, %parallel_loop3A_487] {strides = array<i32>} : memref<32x512xf32, #tpu.memory_space<vmem>>, vector<1x16xf32>,
      %parallel_loop3A_489 = vector.shape_cast %parallel_loop3A_488 : vector<1x16xf32> to vector<16xf32>
      %parallel_loop3A_490 = arith.subf %parallel_loop3A_485, %parallel_loop3A_489 : vector<16xf32>
      %parallel_loop3A_491 = math.absf %parallel_loop3A_490 : vector<16xf32>
      %parallel_loop3A_492 = arith.addf %parallel_loop3A_404, %parallel_loop3A_491 : vector<16xf32>
      %parallel_loop3A_493 = arith.index_cast %parallel_loop3A_187 : i32 to index
      %parallel_loop3A_494 = arith.constant 432 : index
      %parallel_loop3A_495 = tpu.vector_load %arg7[%parallel_loop3A_493, %parallel_loop3A_494] {strides = array<i32>} : memref<32x512xf32, #tpu.memory_space<vmem>>, vector<1x16xf32>,
      %parallel_loop3A_496 = vector.shape_cast %parallel_loop3A_495 : vector<1x16xf32> to vector<16xf32>
      %parallel_loop3A_497 = arith.index_cast %parallel_loop3A_187 : i32 to index
      %parallel_loop3A_498 = arith.constant 432 : index
      %parallel_loop3A_499 = tpu.vector_load %arg10[%parallel_loop3A_497, %parallel_loop3A_498] {strides = array<i32>} : memref<32x512xf32, #tpu.memory_space<vmem>>, vector<1x16xf32>,
      %parallel_loop3A_500 = vector.shape_cast %parallel_loop3A_499 : vector<1x16xf32> to vector<16xf32>
      %parallel_loop3A_501 = arith.subf %parallel_loop3A_496, %parallel_loop3A_500 : vector<16xf32>
      %parallel_loop3A_502 = math.absf %parallel_loop3A_501 : vector<16xf32>
      %parallel_loop3A_503 = arith.addf %parallel_loop3A_415, %parallel_loop3A_502 : vector<16xf32>
      %parallel_loop3A_504 = arith.index_cast %parallel_loop3A_187 : i32 to index
      %parallel_loop3A_505 = arith.constant 448 : index
      %parallel_loop3A_506 = tpu.vector_load %arg7[%parallel_loop3A_504, %parallel_loop3A_505] {strides = array<i32>} : memref<32x512xf32, #tpu.memory_space<vmem>>, vector<1x16xf32>,
      %parallel_loop3A_507 = vector.shape_cast %parallel_loop3A_506 : vector<1x16xf32> to vector<16xf32>
      %parallel_loop3A_508 = arith.index_cast %parallel_loop3A_187 : i32 to index
      %parallel_loop3A_509 = arith.constant 448 : index
      %parallel_loop3A_510 = tpu.vector_load %arg10[%parallel_loop3A_508, %parallel_loop3A_509] {strides = array<i32>} : memref<32x512xf32, #tpu.memory_space<vmem>>, vector<1x16xf32>,
      %parallel_loop3A_511 = vector.shape_cast %parallel_loop3A_510 : vector<1x16xf32> to vector<16xf32>
      %parallel_loop3A_512 = arith.subf %parallel_loop3A_507, %parallel_loop3A_511 : vector<16xf32>
      %parallel_loop3A_513 = math.absf %parallel_loop3A_512 : vector<16xf32>
      %parallel_loop3A_514 = arith.addf %parallel_loop3A_426, %parallel_loop3A_513 : vector<16xf32>
      %parallel_loop3A_515 = arith.index_cast %parallel_loop3A_187 : i32 to index
      %parallel_loop3A_516 = arith.constant 464 : index
      %parallel_loop3A_517 = tpu.vector_load %arg7[%parallel_loop3A_515, %parallel_loop3A_516] {strides = array<i32>} : memref<32x512xf32, #tpu.memory_space<vmem>>, vector<1x16xf32>,
      %parallel_loop3A_518 = vector.shape_cast %parallel_loop3A_517 : vector<1x16xf32> to vector<16xf32>
      %parallel_loop3A_519 = arith.index_cast %parallel_loop3A_187 : i32 to index
      %parallel_loop3A_520 = arith.constant 464 : index
      %parallel_loop3A_521 = tpu.vector_load %arg10[%parallel_loop3A_519, %parallel_loop3A_520] {strides = array<i32>} : memref<32x512xf32, #tpu.memory_space<vmem>>, vector<1x16xf32>,
      %parallel_loop3A_522 = vector.shape_cast %parallel_loop3A_521 : vector<1x16xf32> to vector<16xf32>
      %parallel_loop3A_523 = arith.subf %parallel_loop3A_518, %parallel_loop3A_522 : vector<16xf32>
      %parallel_loop3A_524 = math.absf %parallel_loop3A_523 : vector<16xf32>
      %parallel_loop3A_525 = arith.addf %parallel_loop3A_437, %parallel_loop3A_524 : vector<16xf32>
      %parallel_loop3A_526 = arith.index_cast %parallel_loop3A_187 : i32 to index
      %parallel_loop3A_527 = arith.constant 480 : index
      %parallel_loop3A_528 = tpu.vector_load %arg7[%parallel_loop3A_526, %parallel_loop3A_527] {strides = array<i32>} : memref<32x512xf32, #tpu.memory_space<vmem>>, vector<1x16xf32>,
      %parallel_loop3A_529 = vector.shape_cast %parallel_loop3A_528 : vector<1x16xf32> to vector<16xf32>
      %parallel_loop3A_530 = arith.index_cast %parallel_loop3A_187 : i32 to index
      %parallel_loop3A_531 = arith.constant 480 : index
      %parallel_loop3A_532 = tpu.vector_load %arg10[%parallel_loop3A_530, %parallel_loop3A_531] {strides = array<i32>} : memref<32x512xf32, #tpu.memory_space<vmem>>, vector<1x16xf32>,
      %parallel_loop3A_533 = vector.shape_cast %parallel_loop3A_532 : vector<1x16xf32> to vector<16xf32>
      %parallel_loop3A_534 = arith.subf %parallel_loop3A_529, %parallel_loop3A_533 : vector<16xf32>
      %parallel_loop3A_535 = math.absf %parallel_loop3A_534 : vector<16xf32>
      %parallel_loop3A_536 = arith.addf %parallel_loop3A_448, %parallel_loop3A_535 : vector<16xf32>
      %parallel_loop3A_537 = arith.index_cast %parallel_loop3A_187 : i32 to index
      %parallel_loop3A_538 = arith.constant 496 : index
      %parallel_loop3A_539 = tpu.vector_load %arg7[%parallel_loop3A_537, %parallel_loop3A_538] {strides = array<i32>} : memref<32x512xf32, #tpu.memory_space<vmem>>, vector<1x16xf32>,
      %parallel_loop3A_540 = vector.shape_cast %parallel_loop3A_539 : vector<1x16xf32> to vector<16xf32>
      %parallel_loop3A_541 = arith.index_cast %parallel_loop3A_187 : i32 to index
      %parallel_loop3A_542 = arith.constant 496 : index
      %parallel_loop3A_543 = tpu.vector_load %arg10[%parallel_loop3A_541, %parallel_loop3A_542] {strides = array<i32>} : memref<32x512xf32, #tpu.memory_space<vmem>>, vector<1x16xf32>,
      %parallel_loop3A_544 = vector.shape_cast %parallel_loop3A_543 : vector<1x16xf32> to vector<16xf32>
      %parallel_loop3A_545 = arith.subf %parallel_loop3A_540, %parallel_loop3A_544 : vector<16xf32>
      %parallel_loop3A_546 = math.absf %parallel_loop3A_545 : vector<16xf32>
      %parallel_loop3A_547 = arith.addf %parallel_loop3A_459, %parallel_loop3A_546 : vector<16xf32>
      scf.yield %parallel_loop3A_470, %parallel_loop3A_481, %parallel_loop3A_492, %parallel_loop3A_503, %parallel_loop3A_514, %parallel_loop3A_525, %parallel_loop3A_536, %parallel_loop3A_547 : vector<16xf32>, vector<16xf32>, vector<16xf32>, vector<16xf32>, vector<16xf32>, vector<16xf32>, vector<16xf32>, vector<16xf32>
    } {sc.loop_unroll_factor = 2 : i64, sc.parallel_access}
    %dma_wait3A_153 = arith.constant 0 : i32
    %dma_wait3A_154 = tpu.memref_slice %arg2[%add3A_110, %dma_wait3A_153] : memref<24576x512xf32, #tpu.memory_space<hbm>> -> memref<32x512xf32, #tpu.memory_space<hbm>>
    %dma_wait3A_155 = arith.constant 0 : i32
    %dma_wait3A_156 = tpu.memref_slice %arg2[%add3A_110, %dma_wait3A_155] : memref<24576x512xf32, #tpu.memory_space<hbm>> -> memref<32x512xf32, #tpu.memory_space<hbm>>
    tpu.wait_dma2 semaphore(%arg12 : memref<!tpu.dma_semaphore, #tpu.memory_space<semaphore_mem>>) src(%dma_wait3A_156 : memref<32x512xf32, #tpu.memory_space<hbm>>) dst(%arg5 : memref<32x512xf32, #tpu.memory_space<vmem>>)
    %dma_wait3A_157 = arith.constant 0 : i32
    %dma_wait3A_158 = tpu.memref_slice %arg3[%add3A_110, %dma_wait3A_157] : memref<24576x512xf32, #tpu.memory_space<hbm>> -> memref<32x512xf32, #tpu.memory_space<hbm>>
    %dma_wait3A_159 = arith.constant 0 : i32
    %dma_wait3A_160 = tpu.memref_slice %arg3[%add3A_110, %dma_wait3A_159] : memref<24576x512xf32, #tpu.memory_space<hbm>> -> memref<32x512xf32, #tpu.memory_space<hbm>>
    tpu.wait_dma2 semaphore(%arg15 : memref<!tpu.dma_semaphore, #tpu.memory_space<semaphore_mem>>) src(%dma_wait3A_160 : memref<32x512xf32, #tpu.memory_space<hbm>>) dst(%arg8 : memref<32x512xf32, #tpu.memory_space<vmem>>)
    %parallel_loop3A_161 = arith.constant 0 : i32
    %parallel_loop3A_162 = arith.constant 32 : i32
    %parallel_loop3A_163 = arith.constant 1 : i32
    %parallel_loop3A_164:8 = scf.for %parallel_loop3A_187 = %parallel_loop3A_161 to %parallel_loop3A_162 step %parallel_loop3A_163 iter_args(%parallel_loop3A_188 = %parallel_loop3A_152#0, %parallel_loop3A_189 = %parallel_loop3A_152#1, %parallel_loop3A_190 = %parallel_loop3A_152#2, %parallel_loop3A_191 = %parallel_loop3A_152#3, %parallel_loop3A_192 = %parallel_loop3A_152#4, %parallel_loop3A_193 = %parallel_loop3A_152#5, %parallel_loop3A_194 = %parallel_loop3A_152#6, %parallel_loop3A_195 = %parallel_loop3A_152#7) -> (vector<16xf32>, vector<16xf32>, vector<16xf32>, vector<16xf32>, vector<16xf32>, vector<16xf32>, vector<16xf32>, vector<16xf32>)  : i32 {
      %parallel_loop3A_196 = arith.index_cast %parallel_loop3A_187 : i32 to index
      %parallel_loop3A_197 = arith.constant 0 : index
      %parallel_loop3A_198 = tpu.vector_load %arg5[%parallel_loop3A_196, %parallel_loop3A_197] {strides = array<i32>} : memref<32x512xf32, #tpu.memory_space<vmem>>, vector<1x16xf32>,
      %parallel_loop3A_199 = vector.shape_cast %parallel_loop3A_198 : vector<1x16xf32> to vector<16xf32>
      %parallel_loop3A_200 = arith.index_cast %parallel_loop3A_187 : i32 to index
      %parallel_loop3A_201 = arith.constant 0 : index
      %parallel_loop3A_202 = tpu.vector_load %arg8[%parallel_loop3A_200, %parallel_loop3A_201] {strides = array<i32>} : memref<32x512xf32, #tpu.memory_space<vmem>>, vector<1x16xf32>,
      %parallel_loop3A_203 = vector.shape_cast %parallel_loop3A_202 : vector<1x16xf32> to vector<16xf32>
      %parallel_loop3A_204 = arith.subf %parallel_loop3A_199, %parallel_loop3A_203 : vector<16xf32>
      %parallel_loop3A_205 = math.absf %parallel_loop3A_204 : vector<16xf32>
      %parallel_loop3A_206 = arith.addf %parallel_loop3A_188, %parallel_loop3A_205 : vector<16xf32>
      %parallel_loop3A_207 = arith.index_cast %parallel_loop3A_187 : i32 to index
      %parallel_loop3A_208 = arith.constant 16 : index
      %parallel_loop3A_209 = tpu.vector_load %arg5[%parallel_loop3A_207, %parallel_loop3A_208] {strides = array<i32>} : memref<32x512xf32, #tpu.memory_space<vmem>>, vector<1x16xf32>,
      %parallel_loop3A_210 = vector.shape_cast %parallel_loop3A_209 : vector<1x16xf32> to vector<16xf32>
      %parallel_loop3A_211 = arith.index_cast %parallel_loop3A_187 : i32 to index
      %parallel_loop3A_212 = arith.constant 16 : index
      %parallel_loop3A_213 = tpu.vector_load %arg8[%parallel_loop3A_211, %parallel_loop3A_212] {strides = array<i32>} : memref<32x512xf32, #tpu.memory_space<vmem>>, vector<1x16xf32>,
      %parallel_loop3A_214 = vector.shape_cast %parallel_loop3A_213 : vector<1x16xf32> to vector<16xf32>
      %parallel_loop3A_215 = arith.subf %parallel_loop3A_210, %parallel_loop3A_214 : vector<16xf32>
      %parallel_loop3A_216 = math.absf %parallel_loop3A_215 : vector<16xf32>
      %parallel_loop3A_217 = arith.addf %parallel_loop3A_189, %parallel_loop3A_216 : vector<16xf32>
      %parallel_loop3A_218 = arith.index_cast %parallel_loop3A_187 : i32 to index
      %parallel_loop3A_219 = arith.constant 32 : index
      %parallel_loop3A_220 = tpu.vector_load %arg5[%parallel_loop3A_218, %parallel_loop3A_219] {strides = array<i32>} : memref<32x512xf32, #tpu.memory_space<vmem>>, vector<1x16xf32>,
      %parallel_loop3A_221 = vector.shape_cast %parallel_loop3A_220 : vector<1x16xf32> to vector<16xf32>
      %parallel_loop3A_222 = arith.index_cast %parallel_loop3A_187 : i32 to index
      %parallel_loop3A_223 = arith.constant 32 : index
      %parallel_loop3A_224 = tpu.vector_load %arg8[%parallel_loop3A_222, %parallel_loop3A_223] {strides = array<i32>} : memref<32x512xf32, #tpu.memory_space<vmem>>, vector<1x16xf32>,
      %parallel_loop3A_225 = vector.shape_cast %parallel_loop3A_224 : vector<1x16xf32> to vector<16xf32>
      %parallel_loop3A_226 = arith.subf %parallel_loop3A_221, %parallel_loop3A_225 : vector<16xf32>
      %parallel_loop3A_227 = math.absf %parallel_loop3A_226 : vector<16xf32>
      %parallel_loop3A_228 = arith.addf %parallel_loop3A_190, %parallel_loop3A_227 : vector<16xf32>
      %parallel_loop3A_229 = arith.index_cast %parallel_loop3A_187 : i32 to index
      %parallel_loop3A_230 = arith.constant 48 : index
      %parallel_loop3A_231 = tpu.vector_load %arg5[%parallel_loop3A_229, %parallel_loop3A_230] {strides = array<i32>} : memref<32x512xf32, #tpu.memory_space<vmem>>, vector<1x16xf32>,
      %parallel_loop3A_232 = vector.shape_cast %parallel_loop3A_231 : vector<1x16xf32> to vector<16xf32>
      %parallel_loop3A_233 = arith.index_cast %parallel_loop3A_187 : i32 to index
      %parallel_loop3A_234 = arith.constant 48 : index
      %parallel_loop3A_235 = tpu.vector_load %arg8[%parallel_loop3A_233, %parallel_loop3A_234] {strides = array<i32>} : memref<32x512xf32, #tpu.memory_space<vmem>>, vector<1x16xf32>,
      %parallel_loop3A_236 = vector.shape_cast %parallel_loop3A_235 : vector<1x16xf32> to vector<16xf32>
      %parallel_loop3A_237 = arith.subf %parallel_loop3A_232, %parallel_loop3A_236 : vector<16xf32>
      %parallel_loop3A_238 = math.absf %parallel_loop3A_237 : vector<16xf32>
      %parallel_loop3A_239 = arith.addf %parallel_loop3A_191, %parallel_loop3A_238 : vector<16xf32>
      %parallel_loop3A_240 = arith.index_cast %parallel_loop3A_187 : i32 to index
      %parallel_loop3A_241 = arith.constant 64 : index
      %parallel_loop3A_242 = tpu.vector_load %arg5[%parallel_loop3A_240, %parallel_loop3A_241] {strides = array<i32>} : memref<32x512xf32, #tpu.memory_space<vmem>>, vector<1x16xf32>,
      %parallel_loop3A_243 = vector.shape_cast %parallel_loop3A_242 : vector<1x16xf32> to vector<16xf32>
      %parallel_loop3A_244 = arith.index_cast %parallel_loop3A_187 : i32 to index
      %parallel_loop3A_245 = arith.constant 64 : index
      %parallel_loop3A_246 = tpu.vector_load %arg8[%parallel_loop3A_244, %parallel_loop3A_245] {strides = array<i32>} : memref<32x512xf32, #tpu.memory_space<vmem>>, vector<1x16xf32>,
      %parallel_loop3A_247 = vector.shape_cast %parallel_loop3A_246 : vector<1x16xf32> to vector<16xf32>
      %parallel_loop3A_248 = arith.subf %parallel_loop3A_243, %parallel_loop3A_247 : vector<16xf32>
      %parallel_loop3A_249 = math.absf %parallel_loop3A_248 : vector<16xf32>
      %parallel_loop3A_250 = arith.addf %parallel_loop3A_192, %parallel_loop3A_249 : vector<16xf32>
      %parallel_loop3A_251 = arith.index_cast %parallel_loop3A_187 : i32 to index
      %parallel_loop3A_252 = arith.constant 80 : index
      %parallel_loop3A_253 = tpu.vector_load %arg5[%parallel_loop3A_251, %parallel_loop3A_252] {strides = array<i32>} : memref<32x512xf32, #tpu.memory_space<vmem>>, vector<1x16xf32>,
      %parallel_loop3A_254 = vector.shape_cast %parallel_loop3A_253 : vector<1x16xf32> to vector<16xf32>
      %parallel_loop3A_255 = arith.index_cast %parallel_loop3A_187 : i32 to index
      %parallel_loop3A_256 = arith.constant 80 : index
      %parallel_loop3A_257 = tpu.vector_load %arg8[%parallel_loop3A_255, %parallel_loop3A_256] {strides = array<i32>} : memref<32x512xf32, #tpu.memory_space<vmem>>, vector<1x16xf32>,
      %parallel_loop3A_258 = vector.shape_cast %parallel_loop3A_257 : vector<1x16xf32> to vector<16xf32>
      %parallel_loop3A_259 = arith.subf %parallel_loop3A_254, %parallel_loop3A_258 : vector<16xf32>
      %parallel_loop3A_260 = math.absf %parallel_loop3A_259 : vector<16xf32>
      %parallel_loop3A_261 = arith.addf %parallel_loop3A_193, %parallel_loop3A_260 : vector<16xf32>
      %parallel_loop3A_262 = arith.index_cast %parallel_loop3A_187 : i32 to index
      %parallel_loop3A_263 = arith.constant 96 : index
      %parallel_loop3A_264 = tpu.vector_load %arg5[%parallel_loop3A_262, %parallel_loop3A_263] {strides = array<i32>} : memref<32x512xf32, #tpu.memory_space<vmem>>, vector<1x16xf32>,
      %parallel_loop3A_265 = vector.shape_cast %parallel_loop3A_264 : vector<1x16xf32> to vector<16xf32>
      %parallel_loop3A_266 = arith.index_cast %parallel_loop3A_187 : i32 to index
      %parallel_loop3A_267 = arith.constant 96 : index
      %parallel_loop3A_268 = tpu.vector_load %arg8[%parallel_loop3A_266, %parallel_loop3A_267] {strides = array<i32>} : memref<32x512xf32, #tpu.memory_space<vmem>>, vector<1x16xf32>,
      %parallel_loop3A_269 = vector.shape_cast %parallel_loop3A_268 : vector<1x16xf32> to vector<16xf32>
      %parallel_loop3A_270 = arith.subf %parallel_loop3A_265, %parallel_loop3A_269 : vector<16xf32>
      %parallel_loop3A_271 = math.absf %parallel_loop3A_270 : vector<16xf32>
      %parallel_loop3A_272 = arith.addf %parallel_loop3A_194, %parallel_loop3A_271 : vector<16xf32>
      %parallel_loop3A_273 = arith.index_cast %parallel_loop3A_187 : i32 to index
      %parallel_loop3A_274 = arith.constant 112 : index
      %parallel_loop3A_275 = tpu.vector_load %arg5[%parallel_loop3A_273, %parallel_loop3A_274] {strides = array<i32>} : memref<32x512xf32, #tpu.memory_space<vmem>>, vector<1x16xf32>,
      %parallel_loop3A_276 = vector.shape_cast %parallel_loop3A_275 : vector<1x16xf32> to vector<16xf32>
      %parallel_loop3A_277 = arith.index_cast %parallel_loop3A_187 : i32 to index
      %parallel_loop3A_278 = arith.constant 112 : index
      %parallel_loop3A_279 = tpu.vector_load %arg8[%parallel_loop3A_277, %parallel_loop3A_278] {strides = array<i32>} : memref<32x512xf32, #tpu.memory_space<vmem>>, vector<1x16xf32>,
      %parallel_loop3A_280 = vector.shape_cast %parallel_loop3A_279 : vector<1x16xf32> to vector<16xf32>
      %parallel_loop3A_281 = arith.subf %parallel_loop3A_276, %parallel_loop3A_280 : vector<16xf32>
      %parallel_loop3A_282 = math.absf %parallel_loop3A_281 : vector<16xf32>
      %parallel_loop3A_283 = arith.addf %parallel_loop3A_195, %parallel_loop3A_282 : vector<16xf32>
      %parallel_loop3A_284 = arith.index_cast %parallel_loop3A_187 : i32 to index
      %parallel_loop3A_285 = arith.constant 128 : index
      %parallel_loop3A_286 = tpu.vector_load %arg5[%parallel_loop3A_284, %parallel_loop3A_285] {strides = array<i32>} : memref<32x512xf32, #tpu.memory_space<vmem>>, vector<1x16xf32>,
      %parallel_loop3A_287 = vector.shape_cast %parallel_loop3A_286 : vector<1x16xf32> to vector<16xf32>
      %parallel_loop3A_288 = arith.index_cast %parallel_loop3A_187 : i32 to index
      %parallel_loop3A_289 = arith.constant 128 : index
      %parallel_loop3A_290 = tpu.vector_load %arg8[%parallel_loop3A_288, %parallel_loop3A_289] {strides = array<i32>} : memref<32x512xf32, #tpu.memory_space<vmem>>, vector<1x16xf32>,
      %parallel_loop3A_291 = vector.shape_cast %parallel_loop3A_290 : vector<1x16xf32> to vector<16xf32>
      %parallel_loop3A_292 = arith.subf %parallel_loop3A_287, %parallel_loop3A_291 : vector<16xf32>
      %parallel_loop3A_293 = math.absf %parallel_loop3A_292 : vector<16xf32>
      %parallel_loop3A_294 = arith.addf %parallel_loop3A_206, %parallel_loop3A_293 : vector<16xf32>
      %parallel_loop3A_295 = arith.index_cast %parallel_loop3A_187 : i32 to index
      %parallel_loop3A_296 = arith.constant 144 : index
      %parallel_loop3A_297 = tpu.vector_load %arg5[%parallel_loop3A_295, %parallel_loop3A_296] {strides = array<i32>} : memref<32x512xf32, #tpu.memory_space<vmem>>, vector<1x16xf32>,
      %parallel_loop3A_298 = vector.shape_cast %parallel_loop3A_297 : vector<1x16xf32> to vector<16xf32>
      %parallel_loop3A_299 = arith.index_cast %parallel_loop3A_187 : i32 to index
      %parallel_loop3A_300 = arith.constant 144 : index
      %parallel_loop3A_301 = tpu.vector_load %arg8[%parallel_loop3A_299, %parallel_loop3A_300] {strides = array<i32>} : memref<32x512xf32, #tpu.memory_space<vmem>>, vector<1x16xf32>,
      %parallel_loop3A_302 = vector.shape_cast %parallel_loop3A_301 : vector<1x16xf32> to vector<16xf32>
      %parallel_loop3A_303 = arith.subf %parallel_loop3A_298, %parallel_loop3A_302 : vector<16xf32>
      %parallel_loop3A_304 = math.absf %parallel_loop3A_303 : vector<16xf32>
      %parallel_loop3A_305 = arith.addf %parallel_loop3A_217, %parallel_loop3A_304 : vector<16xf32>
      %parallel_loop3A_306 = arith.index_cast %parallel_loop3A_187 : i32 to index
      %parallel_loop3A_307 = arith.constant 160 : index
      %parallel_loop3A_308 = tpu.vector_load %arg5[%parallel_loop3A_306, %parallel_loop3A_307] {strides = array<i32>} : memref<32x512xf32, #tpu.memory_space<vmem>>, vector<1x16xf32>,
      %parallel_loop3A_309 = vector.shape_cast %parallel_loop3A_308 : vector<1x16xf32> to vector<16xf32>
      %parallel_loop3A_310 = arith.index_cast %parallel_loop3A_187 : i32 to index
      %parallel_loop3A_311 = arith.constant 160 : index
      %parallel_loop3A_312 = tpu.vector_load %arg8[%parallel_loop3A_310, %parallel_loop3A_311] {strides = array<i32>} : memref<32x512xf32, #tpu.memory_space<vmem>>, vector<1x16xf32>,
      %parallel_loop3A_313 = vector.shape_cast %parallel_loop3A_312 : vector<1x16xf32> to vector<16xf32>
      %parallel_loop3A_314 = arith.subf %parallel_loop3A_309, %parallel_loop3A_313 : vector<16xf32>
      %parallel_loop3A_315 = math.absf %parallel_loop3A_314 : vector<16xf32>
      %parallel_loop3A_316 = arith.addf %parallel_loop3A_228, %parallel_loop3A_315 : vector<16xf32>
      %parallel_loop3A_317 = arith.index_cast %parallel_loop3A_187 : i32 to index
      %parallel_loop3A_318 = arith.constant 176 : index
      %parallel_loop3A_319 = tpu.vector_load %arg5[%parallel_loop3A_317, %parallel_loop3A_318] {strides = array<i32>} : memref<32x512xf32, #tpu.memory_space<vmem>>, vector<1x16xf32>,
      %parallel_loop3A_320 = vector.shape_cast %parallel_loop3A_319 : vector<1x16xf32> to vector<16xf32>
      %parallel_loop3A_321 = arith.index_cast %parallel_loop3A_187 : i32 to index
      %parallel_loop3A_322 = arith.constant 176 : index
      %parallel_loop3A_323 = tpu.vector_load %arg8[%parallel_loop3A_321, %parallel_loop3A_322] {strides = array<i32>} : memref<32x512xf32, #tpu.memory_space<vmem>>, vector<1x16xf32>,
      %parallel_loop3A_324 = vector.shape_cast %parallel_loop3A_323 : vector<1x16xf32> to vector<16xf32>
      %parallel_loop3A_325 = arith.subf %parallel_loop3A_320, %parallel_loop3A_324 : vector<16xf32>
      %parallel_loop3A_326 = math.absf %parallel_loop3A_325 : vector<16xf32>
      %parallel_loop3A_327 = arith.addf %parallel_loop3A_239, %parallel_loop3A_326 : vector<16xf32>
      %parallel_loop3A_328 = arith.index_cast %parallel_loop3A_187 : i32 to index
      %parallel_loop3A_329 = arith.constant 192 : index
      %parallel_loop3A_330 = tpu.vector_load %arg5[%parallel_loop3A_328, %parallel_loop3A_329] {strides = array<i32>} : memref<32x512xf32, #tpu.memory_space<vmem>>, vector<1x16xf32>,
      %parallel_loop3A_331 = vector.shape_cast %parallel_loop3A_330 : vector<1x16xf32> to vector<16xf32>
      %parallel_loop3A_332 = arith.index_cast %parallel_loop3A_187 : i32 to index
      %parallel_loop3A_333 = arith.constant 192 : index
      %parallel_loop3A_334 = tpu.vector_load %arg8[%parallel_loop3A_332, %parallel_loop3A_333] {strides = array<i32>} : memref<32x512xf32, #tpu.memory_space<vmem>>, vector<1x16xf32>,
      %parallel_loop3A_335 = vector.shape_cast %parallel_loop3A_334 : vector<1x16xf32> to vector<16xf32>
      %parallel_loop3A_336 = arith.subf %parallel_loop3A_331, %parallel_loop3A_335 : vector<16xf32>
      %parallel_loop3A_337 = math.absf %parallel_loop3A_336 : vector<16xf32>
      %parallel_loop3A_338 = arith.addf %parallel_loop3A_250, %parallel_loop3A_337 : vector<16xf32>
      %parallel_loop3A_339 = arith.index_cast %parallel_loop3A_187 : i32 to index
      %parallel_loop3A_340 = arith.constant 208 : index
      %parallel_loop3A_341 = tpu.vector_load %arg5[%parallel_loop3A_339, %parallel_loop3A_340] {strides = array<i32>} : memref<32x512xf32, #tpu.memory_space<vmem>>, vector<1x16xf32>,
      %parallel_loop3A_342 = vector.shape_cast %parallel_loop3A_341 : vector<1x16xf32> to vector<16xf32>
      %parallel_loop3A_343 = arith.index_cast %parallel_loop3A_187 : i32 to index
      %parallel_loop3A_344 = arith.constant 208 : index
      %parallel_loop3A_345 = tpu.vector_load %arg8[%parallel_loop3A_343, %parallel_loop3A_344] {strides = array<i32>} : memref<32x512xf32, #tpu.memory_space<vmem>>, vector<1x16xf32>,
      %parallel_loop3A_346 = vector.shape_cast %parallel_loop3A_345 : vector<1x16xf32> to vector<16xf32>
      %parallel_loop3A_347 = arith.subf %parallel_loop3A_342, %parallel_loop3A_346 : vector<16xf32>
      %parallel_loop3A_348 = math.absf %parallel_loop3A_347 : vector<16xf32>
      %parallel_loop3A_349 = arith.addf %parallel_loop3A_261, %parallel_loop3A_348 : vector<16xf32>
      %parallel_loop3A_350 = arith.index_cast %parallel_loop3A_187 : i32 to index
      %parallel_loop3A_351 = arith.constant 224 : index
      %parallel_loop3A_352 = tpu.vector_load %arg5[%parallel_loop3A_350, %parallel_loop3A_351] {strides = array<i32>} : memref<32x512xf32, #tpu.memory_space<vmem>>, vector<1x16xf32>,
      %parallel_loop3A_353 = vector.shape_cast %parallel_loop3A_352 : vector<1x16xf32> to vector<16xf32>
      %parallel_loop3A_354 = arith.index_cast %parallel_loop3A_187 : i32 to index
      %parallel_loop3A_355 = arith.constant 224 : index
      %parallel_loop3A_356 = tpu.vector_load %arg8[%parallel_loop3A_354, %parallel_loop3A_355] {strides = array<i32>} : memref<32x512xf32, #tpu.memory_space<vmem>>, vector<1x16xf32>,
      %parallel_loop3A_357 = vector.shape_cast %parallel_loop3A_356 : vector<1x16xf32> to vector<16xf32>
      %parallel_loop3A_358 = arith.subf %parallel_loop3A_353, %parallel_loop3A_357 : vector<16xf32>
      %parallel_loop3A_359 = math.absf %parallel_loop3A_358 : vector<16xf32>
      %parallel_loop3A_360 = arith.addf %parallel_loop3A_272, %parallel_loop3A_359 : vector<16xf32>
      %parallel_loop3A_361 = arith.index_cast %parallel_loop3A_187 : i32 to index
      %parallel_loop3A_362 = arith.constant 240 : index
      %parallel_loop3A_363 = tpu.vector_load %arg5[%parallel_loop3A_361, %parallel_loop3A_362] {strides = array<i32>} : memref<32x512xf32, #tpu.memory_space<vmem>>, vector<1x16xf32>,
      %parallel_loop3A_364 = vector.shape_cast %parallel_loop3A_363 : vector<1x16xf32> to vector<16xf32>
      %parallel_loop3A_365 = arith.index_cast %parallel_loop3A_187 : i32 to index
      %parallel_loop3A_366 = arith.constant 240 : index
      %parallel_loop3A_367 = tpu.vector_load %arg8[%parallel_loop3A_365, %parallel_loop3A_366] {strides = array<i32>} : memref<32x512xf32, #tpu.memory_space<vmem>>, vector<1x16xf32>,
      %parallel_loop3A_368 = vector.shape_cast %parallel_loop3A_367 : vector<1x16xf32> to vector<16xf32>
      %parallel_loop3A_369 = arith.subf %parallel_loop3A_364, %parallel_loop3A_368 : vector<16xf32>
      %parallel_loop3A_370 = math.absf %parallel_loop3A_369 : vector<16xf32>
      %parallel_loop3A_371 = arith.addf %parallel_loop3A_283, %parallel_loop3A_370 : vector<16xf32>
      %parallel_loop3A_372 = arith.index_cast %parallel_loop3A_187 : i32 to index
      %parallel_loop3A_373 = arith.constant 256 : index
      %parallel_loop3A_374 = tpu.vector_load %arg5[%parallel_loop3A_372, %parallel_loop3A_373] {strides = array<i32>} : memref<32x512xf32, #tpu.memory_space<vmem>>, vector<1x16xf32>,
      %parallel_loop3A_375 = vector.shape_cast %parallel_loop3A_374 : vector<1x16xf32> to vector<16xf32>
      %parallel_loop3A_376 = arith.index_cast %parallel_loop3A_187 : i32 to index
      %parallel_loop3A_377 = arith.constant 256 : index
      %parallel_loop3A_378 = tpu.vector_load %arg8[%parallel_loop3A_376, %parallel_loop3A_377] {strides = array<i32>} : memref<32x512xf32, #tpu.memory_space<vmem>>, vector<1x16xf32>,
      %parallel_loop3A_379 = vector.shape_cast %parallel_loop3A_378 : vector<1x16xf32> to vector<16xf32>
      %parallel_loop3A_380 = arith.subf %parallel_loop3A_375, %parallel_loop3A_379 : vector<16xf32>
      %parallel_loop3A_381 = math.absf %parallel_loop3A_380 : vector<16xf32>
      %parallel_loop3A_382 = arith.addf %parallel_loop3A_294, %parallel_loop3A_381 : vector<16xf32>
      %parallel_loop3A_383 = arith.index_cast %parallel_loop3A_187 : i32 to index
      %parallel_loop3A_384 = arith.constant 272 : index
      %parallel_loop3A_385 = tpu.vector_load %arg5[%parallel_loop3A_383, %parallel_loop3A_384] {strides = array<i32>} : memref<32x512xf32, #tpu.memory_space<vmem>>, vector<1x16xf32>,
      %parallel_loop3A_386 = vector.shape_cast %parallel_loop3A_385 : vector<1x16xf32> to vector<16xf32>
      %parallel_loop3A_387 = arith.index_cast %parallel_loop3A_187 : i32 to index
      %parallel_loop3A_388 = arith.constant 272 : index
      %parallel_loop3A_389 = tpu.vector_load %arg8[%parallel_loop3A_387, %parallel_loop3A_388] {strides = array<i32>} : memref<32x512xf32, #tpu.memory_space<vmem>>, vector<1x16xf32>,
      %parallel_loop3A_390 = vector.shape_cast %parallel_loop3A_389 : vector<1x16xf32> to vector<16xf32>
      %parallel_loop3A_391 = arith.subf %parallel_loop3A_386, %parallel_loop3A_390 : vector<16xf32>
      %parallel_loop3A_392 = math.absf %parallel_loop3A_391 : vector<16xf32>
      %parallel_loop3A_393 = arith.addf %parallel_loop3A_305, %parallel_loop3A_392 : vector<16xf32>
      %parallel_loop3A_394 = arith.index_cast %parallel_loop3A_187 : i32 to index
      %parallel_loop3A_395 = arith.constant 288 : index
      %parallel_loop3A_396 = tpu.vector_load %arg5[%parallel_loop3A_394, %parallel_loop3A_395] {strides = array<i32>} : memref<32x512xf32, #tpu.memory_space<vmem>>, vector<1x16xf32>,
      %parallel_loop3A_397 = vector.shape_cast %parallel_loop3A_396 : vector<1x16xf32> to vector<16xf32>
      %parallel_loop3A_398 = arith.index_cast %parallel_loop3A_187 : i32 to index
      %parallel_loop3A_399 = arith.constant 288 : index
      %parallel_loop3A_400 = tpu.vector_load %arg8[%parallel_loop3A_398, %parallel_loop3A_399] {strides = array<i32>} : memref<32x512xf32, #tpu.memory_space<vmem>>, vector<1x16xf32>,
      %parallel_loop3A_401 = vector.shape_cast %parallel_loop3A_400 : vector<1x16xf32> to vector<16xf32>
      %parallel_loop3A_402 = arith.subf %parallel_loop3A_397, %parallel_loop3A_401 : vector<16xf32>
      %parallel_loop3A_403 = math.absf %parallel_loop3A_402 : vector<16xf32>
      %parallel_loop3A_404 = arith.addf %parallel_loop3A_316, %parallel_loop3A_403 : vector<16xf32>
      %parallel_loop3A_405 = arith.index_cast %parallel_loop3A_187 : i32 to index
      %parallel_loop3A_406 = arith.constant 304 : index
      %parallel_loop3A_407 = tpu.vector_load %arg5[%parallel_loop3A_405, %parallel_loop3A_406] {strides = array<i32>} : memref<32x512xf32, #tpu.memory_space<vmem>>, vector<1x16xf32>,
      %parallel_loop3A_408 = vector.shape_cast %parallel_loop3A_407 : vector<1x16xf32> to vector<16xf32>
      %parallel_loop3A_409 = arith.index_cast %parallel_loop3A_187 : i32 to index
      %parallel_loop3A_410 = arith.constant 304 : index
      %parallel_loop3A_411 = tpu.vector_load %arg8[%parallel_loop3A_409, %parallel_loop3A_410] {strides = array<i32>} : memref<32x512xf32, #tpu.memory_space<vmem>>, vector<1x16xf32>,
      %parallel_loop3A_412 = vector.shape_cast %parallel_loop3A_411 : vector<1x16xf32> to vector<16xf32>
      %parallel_loop3A_413 = arith.subf %parallel_loop3A_408, %parallel_loop3A_412 : vector<16xf32>
      %parallel_loop3A_414 = math.absf %parallel_loop3A_413 : vector<16xf32>
      %parallel_loop3A_415 = arith.addf %parallel_loop3A_327, %parallel_loop3A_414 : vector<16xf32>
      %parallel_loop3A_416 = arith.index_cast %parallel_loop3A_187 : i32 to index
      %parallel_loop3A_417 = arith.constant 320 : index
      %parallel_loop3A_418 = tpu.vector_load %arg5[%parallel_loop3A_416, %parallel_loop3A_417] {strides = array<i32>} : memref<32x512xf32, #tpu.memory_space<vmem>>, vector<1x16xf32>,
      %parallel_loop3A_419 = vector.shape_cast %parallel_loop3A_418 : vector<1x16xf32> to vector<16xf32>
      %parallel_loop3A_420 = arith.index_cast %parallel_loop3A_187 : i32 to index
      %parallel_loop3A_421 = arith.constant 320 : index
      %parallel_loop3A_422 = tpu.vector_load %arg8[%parallel_loop3A_420, %parallel_loop3A_421] {strides = array<i32>} : memref<32x512xf32, #tpu.memory_space<vmem>>, vector<1x16xf32>,
      %parallel_loop3A_423 = vector.shape_cast %parallel_loop3A_422 : vector<1x16xf32> to vector<16xf32>
      %parallel_loop3A_424 = arith.subf %parallel_loop3A_419, %parallel_loop3A_423 : vector<16xf32>
      %parallel_loop3A_425 = math.absf %parallel_loop3A_424 : vector<16xf32>
      %parallel_loop3A_426 = arith.addf %parallel_loop3A_338, %parallel_loop3A_425 : vector<16xf32>
      %parallel_loop3A_427 = arith.index_cast %parallel_loop3A_187 : i32 to index
      %parallel_loop3A_428 = arith.constant 336 : index
      %parallel_loop3A_429 = tpu.vector_load %arg5[%parallel_loop3A_427, %parallel_loop3A_428] {strides = array<i32>} : memref<32x512xf32, #tpu.memory_space<vmem>>, vector<1x16xf32>,
      %parallel_loop3A_430 = vector.shape_cast %parallel_loop3A_429 : vector<1x16xf32> to vector<16xf32>
      %parallel_loop3A_431 = arith.index_cast %parallel_loop3A_187 : i32 to index
      %parallel_loop3A_432 = arith.constant 336 : index
      %parallel_loop3A_433 = tpu.vector_load %arg8[%parallel_loop3A_431, %parallel_loop3A_432] {strides = array<i32>} : memref<32x512xf32, #tpu.memory_space<vmem>>, vector<1x16xf32>,
      %parallel_loop3A_434 = vector.shape_cast %parallel_loop3A_433 : vector<1x16xf32> to vector<16xf32>
      %parallel_loop3A_435 = arith.subf %parallel_loop3A_430, %parallel_loop3A_434 : vector<16xf32>
      %parallel_loop3A_436 = math.absf %parallel_loop3A_435 : vector<16xf32>
      %parallel_loop3A_437 = arith.addf %parallel_loop3A_349, %parallel_loop3A_436 : vector<16xf32>
      %parallel_loop3A_438 = arith.index_cast %parallel_loop3A_187 : i32 to index
      %parallel_loop3A_439 = arith.constant 352 : index
      %parallel_loop3A_440 = tpu.vector_load %arg5[%parallel_loop3A_438, %parallel_loop3A_439] {strides = array<i32>} : memref<32x512xf32, #tpu.memory_space<vmem>>, vector<1x16xf32>,
      %parallel_loop3A_441 = vector.shape_cast %parallel_loop3A_440 : vector<1x16xf32> to vector<16xf32>
      %parallel_loop3A_442 = arith.index_cast %parallel_loop3A_187 : i32 to index
      %parallel_loop3A_443 = arith.constant 352 : index
      %parallel_loop3A_444 = tpu.vector_load %arg8[%parallel_loop3A_442, %parallel_loop3A_443] {strides = array<i32>} : memref<32x512xf32, #tpu.memory_space<vmem>>, vector<1x16xf32>,
      %parallel_loop3A_445 = vector.shape_cast %parallel_loop3A_444 : vector<1x16xf32> to vector<16xf32>
      %parallel_loop3A_446 = arith.subf %parallel_loop3A_441, %parallel_loop3A_445 : vector<16xf32>
      %parallel_loop3A_447 = math.absf %parallel_loop3A_446 : vector<16xf32>
      %parallel_loop3A_448 = arith.addf %parallel_loop3A_360, %parallel_loop3A_447 : vector<16xf32>
      %parallel_loop3A_449 = arith.index_cast %parallel_loop3A_187 : i32 to index
      %parallel_loop3A_450 = arith.constant 368 : index
      %parallel_loop3A_451 = tpu.vector_load %arg5[%parallel_loop3A_449, %parallel_loop3A_450] {strides = array<i32>} : memref<32x512xf32, #tpu.memory_space<vmem>>, vector<1x16xf32>,
      %parallel_loop3A_452 = vector.shape_cast %parallel_loop3A_451 : vector<1x16xf32> to vector<16xf32>
      %parallel_loop3A_453 = arith.index_cast %parallel_loop3A_187 : i32 to index
      %parallel_loop3A_454 = arith.constant 368 : index
      %parallel_loop3A_455 = tpu.vector_load %arg8[%parallel_loop3A_453, %parallel_loop3A_454] {strides = array<i32>} : memref<32x512xf32, #tpu.memory_space<vmem>>, vector<1x16xf32>,
      %parallel_loop3A_456 = vector.shape_cast %parallel_loop3A_455 : vector<1x16xf32> to vector<16xf32>
      %parallel_loop3A_457 = arith.subf %parallel_loop3A_452, %parallel_loop3A_456 : vector<16xf32>
      %parallel_loop3A_458 = math.absf %parallel_loop3A_457 : vector<16xf32>
      %parallel_loop3A_459 = arith.addf %parallel_loop3A_371, %parallel_loop3A_458 : vector<16xf32>
      %parallel_loop3A_460 = arith.index_cast %parallel_loop3A_187 : i32 to index
      %parallel_loop3A_461 = arith.constant 384 : index
      %parallel_loop3A_462 = tpu.vector_load %arg5[%parallel_loop3A_460, %parallel_loop3A_461] {strides = array<i32>} : memref<32x512xf32, #tpu.memory_space<vmem>>, vector<1x16xf32>,
      %parallel_loop3A_463 = vector.shape_cast %parallel_loop3A_462 : vector<1x16xf32> to vector<16xf32>
      %parallel_loop3A_464 = arith.index_cast %parallel_loop3A_187 : i32 to index
      %parallel_loop3A_465 = arith.constant 384 : index
      %parallel_loop3A_466 = tpu.vector_load %arg8[%parallel_loop3A_464, %parallel_loop3A_465] {strides = array<i32>} : memref<32x512xf32, #tpu.memory_space<vmem>>, vector<1x16xf32>,
      %parallel_loop3A_467 = vector.shape_cast %parallel_loop3A_466 : vector<1x16xf32> to vector<16xf32>
      %parallel_loop3A_468 = arith.subf %parallel_loop3A_463, %parallel_loop3A_467 : vector<16xf32>
      %parallel_loop3A_469 = math.absf %parallel_loop3A_468 : vector<16xf32>
      %parallel_loop3A_470 = arith.addf %parallel_loop3A_382, %parallel_loop3A_469 : vector<16xf32>
      %parallel_loop3A_471 = arith.index_cast %parallel_loop3A_187 : i32 to index
      %parallel_loop3A_472 = arith.constant 400 : index
      %parallel_loop3A_473 = tpu.vector_load %arg5[%parallel_loop3A_471, %parallel_loop3A_472] {strides = array<i32>} : memref<32x512xf32, #tpu.memory_space<vmem>>, vector<1x16xf32>,
      %parallel_loop3A_474 = vector.shape_cast %parallel_loop3A_473 : vector<1x16xf32> to vector<16xf32>
      %parallel_loop3A_475 = arith.index_cast %parallel_loop3A_187 : i32 to index
      %parallel_loop3A_476 = arith.constant 400 : index
      %parallel_loop3A_477 = tpu.vector_load %arg8[%parallel_loop3A_475, %parallel_loop3A_476] {strides = array<i32>} : memref<32x512xf32, #tpu.memory_space<vmem>>, vector<1x16xf32>,
      %parallel_loop3A_478 = vector.shape_cast %parallel_loop3A_477 : vector<1x16xf32> to vector<16xf32>
      %parallel_loop3A_479 = arith.subf %parallel_loop3A_474, %parallel_loop3A_478 : vector<16xf32>
      %parallel_loop3A_480 = math.absf %parallel_loop3A_479 : vector<16xf32>
      %parallel_loop3A_481 = arith.addf %parallel_loop3A_393, %parallel_loop3A_480 : vector<16xf32>
      %parallel_loop3A_482 = arith.index_cast %parallel_loop3A_187 : i32 to index
      %parallel_loop3A_483 = arith.constant 416 : index
      %parallel_loop3A_484 = tpu.vector_load %arg5[%parallel_loop3A_482, %parallel_loop3A_483] {strides = array<i32>} : memref<32x512xf32, #tpu.memory_space<vmem>>, vector<1x16xf32>,
      %parallel_loop3A_485 = vector.shape_cast %parallel_loop3A_484 : vector<1x16xf32> to vector<16xf32>
      %parallel_loop3A_486 = arith.index_cast %parallel_loop3A_187 : i32 to index
      %parallel_loop3A_487 = arith.constant 416 : index
      %parallel_loop3A_488 = tpu.vector_load %arg8[%parallel_loop3A_486, %parallel_loop3A_487] {strides = array<i32>} : memref<32x512xf32, #tpu.memory_space<vmem>>, vector<1x16xf32>,
      %parallel_loop3A_489 = vector.shape_cast %parallel_loop3A_488 : vector<1x16xf32> to vector<16xf32>
      %parallel_loop3A_490 = arith.subf %parallel_loop3A_485, %parallel_loop3A_489 : vector<16xf32>
      %parallel_loop3A_491 = math.absf %parallel_loop3A_490 : vector<16xf32>
      %parallel_loop3A_492 = arith.addf %parallel_loop3A_404, %parallel_loop3A_491 : vector<16xf32>
      %parallel_loop3A_493 = arith.index_cast %parallel_loop3A_187 : i32 to index
      %parallel_loop3A_494 = arith.constant 432 : index
      %parallel_loop3A_495 = tpu.vector_load %arg5[%parallel_loop3A_493, %parallel_loop3A_494] {strides = array<i32>} : memref<32x512xf32, #tpu.memory_space<vmem>>, vector<1x16xf32>,
      %parallel_loop3A_496 = vector.shape_cast %parallel_loop3A_495 : vector<1x16xf32> to vector<16xf32>
      %parallel_loop3A_497 = arith.index_cast %parallel_loop3A_187 : i32 to index
      %parallel_loop3A_498 = arith.constant 432 : index
      %parallel_loop3A_499 = tpu.vector_load %arg8[%parallel_loop3A_497, %parallel_loop3A_498] {strides = array<i32>} : memref<32x512xf32, #tpu.memory_space<vmem>>, vector<1x16xf32>,
      %parallel_loop3A_500 = vector.shape_cast %parallel_loop3A_499 : vector<1x16xf32> to vector<16xf32>
      %parallel_loop3A_501 = arith.subf %parallel_loop3A_496, %parallel_loop3A_500 : vector<16xf32>
      %parallel_loop3A_502 = math.absf %parallel_loop3A_501 : vector<16xf32>
      %parallel_loop3A_503 = arith.addf %parallel_loop3A_415, %parallel_loop3A_502 : vector<16xf32>
      %parallel_loop3A_504 = arith.index_cast %parallel_loop3A_187 : i32 to index
      %parallel_loop3A_505 = arith.constant 448 : index
      %parallel_loop3A_506 = tpu.vector_load %arg5[%parallel_loop3A_504, %parallel_loop3A_505] {strides = array<i32>} : memref<32x512xf32, #tpu.memory_space<vmem>>, vector<1x16xf32>,
      %parallel_loop3A_507 = vector.shape_cast %parallel_loop3A_506 : vector<1x16xf32> to vector<16xf32>
      %parallel_loop3A_508 = arith.index_cast %parallel_loop3A_187 : i32 to index
      %parallel_loop3A_509 = arith.constant 448 : index
      %parallel_loop3A_510 = tpu.vector_load %arg8[%parallel_loop3A_508, %parallel_loop3A_509] {strides = array<i32>} : memref<32x512xf32, #tpu.memory_space<vmem>>, vector<1x16xf32>,
      %parallel_loop3A_511 = vector.shape_cast %parallel_loop3A_510 : vector<1x16xf32> to vector<16xf32>
      %parallel_loop3A_512 = arith.subf %parallel_loop3A_507, %parallel_loop3A_511 : vector<16xf32>
      %parallel_loop3A_513 = math.absf %parallel_loop3A_512 : vector<16xf32>
      %parallel_loop3A_514 = arith.addf %parallel_loop3A_426, %parallel_loop3A_513 : vector<16xf32>
      %parallel_loop3A_515 = arith.index_cast %parallel_loop3A_187 : i32 to index
      %parallel_loop3A_516 = arith.constant 464 : index
      %parallel_loop3A_517 = tpu.vector_load %arg5[%parallel_loop3A_515, %parallel_loop3A_516] {strides = array<i32>} : memref<32x512xf32, #tpu.memory_space<vmem>>, vector<1x16xf32>,
      %parallel_loop3A_518 = vector.shape_cast %parallel_loop3A_517 : vector<1x16xf32> to vector<16xf32>
      %parallel_loop3A_519 = arith.index_cast %parallel_loop3A_187 : i32 to index
      %parallel_loop3A_520 = arith.constant 464 : index
      %parallel_loop3A_521 = tpu.vector_load %arg8[%parallel_loop3A_519, %parallel_loop3A_520] {strides = array<i32>} : memref<32x512xf32, #tpu.memory_space<vmem>>, vector<1x16xf32>,
      %parallel_loop3A_522 = vector.shape_cast %parallel_loop3A_521 : vector<1x16xf32> to vector<16xf32>
      %parallel_loop3A_523 = arith.subf %parallel_loop3A_518, %parallel_loop3A_522 : vector<16xf32>
      %parallel_loop3A_524 = math.absf %parallel_loop3A_523 : vector<16xf32>
      %parallel_loop3A_525 = arith.addf %parallel_loop3A_437, %parallel_loop3A_524 : vector<16xf32>
      %parallel_loop3A_526 = arith.index_cast %parallel_loop3A_187 : i32 to index
      %parallel_loop3A_527 = arith.constant 480 : index
      %parallel_loop3A_528 = tpu.vector_load %arg5[%parallel_loop3A_526, %parallel_loop3A_527] {strides = array<i32>} : memref<32x512xf32, #tpu.memory_space<vmem>>, vector<1x16xf32>,
      %parallel_loop3A_529 = vector.shape_cast %parallel_loop3A_528 : vector<1x16xf32> to vector<16xf32>
      %parallel_loop3A_530 = arith.index_cast %parallel_loop3A_187 : i32 to index
      %parallel_loop3A_531 = arith.constant 480 : index
      %parallel_loop3A_532 = tpu.vector_load %arg8[%parallel_loop3A_530, %parallel_loop3A_531] {strides = array<i32>} : memref<32x512xf32, #tpu.memory_space<vmem>>, vector<1x16xf32>,
      %parallel_loop3A_533 = vector.shape_cast %parallel_loop3A_532 : vector<1x16xf32> to vector<16xf32>
      %parallel_loop3A_534 = arith.subf %parallel_loop3A_529, %parallel_loop3A_533 : vector<16xf32>
      %parallel_loop3A_535 = math.absf %parallel_loop3A_534 : vector<16xf32>
      %parallel_loop3A_536 = arith.addf %parallel_loop3A_448, %parallel_loop3A_535 : vector<16xf32>
      %parallel_loop3A_537 = arith.index_cast %parallel_loop3A_187 : i32 to index
      %parallel_loop3A_538 = arith.constant 496 : index
      %parallel_loop3A_539 = tpu.vector_load %arg5[%parallel_loop3A_537, %parallel_loop3A_538] {strides = array<i32>} : memref<32x512xf32, #tpu.memory_space<vmem>>, vector<1x16xf32>,
      %parallel_loop3A_540 = vector.shape_cast %parallel_loop3A_539 : vector<1x16xf32> to vector<16xf32>
      %parallel_loop3A_541 = arith.index_cast %parallel_loop3A_187 : i32 to index
      %parallel_loop3A_542 = arith.constant 496 : index
      %parallel_loop3A_543 = tpu.vector_load %arg8[%parallel_loop3A_541, %parallel_loop3A_542] {strides = array<i32>} : memref<32x512xf32, #tpu.memory_space<vmem>>, vector<1x16xf32>,
      %parallel_loop3A_544 = vector.shape_cast %parallel_loop3A_543 : vector<1x16xf32> to vector<16xf32>
      %parallel_loop3A_545 = arith.subf %parallel_loop3A_540, %parallel_loop3A_544 : vector<16xf32>
      %parallel_loop3A_546 = math.absf %parallel_loop3A_545 : vector<16xf32>
      %parallel_loop3A_547 = arith.addf %parallel_loop3A_459, %parallel_loop3A_546 : vector<16xf32>
      scf.yield %parallel_loop3A_470, %parallel_loop3A_481, %parallel_loop3A_492, %parallel_loop3A_503, %parallel_loop3A_514, %parallel_loop3A_525, %parallel_loop3A_536, %parallel_loop3A_547 : vector<16xf32>, vector<16xf32>, vector<16xf32>, vector<16xf32>, vector<16xf32>, vector<16xf32>, vector<16xf32>, vector<16xf32>
    } {sc.loop_unroll_factor = 2 : i64, sc.parallel_access}
    %dma_wait3A_165 = arith.constant 0 : i32
    %dma_wait3A_166 = tpu.memref_slice %arg2[%add3A_132, %dma_wait3A_165] : memref<24576x512xf32, #tpu.memory_space<hbm>> -> memref<32x512xf32, #tpu.memory_space<hbm>>
    %dma_wait3A_167 = arith.constant 0 : i32
    %dma_wait3A_168 = tpu.memref_slice %arg2[%add3A_132, %dma_wait3A_167] : memref<24576x512xf32, #tpu.memory_space<hbm>> -> memref<32x512xf32, #tpu.memory_space<hbm>>
    tpu.wait_dma2 semaphore(%arg13 : memref<!tpu.dma_semaphore, #tpu.memory_space<semaphore_mem>>) src(%dma_wait3A_168 : memref<32x512xf32, #tpu.memory_space<hbm>>) dst(%arg6 : memref<32x512xf32, #tpu.memory_space<vmem>>)
    %dma_wait3A_169 = arith.constant 0 : i32
    %dma_wait3A_170 = tpu.memref_slice %arg3[%add3A_132, %dma_wait3A_169] : memref<24576x512xf32, #tpu.memory_space<hbm>> -> memref<32x512xf32, #tpu.memory_space<hbm>>
    %dma_wait3A_171 = arith.constant 0 : i32
    %dma_wait3A_172 = tpu.memref_slice %arg3[%add3A_132, %dma_wait3A_171] : memref<24576x512xf32, #tpu.memory_space<hbm>> -> memref<32x512xf32, #tpu.memory_space<hbm>>
    tpu.wait_dma2 semaphore(%arg16 : memref<!tpu.dma_semaphore, #tpu.memory_space<semaphore_mem>>) src(%dma_wait3A_172 : memref<32x512xf32, #tpu.memory_space<hbm>>) dst(%arg9 : memref<32x512xf32, #tpu.memory_space<vmem>>)
    %parallel_loop3A_173 = arith.constant 0 : i32
    %parallel_loop3A_174 = arith.constant 32 : i32
    %parallel_loop3A_175 = arith.constant 1 : i32
    %parallel_loop3A_176:8 = scf.for %parallel_loop3A_187 = %parallel_loop3A_173 to %parallel_loop3A_174 step %parallel_loop3A_175 iter_args(%parallel_loop3A_188 = %parallel_loop3A_164#0, %parallel_loop3A_189 = %parallel_loop3A_164#1, %parallel_loop3A_190 = %parallel_loop3A_164#2, %parallel_loop3A_191 = %parallel_loop3A_164#3, %parallel_loop3A_192 = %parallel_loop3A_164#4, %parallel_loop3A_193 = %parallel_loop3A_164#5, %parallel_loop3A_194 = %parallel_loop3A_164#6, %parallel_loop3A_195 = %parallel_loop3A_164#7) -> (vector<16xf32>, vector<16xf32>, vector<16xf32>, vector<16xf32>, vector<16xf32>, vector<16xf32>, vector<16xf32>, vector<16xf32>)  : i32 {
      %parallel_loop3A_196 = arith.index_cast %parallel_loop3A_187 : i32 to index
      %parallel_loop3A_197 = arith.constant 0 : index
      %parallel_loop3A_198 = tpu.vector_load %arg6[%parallel_loop3A_196, %parallel_loop3A_197] {strides = array<i32>} : memref<32x512xf32, #tpu.memory_space<vmem>>, vector<1x16xf32>,
      %parallel_loop3A_199 = vector.shape_cast %parallel_loop3A_198 : vector<1x16xf32> to vector<16xf32>
      %parallel_loop3A_200 = arith.index_cast %parallel_loop3A_187 : i32 to index
      %parallel_loop3A_201 = arith.constant 0 : index
      %parallel_loop3A_202 = tpu.vector_load %arg9[%parallel_loop3A_200, %parallel_loop3A_201] {strides = array<i32>} : memref<32x512xf32, #tpu.memory_space<vmem>>, vector<1x16xf32>,
      %parallel_loop3A_203 = vector.shape_cast %parallel_loop3A_202 : vector<1x16xf32> to vector<16xf32>
      %parallel_loop3A_204 = arith.subf %parallel_loop3A_199, %parallel_loop3A_203 : vector<16xf32>
      %parallel_loop3A_205 = math.absf %parallel_loop3A_204 : vector<16xf32>
      %parallel_loop3A_206 = arith.addf %parallel_loop3A_188, %parallel_loop3A_205 : vector<16xf32>
      %parallel_loop3A_207 = arith.index_cast %parallel_loop3A_187 : i32 to index
      %parallel_loop3A_208 = arith.constant 16 : index
      %parallel_loop3A_209 = tpu.vector_load %arg6[%parallel_loop3A_207, %parallel_loop3A_208] {strides = array<i32>} : memref<32x512xf32, #tpu.memory_space<vmem>>, vector<1x16xf32>,
      %parallel_loop3A_210 = vector.shape_cast %parallel_loop3A_209 : vector<1x16xf32> to vector<16xf32>
      %parallel_loop3A_211 = arith.index_cast %parallel_loop3A_187 : i32 to index
      %parallel_loop3A_212 = arith.constant 16 : index
      %parallel_loop3A_213 = tpu.vector_load %arg9[%parallel_loop3A_211, %parallel_loop3A_212] {strides = array<i32>} : memref<32x512xf32, #tpu.memory_space<vmem>>, vector<1x16xf32>,
      %parallel_loop3A_214 = vector.shape_cast %parallel_loop3A_213 : vector<1x16xf32> to vector<16xf32>
      %parallel_loop3A_215 = arith.subf %parallel_loop3A_210, %parallel_loop3A_214 : vector<16xf32>
      %parallel_loop3A_216 = math.absf %parallel_loop3A_215 : vector<16xf32>
      %parallel_loop3A_217 = arith.addf %parallel_loop3A_189, %parallel_loop3A_216 : vector<16xf32>
      %parallel_loop3A_218 = arith.index_cast %parallel_loop3A_187 : i32 to index
      %parallel_loop3A_219 = arith.constant 32 : index
      %parallel_loop3A_220 = tpu.vector_load %arg6[%parallel_loop3A_218, %parallel_loop3A_219] {strides = array<i32>} : memref<32x512xf32, #tpu.memory_space<vmem>>, vector<1x16xf32>,
      %parallel_loop3A_221 = vector.shape_cast %parallel_loop3A_220 : vector<1x16xf32> to vector<16xf32>
      %parallel_loop3A_222 = arith.index_cast %parallel_loop3A_187 : i32 to index
      %parallel_loop3A_223 = arith.constant 32 : index
      %parallel_loop3A_224 = tpu.vector_load %arg9[%parallel_loop3A_222, %parallel_loop3A_223] {strides = array<i32>} : memref<32x512xf32, #tpu.memory_space<vmem>>, vector<1x16xf32>,
      %parallel_loop3A_225 = vector.shape_cast %parallel_loop3A_224 : vector<1x16xf32> to vector<16xf32>
      %parallel_loop3A_226 = arith.subf %parallel_loop3A_221, %parallel_loop3A_225 : vector<16xf32>
      %parallel_loop3A_227 = math.absf %parallel_loop3A_226 : vector<16xf32>
      %parallel_loop3A_228 = arith.addf %parallel_loop3A_190, %parallel_loop3A_227 : vector<16xf32>
      %parallel_loop3A_229 = arith.index_cast %parallel_loop3A_187 : i32 to index
      %parallel_loop3A_230 = arith.constant 48 : index
      %parallel_loop3A_231 = tpu.vector_load %arg6[%parallel_loop3A_229, %parallel_loop3A_230] {strides = array<i32>} : memref<32x512xf32, #tpu.memory_space<vmem>>, vector<1x16xf32>,
      %parallel_loop3A_232 = vector.shape_cast %parallel_loop3A_231 : vector<1x16xf32> to vector<16xf32>
      %parallel_loop3A_233 = arith.index_cast %parallel_loop3A_187 : i32 to index
      %parallel_loop3A_234 = arith.constant 48 : index
      %parallel_loop3A_235 = tpu.vector_load %arg9[%parallel_loop3A_233, %parallel_loop3A_234] {strides = array<i32>} : memref<32x512xf32, #tpu.memory_space<vmem>>, vector<1x16xf32>,
      %parallel_loop3A_236 = vector.shape_cast %parallel_loop3A_235 : vector<1x16xf32> to vector<16xf32>
      %parallel_loop3A_237 = arith.subf %parallel_loop3A_232, %parallel_loop3A_236 : vector<16xf32>
      %parallel_loop3A_238 = math.absf %parallel_loop3A_237 : vector<16xf32>
      %parallel_loop3A_239 = arith.addf %parallel_loop3A_191, %parallel_loop3A_238 : vector<16xf32>
      %parallel_loop3A_240 = arith.index_cast %parallel_loop3A_187 : i32 to index
      %parallel_loop3A_241 = arith.constant 64 : index
      %parallel_loop3A_242 = tpu.vector_load %arg6[%parallel_loop3A_240, %parallel_loop3A_241] {strides = array<i32>} : memref<32x512xf32, #tpu.memory_space<vmem>>, vector<1x16xf32>,
      %parallel_loop3A_243 = vector.shape_cast %parallel_loop3A_242 : vector<1x16xf32> to vector<16xf32>
      %parallel_loop3A_244 = arith.index_cast %parallel_loop3A_187 : i32 to index
      %parallel_loop3A_245 = arith.constant 64 : index
      %parallel_loop3A_246 = tpu.vector_load %arg9[%parallel_loop3A_244, %parallel_loop3A_245] {strides = array<i32>} : memref<32x512xf32, #tpu.memory_space<vmem>>, vector<1x16xf32>,
      %parallel_loop3A_247 = vector.shape_cast %parallel_loop3A_246 : vector<1x16xf32> to vector<16xf32>
      %parallel_loop3A_248 = arith.subf %parallel_loop3A_243, %parallel_loop3A_247 : vector<16xf32>
      %parallel_loop3A_249 = math.absf %parallel_loop3A_248 : vector<16xf32>
      %parallel_loop3A_250 = arith.addf %parallel_loop3A_192, %parallel_loop3A_249 : vector<16xf32>
      %parallel_loop3A_251 = arith.index_cast %parallel_loop3A_187 : i32 to index
      %parallel_loop3A_252 = arith.constant 80 : index
      %parallel_loop3A_253 = tpu.vector_load %arg6[%parallel_loop3A_251, %parallel_loop3A_252] {strides = array<i32>} : memref<32x512xf32, #tpu.memory_space<vmem>>, vector<1x16xf32>,
      %parallel_loop3A_254 = vector.shape_cast %parallel_loop3A_253 : vector<1x16xf32> to vector<16xf32>
      %parallel_loop3A_255 = arith.index_cast %parallel_loop3A_187 : i32 to index
      %parallel_loop3A_256 = arith.constant 80 : index
      %parallel_loop3A_257 = tpu.vector_load %arg9[%parallel_loop3A_255, %parallel_loop3A_256] {strides = array<i32>} : memref<32x512xf32, #tpu.memory_space<vmem>>, vector<1x16xf32>,
      %parallel_loop3A_258 = vector.shape_cast %parallel_loop3A_257 : vector<1x16xf32> to vector<16xf32>
      %parallel_loop3A_259 = arith.subf %parallel_loop3A_254, %parallel_loop3A_258 : vector<16xf32>
      %parallel_loop3A_260 = math.absf %parallel_loop3A_259 : vector<16xf32>
      %parallel_loop3A_261 = arith.addf %parallel_loop3A_193, %parallel_loop3A_260 : vector<16xf32>
      %parallel_loop3A_262 = arith.index_cast %parallel_loop3A_187 : i32 to index
      %parallel_loop3A_263 = arith.constant 96 : index
      %parallel_loop3A_264 = tpu.vector_load %arg6[%parallel_loop3A_262, %parallel_loop3A_263] {strides = array<i32>} : memref<32x512xf32, #tpu.memory_space<vmem>>, vector<1x16xf32>,
      %parallel_loop3A_265 = vector.shape_cast %parallel_loop3A_264 : vector<1x16xf32> to vector<16xf32>
      %parallel_loop3A_266 = arith.index_cast %parallel_loop3A_187 : i32 to index
      %parallel_loop3A_267 = arith.constant 96 : index
      %parallel_loop3A_268 = tpu.vector_load %arg9[%parallel_loop3A_266, %parallel_loop3A_267] {strides = array<i32>} : memref<32x512xf32, #tpu.memory_space<vmem>>, vector<1x16xf32>,
      %parallel_loop3A_269 = vector.shape_cast %parallel_loop3A_268 : vector<1x16xf32> to vector<16xf32>
      %parallel_loop3A_270 = arith.subf %parallel_loop3A_265, %parallel_loop3A_269 : vector<16xf32>
      %parallel_loop3A_271 = math.absf %parallel_loop3A_270 : vector<16xf32>
      %parallel_loop3A_272 = arith.addf %parallel_loop3A_194, %parallel_loop3A_271 : vector<16xf32>
      %parallel_loop3A_273 = arith.index_cast %parallel_loop3A_187 : i32 to index
      %parallel_loop3A_274 = arith.constant 112 : index
      %parallel_loop3A_275 = tpu.vector_load %arg6[%parallel_loop3A_273, %parallel_loop3A_274] {strides = array<i32>} : memref<32x512xf32, #tpu.memory_space<vmem>>, vector<1x16xf32>,
      %parallel_loop3A_276 = vector.shape_cast %parallel_loop3A_275 : vector<1x16xf32> to vector<16xf32>
      %parallel_loop3A_277 = arith.index_cast %parallel_loop3A_187 : i32 to index
      %parallel_loop3A_278 = arith.constant 112 : index
      %parallel_loop3A_279 = tpu.vector_load %arg9[%parallel_loop3A_277, %parallel_loop3A_278] {strides = array<i32>} : memref<32x512xf32, #tpu.memory_space<vmem>>, vector<1x16xf32>,
      %parallel_loop3A_280 = vector.shape_cast %parallel_loop3A_279 : vector<1x16xf32> to vector<16xf32>
      %parallel_loop3A_281 = arith.subf %parallel_loop3A_276, %parallel_loop3A_280 : vector<16xf32>
      %parallel_loop3A_282 = math.absf %parallel_loop3A_281 : vector<16xf32>
      %parallel_loop3A_283 = arith.addf %parallel_loop3A_195, %parallel_loop3A_282 : vector<16xf32>
      %parallel_loop3A_284 = arith.index_cast %parallel_loop3A_187 : i32 to index
      %parallel_loop3A_285 = arith.constant 128 : index
      %parallel_loop3A_286 = tpu.vector_load %arg6[%parallel_loop3A_284, %parallel_loop3A_285] {strides = array<i32>} : memref<32x512xf32, #tpu.memory_space<vmem>>, vector<1x16xf32>,
      %parallel_loop3A_287 = vector.shape_cast %parallel_loop3A_286 : vector<1x16xf32> to vector<16xf32>
      %parallel_loop3A_288 = arith.index_cast %parallel_loop3A_187 : i32 to index
      %parallel_loop3A_289 = arith.constant 128 : index
      %parallel_loop3A_290 = tpu.vector_load %arg9[%parallel_loop3A_288, %parallel_loop3A_289] {strides = array<i32>} : memref<32x512xf32, #tpu.memory_space<vmem>>, vector<1x16xf32>,
      %parallel_loop3A_291 = vector.shape_cast %parallel_loop3A_290 : vector<1x16xf32> to vector<16xf32>
      %parallel_loop3A_292 = arith.subf %parallel_loop3A_287, %parallel_loop3A_291 : vector<16xf32>
      %parallel_loop3A_293 = math.absf %parallel_loop3A_292 : vector<16xf32>
      %parallel_loop3A_294 = arith.addf %parallel_loop3A_206, %parallel_loop3A_293 : vector<16xf32>
      %parallel_loop3A_295 = arith.index_cast %parallel_loop3A_187 : i32 to index
      %parallel_loop3A_296 = arith.constant 144 : index
      %parallel_loop3A_297 = tpu.vector_load %arg6[%parallel_loop3A_295, %parallel_loop3A_296] {strides = array<i32>} : memref<32x512xf32, #tpu.memory_space<vmem>>, vector<1x16xf32>,
      %parallel_loop3A_298 = vector.shape_cast %parallel_loop3A_297 : vector<1x16xf32> to vector<16xf32>
      %parallel_loop3A_299 = arith.index_cast %parallel_loop3A_187 : i32 to index
      %parallel_loop3A_300 = arith.constant 144 : index
      %parallel_loop3A_301 = tpu.vector_load %arg9[%parallel_loop3A_299, %parallel_loop3A_300] {strides = array<i32>} : memref<32x512xf32, #tpu.memory_space<vmem>>, vector<1x16xf32>,
      %parallel_loop3A_302 = vector.shape_cast %parallel_loop3A_301 : vector<1x16xf32> to vector<16xf32>
      %parallel_loop3A_303 = arith.subf %parallel_loop3A_298, %parallel_loop3A_302 : vector<16xf32>
      %parallel_loop3A_304 = math.absf %parallel_loop3A_303 : vector<16xf32>
      %parallel_loop3A_305 = arith.addf %parallel_loop3A_217, %parallel_loop3A_304 : vector<16xf32>
      %parallel_loop3A_306 = arith.index_cast %parallel_loop3A_187 : i32 to index
      %parallel_loop3A_307 = arith.constant 160 : index
      %parallel_loop3A_308 = tpu.vector_load %arg6[%parallel_loop3A_306, %parallel_loop3A_307] {strides = array<i32>} : memref<32x512xf32, #tpu.memory_space<vmem>>, vector<1x16xf32>,
      %parallel_loop3A_309 = vector.shape_cast %parallel_loop3A_308 : vector<1x16xf32> to vector<16xf32>
      %parallel_loop3A_310 = arith.index_cast %parallel_loop3A_187 : i32 to index
      %parallel_loop3A_311 = arith.constant 160 : index
      %parallel_loop3A_312 = tpu.vector_load %arg9[%parallel_loop3A_310, %parallel_loop3A_311] {strides = array<i32>} : memref<32x512xf32, #tpu.memory_space<vmem>>, vector<1x16xf32>,
      %parallel_loop3A_313 = vector.shape_cast %parallel_loop3A_312 : vector<1x16xf32> to vector<16xf32>
      %parallel_loop3A_314 = arith.subf %parallel_loop3A_309, %parallel_loop3A_313 : vector<16xf32>
      %parallel_loop3A_315 = math.absf %parallel_loop3A_314 : vector<16xf32>
      %parallel_loop3A_316 = arith.addf %parallel_loop3A_228, %parallel_loop3A_315 : vector<16xf32>
      %parallel_loop3A_317 = arith.index_cast %parallel_loop3A_187 : i32 to index
      %parallel_loop3A_318 = arith.constant 176 : index
      %parallel_loop3A_319 = tpu.vector_load %arg6[%parallel_loop3A_317, %parallel_loop3A_318] {strides = array<i32>} : memref<32x512xf32, #tpu.memory_space<vmem>>, vector<1x16xf32>,
      %parallel_loop3A_320 = vector.shape_cast %parallel_loop3A_319 : vector<1x16xf32> to vector<16xf32>
      %parallel_loop3A_321 = arith.index_cast %parallel_loop3A_187 : i32 to index
      %parallel_loop3A_322 = arith.constant 176 : index
      %parallel_loop3A_323 = tpu.vector_load %arg9[%parallel_loop3A_321, %parallel_loop3A_322] {strides = array<i32>} : memref<32x512xf32, #tpu.memory_space<vmem>>, vector<1x16xf32>,
      %parallel_loop3A_324 = vector.shape_cast %parallel_loop3A_323 : vector<1x16xf32> to vector<16xf32>
      %parallel_loop3A_325 = arith.subf %parallel_loop3A_320, %parallel_loop3A_324 : vector<16xf32>
      %parallel_loop3A_326 = math.absf %parallel_loop3A_325 : vector<16xf32>
      %parallel_loop3A_327 = arith.addf %parallel_loop3A_239, %parallel_loop3A_326 : vector<16xf32>
      %parallel_loop3A_328 = arith.index_cast %parallel_loop3A_187 : i32 to index
      %parallel_loop3A_329 = arith.constant 192 : index
      %parallel_loop3A_330 = tpu.vector_load %arg6[%parallel_loop3A_328, %parallel_loop3A_329] {strides = array<i32>} : memref<32x512xf32, #tpu.memory_space<vmem>>, vector<1x16xf32>,
      %parallel_loop3A_331 = vector.shape_cast %parallel_loop3A_330 : vector<1x16xf32> to vector<16xf32>
      %parallel_loop3A_332 = arith.index_cast %parallel_loop3A_187 : i32 to index
      %parallel_loop3A_333 = arith.constant 192 : index
      %parallel_loop3A_334 = tpu.vector_load %arg9[%parallel_loop3A_332, %parallel_loop3A_333] {strides = array<i32>} : memref<32x512xf32, #tpu.memory_space<vmem>>, vector<1x16xf32>,
      %parallel_loop3A_335 = vector.shape_cast %parallel_loop3A_334 : vector<1x16xf32> to vector<16xf32>
      %parallel_loop3A_336 = arith.subf %parallel_loop3A_331, %parallel_loop3A_335 : vector<16xf32>
      %parallel_loop3A_337 = math.absf %parallel_loop3A_336 : vector<16xf32>
      %parallel_loop3A_338 = arith.addf %parallel_loop3A_250, %parallel_loop3A_337 : vector<16xf32>
      %parallel_loop3A_339 = arith.index_cast %parallel_loop3A_187 : i32 to index
      %parallel_loop3A_340 = arith.constant 208 : index
      %parallel_loop3A_341 = tpu.vector_load %arg6[%parallel_loop3A_339, %parallel_loop3A_340] {strides = array<i32>} : memref<32x512xf32, #tpu.memory_space<vmem>>, vector<1x16xf32>,
      %parallel_loop3A_342 = vector.shape_cast %parallel_loop3A_341 : vector<1x16xf32> to vector<16xf32>
      %parallel_loop3A_343 = arith.index_cast %parallel_loop3A_187 : i32 to index
      %parallel_loop3A_344 = arith.constant 208 : index
      %parallel_loop3A_345 = tpu.vector_load %arg9[%parallel_loop3A_343, %parallel_loop3A_344] {strides = array<i32>} : memref<32x512xf32, #tpu.memory_space<vmem>>, vector<1x16xf32>,
      %parallel_loop3A_346 = vector.shape_cast %parallel_loop3A_345 : vector<1x16xf32> to vector<16xf32>
      %parallel_loop3A_347 = arith.subf %parallel_loop3A_342, %parallel_loop3A_346 : vector<16xf32>
      %parallel_loop3A_348 = math.absf %parallel_loop3A_347 : vector<16xf32>
      %parallel_loop3A_349 = arith.addf %parallel_loop3A_261, %parallel_loop3A_348 : vector<16xf32>
      %parallel_loop3A_350 = arith.index_cast %parallel_loop3A_187 : i32 to index
      %parallel_loop3A_351 = arith.constant 224 : index
      %parallel_loop3A_352 = tpu.vector_load %arg6[%parallel_loop3A_350, %parallel_loop3A_351] {strides = array<i32>} : memref<32x512xf32, #tpu.memory_space<vmem>>, vector<1x16xf32>,
      %parallel_loop3A_353 = vector.shape_cast %parallel_loop3A_352 : vector<1x16xf32> to vector<16xf32>
      %parallel_loop3A_354 = arith.index_cast %parallel_loop3A_187 : i32 to index
      %parallel_loop3A_355 = arith.constant 224 : index
      %parallel_loop3A_356 = tpu.vector_load %arg9[%parallel_loop3A_354, %parallel_loop3A_355] {strides = array<i32>} : memref<32x512xf32, #tpu.memory_space<vmem>>, vector<1x16xf32>,
      %parallel_loop3A_357 = vector.shape_cast %parallel_loop3A_356 : vector<1x16xf32> to vector<16xf32>
      %parallel_loop3A_358 = arith.subf %parallel_loop3A_353, %parallel_loop3A_357 : vector<16xf32>
      %parallel_loop3A_359 = math.absf %parallel_loop3A_358 : vector<16xf32>
      %parallel_loop3A_360 = arith.addf %parallel_loop3A_272, %parallel_loop3A_359 : vector<16xf32>
      %parallel_loop3A_361 = arith.index_cast %parallel_loop3A_187 : i32 to index
      %parallel_loop3A_362 = arith.constant 240 : index
      %parallel_loop3A_363 = tpu.vector_load %arg6[%parallel_loop3A_361, %parallel_loop3A_362] {strides = array<i32>} : memref<32x512xf32, #tpu.memory_space<vmem>>, vector<1x16xf32>,
      %parallel_loop3A_364 = vector.shape_cast %parallel_loop3A_363 : vector<1x16xf32> to vector<16xf32>
      %parallel_loop3A_365 = arith.index_cast %parallel_loop3A_187 : i32 to index
      %parallel_loop3A_366 = arith.constant 240 : index
      %parallel_loop3A_367 = tpu.vector_load %arg9[%parallel_loop3A_365, %parallel_loop3A_366] {strides = array<i32>} : memref<32x512xf32, #tpu.memory_space<vmem>>, vector<1x16xf32>,
      %parallel_loop3A_368 = vector.shape_cast %parallel_loop3A_367 : vector<1x16xf32> to vector<16xf32>
      %parallel_loop3A_369 = arith.subf %parallel_loop3A_364, %parallel_loop3A_368 : vector<16xf32>
      %parallel_loop3A_370 = math.absf %parallel_loop3A_369 : vector<16xf32>
      %parallel_loop3A_371 = arith.addf %parallel_loop3A_283, %parallel_loop3A_370 : vector<16xf32>
      %parallel_loop3A_372 = arith.index_cast %parallel_loop3A_187 : i32 to index
      %parallel_loop3A_373 = arith.constant 256 : index
      %parallel_loop3A_374 = tpu.vector_load %arg6[%parallel_loop3A_372, %parallel_loop3A_373] {strides = array<i32>} : memref<32x512xf32, #tpu.memory_space<vmem>>, vector<1x16xf32>,
      %parallel_loop3A_375 = vector.shape_cast %parallel_loop3A_374 : vector<1x16xf32> to vector<16xf32>
      %parallel_loop3A_376 = arith.index_cast %parallel_loop3A_187 : i32 to index
      %parallel_loop3A_377 = arith.constant 256 : index
      %parallel_loop3A_378 = tpu.vector_load %arg9[%parallel_loop3A_376, %parallel_loop3A_377] {strides = array<i32>} : memref<32x512xf32, #tpu.memory_space<vmem>>, vector<1x16xf32>,
      %parallel_loop3A_379 = vector.shape_cast %parallel_loop3A_378 : vector<1x16xf32> to vector<16xf32>
      %parallel_loop3A_380 = arith.subf %parallel_loop3A_375, %parallel_loop3A_379 : vector<16xf32>
      %parallel_loop3A_381 = math.absf %parallel_loop3A_380 : vector<16xf32>
      %parallel_loop3A_382 = arith.addf %parallel_loop3A_294, %parallel_loop3A_381 : vector<16xf32>
      %parallel_loop3A_383 = arith.index_cast %parallel_loop3A_187 : i32 to index
      %parallel_loop3A_384 = arith.constant 272 : index
      %parallel_loop3A_385 = tpu.vector_load %arg6[%parallel_loop3A_383, %parallel_loop3A_384] {strides = array<i32>} : memref<32x512xf32, #tpu.memory_space<vmem>>, vector<1x16xf32>,
      %parallel_loop3A_386 = vector.shape_cast %parallel_loop3A_385 : vector<1x16xf32> to vector<16xf32>
      %parallel_loop3A_387 = arith.index_cast %parallel_loop3A_187 : i32 to index
      %parallel_loop3A_388 = arith.constant 272 : index
      %parallel_loop3A_389 = tpu.vector_load %arg9[%parallel_loop3A_387, %parallel_loop3A_388] {strides = array<i32>} : memref<32x512xf32, #tpu.memory_space<vmem>>, vector<1x16xf32>,
      %parallel_loop3A_390 = vector.shape_cast %parallel_loop3A_389 : vector<1x16xf32> to vector<16xf32>
      %parallel_loop3A_391 = arith.subf %parallel_loop3A_386, %parallel_loop3A_390 : vector<16xf32>
      %parallel_loop3A_392 = math.absf %parallel_loop3A_391 : vector<16xf32>
      %parallel_loop3A_393 = arith.addf %parallel_loop3A_305, %parallel_loop3A_392 : vector<16xf32>
      %parallel_loop3A_394 = arith.index_cast %parallel_loop3A_187 : i32 to index
      %parallel_loop3A_395 = arith.constant 288 : index
      %parallel_loop3A_396 = tpu.vector_load %arg6[%parallel_loop3A_394, %parallel_loop3A_395] {strides = array<i32>} : memref<32x512xf32, #tpu.memory_space<vmem>>, vector<1x16xf32>,
      %parallel_loop3A_397 = vector.shape_cast %parallel_loop3A_396 : vector<1x16xf32> to vector<16xf32>
      %parallel_loop3A_398 = arith.index_cast %parallel_loop3A_187 : i32 to index
      %parallel_loop3A_399 = arith.constant 288 : index
      %parallel_loop3A_400 = tpu.vector_load %arg9[%parallel_loop3A_398, %parallel_loop3A_399] {strides = array<i32>} : memref<32x512xf32, #tpu.memory_space<vmem>>, vector<1x16xf32>,
      %parallel_loop3A_401 = vector.shape_cast %parallel_loop3A_400 : vector<1x16xf32> to vector<16xf32>
      %parallel_loop3A_402 = arith.subf %parallel_loop3A_397, %parallel_loop3A_401 : vector<16xf32>
      %parallel_loop3A_403 = math.absf %parallel_loop3A_402 : vector<16xf32>
      %parallel_loop3A_404 = arith.addf %parallel_loop3A_316, %parallel_loop3A_403 : vector<16xf32>
      %parallel_loop3A_405 = arith.index_cast %parallel_loop3A_187 : i32 to index
      %parallel_loop3A_406 = arith.constant 304 : index
      %parallel_loop3A_407 = tpu.vector_load %arg6[%parallel_loop3A_405, %parallel_loop3A_406] {strides = array<i32>} : memref<32x512xf32, #tpu.memory_space<vmem>>, vector<1x16xf32>,
      %parallel_loop3A_408 = vector.shape_cast %parallel_loop3A_407 : vector<1x16xf32> to vector<16xf32>
      %parallel_loop3A_409 = arith.index_cast %parallel_loop3A_187 : i32 to index
      %parallel_loop3A_410 = arith.constant 304 : index
      %parallel_loop3A_411 = tpu.vector_load %arg9[%parallel_loop3A_409, %parallel_loop3A_410] {strides = array<i32>} : memref<32x512xf32, #tpu.memory_space<vmem>>, vector<1x16xf32>,
      %parallel_loop3A_412 = vector.shape_cast %parallel_loop3A_411 : vector<1x16xf32> to vector<16xf32>
      %parallel_loop3A_413 = arith.subf %parallel_loop3A_408, %parallel_loop3A_412 : vector<16xf32>
      %parallel_loop3A_414 = math.absf %parallel_loop3A_413 : vector<16xf32>
      %parallel_loop3A_415 = arith.addf %parallel_loop3A_327, %parallel_loop3A_414 : vector<16xf32>
      %parallel_loop3A_416 = arith.index_cast %parallel_loop3A_187 : i32 to index
      %parallel_loop3A_417 = arith.constant 320 : index
      %parallel_loop3A_418 = tpu.vector_load %arg6[%parallel_loop3A_416, %parallel_loop3A_417] {strides = array<i32>} : memref<32x512xf32, #tpu.memory_space<vmem>>, vector<1x16xf32>,
      %parallel_loop3A_419 = vector.shape_cast %parallel_loop3A_418 : vector<1x16xf32> to vector<16xf32>
      %parallel_loop3A_420 = arith.index_cast %parallel_loop3A_187 : i32 to index
      %parallel_loop3A_421 = arith.constant 320 : index
      %parallel_loop3A_422 = tpu.vector_load %arg9[%parallel_loop3A_420, %parallel_loop3A_421] {strides = array<i32>} : memref<32x512xf32, #tpu.memory_space<vmem>>, vector<1x16xf32>,
      %parallel_loop3A_423 = vector.shape_cast %parallel_loop3A_422 : vector<1x16xf32> to vector<16xf32>
      %parallel_loop3A_424 = arith.subf %parallel_loop3A_419, %parallel_loop3A_423 : vector<16xf32>
      %parallel_loop3A_425 = math.absf %parallel_loop3A_424 : vector<16xf32>
      %parallel_loop3A_426 = arith.addf %parallel_loop3A_338, %parallel_loop3A_425 : vector<16xf32>
      %parallel_loop3A_427 = arith.index_cast %parallel_loop3A_187 : i32 to index
      %parallel_loop3A_428 = arith.constant 336 : index
      %parallel_loop3A_429 = tpu.vector_load %arg6[%parallel_loop3A_427, %parallel_loop3A_428] {strides = array<i32>} : memref<32x512xf32, #tpu.memory_space<vmem>>, vector<1x16xf32>,
      %parallel_loop3A_430 = vector.shape_cast %parallel_loop3A_429 : vector<1x16xf32> to vector<16xf32>
      %parallel_loop3A_431 = arith.index_cast %parallel_loop3A_187 : i32 to index
      %parallel_loop3A_432 = arith.constant 336 : index
      %parallel_loop3A_433 = tpu.vector_load %arg9[%parallel_loop3A_431, %parallel_loop3A_432] {strides = array<i32>} : memref<32x512xf32, #tpu.memory_space<vmem>>, vector<1x16xf32>,
      %parallel_loop3A_434 = vector.shape_cast %parallel_loop3A_433 : vector<1x16xf32> to vector<16xf32>
      %parallel_loop3A_435 = arith.subf %parallel_loop3A_430, %parallel_loop3A_434 : vector<16xf32>
      %parallel_loop3A_436 = math.absf %parallel_loop3A_435 : vector<16xf32>
      %parallel_loop3A_437 = arith.addf %parallel_loop3A_349, %parallel_loop3A_436 : vector<16xf32>
      %parallel_loop3A_438 = arith.index_cast %parallel_loop3A_187 : i32 to index
      %parallel_loop3A_439 = arith.constant 352 : index
      %parallel_loop3A_440 = tpu.vector_load %arg6[%parallel_loop3A_438, %parallel_loop3A_439] {strides = array<i32>} : memref<32x512xf32, #tpu.memory_space<vmem>>, vector<1x16xf32>,
      %parallel_loop3A_441 = vector.shape_cast %parallel_loop3A_440 : vector<1x16xf32> to vector<16xf32>
      %parallel_loop3A_442 = arith.index_cast %parallel_loop3A_187 : i32 to index
      %parallel_loop3A_443 = arith.constant 352 : index
      %parallel_loop3A_444 = tpu.vector_load %arg9[%parallel_loop3A_442, %parallel_loop3A_443] {strides = array<i32>} : memref<32x512xf32, #tpu.memory_space<vmem>>, vector<1x16xf32>,
      %parallel_loop3A_445 = vector.shape_cast %parallel_loop3A_444 : vector<1x16xf32> to vector<16xf32>
      %parallel_loop3A_446 = arith.subf %parallel_loop3A_441, %parallel_loop3A_445 : vector<16xf32>
      %parallel_loop3A_447 = math.absf %parallel_loop3A_446 : vector<16xf32>
      %parallel_loop3A_448 = arith.addf %parallel_loop3A_360, %parallel_loop3A_447 : vector<16xf32>
      %parallel_loop3A_449 = arith.index_cast %parallel_loop3A_187 : i32 to index
      %parallel_loop3A_450 = arith.constant 368 : index
      %parallel_loop3A_451 = tpu.vector_load %arg6[%parallel_loop3A_449, %parallel_loop3A_450] {strides = array<i32>} : memref<32x512xf32, #tpu.memory_space<vmem>>, vector<1x16xf32>,
      %parallel_loop3A_452 = vector.shape_cast %parallel_loop3A_451 : vector<1x16xf32> to vector<16xf32>
      %parallel_loop3A_453 = arith.index_cast %parallel_loop3A_187 : i32 to index
      %parallel_loop3A_454 = arith.constant 368 : index
      %parallel_loop3A_455 = tpu.vector_load %arg9[%parallel_loop3A_453, %parallel_loop3A_454] {strides = array<i32>} : memref<32x512xf32, #tpu.memory_space<vmem>>, vector<1x16xf32>,
      %parallel_loop3A_456 = vector.shape_cast %parallel_loop3A_455 : vector<1x16xf32> to vector<16xf32>
      %parallel_loop3A_457 = arith.subf %parallel_loop3A_452, %parallel_loop3A_456 : vector<16xf32>
      %parallel_loop3A_458 = math.absf %parallel_loop3A_457 : vector<16xf32>
      %parallel_loop3A_459 = arith.addf %parallel_loop3A_371, %parallel_loop3A_458 : vector<16xf32>
      %parallel_loop3A_460 = arith.index_cast %parallel_loop3A_187 : i32 to index
      %parallel_loop3A_461 = arith.constant 384 : index
      %parallel_loop3A_462 = tpu.vector_load %arg6[%parallel_loop3A_460, %parallel_loop3A_461] {strides = array<i32>} : memref<32x512xf32, #tpu.memory_space<vmem>>, vector<1x16xf32>,
      %parallel_loop3A_463 = vector.shape_cast %parallel_loop3A_462 : vector<1x16xf32> to vector<16xf32>
      %parallel_loop3A_464 = arith.index_cast %parallel_loop3A_187 : i32 to index
      %parallel_loop3A_465 = arith.constant 384 : index
      %parallel_loop3A_466 = tpu.vector_load %arg9[%parallel_loop3A_464, %parallel_loop3A_465] {strides = array<i32>} : memref<32x512xf32, #tpu.memory_space<vmem>>, vector<1x16xf32>,
      %parallel_loop3A_467 = vector.shape_cast %parallel_loop3A_466 : vector<1x16xf32> to vector<16xf32>
      %parallel_loop3A_468 = arith.subf %parallel_loop3A_463, %parallel_loop3A_467 : vector<16xf32>
      %parallel_loop3A_469 = math.absf %parallel_loop3A_468 : vector<16xf32>
      %parallel_loop3A_470 = arith.addf %parallel_loop3A_382, %parallel_loop3A_469 : vector<16xf32>
      %parallel_loop3A_471 = arith.index_cast %parallel_loop3A_187 : i32 to index
      %parallel_loop3A_472 = arith.constant 400 : index
      %parallel_loop3A_473 = tpu.vector_load %arg6[%parallel_loop3A_471, %parallel_loop3A_472] {strides = array<i32>} : memref<32x512xf32, #tpu.memory_space<vmem>>, vector<1x16xf32>,
      %parallel_loop3A_474 = vector.shape_cast %parallel_loop3A_473 : vector<1x16xf32> to vector<16xf32>
      %parallel_loop3A_475 = arith.index_cast %parallel_loop3A_187 : i32 to index
      %parallel_loop3A_476 = arith.constant 400 : index
      %parallel_loop3A_477 = tpu.vector_load %arg9[%parallel_loop3A_475, %parallel_loop3A_476] {strides = array<i32>} : memref<32x512xf32, #tpu.memory_space<vmem>>, vector<1x16xf32>,
      %parallel_loop3A_478 = vector.shape_cast %parallel_loop3A_477 : vector<1x16xf32> to vector<16xf32>
      %parallel_loop3A_479 = arith.subf %parallel_loop3A_474, %parallel_loop3A_478 : vector<16xf32>
      %parallel_loop3A_480 = math.absf %parallel_loop3A_479 : vector<16xf32>
      %parallel_loop3A_481 = arith.addf %parallel_loop3A_393, %parallel_loop3A_480 : vector<16xf32>
      %parallel_loop3A_482 = arith.index_cast %parallel_loop3A_187 : i32 to index
      %parallel_loop3A_483 = arith.constant 416 : index
      %parallel_loop3A_484 = tpu.vector_load %arg6[%parallel_loop3A_482, %parallel_loop3A_483] {strides = array<i32>} : memref<32x512xf32, #tpu.memory_space<vmem>>, vector<1x16xf32>,
      %parallel_loop3A_485 = vector.shape_cast %parallel_loop3A_484 : vector<1x16xf32> to vector<16xf32>
      %parallel_loop3A_486 = arith.index_cast %parallel_loop3A_187 : i32 to index
      %parallel_loop3A_487 = arith.constant 416 : index
      %parallel_loop3A_488 = tpu.vector_load %arg9[%parallel_loop3A_486, %parallel_loop3A_487] {strides = array<i32>} : memref<32x512xf32, #tpu.memory_space<vmem>>, vector<1x16xf32>,
      %parallel_loop3A_489 = vector.shape_cast %parallel_loop3A_488 : vector<1x16xf32> to vector<16xf32>
      %parallel_loop3A_490 = arith.subf %parallel_loop3A_485, %parallel_loop3A_489 : vector<16xf32>
      %parallel_loop3A_491 = math.absf %parallel_loop3A_490 : vector<16xf32>
      %parallel_loop3A_492 = arith.addf %parallel_loop3A_404, %parallel_loop3A_491 : vector<16xf32>
      %parallel_loop3A_493 = arith.index_cast %parallel_loop3A_187 : i32 to index
      %parallel_loop3A_494 = arith.constant 432 : index
      %parallel_loop3A_495 = tpu.vector_load %arg6[%parallel_loop3A_493, %parallel_loop3A_494] {strides = array<i32>} : memref<32x512xf32, #tpu.memory_space<vmem>>, vector<1x16xf32>,
      %parallel_loop3A_496 = vector.shape_cast %parallel_loop3A_495 : vector<1x16xf32> to vector<16xf32>
      %parallel_loop3A_497 = arith.index_cast %parallel_loop3A_187 : i32 to index
      %parallel_loop3A_498 = arith.constant 432 : index
      %parallel_loop3A_499 = tpu.vector_load %arg9[%parallel_loop3A_497, %parallel_loop3A_498] {strides = array<i32>} : memref<32x512xf32, #tpu.memory_space<vmem>>, vector<1x16xf32>,
      %parallel_loop3A_500 = vector.shape_cast %parallel_loop3A_499 : vector<1x16xf32> to vector<16xf32>
      %parallel_loop3A_501 = arith.subf %parallel_loop3A_496, %parallel_loop3A_500 : vector<16xf32>
      %parallel_loop3A_502 = math.absf %parallel_loop3A_501 : vector<16xf32>
      %parallel_loop3A_503 = arith.addf %parallel_loop3A_415, %parallel_loop3A_502 : vector<16xf32>
      %parallel_loop3A_504 = arith.index_cast %parallel_loop3A_187 : i32 to index
      %parallel_loop3A_505 = arith.constant 448 : index
      %parallel_loop3A_506 = tpu.vector_load %arg6[%parallel_loop3A_504, %parallel_loop3A_505] {strides = array<i32>} : memref<32x512xf32, #tpu.memory_space<vmem>>, vector<1x16xf32>,
      %parallel_loop3A_507 = vector.shape_cast %parallel_loop3A_506 : vector<1x16xf32> to vector<16xf32>
      %parallel_loop3A_508 = arith.index_cast %parallel_loop3A_187 : i32 to index
      %parallel_loop3A_509 = arith.constant 448 : index
      %parallel_loop3A_510 = tpu.vector_load %arg9[%parallel_loop3A_508, %parallel_loop3A_509] {strides = array<i32>} : memref<32x512xf32, #tpu.memory_space<vmem>>, vector<1x16xf32>,
      %parallel_loop3A_511 = vector.shape_cast %parallel_loop3A_510 : vector<1x16xf32> to vector<16xf32>
      %parallel_loop3A_512 = arith.subf %parallel_loop3A_507, %parallel_loop3A_511 : vector<16xf32>
      %parallel_loop3A_513 = math.absf %parallel_loop3A_512 : vector<16xf32>
      %parallel_loop3A_514 = arith.addf %parallel_loop3A_426, %parallel_loop3A_513 : vector<16xf32>
      %parallel_loop3A_515 = arith.index_cast %parallel_loop3A_187 : i32 to index
      %parallel_loop3A_516 = arith.constant 464 : index
      %parallel_loop3A_517 = tpu.vector_load %arg6[%parallel_loop3A_515, %parallel_loop3A_516] {strides = array<i32>} : memref<32x512xf32, #tpu.memory_space<vmem>>, vector<1x16xf32>,
      %parallel_loop3A_518 = vector.shape_cast %parallel_loop3A_517 : vector<1x16xf32> to vector<16xf32>
      %parallel_loop3A_519 = arith.index_cast %parallel_loop3A_187 : i32 to index
      %parallel_loop3A_520 = arith.constant 464 : index
      %parallel_loop3A_521 = tpu.vector_load %arg9[%parallel_loop3A_519, %parallel_loop3A_520] {strides = array<i32>} : memref<32x512xf32, #tpu.memory_space<vmem>>, vector<1x16xf32>,
      %parallel_loop3A_522 = vector.shape_cast %parallel_loop3A_521 : vector<1x16xf32> to vector<16xf32>
      %parallel_loop3A_523 = arith.subf %parallel_loop3A_518, %parallel_loop3A_522 : vector<16xf32>
      %parallel_loop3A_524 = math.absf %parallel_loop3A_523 : vector<16xf32>
      %parallel_loop3A_525 = arith.addf %parallel_loop3A_437, %parallel_loop3A_524 : vector<16xf32>
      %parallel_loop3A_526 = arith.index_cast %parallel_loop3A_187 : i32 to index
      %parallel_loop3A_527 = arith.constant 480 : index
      %parallel_loop3A_528 = tpu.vector_load %arg6[%parallel_loop3A_526, %parallel_loop3A_527] {strides = array<i32>} : memref<32x512xf32, #tpu.memory_space<vmem>>, vector<1x16xf32>,
      %parallel_loop3A_529 = vector.shape_cast %parallel_loop3A_528 : vector<1x16xf32> to vector<16xf32>
      %parallel_loop3A_530 = arith.index_cast %parallel_loop3A_187 : i32 to index
      %parallel_loop3A_531 = arith.constant 480 : index
      %parallel_loop3A_532 = tpu.vector_load %arg9[%parallel_loop3A_530, %parallel_loop3A_531] {strides = array<i32>} : memref<32x512xf32, #tpu.memory_space<vmem>>, vector<1x16xf32>,
      %parallel_loop3A_533 = vector.shape_cast %parallel_loop3A_532 : vector<1x16xf32> to vector<16xf32>
      %parallel_loop3A_534 = arith.subf %parallel_loop3A_529, %parallel_loop3A_533 : vector<16xf32>
      %parallel_loop3A_535 = math.absf %parallel_loop3A_534 : vector<16xf32>
      %parallel_loop3A_536 = arith.addf %parallel_loop3A_448, %parallel_loop3A_535 : vector<16xf32>
      %parallel_loop3A_537 = arith.index_cast %parallel_loop3A_187 : i32 to index
      %parallel_loop3A_538 = arith.constant 496 : index
      %parallel_loop3A_539 = tpu.vector_load %arg6[%parallel_loop3A_537, %parallel_loop3A_538] {strides = array<i32>} : memref<32x512xf32, #tpu.memory_space<vmem>>, vector<1x16xf32>,
      %parallel_loop3A_540 = vector.shape_cast %parallel_loop3A_539 : vector<1x16xf32> to vector<16xf32>
      %parallel_loop3A_541 = arith.index_cast %parallel_loop3A_187 : i32 to index
      %parallel_loop3A_542 = arith.constant 496 : index
      %parallel_loop3A_543 = tpu.vector_load %arg9[%parallel_loop3A_541, %parallel_loop3A_542] {strides = array<i32>} : memref<32x512xf32, #tpu.memory_space<vmem>>, vector<1x16xf32>,
      %parallel_loop3A_544 = vector.shape_cast %parallel_loop3A_543 : vector<1x16xf32> to vector<16xf32>
      %parallel_loop3A_545 = arith.subf %parallel_loop3A_540, %parallel_loop3A_544 : vector<16xf32>
      %parallel_loop3A_546 = math.absf %parallel_loop3A_545 : vector<16xf32>
      %parallel_loop3A_547 = arith.addf %parallel_loop3A_459, %parallel_loop3A_546 : vector<16xf32>
      scf.yield %parallel_loop3A_470, %parallel_loop3A_481, %parallel_loop3A_492, %parallel_loop3A_503, %parallel_loop3A_514, %parallel_loop3A_525, %parallel_loop3A_536, %parallel_loop3A_547 : vector<16xf32>, vector<16xf32>, vector<16xf32>, vector<16xf32>, vector<16xf32>, vector<16xf32>, vector<16xf32>, vector<16xf32>
    } {sc.loop_unroll_factor = 2 : i64, sc.parallel_access}
    %add3A_177 = arith.addf %parallel_loop3A_176#0, %parallel_loop3A_176#1 : vector<16xf32>
    %add3A_178 = arith.addf %parallel_loop3A_176#2, %parallel_loop3A_176#3 : vector<16xf32>
    %add3A_179 = arith.addf %add3A_177, %add3A_178 : vector<16xf32>
    %add3A_180 = arith.addf %parallel_loop3A_176#4, %parallel_loop3A_176#5 : vector<16xf32>
    %add3A_181 = arith.addf %parallel_loop3A_176#6, %parallel_loop3A_176#7 : vector<16xf32>
    %add3A_182 = arith.addf %add3A_180, %add3A_181 : vector<16xf32>
    %add3A_183 = arith.addf %add3A_179, %add3A_182 : vector<16xf32>
    %swap3A = arith.constant 0 : index
    %swap3A_184 = tpu.vector_load %arg11[%swap3A] {strides = array<i32>} : memref<16xf32, #tpu.memory_space<vmem>>, vector<16xf32>,
    %swap3A_185 = vector.shape_cast %swap3A_184 : vector<16xf32> to vector<16xf32>
    %swap3A_186 = vector.shape_cast %add3A_183 : vector<16xf32> to vector<16xf32>
    tpu.vector_store %arg11[%swap3A], %swap3A_186 {strides = array<i32>} : memref<16xf32, #tpu.memory_space<vmem>>, vector<16xf32>,
    "tpu.region"() ({
      %run_scoped3A = tpu.sem_alloc : memref<!tpu.dma_semaphore, #tpu.memory_space<semaphore_mem>>
      %dma_start3A_187 = arith.constant 0 : i32
      %dma_start3A_188 = tpu.memref_slice %arg4[%add3A, %dma_start3A_187] : memref<16x16xf32, #tpu.memory_space<hbm>> -> memref<1x16xf32, #tpu.memory_space<hbm>>
      %dma_start3A_189 = tpu.memref_squeeze %dma_start3A_188 : memref<1x16xf32, #tpu.memory_space<hbm>> -> memref<16xf32, #tpu.memory_space<hbm>>
      %dma_start3A_190 = arith.constant 0 : i32
      %dma_start3A_191 = tpu.memref_slice %arg4[%add3A, %dma_start3A_190] : memref<16x16xf32, #tpu.memory_space<hbm>> -> memref<1x16xf32, #tpu.memory_space<hbm>>
      %dma_start3A_192 = tpu.memref_squeeze %dma_start3A_191 : memref<1x16xf32, #tpu.memory_space<hbm>> -> memref<16xf32, #tpu.memory_space<hbm>>
      tpu.enqueue_dma source(%arg11 : memref<16xf32, #tpu.memory_space<vmem>>) target(%dma_start3A_192 : memref<16xf32, #tpu.memory_space<hbm>>) target_semaphore(%run_scoped3A : memref<!tpu.dma_semaphore, #tpu.memory_space<semaphore_mem>>)
      %dma_wait3A_193 = arith.constant 0 : i32
      %dma_wait3A_194 = tpu.memref_slice %arg4[%add3A, %dma_wait3A_193] : memref<16x16xf32, #tpu.memory_space<hbm>> -> memref<1x16xf32, #tpu.memory_space<hbm>>
      %dma_wait3A_195 = tpu.memref_squeeze %dma_wait3A_194 : memref<1x16xf32, #tpu.memory_space<hbm>> -> memref<16xf32, #tpu.memory_space<hbm>>
      %dma_wait3A_196 = arith.constant 0 : i32
      %dma_wait3A_197 = tpu.memref_slice %arg4[%add3A, %dma_wait3A_196] : memref<16x16xf32, #tpu.memory_space<hbm>> -> memref<1x16xf32, #tpu.memory_space<hbm>>
      %dma_wait3A_198 = tpu.memref_squeeze %dma_wait3A_197 : memref<1x16xf32, #tpu.memory_space<hbm>> -> memref<16xf32, #tpu.memory_space<hbm>>
      tpu.wait_dma2 semaphore(%run_scoped3A : memref<!tpu.dma_semaphore, #tpu.memory_space<semaphore_mem>>) src(%arg11 : memref<16xf32, #tpu.memory_space<vmem>>) dst(%dma_wait3A_198 : memref<16xf32, #tpu.memory_space<hbm>>)
      tpu.yield
    }) : () -> ()
    return
  }
}

module attributes {stable_mosaic.version = 14 : i64} {
  func.func @_tc_kernel(%arg0: i32, %arg1: memref<512x512xf32, #tpu.memory_space<vmem>>, %arg2: memref<512x512xf32, #tpu.memory_space<vmem>>, %arg3: memref<512x512xf32, #tpu.memory_space<vmem>>, %arg4: memref<512x512xf32, #tpu.memory_space<vmem>>, %arg5: memref<512x512xf32, #tpu.memory_space<vmem>>, %arg6: memref<512x512xf32, #tpu.memory_space<vmem>>, %arg7: memref<512x512xf32, #tpu.memory_space<vmem>>, %arg8: memref<512x512xf32, #tpu.memory_space<vmem>>, %arg9: memref<1x1xf32, #tpu.memory_space<smem>>, %arg10: memref<8x512xf32, #tpu.memory_space<vmem>>) attributes {dimension_semantics = [#tpu.dimension_semantics<arbitrary>], iteration_bounds = array<i64: 10>, scalar_prefetch = 0 : i64, scratch_operands = 1 : i64, tpu.core_type = #tpu.core_type<tc>, window_params = [{transform_indices = @transform_0, window_bounds = array<i64: 512, 512>}, {transform_indices = @transform_1, window_bounds = array<i64: 512, 512>}, {transform_indices = @transform_2, window_bounds = array<i64: 512, 512>}, {transform_indices = @transform_3, window_bounds = array<i64: 512, 512>}, {transform_indices = @transform_4, window_bounds = array<i64: 512, 512>}, {transform_indices = @transform_5, window_bounds = array<i64: 512, 512>}, {transform_indices = @transform_6, window_bounds = array<i64: 512, 512>}, {transform_indices = @transform_7, window_bounds = array<i64: 512, 512>}, {transform_indices = @transform_8, window_bounds = array<i64: 1, 1>}]} {
    %broadcast_in_dim3A = arith.constant 0.000000e+00 : f32
    %broadcast_in_dim3A_0 = vector.broadcast %broadcast_in_dim3A : f32 to vector<8x512xf32>
    %get3A = arith.constant 0 : index
    %get3A_1 = arith.constant 0 : index
    %get3A_2 = vector.load %arg1[%get3A, %get3A_1] : memref<512x512xf32, #tpu.memory_space<vmem>>, vector<512x512xf32>
    %get3A_3 = arith.constant 0 : index
    %get3A_4 = arith.constant 0 : index
    %get3A_5 = vector.load %arg5[%get3A_3, %get3A_4] : memref<512x512xf32, #tpu.memory_space<vmem>>, vector<512x512xf32>
    %sub3A = arith.subf %get3A_2, %get3A_5 : vector<512x512xf32>
    %abs3A = math.absf %sub3A : vector<512x512xf32>
    %reshape3A = vector.shape_cast %abs3A : vector<512x512xf32> to vector<64x8x512xf32>
    %reduce_sum3A = arith.constant dense<0.000000e+00> : vector<8x512xf32>
    %reduce_sum3A_6 = vector.multi_reduction <add>, %reshape3A, %reduce_sum3A [0] : vector<64x8x512xf32> to vector<8x512xf32>
    %add3A = arith.addf %broadcast_in_dim3A_0, %reduce_sum3A_6 : vector<8x512xf32>
    %get3A_7 = arith.constant 0 : index
    %get3A_8 = arith.constant 0 : index
    %get3A_9 = vector.load %arg2[%get3A_7, %get3A_8] : memref<512x512xf32, #tpu.memory_space<vmem>>, vector<512x512xf32>
    %get3A_10 = arith.constant 0 : index
    %get3A_11 = arith.constant 0 : index
    %get3A_12 = vector.load %arg6[%get3A_10, %get3A_11] : memref<512x512xf32, #tpu.memory_space<vmem>>, vector<512x512xf32>
    %sub3A_13 = arith.subf %get3A_9, %get3A_12 : vector<512x512xf32>
    %abs3A_14 = math.absf %sub3A_13 : vector<512x512xf32>
    %reshape3A_15 = vector.shape_cast %abs3A_14 : vector<512x512xf32> to vector<64x8x512xf32>
    %reduce_sum3A_16 = arith.constant dense<0.000000e+00> : vector<8x512xf32>
    %reduce_sum3A_17 = vector.multi_reduction <add>, %reshape3A_15, %reduce_sum3A_16 [0] : vector<64x8x512xf32> to vector<8x512xf32>
    %add3A_18 = arith.addf %add3A, %reduce_sum3A_17 : vector<8x512xf32>
    %get3A_19 = arith.constant 0 : index
    %get3A_20 = arith.constant 0 : index
    %get3A_21 = vector.load %arg3[%get3A_19, %get3A_20] : memref<512x512xf32, #tpu.memory_space<vmem>>, vector<512x512xf32>
    %get3A_22 = arith.constant 0 : index
    %get3A_23 = arith.constant 0 : index
    %get3A_24 = vector.load %arg7[%get3A_22, %get3A_23] : memref<512x512xf32, #tpu.memory_space<vmem>>, vector<512x512xf32>
    %sub3A_25 = arith.subf %get3A_21, %get3A_24 : vector<512x512xf32>
    %abs3A_26 = math.absf %sub3A_25 : vector<512x512xf32>
    %reshape3A_27 = vector.shape_cast %abs3A_26 : vector<512x512xf32> to vector<64x8x512xf32>
    %reduce_sum3A_28 = arith.constant dense<0.000000e+00> : vector<8x512xf32>
    %reduce_sum3A_29 = vector.multi_reduction <add>, %reshape3A_27, %reduce_sum3A_28 [0] : vector<64x8x512xf32> to vector<8x512xf32>
    %add3A_30 = arith.addf %add3A_18, %reduce_sum3A_29 : vector<8x512xf32>
    %get3A_31 = arith.constant 0 : index
    %get3A_32 = arith.constant 0 : index
    %get3A_33 = vector.load %arg4[%get3A_31, %get3A_32] : memref<512x512xf32, #tpu.memory_space<vmem>>, vector<512x512xf32>
    %get3A_34 = arith.constant 0 : index
    %get3A_35 = arith.constant 0 : index
    %get3A_36 = vector.load %arg8[%get3A_34, %get3A_35] : memref<512x512xf32, #tpu.memory_space<vmem>>, vector<512x512xf32>
    %sub3A_37 = arith.subf %get3A_33, %get3A_36 : vector<512x512xf32>
    %abs3A_38 = math.absf %sub3A_37 : vector<512x512xf32>
    %reshape3A_39 = vector.shape_cast %abs3A_38 : vector<512x512xf32> to vector<64x8x512xf32>
    %reduce_sum3A_40 = arith.constant dense<0.000000e+00> : vector<8x512xf32>
    %reduce_sum3A_41 = vector.multi_reduction <add>, %reshape3A_39, %reduce_sum3A_40 [0] : vector<64x8x512xf32> to vector<8x512xf32>
    %add3A_42 = arith.addf %add3A_30, %reduce_sum3A_41 : vector<8x512xf32>
    %eq3A = arith.constant 0 : i32
    %eq3A_43 = arith.cmpi eq, %arg0, %eq3A : i32
    %convert_element_type3A = arith.extui %eq3A_43 : i1 to i32
    %cond3A = arith.constant 0 : i32
    %cond3A_44 = arith.cmpi ne, %convert_element_type3A, %cond3A : i32
    scf.if %cond3A_44 {
      %swap3A = arith.constant 0 : index
      %swap3A_54 = arith.constant 0 : index
      %swap3A_55 = vector.load %arg10[%swap3A, %swap3A_54] : memref<8x512xf32, #tpu.memory_space<vmem>>, vector<8x512xf32>
      tpu.vector_store %arg10[%swap3A, %swap3A_54], %add3A_42 {strides = array<i32>} : memref<8x512xf32, #tpu.memory_space<vmem>>, vector<8x512xf32>,
    } else {
    }
    %gt3A = arith.constant 0 : i32
    %gt3A_45 = arith.cmpi sgt, %arg0, %gt3A : i32
    %convert_element_type3A_46 = arith.extui %gt3A_45 : i1 to i32
    %cond3A_47 = arith.constant 0 : i32
    %cond3A_48 = arith.cmpi ne, %convert_element_type3A_46, %cond3A_47 : i32
    scf.if %cond3A_48 {
      %get3A_54 = arith.constant 0 : index
      %get3A_55 = arith.constant 0 : index
      %get3A_56 = vector.load %arg10[%get3A_54, %get3A_55] : memref<8x512xf32, #tpu.memory_space<vmem>>, vector<8x512xf32>
      %add3A_57 = arith.addf %get3A_56, %add3A_42 : vector<8x512xf32>
      %swap3A = arith.constant 0 : index
      %swap3A_58 = arith.constant 0 : index
      %swap3A_59 = vector.load %arg10[%swap3A, %swap3A_58] : memref<8x512xf32, #tpu.memory_space<vmem>>, vector<8x512xf32>
      tpu.vector_store %arg10[%swap3A, %swap3A_58], %add3A_57 {strides = array<i32>} : memref<8x512xf32, #tpu.memory_space<vmem>>, vector<8x512xf32>,
    } else {
    }
    %eq3A_49 = arith.constant 9 : i32
    %eq3A_50 = arith.cmpi eq, %arg0, %eq3A_49 : i32
    %convert_element_type3A_51 = arith.extui %eq3A_50 : i1 to i32
    %cond3A_52 = arith.constant 0 : i32
    %cond3A_53 = arith.cmpi ne, %convert_element_type3A_51, %cond3A_52 : i32
    scf.if %cond3A_53 {
      %get3A_54 = arith.constant 0 : index
      %get3A_55 = arith.constant 0 : index
      %get3A_56 = vector.load %arg10[%get3A_54, %get3A_55] : memref<8x512xf32, #tpu.memory_space<vmem>>, vector<8x512xf32>
      %reduce_sum3A_57 = vector.shape_cast %get3A_56 : vector<8x512xf32> to vector<1x8x512xf32>
      %reduce_sum3A_58 = arith.constant dense<0.000000e+00> : vector<1xf32>
      %reduce_sum3A_59 = vector.multi_reduction <add>, %reduce_sum3A_57, %reduce_sum3A_58 [1, 2] : vector<1x8x512xf32> to vector<1xf32>
      %reduce_sum3A_60 = vector.shape_cast %reduce_sum3A_59 : vector<1xf32> to vector<1x1x1xf32>
      %reduce_sum3A_61 = vector.extract %reduce_sum3A_60[0, 0, 0] : f32 from vector<1x1x1xf32>
      %mul3A = arith.constant 7.9472862E-8 : f32
      %mul3A_62 = arith.mulf %reduce_sum3A_61, %mul3A : f32
      %swap3A = arith.constant 0 : index
      %swap3A_63 = arith.constant 0 : index
      %swap3A_64 = memref.load %arg9[%swap3A, %swap3A_63] : memref<1x1xf32, #tpu.memory_space<smem>>
      memref.store %mul3A_62, %arg9[%swap3A, %swap3A_63] : memref<1x1xf32, #tpu.memory_space<smem>>
    } else {
    }
    return
  }
  func.func @transform_0(%arg0: i32) -> (i32, i32) {
    %add3A = arith.constant 8 : i32
    %add3A_0 = arith.addi %add3A, %arg0 : i32
    %c0_i32 = arith.constant 0 : i32
    %c0_i32_1 = arith.constant 0 : i32
    return %add3A_0, %c0_i32 : i32, i32
  }
  func.func @transform_1(%arg0: i32) -> (i32, i32) {
    %add3A = arith.constant 18 : i32
    %add3A_0 = arith.addi %add3A, %arg0 : i32
    %c0_i32 = arith.constant 0 : i32
    %c0_i32_1 = arith.constant 0 : i32
    return %add3A_0, %c0_i32 : i32, i32
  }
  func.func @transform_2(%arg0: i32) -> (i32, i32) {
    %add3A = arith.constant 28 : i32
    %add3A_0 = arith.addi %add3A, %arg0 : i32
    %c0_i32 = arith.constant 0 : i32
    %c0_i32_1 = arith.constant 0 : i32
    return %add3A_0, %c0_i32 : i32, i32
  }
  func.func @transform_3(%arg0: i32) -> (i32, i32) {
    %add3A = arith.constant 38 : i32
    %add3A_0 = arith.addi %add3A, %arg0 : i32
    %c0_i32 = arith.constant 0 : i32
    %c0_i32_1 = arith.constant 0 : i32
    return %add3A_0, %c0_i32 : i32, i32
  }
  func.func @transform_4(%arg0: i32) -> (i32, i32) {
    %add3A = arith.constant 8 : i32
    %add3A_0 = arith.addi %add3A, %arg0 : i32
    %c0_i32 = arith.constant 0 : i32
    %c0_i32_1 = arith.constant 0 : i32
    return %add3A_0, %c0_i32 : i32, i32
  }
  func.func @transform_5(%arg0: i32) -> (i32, i32) {
    %add3A = arith.constant 18 : i32
    %add3A_0 = arith.addi %add3A, %arg0 : i32
    %c0_i32 = arith.constant 0 : i32
    %c0_i32_1 = arith.constant 0 : i32
    return %add3A_0, %c0_i32 : i32, i32
  }
  func.func @transform_6(%arg0: i32) -> (i32, i32) {
    %add3A = arith.constant 28 : i32
    %add3A_0 = arith.addi %add3A, %arg0 : i32
    %c0_i32 = arith.constant 0 : i32
    %c0_i32_1 = arith.constant 0 : i32
    return %add3A_0, %c0_i32 : i32, i32
  }
  func.func @transform_7(%arg0: i32) -> (i32, i32) {
    %add3A = arith.constant 38 : i32
    %add3A_0 = arith.addi %add3A, %arg0 : i32
    %c0_i32 = arith.constant 0 : i32
    %c0_i32_1 = arith.constant 0 : i32
    return %add3A_0, %c0_i32 : i32, i32
  }
  func.func @transform_8(%arg0: i32) -> (i32, i32) {
    %c0_i32 = arith.constant 0 : i32
    %c0_i32_0 = arith.constant 0 : i32
    %c0_i32_1 = arith.constant 0 : i32
    return %c0_i32, %c0_i32_0 : i32, i32
  }
}

</mosaic_0001>

<sc_bundles>
// kernel: kernel.4.cloned.1.call-start
scs
__scs_entry_jumppad:
0x0: {  	(pc) =	sbr.rel $0x88, $3  }
0x1: {  	(tag) =	ssettag $0x0;
	lr =	simm.s32 $0x1  }
0x2: {  	[smem:$0x3F9F] =	sst lr;
	_ =	strace $0xD0000000  }
0x3: {  	_ = 	snop  }
0x4: {  	_ = 	snop  }
0x5: {  	_ = 	snop  }
0x6: {  	_ = 	snop  }
0x7: {  	_ = 	snop  }
__scs_overlays_trampoline_lowered:
0x8: {  	[smem:$0x3FAE] =	sst s0  }
0x9: {  	[smem:$0x3FAF] =	sst s1  }
0xa: {  	[smem:$0x3FB0] =	sst s2  }
0xb: {  	[smem:$0x3FB1] =	sst s3  }
0xc: {  	[smem:$0x3FB2] =	sst s4  }
0xd: {  	[smem:$0x3FB3] =	sst s5  }
0xe: {  	[smem:$0x3FB4] =	sst s6  }
0xf: {  	[smem:$0x3FB5] =	sst s7  }
0x10: {  	[smem:$0x3FB6] =	sst s8  }
0x11: {  	[smem:$0x3FB7] =	sst s9;
	s0 =	simm.s32 @!p0 $0x0  }
0x12: {  	s1 =	sld [smem:$0x3F9D];
	s0 =	simm.s32 @p0 $0x1  }
0x13: {  	[smem:$0x3FB8] =	sst s0;
	s0 =	simm.s32 @!p1 $0x0  }
0x14: {  	s2 =	sld [smem:$0x3F9C];
	s0 =	simm.s32 @p1 $0x1  }
0x15: {  	[smem:$0x3FB9] =	sst s0;
	s0 =	simm.s32 @!p2 $0x0  }
0x16: {  	s3 =	sld [smem:$0x3FDB];
	s0 =	simm.s32 @p2 $0x1  }
0x17: {  	s4 =	simm.s32 $0x1BF5;
	[smem:$0x3FBB] =	sst s0  }
0x18: {  	s0 =	sld [smem:$0x3F9E];
	_ =	swait.ge [sflag:s4], $0x0  }
0x19: {  	s7 =	sld [smem:$0x3F9F]  }
0x1a: {  	s8 =	sadd.s32 $0xFFFFE003, lr  }
0x1b: {  	s9 =	sadd.s32 $0xFFFFFEF7, lr;
	s5 =	simm.s32 $0xFFFFFFFF;
	p2 =	slt.u32 s8, $0xFFFFF086  }
0x1c: {  	p1 =	slt.u32 s9, $0xF7A;
	s5 =	simm.s32 @!p2 $0x0  }
0x1d: {  	s5 =	simm.s32 @p1 $0x1;
	p0 =	seq.s32 s7, s2  }
0x1e: {  	s7 =	smul.u32 @!p0 $0xF7A, s2;
	p2 =	seq.s32 @!p0 s5, $0x0  }
0x1f: {  	s9 =	smul.u32 $0xF7A, s1;
	s8 =	simm.s32 @!p0 $0x1BF5;
	p2 =	por !p2, p0  }
0x20: {  	[sflag:s8] =	ssyncset.s32 @!p0 $0xFFFFF086;
	s6 =	sadd.s32 @!p0 s3, s7;
	s7 =	simm.s32 @!p0 $0x108  }
0x21: {  	s3 =	sadd.s32 s3, s9;
	s6 =	sadd.s32 @!p0 $0x88, s6;
	s7 =	simm.s32 @p2 $0x1082  }
0x22: {  	[simem:s7], [sflag:s8] =	dma.local @!p0 [hbm:s6], $0xF7A  }
0x23: {  	s9 =	sor.u32 $0xD0000000, s2;
	s6 =	simm.s32 $0x108;
	_ =	swait.ge @!p0 [sflag:s8], $0x0  }
0x24: {  	s3 =	sadd.s32 $0x88, s3;
	s6 =	simm.s32 @!p1 $0x1082;
	[sflag:s4] =	ssyncset.s32 $0xFFFFF086  }
0x25: {  	[simem:s6], [sflag:s4] =	dma.local [hbm:s3], $0xF7A  }
0x26: {  	[smem:$0x3F9F] =	sst s1;
	(tag) =	ssettag s2;
	_ =	strace s9  }
0x27: {  	s1 =	sld [smem:$0x3FAF]  }
0x28: {  	s2 =	sld [smem:$0x3FB0]  }
0x29: {  	s4 =	sld [smem:$0x3FB2]  }
0x2a: {  	p0 =	seq.s32 s5, $0x0;
	s5 =	sld [smem:$0x3FB3]  }
0x2b: {  	s6 =	sld [smem:$0x3FB4]  }
0x2c: {  	s7 =	sld [smem:$0x3FB5]  }
0x2d: {  	s3 =	simm.s32 $0x108;
	s8 =	sld [smem:$0x3FB6]  }
0x2e: {  	s3 =	simm.s32 @!p0 $0x1082;
	s9 =	sld [smem:$0x3FB7]  }
0x2f: {  	lr =	sadd.s32 s0, s3;
	s0 =	sld [smem:$0x3FAE]  }
0x30: {  	s3 =	sld [smem:$0x3FB1]  }
0x31: {  	[smem:$0x3FBA] =	sst s10  }
0x32: {  	s10 =	sld [smem:$0x3FB8];
	_ =	sdelay $0x3  }
0x33: {  	p0 =	seq.s32 s10, $0x1;
	s10 =	sld [smem:$0x3FBA];
	_ =	sdelay $0x3  }
0x34: {  	[smem:$0x3FBA] =	sst s10  }
0x35: {  	s10 =	sld [smem:$0x3FB9];
	_ =	sdelay $0x3  }
0x36: {  	p1 =	seq.s32 s10, $0x1;
	s10 =	sld [smem:$0x3FBA];
	_ =	sdelay $0x3  }
0x37: {  	[smem:$0x3FBA] =	sst s10  }
0x38: {  	s10 =	sld [smem:$0x3FBB]  }
0x39: {  	_ = 	snop;
	(pc) =	sbr.ind lr, $3  }
0x3a: {  	_ = 	snop  }
0x3b: {  	_ = 	snop  }
0x3c: {  	p2 =	seq.s32 s10, $0x1;
	s10 =	sld [smem:$0x3FBA]  }
0x3d: {  	_ =	shalt  }
0x3e: {  	_ =	shalt  }
0x3f: {  	_ =	shalt  }
0x40: {  	_ =	shalt  }
0x41: {  	_ =	shalt  }
0x42: {  	_ =	shalt  }
0x43: {  	_ =	shalt  }
0x44: {  	_ =	shalt  }
0x45: {  	_ =	shalt  }
0x46: {  	_ =	shalt  }
0x47: {  	_ =	shalt  }
0x48: {  	_ =	shalt  }
0x49: {  	_ =	shalt  }
0x4a: {  	_ =	shalt  }
0x4b: {  	_ =	shalt  }
0x4c: {  	_ =	shalt  }
0x4d: {  	_ =	shalt  }
0x4e: {  	_ =	shalt  }
0x4f: {  	_ =	shalt  }
0x50: {  	_ =	shalt  }
0x51: {  	_ =	shalt  }
0x52: {  	_ =	shalt  }
0x53: {  	_ =	shalt  }
0x54: {  	_ =	shalt  }
0x55: {  	_ =	shalt  }
0x56: {  	_ =	shalt  }
0x57: {  	_ =	shalt  }
0x58: {  	_ =	shalt  }
0x59: {  	_ =	shalt  }
0x5a: {  	_ =	shalt  }
0x5b: {  	_ =	shalt  }
0x5c: {  	_ =	shalt  }
0x5d: {  	_ =	shalt  }
0x5e: {  	_ =	shalt  }
0x5f: {  	_ =	shalt  }
0x60: {  	_ =	shalt  }
0x61: {  	_ =	shalt  }
0x62: {  	_ =	shalt  }
0x63: {  	_ =	shalt  }
0x64: {  	_ =	shalt  }
0x65: {  	_ =	shalt  }
0x66: {  	_ =	shalt  }
0x67: {  	_ =	shalt  }
0x68: {  	_ =	shalt  }
0x69: {  	_ =	shalt  }
0x6a: {  	_ =	shalt  }
0x6b: {  	_ =	shalt  }
0x6c: {  	_ =	shalt  }
0x6d: {  	_ =	shalt  }
0x6e: {  	_ =	shalt  }
0x6f: {  	_ =	shalt  }
0x70: {  	_ =	shalt  }
0x71: {  	_ =	shalt  }
0x72: {  	_ =	shalt  }
0x73: {  	_ =	shalt  }
0x74: {  	_ =	shalt  }
0x75: {  	_ =	shalt  }
0x76: {  	_ =	shalt  }
0x77: {  	_ =	shalt  }
0x78: {  	_ =	shalt  }
0x79: {  	_ =	shalt  }
0x7a: {  	_ =	shalt  }
0x7b: {  	_ =	shalt  }
0x7c: {  	_ =	shalt  }
0x7d: {  	_ =	shalt  }
0x7e: {  	_ =	shalt  }
0x7f: {  	_ =	shalt  }
0x80: {  	_ =	shalt  }
0x81: {  	_ =	shalt  }
0x82: {  	_ =	shalt  }
0x83: {  	_ =	shalt  }
0x84: {  	_ =	shalt  }
0x85: {  	_ =	shalt  }
0x86: {  	_ =	shalt  }
0x87: {  	_ =	shalt  }
.Lfunc_end0:
.L_simem_size_0:
called_computation_lowered:
.L_overlay_start_0:
0x88: {  	s0 =	sld [smem:$0x3FD9]  }
0x89: {  	s1 =	sld [smem:$0x3FFE];
	_ =	sdelay $0x3  }
0x8a: {  	s0 =	sadd.s32 s1, s0  }
0x8b: {  	[smem:$0x3FC6] =	sst s0  }
0x8c: {  	_ = 	snop  }
0x8d: {  	s0 =	sld [smem:$0x3FC9]  }
0x8e: {  	s16 =	sld [smem:$0x3FC8];
	(tm) =	ssettm $0x1  }
0x8f: {  	s2 =	sld [smem:$0x3FFB];
	_ =	sdelay $0x3  }
0x90: {  	_ =	strace s2  }
0x91: {  	s2 =	sld [smem:$0x3FFC];
	_ =	sdelay $0x3  }
0x92: {  	_ =	strace s2  }
0x93: {  	s2 =	sld [smem:$0x3FFD];
	_ =	sdelay $0x3  }
0x94: {  	_ =	strace s2  }
0x95: {  	_ =	strace $0x8FFFFFFF  }
0x96: {  	s17 =	sld [smem:$0x3FDB];
	_ =	sdelay $0x1  }
0x97: {  	s3 =	simm.s32 $_scs_section_size  }
0x98: {  	s4 =	simm.s32 $_size__tile_overlayer_lowered;
	s5 =	simm.s32 $_tile_overlayer_lowered  }
0x99: {  	s20 =	simm.s32 $0x1BFF;
	s19 =	sshll.u32 s5, $0x1;
	s2 =	sadd.s32 s3, s17  }
0x9a: {  	s6 =	simm.s32 $0x0;
	s18 =	sshll.u32 s4, $0x1;
	s4 =	sadd.s32 s19, s2  }
0x9b: {  	[timem:s6], [sflag:s20] =	dma.local [hbm:s4], s18  }
0x9c: {  	_ =	swait.ge [sflag:s20], s18  }
0x9d: {  	s3 =	ssub.s32 $0x0, s18;
	[sflag:s20] =	ssyncset.done $0x0  }
0x9e: {  	[sflag:s20] =	ssyncadd.s32 s3;
	_ =	sdelay $0x1  }
0x9f: {  	s21 =	simm.s32 $0x1B8B  }
0xa0: {  	_ =	swait.ge [sflag:s21], $0x1  }
0xa1: {  	[sflag:s21] =	ssyncset.done $0x0  }
0xa2: {  	s23 =	simm.s32 $0x1B8E;
	s22 =	sld [smem:$0x3FFE];
	[sflag:s21] =	ssyncadd.s32 $0xFFFFFFFF  }
0xa3: {  	s24 =	simm.s32 $execute0_lowered;
	[smem:$0x3FD2] =	sst s23  }
0xa4: {  	s4 =	sshll.u32 s24, $0x1;
	_ =	strace $0x80000046;
	[dreg:$0x1] =	wrdreg $0xFFFFFFFF  }
0xa5: {  	s25 =	simm.s32 $_size_execute0_lowered;
	s2 =	sadd.s32 s2, s4;
	[dreg:$0x0] =	wrdreg $0x0  }
0xa6: {  	s4 =	sshll.u32 s25, $0x1;
	[dreg:$0x2] =	wrdreg s2  }
0xa7: {  	[dreg:$0x3] =	wrdreg s4  }
0xa8: {  	[dreg:$0x4] =	wrdreg $0xC0  }
0xa9: {  	_ =	task [dreg:s6], $0x5FFFF  }
0xaa: {  	[dreg:$0x1] =	wrdreg $0xFFFFFFFF  }
0xab: {  	[dreg:$0x0] =	wrdreg $0x60  }
0xac: {  	[dreg:$0x2] =	wrdreg s0  }
0xad: {  	[dreg:$0x3] =	wrdreg s16  }
0xae: {  	[dreg:$0x4] =	wrdreg s22  }
0xaf: {  	[dreg:$0x5] =	wrdreg $0x9  }
0xb0: {  	_ =	task.clear_ibuf [dreg:s6], $0x6FFFF;
	_ =	strace $0x90000046  }
0xb1: {  	s26 =	simm.s32 $0x9;
	_ =	strace $0x80000048  }
0xb2: {  	_ =	swait.ge [sflag:s26], $0x1  }
0xb3: {  	[sflag:s26] =	ssyncadd.s32 $0xFFFFFFFF  }
0xb4: {  	_ =	strace $0x90000048  }
0xb5: {  	_ =	sfence  }
0xb6: {  	s28 =	sld [smem:$0x0];
	_ =	sdelay $0x1  }
0xb7: {  	s29 =	srdreg.scid  }
0xb8: {  	s30 =	sshll.u32 s29, $0xD;
	s31 =	sshrl.u32 s29, $0x2  }
0xb9: {  	s1 =	sand.u32 $0x1, s29;
	s2 =	sand.u32 $0x4000, s30;
	s0 =	sadd.s32 s31, s28  }
0xba: {  	s1 =	sor.u32 s2, s1;
	s0 =	sshll.u32 s0, $0x11  }
0xbb: {  	s0 =	sor.u32 s0, s1  }
0xbc: {  	s0 =	sadd.s32 $0x8F2B, s0  }
0xbd: {  	[sflag:s0] =	ssyncadd.remote.s32 $0x1  }
0xbe: {  	_ =	sfence.sel $0xFFFF  }
0xbf: {  	[dreg:$0x0] =	wrdreg $0xFFFFFFFF;
	(pc) =	sbr.abs _section_cstart, $3  }
0xc0: {  	[dreg:$0x1] =	wrdreg $0xFFFFFFFF  }
0xc1: {  	_ =	task.clear_ibuf [dreg:s6], $0x2FFFF;
	_ =	strace $0x9FFFFFFF  }
0xc2: {  	(tm) =	ssettm $0x7FFFFFFF  }
0xc3: {  	_ =	shalt  }
tec
execute0_lowered:
.L_overlay_start_1:
0x0: {  	(tag) =	ssettag $0x1  }
0x1: {  	s4 =	rddreg [dreg:$0x0]  }
0x2: {  	s3 =	rddreg [dreg:$0x1]  }
0x3: {  	s2 =	rddreg [dreg:$0x2];
	s6 =	simm.s32 $0x0;
	s1 =	stileid.u32  }
0x4: {  	[smem:$0x7FF] =	sst s6;
	s5 =	sshll.u32 s1, $0xE  }
0x5: {  	s0 =	rddreg [dreg:$0x3];
	_ =	strace $0x80000047;
	s7 =	sadd.s32 s4, s5  }
0x6: {  	[tilespmem:s6], [sflag:$0x1] =	stream.linear.gather [hbm4b:s7+s6], $0x4000, $0x38;
	[tilespmem:$0x18080] =	vst v63  }
0x7: {  	s9 =	simm.s32 $0xC000;
	s18 =	sadd.s32 s3, s5;
	s8 =	sor.u32 $0x800, s5  }
0x8: {  	[tilespmem:s9], [sflag:$0x4] =	stream.linear.gather [hbm4b:s18+s6], $0x4000, $0x38;
	[tilespmem:$0x18080] =	vst v63  }
0x9: {  	s20 =	simm.s32 $0x4000;
	s19 =	sadd.s32 s4, s8  }
0xa: {  	[tilespmem:s20], [sflag:$0x2] =	stream.linear.gather [hbm4b:s19+s6], $0x4000, $0x38;
	[tilespmem:$0x18080] =	vst v63  }
0xb: {  	s23 =	simm.s32 $0x10000;
	s22 =	sor.u32 $0x1000, s5;
	s21 =	sadd.s32 s3, s8  }
0xc: {  	[tilespmem:s23], [sflag:$0x5] =	stream.linear.gather [hbm4b:s21+s6], $0x4000, $0x38;
	[tilespmem:$0x18080] =	vst v63  }
0xd: {  	s25 =	simm.s32 $0x8000;
	s24 =	sadd.s32 s4, s22  }
0xe: {  	[tilespmem:s25], [sflag:$0x3] =	stream.linear.gather [hbm4b:s24+s6], $0x4000, $0x38;
	[tilespmem:$0x18080] =	vst v63  }
0xf: {  	s28 =	simm.s32 $0x14000;
	s29 =	simm.s32 $0x1;
	s26 =	sadd.s32 s3, s22  }
0x10: {  	[tilespmem:s28], [sflag:$0x6] =	stream.linear.gather [hbm4b:s26+s6], $0x4000, $0x38;
	[tilespmem:$0x18080] =	vst v63  }
0x11: {  	_ =	swait.ge [sflag:s29], $0x4000  }
0x12: {  	[sflag:s29] =	ssyncset.done $0x0  }
0x13: {  	s30 =	simm.s32 $0x4;
	[sflag:s29] =	ssyncadd.s32 $0xFFFFC000  }
0x14: {  	_ =	swait.ge [sflag:s30], $0x4000  }
0x15: {  	s31 =	sand.u32 $0x3000, s6;
	s6 =	sand.u32 $0x380, s6;
	[sflag:s30] =	ssyncset.done $0x0  }
0x16: {  	s6 =	sor.u32 s6, s31;
	[sflag:s30] =	ssyncadd.s32 $0xFFFFC000  }
0x17: {  	v0 =	vld [tilespmem:s6+$0xC00]  }
0x18: {  	v1 =	vld [tilespmem:s6+$0xCC00]  }
0x19: {  	v2 =	vld [tilespmem:s6+$0xC10]  }
0x1a: {  	v3 =	vld [tilespmem:s6+$0xCC10]  }
0x1b: {  	v4 =	vld [tilespmem:s6+$0xC20]  }
0x1c: {  	v5 =	vld [tilespmem:s6+$0xCC20]  }
0x1d: {  	v6 =	vld [tilespmem:s6+$0xC30]  }
0x1e: {  	v7 =	vld [tilespmem:s6+$0xCC30]  }
0x1f: {  	v8 =	vld [tilespmem:s6+$0xC40]  }
0x20: {  	v9 =	vld [tilespmem:s6+$0xCC40]  }
0x21: {  	v10 =	vld [tilespmem:s6+$0xC50]  }
0x22: {  	v11 =	vld [tilespmem:s6+$0xCC50]  }
0x23: {  	v12 =	vld [tilespmem:s6+$0xC60]  }
0x24: {  	v13 =	vld [tilespmem:s6+$0xCC60]  }
0x25: {  	v14 =	vld [tilespmem:s6+$0xC70]  }
0x26: {  	v15 =	vld [tilespmem:s6+$0xCC70]  }
0x27: {  	v16 =	vld [tilespmem:s6+$0x800]  }
0x28: {  	v17 =	vld [tilespmem:s6+$0xC800]  }
0x29: {  	v18 =	vld [tilespmem:s6+$0x810]  }
0x2a: {  	v19 =	vld [tilespmem:s6+$0xC810]  }
0x2b: {  	v20 =	vld [tilespmem:s6+$0x820]  }
0x2c: {  	v21 =	vld [tilespmem:s6+$0xC820]  }
0x2d: {  	v22 =	vld [tilespmem:s6+$0x830]  }
0x2e: {  	v23 =	vld [tilespmem:s6+$0xC830]  }
0x2f: {  	v24 =	vld [tilespmem:s6+$0x840]  }
0x30: {  	v25 =	vld [tilespmem:s6+$0xC840]  }
0x31: {  	v26 =	vld [tilespmem:s6+$0x850]  }
0x32: {  	v27 =	vld [tilespmem:s6+$0xC850]  }
0x33: {  	v28 =	vld [tilespmem:s6+$0x860]  }
0x34: {  	v29 =	vld [tilespmem:s6+$0xC860]  }
0x35: {  	v30 =	vld [tilespmem:s6+$0x870]  }
0x36: {  	v31 =	vld [tilespmem:s6+$0xC870]  }
0x37: {  	v32 =	vld [tilespmem:s6+$0x400]  }
0x38: {  	v33 =	vld [tilespmem:s6+$0xC400]  }
0x39: {  	v34 =	vld [tilespmem:s6+$0x410]  }
0x3a: {  	v35 =	vld [tilespmem:s6+$0xC410]  }
0x3b: {  	v36 =	vld [tilespmem:s6+$0x420]  }
0x3c: {  	v37 =	vld [tilespmem:s6+$0xC420]  }
0x3d: {  	v38 =	vld [tilespmem:s6+$0x430]  }
0x3e: {  	v39 =	vld [tilespmem:s6+$0xC430]  }
0x3f: {  	v40 =	vld [tilespmem:s6+$0x440]  }
0x40: {  	v41 =	vld [tilespmem:s6+$0xC440]  }
0x41: {  	v42 =	vld [tilespmem:s6+$0x450]  }
0x42: {  	v43 =	vld [tilespmem:s6+$0xC450]  }
0x43: {  	v44 =	vld [tilespmem:s6+$0x460]  }
0x44: {  	v45 =	vld [tilespmem:s6+$0xC460]  }
0x45: {  	v46 =	vld [tilespmem:s6+$0x470]  }
0x46: {  	v47 =	vld [tilespmem:s6+$0xC470]  }
0x47: {  	v48 =	vld [tilespmem:s6+$0x0];
	v1 =	vsub.f32 v0, v1;
	v2 =	vsub.f32 v2, v3  }
0x48: {  	v49 =	vld [tilespmem:s6+$0xC000];
	v3 =	vsub.f32 v4, v5;
	v6 =	vsub.f32 v6, v7  }
0x49: {  	v50 =	vld [tilespmem:s6+$0x10];
	v7 =	vsub.f32 v8, v9;
	v9 =	vsub.f32 v10, v11  }
0x4a: {  	v51 =	vld [tilespmem:s6+$0xC010];
	v4 =	vsub.f32 v12, v13;
	v54 =	vsub.f32 v16, v17  }
0x4b: {  	v52 =	vld [tilespmem:s6+$0x20];
	v18 =	vsub.f32 v18, v19;
	v19 =	vsub.f32 v20, v21  }
0x4c: {  	v53 =	vld [tilespmem:s6+$0x30];
	v55 =	vsub.f32 v22, v23;
	v56 =	vsub.f32 v24, v25  }
0x4d: {  	v0 =	vld [tilespmem:s6+$0xC020];
	v57 =	vsub.f32 v26, v27;
	v11 =	vsub.f32 v28, v29  }
0x4e: {  	v8 =	vld [tilespmem:s6+$0xC030];
	v58 =	vsub.f32 v32, v33;
	v10 =	vsub.f32 v30, v31  }
0x4f: {  	v20 =	vld [tilespmem:s6+$0x50];
	v35 =	vsub.f32 v34, v35;
	v26 =	vsub.f32 v36, v37  }
0x50: {  	v21 =	vld [tilespmem:s6+$0xC050];
	v24 =	vsub.f32 v38, v39;
	v17 =	vsub.f32 v40, v41  }
0x51: {  	v25 =	vld [tilespmem:s6+$0x60];
	v16 =	vsub.f32 v42, v43;
	v61 =	vsub.f32 v48, v49  }
0x52: {  	v27 =	vld [tilespmem:s6+$0xC060];
	v12 =	vsub.f32 v46, v47;
	v62 =	vsub.f32 v50, v51  }
0x53: {  	v28 =	vld [tilespmem:s6+$0x70];
	[tilespmem:$0x1FFC0] =	vst v4;
	v4 =	vsub.f32 v14, v15;
	v14 =	vsub.f32 v44, v45;
	v33 =	vand.u32 $0x7FFFFFFF, v54  }
0x54: {  	v29 =	vld [tilespmem:s6+$0xC070];
	v31 =	vand.u32 $0x7FFFFFFF, v18;
	v32 =	vand.u32 $0x7FFFFFFF, v19;
	v30 =	vand.u32 $0x7FFFFFFF, v55  }
0x55: {  	v18 =	vand.u32 $0x7FFFFFFF, v56;
	v36 =	vand.u32 $0x7FFFFFFF, v58;
	v35 =	vand.u32 $0x7FFFFFFF, v35  }
0x56: {  	v13 =	vld [tilespmem:s6+$0x40];
	v19 =	vand.u32 $0x7FFFFFFF, v57;
	v39 =	vand.u32 $0x7FFFFFFF, v61;
	v38 =	vand.u32 $0x7FFFFFFF, v62  }
0x57: {  	v15 =	vld [tilespmem:s6+$0xC040];
	[tilespmem:$0x1FFD0] =	vst v4;
	v4 =	vimm.f32 $0.0e+00;
	v63 =	vsub.f32 v52, v0;
	v34 =	vsub.f32 v53, v8  }
0x58: {  	v22 =	vsub.f32 v20, v21;
	v0 =	vimm.f32 $0.0e+00;
	v21 =	vsub.f32 v25, v27  }
0x59: {  	v20 =	vsub.f32 v28, v29;
	v29 =	vand.u32 $0x7FFFFFFF, v1;
	v28 =	vand.u32 $0x7FFFFFFF, v2  }
0x5a: {  	v27 =	vand.u32 $0x7FFFFFFF, v3;
	v25 =	vand.u32 $0x7FFFFFFF, v6;
	v2 =	vimm.f32 $0.0e+00  }
0x5b: {  	v3 =	vimm.f32 $0.0e+00;
	v1 =	vimm.f32 $0.0e+00;
	v6 =	vimm.f32 $0.0e+00  }
0x5c: {  	[tilespmem:$0x1FFE0] =	vst v4;
	v4 =	vimm.f32 $0.0e+00;
	v23 =	vsub.f32 v13, v15;
	v13 =	vand.u32 $0x7FFFFFFF, v7  }
0x5d: {  	s7 =	simm.s32 $0x200;
	s6 =	simm.s32 $0x80;
	[tilespmem:$0x1FFF0] =	vst v4;
	v15 =	vand.u32 $0x7FFFFFFF, v9;
	v37 =	vand.u32 $0x7FFFFFFF, v63;
	v7 =	vimm.f32 $0.0e+00  }
.LBB2_1:
0x5e: {  	s8 =	sand.u32 $0x3000, s7;
	s9 =	sand.u32 $0x380, s6  }
0x5f: {  	v4 =	vld [tilespmem:$0x1FFE0];
	s8 =	sor.u32 s9, s8  }
0x60: {  	v40 =	vand.u32 $0x7FFFFFFF, v26;
	v26 =	vld [tilespmem:s8+$0xC00]  }
0x61: {  	v41 =	vand.u32 $0x7FFFFFFF, v24;
	v24 =	vld [tilespmem:s8+$0xCC00]  }
0x62: {  	v42 =	vand.u32 $0x7FFFFFFF, v17;
	v17 =	vld [tilespmem:s8+$0xC10]  }
0x63: {  	v2 =	vadd.f32 v38, v2;
	v34 =	vand.u32 $0x7FFFFFFF, v34;
	v43 =	vand.u32 $0x7FFFFFFF, v16;
	v16 =	vld [tilespmem:s8+$0xCC10]  }
0x64: {  	v0 =	vadd.f32 v39, v0;
	v1 =	vadd.f32 v34, v1;
	v34 =	vld [tilespmem:s8+$0xC840]  }
0x65: {  	v2 =	vadd.f32 v35, v2;
	v35 =	vld [tilespmem:s8+$0x850]  }
0x66: {  	v0 =	vadd.f32 v36, v0;
	v36 =	vld [tilespmem:s8+$0xC850]  }
0x67: {  	v3 =	vadd.f32 v37, v3;
	v37 =	vld [tilespmem:s8+$0x860]  }
0x68: {  	v38 =	vld [tilespmem:s8+$0xC860]  }
0x69: {  	v39 =	vld [tilespmem:s8+$0x870]  }
0x6a: {  	v3 =	vadd.f32 v40, v3;
	v40 =	vld [tilespmem:s8+$0xC870]  }
0x6b: {  	v44 =	vld [tilespmem:s8+$0xC410]  }
0x6c: {  	v45 =	vld [tilespmem:s8+$0x420]  }
0x6d: {  	v46 =	vld [tilespmem:s8+$0xC420]  }
0x6e: {  	v47 =	vld [tilespmem:s8+$0x430]  }
0x6f: {  	v48 =	vld [tilespmem:s8+$0xC430]  }
0x70: {  	v49 =	vld [tilespmem:s8+$0x440]  }
0x71: {  	v50 =	vld [tilespmem:s8+$0xC440]  }
0x72: {  	v51 =	vld [tilespmem:s8+$0x450]  }
0x73: {  	v52 =	vld [tilespmem:s8+$0xC450]  }
0x74: {  	v53 =	vld [tilespmem:s8+$0x460]  }
0x75: {  	v54 =	vld [tilespmem:s8+$0xC460]  }
0x76: {  	v55 =	vld [tilespmem:s8+$0x470]  }
0x77: {  	v56 =	vld [tilespmem:s8+$0xC470]  }
0x78: {  	v57 =	vld [tilespmem:s8+$0x0]  }
0x79: {  	v58 =	vld [tilespmem:s8+$0xC000]  }
0x7a: {  	v59 =	vld [tilespmem:s8+$0x10]  }
0x7b: {  	v60 =	vld [tilespmem:s8+$0xC010]  }
0x7c: {  	v61 =	vld [tilespmem:s8+$0x20]  }
0x7d: {  	v63 =	vld [tilespmem:s8+$0xC020]  }
0x7e: {  	v22 =	vand.u32 $0x7FFFFFFF, v22;
	v2 =	vadd.f32 v31, v2;
	v31 =	vand.u32 $0x7FFFFFFF, v23;
	v23 =	vld [tilespmem:s8+$0xC20]  }
0x7f: {  	v9 =	vadd.f32 v22, v7;
	v22 =	vld [tilespmem:s8+$0xCC30]  }
0x80: {  	v3 =	vadd.f32 v32, v3;
	v32 =	vld [tilespmem:s8+$0xC830]  }
0x81: {  	v0 =	vadd.f32 v33, v0;
	v33 =	vld [tilespmem:s8+$0x840]  }
0x82: {  	v21 =	vand.u32 $0x7FFFFFFF, v21;
	v1 =	vadd.f32 v41, v1;
	v41 =	vld [tilespmem:s8+$0x400]  }
0x83: {  	v8 =	vadd.f32 v31, v6;
	v6 =	vadd.f32 v21, v4;
	v4 =	vld [tilespmem:$0x1FFF0]  }
0x84: {  	v21 =	vld [tilespmem:s8+$0xCC40]  }
0x85: {  	v31 =	vld [tilespmem:s8+$0x830]  }
0x86: {  	v2 =	vadd.f32 v28, v2;
	v28 =	vld [tilespmem:s8+$0xCC20]  }
0x87: {  	v3 =	vadd.f32 v27, v3;
	v27 =	vld [tilespmem:s8+$0xC810]  }
0x88: {  	v0 =	vadd.f32 v29, v0;
	v29 =	vld [tilespmem:s8+$0x820]  }
0x89: {  	v1 =	vadd.f32 v30, v1;
	v30 =	vld [tilespmem:s8+$0xC820]  }
0x8a: {  	v14 =	vand.u32 $0x7FFFFFFF, v14;
	v9 =	vadd.f32 v43, v9;
	v43 =	vld [tilespmem:s8+$0x410]  }
0x8b: {  	v20 =	vand.u32 $0x7FFFFFFF, v20;
	v6 =	vadd.f32 v14, v6;
	v14 =	vld [tilespmem:s8+$0xCC50]  }
0x8c: {  	v7 =	vadd.f32 v20, v4;
	v4 =	vld [tilespmem:$0x1FFC0]  }
0x8d: {  	v8 =	vadd.f32 v42, v8;
	v42 =	vld [tilespmem:s8+$0xC400]  }
0x8e: {  	v1 =	vadd.f32 v25, v1;
	v25 =	vld [tilespmem:s8+$0xC30]  }
0x8f: {  	v11 =	vand.u32 $0x7FFFFFFF, v11;
	v9 =	vadd.f32 v19, v9;
	v19 =	vld [tilespmem:s8+$0x810];
	v8 =	vadd.f32 v18, v8  }
0x90: {  	v6 =	vadd.f32 v11, v6;
	v11 =	vld [tilespmem:s8+$0xCC60]  }
0x91: {  	v18 =	vld [tilespmem:s8+$0xC800];
	v5 =	vand.u32 $0x7FFFFFFF, v4;
	v4 =	vadd.f32 v13, v8  }
0x92: {  	v12 =	vand.u32 $0x7FFFFFFF, v12;
	v62 =	vsub.f32 v26, v24;
	v20 =	vld [tilespmem:s8+$0xC40]  }
0x93: {  	v7 =	vadd.f32 v12, v7;
	v12 =	vld [tilespmem:s8+$0xC50];
	[tilespmem:$0x1FFA0] =	vst v4;
	v4 =	vadd.f32 v15, v9  }
0x94: {  	v26 =	vsub.f32 v45, v46;
	v25 =	vsub.f32 v25, v22;
	v22 =	vld [tilespmem:s8+$0x50]  }
0x95: {  	v10 =	vand.u32 $0x7FFFFFFF, v10;
	v24 =	vsub.f32 v47, v48;
	v58 =	vsub.f32 v57, v58;
	[tilespmem:$0x1FFB0] =	vst v4;
	v4 =	vld [tilespmem:$0x1FFD0]  }
0x96: {  	v60 =	vsub.f32 v59, v60;
	v7 =	vadd.f32 v10, v7;
	v10 =	vld [tilespmem:s8+$0xC60]  }
0x97: {  	v63 =	vsub.f32 v61, v63;
	v44 =	vsub.f32 v43, v44;
	v15 =	vld [tilespmem:s8+$0x800]  }
0x98: {  	v13 =	vld [tilespmem:s8+$0xCC70];
	v5 =	vadd.f32 v5, v6;
	v6 =	vsub.f32 v23, v28  }
0x99: {  	v23 =	vld [tilespmem:s8+$0x30];
	v8 =	vsub.f32 v12, v14;
	v14 =	vsub.f32 v53, v54  }
0x9a: {  	v28 =	vld [tilespmem:s8+$0x60];
	v12 =	vsub.f32 v55, v56;
	[tilespmem:$0x1FFE0] =	vst v5;
	v5 =	vsub.f32 v17, v16;
	v4 =	vand.u32 $0x7FFFFFFF, v4  }
0x9b: {  	v17 =	vsub.f32 v49, v50;
	v50 =	vld [tilespmem:s8+$0xC070];
	v4 =	vadd.f32 v4, v7  }
0x9c: {  	v15 =	vsub.f32 v15, v18;
	v18 =	vsub.f32 v19, v27;
	v27 =	vld [tilespmem:s8+$0xC050]  }
0x9d: {  	v16 =	vsub.f32 v51, v52;
	v9 =	vsub.f32 v10, v11;
	[tilespmem:$0x1FFF0] =	vst v4;
	v4 =	vld [tilespmem:s8+$0xC70]  }
0x9e: {  	v11 =	vsub.f32 v37, v38;
	v19 =	vsub.f32 v29, v30;
	v29 =	vld [tilespmem:s8+$0xC060]  }
0x9f: {  	[tilespmem:$0x1FFC0] =	vst v9;
	v9 =	vsub.f32 v35, v36;
	v30 =	vsub.f32 v31, v32;
	v31 =	vld [tilespmem:s8+$0x70]  }
0xa0: {  	v25 =	vand.u32 $0x7FFFFFFF, v25;
	v35 =	vsub.f32 v41, v42;
	v7 =	vsub.f32 v20, v21;
	v20 =	vld [tilespmem:s8+$0xC030]  }
0xa1: {  	v10 =	vsub.f32 v39, v40;
	v39 =	vand.u32 $0x7FFFFFFF, v58;
	v38 =	vand.u32 $0x7FFFFFFF, v60;
	v21 =	vld [tilespmem:s8+$0x40]  }
0xa2: {  	v37 =	vand.u32 $0x7FFFFFFF, v63;
	v36 =	vand.u32 $0x7FFFFFFF, v35;
	v4 =	vsub.f32 v4, v13;
	v13 =	vld [tilespmem:s8+$0xC040]  }
0xa3: {  	p0 =	sne.s32 s7, $0x3E00;
	v35 =	vand.u32 $0x7FFFFFFF, v44;
	v32 =	vand.u32 $0x7FFFFFFF, v19;
	v30 =	vand.u32 $0x7FFFFFFF, v30  }
.Ltmp0:
0xa4: {  	v19 =	vand.u32 $0x7FFFFFFF, v9;
	v22 =	vsub.f32 v22, v27;
	[tilespmem:$0x1FFD0] =	vst v4;
	v4 =	vsub.f32 v33, v34;
	(pc) =	sbr.rel @p0 .LBB2_1-.Ltmp0, $4  }
0xa5: {  	v27 =	vand.u32 $0x7FFFFFFF, v6;
	v34 =	vsub.f32 v23, v20;
	v20 =	vsub.f32 v31, v50  }
0xa6: {  	v33 =	vand.u32 $0x7FFFFFFF, v15;
	v31 =	vand.u32 $0x7FFFFFFF, v18;
	v15 =	vand.u32 $0x7FFFFFFF, v8  }
0xa7: {  	v6 =	vld [tilespmem:$0x1FFA0];
	v18 =	vand.u32 $0x7FFFFFFF, v4;
	v23 =	vsub.f32 v21, v13;
	v21 =	vsub.f32 v28, v29  }
0xa8: {  	s6 =	sadd.s32 $0x80, s6;
	s7 =	sadd.s32 $0x200, s7;
	v29 =	vand.u32 $0x7FFFFFFF, v62;
	v28 =	vand.u32 $0x7FFFFFFF, v5;
	v13 =	vand.u32 $0x7FFFFFFF, v7;
	v7 =	vld [tilespmem:$0x1FFB0]  }
0xa9: {  	s6 =	sor.u32 $0x1800, s5  }
0xaa: {  	s8 =	simm.s32 $0x0;
	s7 =	sadd.s32 s4, s6  }
0xab: {  	[tilespmem:s8], [sflag:$0x1] =	stream.linear.gather [hbm4b:s7+s8], $0x4000, $0x38;
	[tilespmem:$0x18080] =	vst v63  }
0xac: {  	s26 =	simm.s32 $0xC000;
	s28 =	simm.s32 $0x2;
	s6 =	sadd.s32 s3, s6  }
0xad: {  	[tilespmem:s26], [sflag:$0x4] =	stream.linear.gather [hbm4b:s6+s8], $0x4000, $0x38;
	[tilespmem:$0x18080] =	vst v63  }
0xae: {  	_ =	swait.ge [sflag:s28], $0x4000  }
0xaf: {  	[sflag:s28] =	ssyncset.done $0x0  }
0xb0: {  	s29 =	simm.s32 $0x5;
	[sflag:s28] =	ssyncadd.s32 $0xFFFFC000  }
0xb1: {  	_ =	swait.ge [sflag:s29], $0x4000  }
0xb2: {  	s30 =	sand.u32 $0x3000, s8;
	s8 =	sand.u32 $0x380, s8;
	[sflag:s29] =	ssyncset.done $0x0  }
0xb3: {  	s31 =	sor.u32 s8, s30;
	[sflag:s29] =	ssyncadd.s32 $0xFFFFC000  }
0xb4: {  	v4 =	vld [tilespmem:s31+$0x4C00];
	_ =	sdelay $0x4  }
0xb5: {  	[tilespmem:$0x1FEC0] =	vst v4;
	v4 =	vld [tilespmem:s31+$0x10C00];
	_ =	sdelay $0x4  }
0xb6: {  	[tilespmem:$0x1FED0] =	vst v4;
	v4 =	vld [tilespmem:s31+$0x4C10];
	_ =	sdelay $0x4  }
0xb7: {  	[tilespmem:$0x1FEE0] =	vst v4;
	v4 =	vld [tilespmem:s31+$0x10C10];
	_ =	sdelay $0x4  }
0xb8: {  	[tilespmem:$0x1FEF0] =	vst v4;
	v4 =	vld [tilespmem:s31+$0x4C20];
	_ =	sdelay $0x4  }
0xb9: {  	[tilespmem:$0x1FF00] =	vst v4;
	v4 =	vld [tilespmem:s31+$0x10C20];
	_ =	sdelay $0x4  }
0xba: {  	[tilespmem:$0x1FF10] =	vst v4;
	v4 =	vld [tilespmem:s31+$0x4C30];
	_ =	sdelay $0x4  }
0xbb: {  	[tilespmem:$0x1FF20] =	vst v4;
	v4 =	vld [tilespmem:s31+$0x10C30];
	_ =	sdelay $0x4  }
0xbc: {  	[tilespmem:$0x1FF30] =	vst v4;
	v4 =	vld [tilespmem:s31+$0x4C40];
	_ =	sdelay $0x4  }
0xbd: {  	[tilespmem:$0x1FF40] =	vst v4;
	v4 =	vld [tilespmem:s31+$0x10C40];
	_ =	sdelay $0x4  }
0xbe: {  	[tilespmem:$0x1FF50] =	vst v4;
	v4 =	vld [tilespmem:s31+$0x4C50];
	_ =	sdelay $0x4  }
0xbf: {  	[tilespmem:$0x1FF60] =	vst v4;
	v4 =	vld [tilespmem:s31+$0x4C60];
	_ =	sdelay $0x4  }
0xc0: {  	[tilespmem:$0x1FF70] =	vst v4;
	v4 =	vld [tilespmem:s31+$0x4C70];
	_ =	sdelay $0x4  }
0xc1: {  	[tilespmem:$0x1FF80] =	vst v4;
	v4 =	vld [tilespmem:s31+$0x10C70];
	_ =	sdelay $0x4  }
0xc2: {  	v2 =	vadd.f32 v38, v2;
	v3 =	vadd.f32 v37, v3;
	[tilespmem:$0x1FF90] =	vst v4;
	v4 =	vand.u32 $0x7FFFFFFF, v34  }
0xc3: {  	v1 =	vadd.f32 v4, v1;
	v4 =	vand.u32 $0x7FFFFFFF, v26  }
0xc4: {  	v2 =	vadd.f32 v35, v2;
	v3 =	vadd.f32 v4, v3;
	v4 =	vand.u32 $0x7FFFFFFF, v24  }
0xc5: {  	v9 =	vld [tilespmem:s31+$0x10C50];
	v1 =	vadd.f32 v4, v1  }
0xc6: {  	v2 =	vadd.f32 v31, v2;
	v8 =	vld [tilespmem:s31+$0x10C60]  }
0xc7: {  	v54 =	vld [tilespmem:s31+$0x4800];
	v3 =	vadd.f32 v32, v3;
	v4 =	vadd.f32 v30, v1  }
0xc8: {  	v55 =	vld [tilespmem:s31+$0x10800];
	v1 =	vadd.f32 v28, v2  }
0xc9: {  	v56 =	vld [tilespmem:s31+$0x4810];
	v2 =	vadd.f32 v27, v3;
	v3 =	vadd.f32 v25, v4  }
0xca: {  	v57 =	vld [tilespmem:s31+$0x10810]  }
0xcb: {  	[tilespmem:$0x1FE90] =	vst v3;
	v3 =	vld [tilespmem:$0x1FFE0]  }
0xcc: {  	v58 =	vld [tilespmem:s31+$0x4820]  }
0xcd: {  	v59 =	vld [tilespmem:s31+$0x10820]  }
0xce: {  	v5 =	vand.u32 $0x7FFFFFFF, v23;
	v60 =	vld [tilespmem:s31+$0x4830]  }
0xcf: {  	v61 =	vld [tilespmem:s31+$0x10830];
	v4 =	vadd.f32 v5, v6;
	v6 =	vand.u32 $0x7FFFFFFF, v21  }
0xd0: {  	v6 =	vadd.f32 v6, v3;
	v3 =	vld [tilespmem:$0x1FFF0]  }
0xd1: {  	v62 =	vld [tilespmem:s31+$0x4840]  }
0xd2: {  	v63 =	vld [tilespmem:s31+$0x10840]  }
0xd3: {  	v53 =	vld [tilespmem:s31+$0x4850];
	v5 =	vand.u32 $0x7FFFFFFF, v22  }
0xd4: {  	v51 =	vld [tilespmem:s31+$0x10850];
	v5 =	vadd.f32 v5, v7;
	v7 =	vand.u32 $0x7FFFFFFF, v20  }
0xd5: {  	v7 =	vadd.f32 v7, v3;
	v3 =	vld [tilespmem:$0x1FFC0]  }
0xd6: {  	v50 =	vld [tilespmem:s31+$0x4860]  }
0xd7: {  	v48 =	vld [tilespmem:s31+$0x10860]  }
0xd8: {  	v52 =	vld [tilespmem:s31+$0x4870]  }
0xd9: {  	v16 =	vand.u32 $0x7FFFFFFF, v16;
	v49 =	vld [tilespmem:s31+$0x10870]  }
0xda: {  	v14 =	vand.u32 $0x7FFFFFFF, v14;
	v5 =	vadd.f32 v16, v5;
	v16 =	vand.u32 $0x7FFFFFFF, v3;
	v3 =	vld [tilespmem:$0x1FFD0]  }
0xdb: {  	v46 =	vld [tilespmem:s31+$0x4400];
	v6 =	vadd.f32 v14, v6  }
0xdc: {  	v12 =	vand.u32 $0x7FFFFFFF, v12;
	v11 =	vand.u32 $0x7FFFFFFF, v11;
	v44 =	vld [tilespmem:s31+$0x10400];
	v5 =	vadd.f32 v19, v5  }
0xdd: {  	v17 =	vand.u32 $0x7FFFFFFF, v17;
	v47 =	vld [tilespmem:s31+$0x4410];
	v11 =	vadd.f32 v11, v6;
	v7 =	vadd.f32 v12, v7  }
0xde: {  	v10 =	vand.u32 $0x7FFFFFFF, v10;
	v45 =	vld [tilespmem:s31+$0x10410];
	v4 =	vadd.f32 v17, v4;
	v6 =	vadd.f32 v15, v5  }
0xdf: {  	v43 =	vld [tilespmem:s31+$0x4420];
	v10 =	vadd.f32 v10, v7;
	v5 =	vand.u32 $0x7FFFFFFF, v3;
	v3 =	vadd.f32 v16, v11  }
0xe0: {  	v42 =	vld [tilespmem:s31+$0x10420];
	v4 =	vadd.f32 v18, v4  }
0xe1: {  	v41 =	vld [tilespmem:s31+$0x4430];
	[tilespmem:$0x1FEA0] =	vst v3;
	v3 =	vadd.f32 v5, v10  }
0xe2: {  	v0 =	vadd.f32 v39, v0;
	v7 =	vadd.f32 v13, v4;
	v4 =	vld [tilespmem:$0x1FED0]  }
0xe3: {  	[tilespmem:$0x1FEB0] =	vst v3;
	v3 =	vld [tilespmem:$0x1FEC0]  }
0xe4: {  	v0 =	vadd.f32 v36, v0;
	v40 =	vld [tilespmem:s31+$0x4440]  }
0xe5: {  	v39 =	vld [tilespmem:s31+$0x10440]  }
0xe6: {  	v0 =	vadd.f32 v33, v0;
	v33 =	vld [tilespmem:s31+$0x10450]  }
0xe7: {  	v31 =	vld [tilespmem:s31+$0x4460]  }
0xe8: {  	v25 =	vsub.f32 v3, v4;
	v3 =	vld [tilespmem:$0x1FEE0]  }
0xe9: {  	v4 =	vld [tilespmem:$0x1FEF0]  }
0xea: {  	v0 =	vadd.f32 v29, v0;
	v29 =	vld [tilespmem:s31+$0x10460]  }
0xeb: {  	v23 =	vld [tilespmem:s31+$0x10470]  }
0xec: {  	v35 =	vld [tilespmem:s31+$0x10020]  }
0xed: {  	v38 =	vld [tilespmem:s31+$0x4030]  }
0xee: {  	v36 =	vsub.f32 v3, v4;
	v3 =	vld [tilespmem:$0x1FF00]  }
0xef: {  	v4 =	vld [tilespmem:$0x1FF10]  }
0xf0: {  	v54 =	vsub.f32 v54, v55;
	v55 =	vld [tilespmem:s31+$0x10040]  }
0xf1: {  	v56 =	vsub.f32 v56, v57;
	v57 =	vsub.f32 v58, v59;
	v58 =	vld [tilespmem:s31+$0x4050]  }
0xf2: {  	v59 =	vsub.f32 v60, v61;
	v61 =	vld [tilespmem:s31+$0x10050]  }
0xf3: {  	v34 =	vld [tilespmem:s31+$0x4450]  }
0xf4: {  	v37 =	vsub.f32 v3, v4;
	v3 =	vld [tilespmem:$0x1FF20]  }
0xf5: {  	v4 =	vld [tilespmem:$0x1FF30]  }
0xf6: {  	v26 =	vld [tilespmem:s31+$0x4470]  }
0xf7: {  	v24 =	vld [tilespmem:s31+$0x10430]  }
0xf8: {  	v28 =	vld [tilespmem:s31+$0x10010]  }
0xf9: {  	v30 =	vld [tilespmem:s31+$0x4020]  }
0xfa: {  	v18 =	vsub.f32 v3, v4;
	v3 =	vld [tilespmem:$0x1FF40]  }
0xfb: {  	v4 =	vld [tilespmem:$0x1FF50]  }
0xfc: {  	v22 =	vld [tilespmem:s31+$0x4000]  }
0xfd: {  	v21 =	vld [tilespmem:s31+$0x10000]  }
0xfe: {  	v20 =	vld [tilespmem:s31+$0x4010]  }
0xff: {  	v14 =	vld [tilespmem:s31+$0x10030]  }
0x100: {  	v19 =	vsub.f32 v3, v4;
	v3 =	vld [tilespmem:$0x1FF60]  }
0x101: {  	v60 =	vsub.f32 v62, v63;
	v51 =	vsub.f32 v53, v51;
	v12 =	vld [tilespmem:s31+$0x4040]  }
0x102: {  	v44 =	vsub.f32 v46, v44;
	v11 =	vsub.f32 v50, v48;
	v48 =	vld [tilespmem:s31+$0x4060]  }
0x103: {  	v45 =	vsub.f32 v47, v45;
	v27 =	vsub.f32 v43, v42;
	v50 =	vld [tilespmem:s31+$0x4070]  }
0x104: {  	v24 =	vsub.f32 v41, v24;
	v10 =	vsub.f32 v52, v49;
	v49 =	vld [tilespmem:s31+$0x10060]  }
0x105: {  	v17 =	vsub.f32 v40, v39;
	v32 =	vsub.f32 v3, v9;
	v3 =	vld [tilespmem:$0x1FF70]  }
0x106: {  	v63 =	vsub.f32 v30, v35;
	v30 =	vand.u32 $0x7FFFFFFF, v59;
	v53 =	vsub.f32 v22, v21;
	v52 =	vld [tilespmem:s31+$0x10070]  }
0x107: {  	v35 =	vand.u32 $0x7FFFFFFF, v45;
	v22 =	vsub.f32 v58, v61;
	v62 =	vsub.f32 v20, v28  }
0x108: {  	v39 =	vand.u32 $0x7FFFFFFF, v53;
	v15 =	vsub.f32 v31, v29;
	v13 =	vsub.f32 v26, v23  }
0x109: {  	v31 =	vand.u32 $0x7FFFFFFF, v56;
	v23 =	vsub.f32 v12, v55;
	v16 =	vsub.f32 v34, v33;
	v4 =	vld [tilespmem:$0x1FF90]  }
0x10a: {  	v34 =	vsub.f32 v38, v14;
	v33 =	vand.u32 $0x7FFFFFFF, v54;
	v9 =	vsub.f32 v3, v8;
	v3 =	vld [tilespmem:$0x1FF80]  }
0x10b: {  	v38 =	vand.u32 $0x7FFFFFFF, v62;
	v21 =	vsub.f32 v48, v49;
	v20 =	vsub.f32 v50, v52  }
0x10c: {  	v29 =	vand.u32 $0x7FFFFFFF, v25;
	v28 =	vand.u32 $0x7FFFFFFF, v36;
	v36 =	vand.u32 $0x7FFFFFFF, v44  }
0x10d: {  	v26 =	vand.u32 $0x7FFFFFFF, v37;
	v37 =	vand.u32 $0x7FFFFFFF, v63;
	v25 =	vand.u32 $0x7FFFFFFF, v18  }
0x10e: {  	v18 =	vand.u32 $0x7FFFFFFF, v60;
	v12 =	vand.u32 $0x7FFFFFFF, v19;
	v19 =	vand.u32 $0x7FFFFFFF, v51  }
0x10f: {  	s7 =	simm.s32 $0x200;
	s6 =	simm.s32 $0x80;
	v14 =	vand.u32 $0x7FFFFFFF, v32;
	v32 =	vand.u32 $0x7FFFFFFF, v57;
	v8 =	vsub.f32 v3, v4  }
.LBB2_3:
0x110: {  	s8 =	sand.u32 $0x3000, s7;
	s9 =	sand.u32 $0x380, s6  }
0x111: {  	v3 =	vld [tilespmem:$0x1FE90];
	s8 =	sor.u32 s9, s8  }
0x112: {  	v40 =	vand.u32 $0x7FFFFFFF, v27;
	v27 =	vld [tilespmem:s8+$0x4C00]  }
0x113: {  	v41 =	vand.u32 $0x7FFFFFFF, v24;
	v24 =	vld [tilespmem:s8+$0x10C00]  }
0x114: {  	v42 =	vand.u32 $0x7FFFFFFF, v17;
	v17 =	vld [tilespmem:s8+$0x4C10]  }
0x115: {  	v43 =	vand.u32 $0x7FFFFFFF, v16;
	v22 =	vand.u32 $0x7FFFFFFF, v22;
	v16 =	vld [tilespmem:s8+$0x10C10]  }
0x116: {  	v6 =	vadd.f32 v22, v6;
	v22 =	vld [tilespmem:s8+$0x10C30]  }
0x117: {  	v44 =	vld [tilespmem:s8+$0x10410]  }
0x118: {  	v45 =	vld [tilespmem:s8+$0x4420]  }
0x119: {  	v46 =	vld [tilespmem:s8+$0x10420]  }
0x11a: {  	v47 =	vld [tilespmem:s8+$0x4430]  }
0x11b: {  	v48 =	vld [tilespmem:s8+$0x10430]  }
0x11c: {  	v49 =	vld [tilespmem:s8+$0x4440]  }
0x11d: {  	v50 =	vld [tilespmem:s8+$0x10440]  }
0x11e: {  	v51 =	vld [tilespmem:s8+$0x4450]  }
0x11f: {  	v52 =	vld [tilespmem:s8+$0x10450]  }
0x120: {  	v53 =	vld [tilespmem:s8+$0x4460]  }
0x121: {  	v54 =	vld [tilespmem:s8+$0x10460]  }
0x122: {  	v55 =	vld [tilespmem:s8+$0x4470]  }
0x123: {  	v56 =	vld [tilespmem:s8+$0x10470]  }
0x124: {  	v57 =	vld [tilespmem:s8+$0x4000]  }
0x125: {  	v58 =	vld [tilespmem:s8+$0x10000]  }
0x126: {  	v59 =	vld [tilespmem:s8+$0x4010]  }
0x127: {  	v60 =	vld [tilespmem:s8+$0x10010]  }
0x128: {  	v61 =	vld [tilespmem:s8+$0x4020]  }
0x129: {  	v63 =	vld [tilespmem:s8+$0x10020]  }
0x12a: {  	v2 =	vadd.f32 v37, v2;
	v37 =	vld [tilespmem:s8+$0x4860]  }
0x12b: {  	v1 =	vadd.f32 v38, v1;
	v38 =	vld [tilespmem:s8+$0x10860]  }
0x12c: {  	v0 =	vadd.f32 v39, v0;
	v39 =	vld [tilespmem:s8+$0x4870]  }
0x12d: {  	v34 =	vand.u32 $0x7FFFFFFF, v34;
	v6 =	vadd.f32 v43, v6;
	v43 =	vld [tilespmem:s8+$0x4410]  }
0x12e: {  	v3 =	vadd.f32 v34, v3;
	v34 =	vld [tilespmem:s8+$0x10840]  }
0x12f: {  	v6 =	vadd.f32 v19, v6;
	v19 =	vld [tilespmem:s8+$0x4810]  }
0x130: {  	v1 =	vadd.f32 v35, v1;
	v35 =	vld [tilespmem:s8+$0x4850]  }
0x131: {  	v0 =	vadd.f32 v36, v0;
	v36 =	vld [tilespmem:s8+$0x10850]  }
0x132: {  	v2 =	vadd.f32 v40, v2;
	v40 =	vld [tilespmem:s8+$0x10870]  }
0x133: {  	v3 =	vadd.f32 v41, v3;
	v41 =	vld [tilespmem:s8+$0x4400]  }
0x134: {  	v0 =	vadd.f32 v33, v0;
	v1 =	vadd.f32 v31, v1;
	v31 =	vand.u32 $0x7FFFFFFF, v23;
	v23 =	vld [tilespmem:s8+$0x4C20]  }
0x135: {  	v6 =	vadd.f32 v14, v6;
	v14 =	vld [tilespmem:s8+$0x4800]  }
0x136: {  	v2 =	vadd.f32 v32, v2;
	v32 =	vld [tilespmem:s8+$0x10830];
	v0 =	vadd.f32 v29, v0  }
0x137: {  	v33 =	vld [tilespmem:s8+$0x4840]  }
0x138: {  	v3 =	vadd.f32 v30, v3;
	v30 =	vld [tilespmem:s8+$0x10820];
	[tilespmem:$0x1FE60] =	vst v0;
	v0 =	vadd.f32 v28, v1  }
0x139: {  	v7 =	vadd.f32 v31, v7;
	v31 =	vld [tilespmem:s8+$0x4830]  }
0x13a: {  	v29 =	vld [tilespmem:s8+$0x4820];
	[tilespmem:$0x1FE70] =	vst v0;
	v0 =	vadd.f32 v26, v2  }
0x13b: {  	v7 =	vadd.f32 v42, v7;
	v42 =	vld [tilespmem:s8+$0x10400]  }
0x13c: {  	v28 =	vld [tilespmem:s8+$0x10C20];
	[tilespmem:$0x1FE80] =	vst v0;
	v0 =	vadd.f32 v25, v3  }
0x13d: {  	v7 =	vadd.f32 v18, v7;
	v18 =	vld [tilespmem:s8+$0x10800]  }
0x13e: {  	[tilespmem:$0x1FE90] =	vst v0;
	v0 =	vld [tilespmem:$0x1FEA0]  }
0x13f: {  	v26 =	vld [tilespmem:s8+$0x10810]  }
0x140: {  	v7 =	vadd.f32 v12, v7;
	v12 =	vld [tilespmem:s8+$0x10C70]  }
0x141: {  	v25 =	vld [tilespmem:s8+$0x4C30]  }
0x142: {  	v21 =	vand.u32 $0x7FFFFFFF, v21;
	v1 =	vsub.f32 v23, v28;
	v23 =	vld [tilespmem:s8+$0x4030]  }
0x143: {  	v4 =	vadd.f32 v21, v0;
	v0 =	vld [tilespmem:$0x1FEB0]  }
0x144: {  	v62 =	vsub.f32 v27, v24;
	v28 =	vld [tilespmem:s8+$0x4060]  }
0x145: {  	v14 =	vsub.f32 v14, v18;
	v18 =	vsub.f32 v19, v26;
	v26 =	vld [tilespmem:s8+$0x10050]  }
0x146: {  	v20 =	vand.u32 $0x7FFFFFFF, v20;
	v27 =	vsub.f32 v45, v46;
	v19 =	vsub.f32 v29, v30;
	v29 =	vld [tilespmem:s8+$0x10060]  }
0x147: {  	v15 =	vand.u32 $0x7FFFFFFF, v15;
	v24 =	vsub.f32 v47, v48;
	v25 =	vsub.f32 v25, v22;
	v22 =	vld [tilespmem:s8+$0x4050]  }
0x148: {  	v13 =	vand.u32 $0x7FFFFFFF, v13;
	v21 =	vld [tilespmem:s8+$0x10C40];
	v4 =	vadd.f32 v15, v4;
	v5 =	vadd.f32 v20, v0  }
0x149: {  	v11 =	vand.u32 $0x7FFFFFFF, v11;
	v58 =	vsub.f32 v57, v58;
	v60 =	vsub.f32 v59, v60;
	v15 =	vld [tilespmem:s8+$0x10C50]  }
0x14a: {  	v10 =	vand.u32 $0x7FFFFFFF, v10;
	v4 =	vadd.f32 v11, v4;
	v20 =	vld [tilespmem:s8+$0x4C40];
	v5 =	vadd.f32 v13, v5  }
0x14b: {  	v9 =	vand.u32 $0x7FFFFFFF, v9;
	v63 =	vsub.f32 v61, v63;
	v30 =	vsub.f32 v31, v32;
	v13 =	vld [tilespmem:s8+$0x4C50]  }
0x14c: {  	v31 =	vld [tilespmem:s8+$0x4070];
	v0 =	vadd.f32 v9, v4;
	v5 =	vadd.f32 v10, v5  }
0x14d: {  	v8 =	vand.u32 $0x7FFFFFFF, v8;
	v44 =	vsub.f32 v43, v44;
	v22 =	vsub.f32 v22, v26;
	v11 =	vld [tilespmem:s8+$0x10C60]  }
0x14e: {  	v32 =	vand.u32 $0x7FFFFFFF, v19;
	v4 =	vsub.f32 v33, v34;
	[tilespmem:$0x1FEA0] =	vst v0;
	v0 =	vadd.f32 v8, v5;
	v8 =	vld [tilespmem:s8+$0x4C70]  }
0x14f: {  	v30 =	vand.u32 $0x7FFFFFFF, v30;
	v10 =	vld [tilespmem:s8+$0x4C60];
	v2 =	vsub.f32 v20, v21;
	v5 =	vsub.f32 v35, v36  }
0x150: {  	v25 =	vand.u32 $0x7FFFFFFF, v25;
	v20 =	vld [tilespmem:s8+$0x10030];
	v35 =	vsub.f32 v41, v42;
	v3 =	vsub.f32 v13, v15  }
0x151: {  	v26 =	vand.u32 $0x7FFFFFFF, v1;
	v21 =	vld [tilespmem:s8+$0x4040];
	v15 =	vsub.f32 v53, v54;
	v13 =	vsub.f32 v55, v56  }
0x152: {  	v33 =	vand.u32 $0x7FFFFFFF, v14;
	[tilespmem:$0x1FEB0] =	vst v0;
	v0 =	vsub.f32 v17, v16;
	v17 =	vsub.f32 v49, v50;
	v50 =	vld [tilespmem:s8+$0x10070]  }
0x153: {  	v16 =	vsub.f32 v51, v52;
	v36 =	vand.u32 $0x7FFFFFFF, v35;
	v8 =	vsub.f32 v8, v12;
	v12 =	vld [tilespmem:s8+$0x10040]  }
0x154: {  	p0 =	sne.s32 s7, $0x3E00;
	v35 =	vand.u32 $0x7FFFFFFF, v44;
	v19 =	vand.u32 $0x7FFFFFFF, v5;
	v9 =	vsub.f32 v10, v11  }
.Ltmp1:
0x155: {  	v11 =	vsub.f32 v37, v38;
	v10 =	vsub.f32 v39, v40;
	v14 =	vand.u32 $0x7FFFFFFF, v3;
	(pc) =	sbr.rel @p0 .LBB2_3-.Ltmp1, $4  }
0x156: {  	v39 =	vand.u32 $0x7FFFFFFF, v58;
	v38 =	vand.u32 $0x7FFFFFFF, v60;
	v37 =	vand.u32 $0x7FFFFFFF, v63  }
0x157: {  	v1 =	vld [tilespmem:$0x1FE70];
	v34 =	vsub.f32 v23, v20;
	v20 =	vsub.f32 v31, v50;
	v31 =	vand.u32 $0x7FFFFFFF, v18  }
0x158: {  	v23 =	vsub.f32 v21, v12;
	v21 =	vsub.f32 v28, v29;
	v28 =	vand.u32 $0x7FFFFFFF, v0;
	v0 =	vld [tilespmem:$0x1FE60]  }
0x159: {  	s6 =	sadd.s32 $0x80, s6;
	s7 =	sadd.s32 $0x200, s7;
	v18 =	vand.u32 $0x7FFFFFFF, v4;
	v29 =	vand.u32 $0x7FFFFFFF, v62;
	v12 =	vand.u32 $0x7FFFFFFF, v2;
	v2 =	vld [tilespmem:$0x1FE80]  }
0x15a: {  	s6 =	sor.u32 $0x2000, s5  }
0x15b: {  	s8 =	simm.s32 $0x0;
	s9 =	simm.s32 $0x4000;
	s7 =	sadd.s32 s4, s6  }
0x15c: {  	[tilespmem:s9], [sflag:$0x2] =	stream.linear.gather [hbm4b:s7+s8], $0x4000, $0x38;
	[tilespmem:$0x18080] =	vst v63  }
0x15d: {  	s26 =	simm.s32 $0x10000;
	s28 =	simm.s32 $0x3;
	s6 =	sadd.s32 s3, s6  }
0x15e: {  	[tilespmem:s26], [sflag:$0x5] =	stream.linear.gather [hbm4b:s6+s8], $0x4000, $0x38;
	[tilespmem:$0x18080] =	vst v63  }
0x15f: {  	_ =	swait.ge [sflag:s28], $0x4000  }
0x160: {  	[sflag:s28] =	ssyncset.done $0x0  }
0x161: {  	s29 =	simm.s32 $0x6;
	[sflag:s28] =	ssyncadd.s32 $0xFFFFC000  }
0x162: {  	_ =	swait.ge [sflag:s29], $0x4000  }
0x163: {  	s30 =	sand.u32 $0x3000, s8;
	s8 =	sand.u32 $0x380, s8;
	[sflag:s29] =	ssyncset.done $0x0  }
0x164: {  	s31 =	sor.u32 s8, s30;
	[sflag:s29] =	ssyncadd.s32 $0xFFFFC000  }
0x165: {  	v3 =	vld [tilespmem:s31+$0x8C00];
	_ =	sdelay $0x4  }
0x166: {  	[tilespmem:$0x1FDB0] =	vst v3;
	v3 =	vld [tilespmem:s31+$0x14C00];
	_ =	sdelay $0x4  }
0x167: {  	[tilespmem:$0x1FDC0] =	vst v3;
	v3 =	vld [tilespmem:s31+$0x8C10];
	_ =	sdelay $0x4  }
0x168: {  	[tilespmem:$0x1FDD0] =	vst v3;
	v3 =	vld [tilespmem:s31+$0x14C10];
	_ =	sdelay $0x4  }
0x169: {  	[tilespmem:$0x1FDE0] =	vst v3;
	v3 =	vld [tilespmem:s31+$0x8C20];
	_ =	sdelay $0x4  }
0x16a: {  	[tilespmem:$0x1FDF0] =	vst v3;
	v3 =	vld [tilespmem:s31+$0x14C20];
	_ =	sdelay $0x4  }
0x16b: {  	[tilespmem:$0x1FE00] =	vst v3;
	v3 =	vld [tilespmem:s31+$0x8C30];
	_ =	sdelay $0x4  }
0x16c: {  	[tilespmem:$0x1FE10] =	vst v3;
	v3 =	vld [tilespmem:s31+$0x14C30];
	_ =	sdelay $0x4  }
0x16d: {  	[tilespmem:$0x1FE20] =	vst v3;
	v3 =	vld [tilespmem:s31+$0x8C40];
	_ =	sdelay $0x4  }
0x16e: {  	[tilespmem:$0x1FE30] =	vst v3;
	v3 =	vld [tilespmem:s31+$0x8C50];
	_ =	sdelay $0x4  }
0x16f: {  	[tilespmem:$0x1FE40] =	vst v3;
	v3 =	vld [tilespmem:s31+$0x8C70]  }
0x170: {  	v4 =	vld [tilespmem:$0x1FE90];
	_ =	sdelay $0x3  }
0x171: {  	v2 =	vadd.f32 v37, v2;
	v54 =	vld [tilespmem:s31+$0x14C40];
	[tilespmem:$0x1FE50] =	vst v3;
	v3 =	vand.u32 $0x7FFFFFFF, v34  }
0x172: {  	v51 =	vld [tilespmem:s31+$0x14C50];
	v3 =	vadd.f32 v3, v4;
	v4 =	vand.u32 $0x7FFFFFFF, v27  }
0x173: {  	v52 =	vld [tilespmem:s31+$0x8C60];
	v2 =	vadd.f32 v4, v2;
	v4 =	vand.u32 $0x7FFFFFFF, v24  }
0x174: {  	v53 =	vld [tilespmem:s31+$0x14C60];
	v3 =	vadd.f32 v4, v3  }
0x175: {  	v55 =	vld [tilespmem:s31+$0x14C70]  }
0x176: {  	v56 =	vld [tilespmem:s31+$0x8800];
	v3 =	vadd.f32 v30, v3  }
0x177: {  	v57 =	vld [tilespmem:s31+$0x14800]  }
0x178: {  	v58 =	vld [tilespmem:s31+$0x8810];
	v3 =	vadd.f32 v25, v3  }
0x179: {  	v59 =	vld [tilespmem:s31+$0x14810]  }
0x17a: {  	[tilespmem:$0x1FD80] =	vst v3;
	v3 =	vld [tilespmem:$0x1FEA0]  }
0x17b: {  	v60 =	vld [tilespmem:s31+$0x8820]  }
0x17c: {  	v61 =	vld [tilespmem:s31+$0x14820]  }
0x17d: {  	v5 =	vand.u32 $0x7FFFFFFF, v22;
	v62 =	vld [tilespmem:s31+$0x8830]  }
0x17e: {  	v5 =	vadd.f32 v5, v6;
	v6 =	vand.u32 $0x7FFFFFFF, v21;
	v63 =	vld [tilespmem:s31+$0x14830]  }
0x17f: {  	v6 =	vadd.f32 v6, v3;
	v3 =	vld [tilespmem:$0x1FEB0]  }
0x180: {  	v48 =	vld [tilespmem:s31+$0x8840]  }
0x181: {  	v47 =	vld [tilespmem:s31+$0x14840]  }
0x182: {  	v17 =	vand.u32 $0x7FFFFFFF, v17;
	v50 =	vld [tilespmem:s31+$0x8850];
	v4 =	vand.u32 $0x7FFFFFFF, v23  }
0x183: {  	v15 =	vand.u32 $0x7FFFFFFF, v15;
	v45 =	vld [tilespmem:s31+$0x14850];
	v4 =	vadd.f32 v4, v7;
	v7 =	vand.u32 $0x7FFFFFFF, v20  }
0x184: {  	v16 =	vand.u32 $0x7FFFFFFF, v16;
	v46 =	vld [tilespmem:s31+$0x8860];
	v6 =	vadd.f32 v15, v6;
	v7 =	vadd.f32 v7, v3  }
0x185: {  	v13 =	vand.u32 $0x7FFFFFFF, v13;
	v11 =	vand.u32 $0x7FFFFFFF, v11;
	v5 =	vadd.f32 v16, v5;
	v42 =	vld [tilespmem:s31+$0x14860]  }
0x186: {  	v10 =	vand.u32 $0x7FFFFFFF, v10;
	v49 =	vld [tilespmem:s31+$0x8870];
	v11 =	vadd.f32 v11, v6;
	v7 =	vadd.f32 v13, v7  }
0x187: {  	v9 =	vand.u32 $0x7FFFFFFF, v9;
	v5 =	vadd.f32 v19, v5;
	v44 =	vld [tilespmem:s31+$0x14870];
	v4 =	vadd.f32 v17, v4  }
0x188: {  	v41 =	vld [tilespmem:s31+$0x8400];
	v3 =	vadd.f32 v9, v11;
	v10 =	vadd.f32 v10, v7  }
0x189: {  	v40 =	vld [tilespmem:s31+$0x14400];
	v4 =	vadd.f32 v18, v4;
	v6 =	vadd.f32 v14, v5;
	v5 =	vand.u32 $0x7FFFFFFF, v8  }
0x18a: {  	v0 =	vadd.f32 v39, v0;
	v43 =	vld [tilespmem:s31+$0x8410];
	[tilespmem:$0x1FD90] =	vst v3;
	v3 =	vadd.f32 v5, v10  }
0x18b: {  	v1 =	vadd.f32 v38, v1;
	v7 =	vadd.f32 v12, v4;
	v4 =	vld [tilespmem:$0x1FDC0]  }
0x18c: {  	v0 =	vadd.f32 v36, v0;
	[tilespmem:$0x1FDA0] =	vst v3;
	v3 =	vld [tilespmem:$0x1FDB0]  }
0x18d: {  	v1 =	vadd.f32 v35, v1;
	v39 =	vld [tilespmem:s31+$0x14410]  }
0x18e: {  	v0 =	vadd.f32 v33, v0;
	v33 =	vld [tilespmem:s31+$0x14430]  }
0x18f: {  	v1 =	vadd.f32 v31, v1;
	v31 =	vld [tilespmem:s31+$0x8440]  }
0x190: {  	v0 =	vadd.f32 v29, v0;
	v29 =	vld [tilespmem:s31+$0x14440]  }
0x191: {  	v1 =	vadd.f32 v28, v1;
	v28 =	vsub.f32 v3, v4;
	v3 =	vld [tilespmem:$0x1FDD0]  }
0x192: {  	v4 =	vld [tilespmem:$0x1FDE0]  }
0x193: {  	v22 =	vld [tilespmem:s31+$0x14450]  }
0x194: {  	v21 =	vld [tilespmem:s31+$0x14460]  }
0x195: {  	v19 =	vld [tilespmem:s31+$0x8020]  }
0x196: {  	v47 =	vsub.f32 v48, v47;
	v48 =	vld [tilespmem:s31+$0x14050]  }
0x197: {  	v2 =	vadd.f32 v32, v2;
	v32 =	vsub.f32 v3, v4;
	v3 =	vld [tilespmem:$0x1FDF0]  }
0x198: {  	v4 =	vld [tilespmem:$0x1FE00]  }
0x199: {  	v40 =	vsub.f32 v41, v40;
	v41 =	vld [tilespmem:s31+$0x14060]  }
0x19a: {  	v34 =	vld [tilespmem:s31+$0x8420]  }
0x19b: {  	v27 =	vld [tilespmem:s31+$0x14420]  }
0x19c: {  	v24 =	vld [tilespmem:s31+$0x8430]  }
0x19d: {  	v35 =	vsub.f32 v3, v4;
	v3 =	vld [tilespmem:$0x1FE10]  }
0x19e: {  	v4 =	vld [tilespmem:$0x1FE20]  }
0x19f: {  	v23 =	vld [tilespmem:s31+$0x8450]  }
0x1a0: {  	v20 =	vld [tilespmem:s31+$0x8460]  }
0x1a1: {  	v30 =	vld [tilespmem:s31+$0x14020]  }
0x1a2: {  	v2 =	vadd.f32 v26, v2;
	v26 =	vld [tilespmem:s31+$0x14470]  }
0x1a3: {  	v37 =	vsub.f32 v3, v4;
	v3 =	vld [tilespmem:$0x1FE30]  }
0x1a4: {  	v17 =	vsub.f32 v31, v29;
	v29 =	vld [tilespmem:s31+$0x14070]  }
0x1a5: {  	v25 =	vld [tilespmem:s31+$0x8470]  }
0x1a6: {  	v18 =	vld [tilespmem:s31+$0x14000]  }
0x1a7: {  	v45 =	vsub.f32 v50, v45;
	v14 =	vld [tilespmem:s31+$0x14010]  }
0x1a8: {  	v9 =	vsub.f32 v52, v53;
	v38 =	vsub.f32 v3, v54;
	v3 =	vld [tilespmem:$0x1FE40]  }
0x1a9: {  	v53 =	vsub.f32 v56, v57;
	v56 =	vsub.f32 v58, v59;
	v58 =	vld [tilespmem:s31+$0x8050]  }
0x1aa: {  	v39 =	vsub.f32 v43, v39;
	v11 =	vsub.f32 v46, v42;
	v42 =	vld [tilespmem:s31+$0x8060]  }
0x1ab: {  	v27 =	vsub.f32 v34, v27;
	v57 =	vsub.f32 v60, v61;
	v60 =	vld [tilespmem:s31+$0x8070]  }
0x1ac: {  	v24 =	vsub.f32 v24, v33;
	v16 =	vsub.f32 v23, v22;
	v13 =	vld [tilespmem:s31+$0x8000]  }
0x1ad: {  	v15 =	vsub.f32 v20, v21;
	v51 =	vsub.f32 v3, v51;
	v3 =	vld [tilespmem:$0x1FE50]  }
0x1ae: {  	v59 =	vsub.f32 v62, v63;
	v63 =	vsub.f32 v19, v30;
	v12 =	vld [tilespmem:s31+$0x8010]  }
0x1af: {  	v36 =	vld [tilespmem:s31+$0x8030];
	v19 =	vand.u32 $0x7FFFFFFF, v45;
	v33 =	vand.u32 $0x7FFFFFFF, v53;
	v10 =	vsub.f32 v49, v44  }
0x1b0: {  	v52 =	vld [tilespmem:s31+$0x8040];
	v31 =	vand.u32 $0x7FFFFFFF, v56;
	v22 =	vsub.f32 v58, v48;
	v21 =	vsub.f32 v42, v41  }
0x1b1: {  	v30 =	vand.u32 $0x7FFFFFFF, v59;
	v20 =	vsub.f32 v60, v29;
	v61 =	vsub.f32 v13, v18;
	v54 =	vld [tilespmem:s31+$0x14030]  }
0x1b2: {  	v13 =	vsub.f32 v25, v26;
	v18 =	vand.u32 $0x7FFFFFFF, v47;
	v8 =	vsub.f32 v3, v55;
	v55 =	vld [tilespmem:s31+$0x14040]  }
0x1b3: {  	v62 =	vsub.f32 v12, v14;
	v29 =	vand.u32 $0x7FFFFFFF, v28;
	v28 =	vand.u32 $0x7FFFFFFF, v32  }
0x1b4: {  	v32 =	vand.u32 $0x7FFFFFFF, v57;
	v26 =	vand.u32 $0x7FFFFFFF, v35;
	v35 =	vand.u32 $0x7FFFFFFF, v39  }
0x1b5: {  	v39 =	vand.u32 $0x7FFFFFFF, v61;
	v25 =	vand.u32 $0x7FFFFFFF, v37;
	v37 =	vand.u32 $0x7FFFFFFF, v63  }
0x1b6: {  	v12 =	vand.u32 $0x7FFFFFFF, v38;
	v38 =	vand.u32 $0x7FFFFFFF, v62;
	v34 =	vsub.f32 v36, v54  }
0x1b7: {  	s7 =	simm.s32 $0x200;
	s6 =	simm.s32 $0x80;
	v36 =	vand.u32 $0x7FFFFFFF, v40;
	v14 =	vand.u32 $0x7FFFFFFF, v51;
	v23 =	vsub.f32 v52, v55  }
.LBB2_5:
0x1b8: {  	s8 =	sand.u32 $0x3000, s7;
	s9 =	sand.u32 $0x380, s6  }
0x1b9: {  	v3 =	vld [tilespmem:$0x1FD80];
	s8 =	sor.u32 s9, s8  }
0x1ba: {  	v40 =	vand.u32 $0x7FFFFFFF, v27;
	v27 =	vld [tilespmem:s8+$0x8C00]  }
0x1bb: {  	v41 =	vand.u32 $0x7FFFFFFF, v24;
	v24 =	vld [tilespmem:s8+$0x14C00]  }
0x1bc: {  	v42 =	vand.u32 $0x7FFFFFFF, v17;
	v17 =	vld [tilespmem:s8+$0x8C10]  }
0x1bd: {  	v43 =	vand.u32 $0x7FFFFFFF, v16;
	v22 =	vand.u32 $0x7FFFFFFF, v22;
	v16 =	vld [tilespmem:s8+$0x14C10]  }
0x1be: {  	v6 =	vadd.f32 v22, v6;
	v22 =	vld [tilespmem:s8+$0x14C30]  }
0x1bf: {  	v44 =	vld [tilespmem:s8+$0x14410]  }
0x1c0: {  	v45 =	vld [tilespmem:s8+$0x8420]  }
0x1c1: {  	v46 =	vld [tilespmem:s8+$0x14420]  }
0x1c2: {  	v47 =	vld [tilespmem:s8+$0x8430]  }
0x1c3: {  	v48 =	vld [tilespmem:s8+$0x14430]  }
0x1c4: {  	v49 =	vld [tilespmem:s8+$0x8440]  }
0x1c5: {  	v50 =	vld [tilespmem:s8+$0x14440]  }
0x1c6: {  	v51 =	vld [tilespmem:s8+$0x8450]  }
0x1c7: {  	v52 =	vld [tilespmem:s8+$0x14450]  }
0x1c8: {  	v53 =	vld [tilespmem:s8+$0x8460]  }
0x1c9: {  	v54 =	vld [tilespmem:s8+$0x14460]  }
0x1ca: {  	v55 =	vld [tilespmem:s8+$0x8470]  }
0x1cb: {  	v56 =	vld [tilespmem:s8+$0x14470]  }
0x1cc: {  	v57 =	vld [tilespmem:s8+$0x8000]  }
0x1cd: {  	v58 =	vld [tilespmem:s8+$0x14000]  }
0x1ce: {  	v59 =	vld [tilespmem:s8+$0x8010]  }
0x1cf: {  	v60 =	vld [tilespmem:s8+$0x14010]  }
0x1d0: {  	v61 =	vld [tilespmem:s8+$0x8020]  }
0x1d1: {  	v63 =	vld [tilespmem:s8+$0x14020]  }
0x1d2: {  	v2 =	vadd.f32 v37, v2;
	v37 =	vld [tilespmem:s8+$0x8860]  }
0x1d3: {  	v1 =	vadd.f32 v38, v1;
	v38 =	vld [tilespmem:s8+$0x14860]  }
0x1d4: {  	v0 =	vadd.f32 v39, v0;
	v39 =	vld [tilespmem:s8+$0x8870]  }
0x1d5: {  	v34 =	vand.u32 $0x7FFFFFFF, v34;
	v6 =	vadd.f32 v43, v6;
	v43 =	vld [tilespmem:s8+$0x8410]  }
0x1d6: {  	v3 =	vadd.f32 v34, v3;
	v34 =	vld [tilespmem:s8+$0x14840]  }
0x1d7: {  	v6 =	vadd.f32 v19, v6;
	v19 =	vld [tilespmem:s8+$0x8810]  }
0x1d8: {  	v1 =	vadd.f32 v35, v1;
	v35 =	vld [tilespmem:s8+$0x8850]  }
0x1d9: {  	v0 =	vadd.f32 v36, v0;
	v36 =	vld [tilespmem:s8+$0x14850]  }
0x1da: {  	v2 =	vadd.f32 v40, v2;
	v40 =	vld [tilespmem:s8+$0x14870]  }
0x1db: {  	v3 =	vadd.f32 v41, v3;
	v41 =	vld [tilespmem:s8+$0x8400]  }
0x1dc: {  	v0 =	vadd.f32 v33, v0;
	v1 =	vadd.f32 v31, v1;
	v31 =	vand.u32 $0x7FFFFFFF, v23;
	v23 =	vld [tilespmem:s8+$0x8C20]  }
0x1dd: {  	v6 =	vadd.f32 v14, v6;
	v14 =	vld [tilespmem:s8+$0x8800]  }
0x1de: {  	v2 =	vadd.f32 v32, v2;
	v32 =	vld [tilespmem:s8+$0x14830];
	v0 =	vadd.f32 v29, v0  }
0x1df: {  	v33 =	vld [tilespmem:s8+$0x8840]  }
0x1e0: {  	v3 =	vadd.f32 v30, v3;
	v30 =	vld [tilespmem:s8+$0x14820];
	[tilespmem:$0x1FD50] =	vst v0;
	v0 =	vadd.f32 v28, v1  }
0x1e1: {  	v7 =	vadd.f32 v31, v7;
	v31 =	vld [tilespmem:s8+$0x8830]  }
0x1e2: {  	v29 =	vld [tilespmem:s8+$0x8820];
	[tilespmem:$0x1FD60] =	vst v0;
	v0 =	vadd.f32 v26, v2  }
0x1e3: {  	v7 =	vadd.f32 v42, v7;
	v42 =	vld [tilespmem:s8+$0x14400]  }
0x1e4: {  	v28 =	vld [tilespmem:s8+$0x14C20];
	[tilespmem:$0x1FD70] =	vst v0;
	v0 =	vadd.f32 v25, v3  }
0x1e5: {  	v7 =	vadd.f32 v18, v7;
	v18 =	vld [tilespmem:s8+$0x14800]  }
0x1e6: {  	[tilespmem:$0x1FD80] =	vst v0;
	v0 =	vld [tilespmem:$0x1FD90]  }
0x1e7: {  	v26 =	vld [tilespmem:s8+$0x14810]  }
0x1e8: {  	v7 =	vadd.f32 v12, v7;
	v12 =	vld [tilespmem:s8+$0x14C70]  }
0x1e9: {  	v25 =	vld [tilespmem:s8+$0x8C30]  }
0x1ea: {  	v21 =	vand.u32 $0x7FFFFFFF, v21;
	v1 =	vsub.f32 v23, v28;
	v23 =	vld [tilespmem:s8+$0x8030]  }
0x1eb: {  	v4 =	vadd.f32 v21, v0;
	v0 =	vld [tilespmem:$0x1FDA0]  }
0x1ec: {  	v62 =	vsub.f32 v27, v24;
	v28 =	vld [tilespmem:s8+$0x8060]  }
0x1ed: {  	v14 =	vsub.f32 v14, v18;
	v18 =	vsub.f32 v19, v26;
	v26 =	vld [tilespmem:s8+$0x14050]  }
0x1ee: {  	v20 =	vand.u32 $0x7FFFFFFF, v20;
	v27 =	vsub.f32 v45, v46;
	v19 =	vsub.f32 v29, v30;
	v29 =	vld [tilespmem:s8+$0x14060]  }
0x1ef: {  	v15 =	vand.u32 $0x7FFFFFFF, v15;
	v24 =	vsub.f32 v47, v48;
	v25 =	vsub.f32 v25, v22;
	v22 =	vld [tilespmem:s8+$0x8050]  }
0x1f0: {  	v13 =	vand.u32 $0x7FFFFFFF, v13;
	v21 =	vld [tilespmem:s8+$0x14C40];
	v4 =	vadd.f32 v15, v4;
	v5 =	vadd.f32 v20, v0  }
0x1f1: {  	v11 =	vand.u32 $0x7FFFFFFF, v11;
	v58 =	vsub.f32 v57, v58;
	v60 =	vsub.f32 v59, v60;
	v15 =	vld [tilespmem:s8+$0x14C50]  }
0x1f2: {  	v10 =	vand.u32 $0x7FFFFFFF, v10;
	v4 =	vadd.f32 v11, v4;
	v20 =	vld [tilespmem:s8+$0x8C40];
	v5 =	vadd.f32 v13, v5  }
0x1f3: {  	v9 =	vand.u32 $0x7FFFFFFF, v9;
	v63 =	vsub.f32 v61, v63;
	v30 =	vsub.f32 v31, v32;
	v13 =	vld [tilespmem:s8+$0x8C50]  }
0x1f4: {  	v31 =	vld [tilespmem:s8+$0x8070];
	v0 =	vadd.f32 v9, v4;
	v5 =	vadd.f32 v10, v5  }
0x1f5: {  	v8 =	vand.u32 $0x7FFFFFFF, v8;
	v44 =	vsub.f32 v43, v44;
	v22 =	vsub.f32 v22, v26;
	v11 =	vld [tilespmem:s8+$0x14C60]  }
0x1f6: {  	v32 =	vand.u32 $0x7FFFFFFF, v19;
	v4 =	vsub.f32 v33, v34;
	[tilespmem:$0x1FD90] =	vst v0;
	v0 =	vadd.f32 v8, v5;
	v8 =	vld [tilespmem:s8+$0x8C70]  }
0x1f7: {  	v30 =	vand.u32 $0x7FFFFFFF, v30;
	v10 =	vld [tilespmem:s8+$0x8C60];
	v2 =	vsub.f32 v20, v21;
	v5 =	vsub.f32 v35, v36  }
0x1f8: {  	v25 =	vand.u32 $0x7FFFFFFF, v25;
	v20 =	vld [tilespmem:s8+$0x14030];
	v35 =	vsub.f32 v41, v42;
	v3 =	vsub.f32 v13, v15  }
0x1f9: {  	v26 =	vand.u32 $0x7FFFFFFF, v1;
	v21 =	vld [tilespmem:s8+$0x8040];
	v15 =	vsub.f32 v53, v54;
	v13 =	vsub.f32 v55, v56  }
0x1fa: {  	v33 =	vand.u32 $0x7FFFFFFF, v14;
	[tilespmem:$0x1FDA0] =	vst v0;
	v0 =	vsub.f32 v17, v16;
	v17 =	vsub.f32 v49, v50;
	v50 =	vld [tilespmem:s8+$0x14070]  }
0x1fb: {  	v16 =	vsub.f32 v51, v52;
	v36 =	vand.u32 $0x7FFFFFFF, v35;
	v8 =	vsub.f32 v8, v12;
	v12 =	vld [tilespmem:s8+$0x14040]  }
0x1fc: {  	p0 =	sne.s32 s7, $0x3E00;
	v35 =	vand.u32 $0x7FFFFFFF, v44;
	v19 =	vand.u32 $0x7FFFFFFF, v5;
	v9 =	vsub.f32 v10, v11  }
.Ltmp2:
0x1fd: {  	v11 =	vsub.f32 v37, v38;
	v10 =	vsub.f32 v39, v40;
	v14 =	vand.u32 $0x7FFFFFFF, v3;
	(pc) =	sbr.rel @p0 .LBB2_5-.Ltmp2, $4  }
0x1fe: {  	v39 =	vand.u32 $0x7FFFFFFF, v58;
	v38 =	vand.u32 $0x7FFFFFFF, v60;
	v37 =	vand.u32 $0x7FFFFFFF, v63  }
0x1ff: {  	v1 =	vld [tilespmem:$0x1FD60];
	v34 =	vsub.f32 v23, v20;
	v20 =	vsub.f32 v31, v50;
	v31 =	vand.u32 $0x7FFFFFFF, v18  }
0x200: {  	v23 =	vsub.f32 v21, v12;
	v21 =	vsub.f32 v28, v29;
	v28 =	vand.u32 $0x7FFFFFFF, v0;
	v0 =	vld [tilespmem:$0x1FD50]  }
0x201: {  	s6 =	sadd.s32 $0x80, s6;
	s7 =	sadd.s32 $0x200, s7;
	v18 =	vand.u32 $0x7FFFFFFF, v4;
	v29 =	vand.u32 $0x7FFFFFFF, v62;
	v12 =	vand.u32 $0x7FFFFFFF, v2;
	v2 =	vld [tilespmem:$0x1FD70]  }
0x202: {  	s6 =	sor.u32 $0x2800, s5  }
0x203: {  	s8 =	simm.s32 $0x0;
	s9 =	simm.s32 $0x8000;
	s7 =	sadd.s32 s4, s6  }
0x204: {  	[tilespmem:s9], [sflag:$0x3] =	stream.linear.gather [hbm4b:s7+s8], $0x4000, $0x38;
	[tilespmem:$0x18080] =	vst v63  }
0x205: {  	s26 =	simm.s32 $0x14000;
	s28 =	simm.s32 $0x1;
	s6 =	sadd.s32 s3, s6  }
0x206: {  	[tilespmem:s26], [sflag:$0x6] =	stream.linear.gather [hbm4b:s6+s8], $0x4000, $0x38;
	[tilespmem:$0x18080] =	vst v63  }
0x207: {  	_ =	swait.ge [sflag:s28], $0x4000  }
0x208: {  	[sflag:s28] =	ssyncset.done $0x0  }
0x209: {  	s29 =	simm.s32 $0x4;
	[sflag:s28] =	ssyncadd.s32 $0xFFFFC000  }
0x20a: {  	_ =	swait.ge [sflag:s29], $0x4000  }
0x20b: {  	s30 =	sand.u32 $0x3000, s8;
	s8 =	sand.u32 $0x380, s8;
	[sflag:s29] =	ssyncset.done $0x0  }
0x20c: {  	s31 =	sor.u32 s8, s30;
	[sflag:s29] =	ssyncadd.s32 $0xFFFFC000  }
0x20d: {  	v3 =	vld [tilespmem:s31+$0xC00];
	_ =	sdelay $0x4  }
0x20e: {  	[tilespmem:$0x1FCA0] =	vst v3;
	v3 =	vld [tilespmem:s31+$0xCC00];
	_ =	sdelay $0x4  }
0x20f: {  	[tilespmem:$0x1FCB0] =	vst v3;
	v3 =	vld [tilespmem:s31+$0xC10];
	_ =	sdelay $0x4  }
0x210: {  	[tilespmem:$0x1FCC0] =	vst v3;
	v3 =	vld [tilespmem:s31+$0xCC10];
	_ =	sdelay $0x4  }
0x211: {  	[tilespmem:$0x1FCD0] =	vst v3;
	v3 =	vld [tilespmem:s31+$0xC20];
	_ =	sdelay $0x4  }
0x212: {  	[tilespmem:$0x1FCE0] =	vst v3;
	v3 =	vld [tilespmem:s31+$0xCC20];
	_ =	sdelay $0x4  }
0x213: {  	[tilespmem:$0x1FCF0] =	vst v3;
	v3 =	vld [tilespmem:s31+$0xC30];
	_ =	sdelay $0x4  }
0x214: {  	[tilespmem:$0x1FD00] =	vst v3;
	v3 =	vld [tilespmem:s31+$0xCC30];
	_ =	sdelay $0x4  }
0x215: {  	[tilespmem:$0x1FD10] =	vst v3;
	v3 =	vld [tilespmem:s31+$0xC40];
	_ =	sdelay $0x4  }
0x216: {  	[tilespmem:$0x1FD20] =	vst v3;
	v3 =	vld [tilespmem:s31+$0xC50];
	_ =	sdelay $0x4  }
0x217: {  	[tilespmem:$0x1FD30] =	vst v3;
	v3 =	vld [tilespmem:s31+$0xC70]  }
0x218: {  	v4 =	vld [tilespmem:$0x1FD80];
	_ =	sdelay $0x3  }
0x219: {  	v2 =	vadd.f32 v37, v2;
	v54 =	vld [tilespmem:s31+$0xCC40];
	[tilespmem:$0x1FD40] =	vst v3;
	v3 =	vand.u32 $0x7FFFFFFF, v34  }
0x21a: {  	v51 =	vld [tilespmem:s31+$0xCC50];
	v3 =	vadd.f32 v3, v4;
	v4 =	vand.u32 $0x7FFFFFFF, v27  }
0x21b: {  	v52 =	vld [tilespmem:s31+$0xC60];
	v2 =	vadd.f32 v4, v2;
	v4 =	vand.u32 $0x7FFFFFFF, v24  }
0x21c: {  	v53 =	vld [tilespmem:s31+$0xCC60];
	v3 =	vadd.f32 v4, v3  }
0x21d: {  	v55 =	vld [tilespmem:s31+$0xCC70]  }
0x21e: {  	v56 =	vld [tilespmem:s31+$0x800];
	v3 =	vadd.f32 v30, v3  }
0x21f: {  	v57 =	vld [tilespmem:s31+$0xC800]  }
0x220: {  	v58 =	vld [tilespmem:s31+$0x810];
	v3 =	vadd.f32 v25, v3  }
0x221: {  	v59 =	vld [tilespmem:s31+$0xC810]  }
0x222: {  	[tilespmem:$0x1FC70] =	vst v3;
	v3 =	vld [tilespmem:$0x1FD90]  }
0x223: {  	v60 =	vld [tilespmem:s31+$0x820]  }
0x224: {  	v61 =	vld [tilespmem:s31+$0xC820]  }
0x225: {  	v5 =	vand.u32 $0x7FFFFFFF, v22;
	v62 =	vld [tilespmem:s31+$0x830]  }
0x226: {  	v5 =	vadd.f32 v5, v6;
	v6 =	vand.u32 $0x7FFFFFFF, v21;
	v63 =	vld [tilespmem:s31+$0xC830]  }
0x227: {  	v6 =	vadd.f32 v6, v3;
	v3 =	vld [tilespmem:$0x1FDA0]  }
0x228: {  	v48 =	vld [tilespmem:s31+$0x840]  }
0x229: {  	v47 =	vld [tilespmem:s31+$0xC840]  }
0x22a: {  	v17 =	vand.u32 $0x7FFFFFFF, v17;
	v50 =	vld [tilespmem:s31+$0x850];
	v4 =	vand.u32 $0x7FFFFFFF, v23  }
0x22b: {  	v15 =	vand.u32 $0x7FFFFFFF, v15;
	v45 =	vld [tilespmem:s31+$0xC850];
	v4 =	vadd.f32 v4, v7;
	v7 =	vand.u32 $0x7FFFFFFF, v20  }
0x22c: {  	v16 =	vand.u32 $0x7FFFFFFF, v16;
	v46 =	vld [tilespmem:s31+$0x860];
	v6 =	vadd.f32 v15, v6;
	v7 =	vadd.f32 v7, v3  }
0x22d: {  	v13 =	vand.u32 $0x7FFFFFFF, v13;
	v11 =	vand.u32 $0x7FFFFFFF, v11;
	v5 =	vadd.f32 v16, v5;
	v42 =	vld [tilespmem:s31+$0xC860]  }
0x22e: {  	v10 =	vand.u32 $0x7FFFFFFF, v10;
	v49 =	vld [tilespmem:s31+$0x870];
	v11 =	vadd.f32 v11, v6;
	v7 =	vadd.f32 v13, v7  }
0x22f: {  	v9 =	vand.u32 $0x7FFFFFFF, v9;
	v5 =	vadd.f32 v19, v5;
	v44 =	vld [tilespmem:s31+$0xC870];
	v4 =	vadd.f32 v17, v4  }
0x230: {  	v41 =	vld [tilespmem:s31+$0x400];
	v3 =	vadd.f32 v9, v11;
	v10 =	vadd.f32 v10, v7  }
0x231: {  	v40 =	vld [tilespmem:s31+$0xC400];
	v4 =	vadd.f32 v18, v4;
	v6 =	vadd.f32 v14, v5;
	v5 =	vand.u32 $0x7FFFFFFF, v8  }
0x232: {  	v0 =	vadd.f32 v39, v0;
	v43 =	vld [tilespmem:s31+$0x410];
	[tilespmem:$0x1FC80] =	vst v3;
	v3 =	vadd.f32 v5, v10  }
0x233: {  	v1 =	vadd.f32 v38, v1;
	v7 =	vadd.f32 v12, v4;
	v4 =	vld [tilespmem:$0x1FCB0]  }
0x234: {  	v0 =	vadd.f32 v36, v0;
	[tilespmem:$0x1FC90] =	vst v3;
	v3 =	vld [tilespmem:$0x1FCA0]  }
0x235: {  	v1 =	vadd.f32 v35, v1;
	v39 =	vld [tilespmem:s31+$0xC410]  }
0x236: {  	v0 =	vadd.f32 v33, v0;
	v33 =	vld [tilespmem:s31+$0xC430]  }
0x237: {  	v1 =	vadd.f32 v31, v1;
	v31 =	vld [tilespmem:s31+$0x440]  }
0x238: {  	v0 =	vadd.f32 v29, v0;
	v29 =	vld [tilespmem:s31+$0xC440]  }
0x239: {  	v1 =	vadd.f32 v28, v1;
	v28 =	vsub.f32 v3, v4;
	v3 =	vld [tilespmem:$0x1FCC0]  }
0x23a: {  	v4 =	vld [tilespmem:$0x1FCD0]  }
0x23b: {  	v22 =	vld [tilespmem:s31+$0xC450]  }
0x23c: {  	v21 =	vld [tilespmem:s31+$0xC460]  }
0x23d: {  	v19 =	vld [tilespmem:s31+$0x20]  }
0x23e: {  	v47 =	vsub.f32 v48, v47;
	v48 =	vld [tilespmem:s31+$0xC050]  }
0x23f: {  	v2 =	vadd.f32 v32, v2;
	v32 =	vsub.f32 v3, v4;
	v3 =	vld [tilespmem:$0x1FCE0]  }
0x240: {  	v4 =	vld [tilespmem:$0x1FCF0]  }
0x241: {  	v40 =	vsub.f32 v41, v40;
	v41 =	vld [tilespmem:s31+$0xC060]  }
0x242: {  	v34 =	vld [tilespmem:s31+$0x420]  }
0x243: {  	v27 =	vld [tilespmem:s31+$0xC420]  }
0x244: {  	v24 =	vld [tilespmem:s31+$0x430]  }
0x245: {  	v35 =	vsub.f32 v3, v4;
	v3 =	vld [tilespmem:$0x1FD00]  }
0x246: {  	v4 =	vld [tilespmem:$0x1FD10]  }
0x247: {  	v23 =	vld [tilespmem:s31+$0x450]  }
0x248: {  	v20 =	vld [tilespmem:s31+$0x460]  }
0x249: {  	v30 =	vld [tilespmem:s31+$0xC020]  }
0x24a: {  	v2 =	vadd.f32 v26, v2;
	v26 =	vld [tilespmem:s31+$0xC470]  }
0x24b: {  	v37 =	vsub.f32 v3, v4;
	v3 =	vld [tilespmem:$0x1FD20]  }
0x24c: {  	v17 =	vsub.f32 v31, v29;
	v29 =	vld [tilespmem:s31+$0xC070]  }
0x24d: {  	v25 =	vld [tilespmem:s31+$0x470]  }
0x24e: {  	v18 =	vld [tilespmem:s31+$0xC000]  }
0x24f: {  	v45 =	vsub.f32 v50, v45;
	v14 =	vld [tilespmem:s31+$0xC010]  }
0x250: {  	v9 =	vsub.f32 v52, v53;
	v38 =	vsub.f32 v3, v54;
	v3 =	vld [tilespmem:$0x1FD30]  }
0x251: {  	v53 =	vsub.f32 v56, v57;
	v56 =	vsub.f32 v58, v59;
	v58 =	vld [tilespmem:s31+$0x50]  }
0x252: {  	v39 =	vsub.f32 v43, v39;
	v11 =	vsub.f32 v46, v42;
	v42 =	vld [tilespmem:s31+$0x60]  }
0x253: {  	v27 =	vsub.f32 v34, v27;
	v57 =	vsub.f32 v60, v61;
	v60 =	vld [tilespmem:s31+$0x70]  }
0x254: {  	v24 =	vsub.f32 v24, v33;
	v16 =	vsub.f32 v23, v22;
	v13 =	vld [tilespmem:s31+$0x0]  }
0x255: {  	v15 =	vsub.f32 v20, v21;
	v51 =	vsub.f32 v3, v51;
	v3 =	vld [tilespmem:$0x1FD40]  }
0x256: {  	v59 =	vsub.f32 v62, v63;
	v63 =	vsub.f32 v19, v30;
	v12 =	vld [tilespmem:s31+$0x10]  }
0x257: {  	v36 =	vld [tilespmem:s31+$0x30];
	v19 =	vand.u32 $0x7FFFFFFF, v45;
	v33 =	vand.u32 $0x7FFFFFFF, v53;
	v10 =	vsub.f32 v49, v44  }
0x258: {  	v52 =	vld [tilespmem:s31+$0x40];
	v31 =	vand.u32 $0x7FFFFFFF, v56;
	v22 =	vsub.f32 v58, v48;
	v21 =	vsub.f32 v42, v41  }
0x259: {  	v30 =	vand.u32 $0x7FFFFFFF, v59;
	v20 =	vsub.f32 v60, v29;
	v61 =	vsub.f32 v13, v18;
	v54 =	vld [tilespmem:s31+$0xC030]  }
0x25a: {  	v13 =	vsub.f32 v25, v26;
	v18 =	vand.u32 $0x7FFFFFFF, v47;
	v8 =	vsub.f32 v3, v55;
	v55 =	vld [tilespmem:s31+$0xC040]  }
0x25b: {  	v62 =	vsub.f32 v12, v14;
	v29 =	vand.u32 $0x7FFFFFFF, v28;
	v28 =	vand.u32 $0x7FFFFFFF, v32  }
0x25c: {  	v32 =	vand.u32 $0x7FFFFFFF, v57;
	v26 =	vand.u32 $0x7FFFFFFF, v35;
	v35 =	vand.u32 $0x7FFFFFFF, v39  }
0x25d: {  	v39 =	vand.u32 $0x7FFFFFFF, v61;
	v25 =	vand.u32 $0x7FFFFFFF, v37;
	v37 =	vand.u32 $0x7FFFFFFF, v63  }
0x25e: {  	v12 =	vand.u32 $0x7FFFFFFF, v38;
	v38 =	vand.u32 $0x7FFFFFFF, v62;
	v34 =	vsub.f32 v36, v54  }
0x25f: {  	s7 =	simm.s32 $0x200;
	s6 =	simm.s32 $0x80;
	v36 =	vand.u32 $0x7FFFFFFF, v40;
	v14 =	vand.u32 $0x7FFFFFFF, v51;
	v23 =	vsub.f32 v52, v55  }
.LBB2_7:
0x260: {  	s8 =	sand.u32 $0x3000, s7;
	s9 =	sand.u32 $0x380, s6  }
0x261: {  	v3 =	vld [tilespmem:$0x1FC70];
	s8 =	sor.u32 s9, s8  }
0x262: {  	v40 =	vand.u32 $0x7FFFFFFF, v27;
	v27 =	vld [tilespmem:s8+$0xC00]  }
0x263: {  	v41 =	vand.u32 $0x7FFFFFFF, v24;
	v24 =	vld [tilespmem:s8+$0xCC00]  }
0x264: {  	v42 =	vand.u32 $0x7FFFFFFF, v17;
	v17 =	vld [tilespmem:s8+$0xC10]  }
0x265: {  	v43 =	vand.u32 $0x7FFFFFFF, v16;
	v22 =	vand.u32 $0x7FFFFFFF, v22;
	v16 =	vld [tilespmem:s8+$0xCC10]  }
0x266: {  	v6 =	vadd.f32 v22, v6;
	v22 =	vld [tilespmem:s8+$0xCC30]  }
0x267: {  	v44 =	vld [tilespmem:s8+$0xC410]  }
0x268: {  	v45 =	vld [tilespmem:s8+$0x420]  }
0x269: {  	v46 =	vld [tilespmem:s8+$0xC420]  }
0x26a: {  	v47 =	vld [tilespmem:s8+$0x430]  }
0x26b: {  	v48 =	vld [tilespmem:s8+$0xC430]  }
0x26c: {  	v49 =	vld [tilespmem:s8+$0x440]  }
0x26d: {  	v50 =	vld [tilespmem:s8+$0xC440]  }
0x26e: {  	v51 =	vld [tilespmem:s8+$0x450]  }
0x26f: {  	v52 =	vld [tilespmem:s8+$0xC450]  }
0x270: {  	v53 =	vld [tilespmem:s8+$0x460]  }
0x271: {  	v54 =	vld [tilespmem:s8+$0xC460]  }
0x272: {  	v55 =	vld [tilespmem:s8+$0x470]  }
0x273: {  	v56 =	vld [tilespmem:s8+$0xC470]  }
0x274: {  	v57 =	vld [tilespmem:s8+$0x0]  }
0x275: {  	v58 =	vld [tilespmem:s8+$0xC000]  }
0x276: {  	v59 =	vld [tilespmem:s8+$0x10]  }
0x277: {  	v60 =	vld [tilespmem:s8+$0xC010]  }
0x278: {  	v61 =	vld [tilespmem:s8+$0x20]  }
0x279: {  	v63 =	vld [tilespmem:s8+$0xC020]  }
0x27a: {  	v2 =	vadd.f32 v37, v2;
	v37 =	vld [tilespmem:s8+$0x860]  }
0x27b: {  	v1 =	vadd.f32 v38, v1;
	v38 =	vld [tilespmem:s8+$0xC860]  }
0x27c: {  	v0 =	vadd.f32 v39, v0;
	v39 =	vld [tilespmem:s8+$0x870]  }
0x27d: {  	v34 =	vand.u32 $0x7FFFFFFF, v34;
	v6 =	vadd.f32 v43, v6;
	v43 =	vld [tilespmem:s8+$0x410]  }
0x27e: {  	v3 =	vadd.f32 v34, v3;
	v34 =	vld [tilespmem:s8+$0xC840]  }
0x27f: {  	v6 =	vadd.f32 v19, v6;
	v19 =	vld [tilespmem:s8+$0x810]  }
0x280: {  	v1 =	vadd.f32 v35, v1;
	v35 =	vld [tilespmem:s8+$0x850]  }
0x281: {  	v0 =	vadd.f32 v36, v0;
	v36 =	vld [tilespmem:s8+$0xC850]  }
0x282: {  	v2 =	vadd.f32 v40, v2;
	v40 =	vld [tilespmem:s8+$0xC870]  }
0x283: {  	v3 =	vadd.f32 v41, v3;
	v41 =	vld [tilespmem:s8+$0x400]  }
0x284: {  	v0 =	vadd.f32 v33, v0;
	v1 =	vadd.f32 v31, v1;
	v31 =	vand.u32 $0x7FFFFFFF, v23;
	v23 =	vld [tilespmem:s8+$0xC20]  }
0x285: {  	v6 =	vadd.f32 v14, v6;
	v14 =	vld [tilespmem:s8+$0x800]  }
0x286: {  	v2 =	vadd.f32 v32, v2;
	v32 =	vld [tilespmem:s8+$0xC830];
	v0 =	vadd.f32 v29, v0  }
0x287: {  	v33 =	vld [tilespmem:s8+$0x840]  }
0x288: {  	v3 =	vadd.f32 v30, v3;
	v30 =	vld [tilespmem:s8+$0xC820];
	[tilespmem:$0x1FC40] =	vst v0;
	v0 =	vadd.f32 v28, v1  }
0x289: {  	v7 =	vadd.f32 v31, v7;
	v31 =	vld [tilespmem:s8+$0x830]  }
0x28a: {  	v29 =	vld [tilespmem:s8+$0x820];
	[tilespmem:$0x1FC50] =	vst v0;
	v0 =	vadd.f32 v26, v2  }
0x28b: {  	v7 =	vadd.f32 v42, v7;
	v42 =	vld [tilespmem:s8+$0xC400]  }
0x28c: {  	v28 =	vld [tilespmem:s8+$0xCC20];
	[tilespmem:$0x1FC60] =	vst v0;
	v0 =	vadd.f32 v25, v3  }
0x28d: {  	v7 =	vadd.f32 v18, v7;
	v18 =	vld [tilespmem:s8+$0xC800]  }
0x28e: {  	[tilespmem:$0x1FC70] =	vst v0;
	v0 =	vld [tilespmem:$0x1FC80]  }
0x28f: {  	v26 =	vld [tilespmem:s8+$0xC810]  }
0x290: {  	v7 =	vadd.f32 v12, v7;
	v12 =	vld [tilespmem:s8+$0xCC70]  }
0x291: {  	v25 =	vld [tilespmem:s8+$0xC30]  }
0x292: {  	v21 =	vand.u32 $0x7FFFFFFF, v21;
	v1 =	vsub.f32 v23, v28;
	v23 =	vld [tilespmem:s8+$0x30]  }
0x293: {  	v4 =	vadd.f32 v21, v0;
	v0 =	vld [tilespmem:$0x1FC90]  }
0x294: {  	v62 =	vsub.f32 v27, v24;
	v28 =	vld [tilespmem:s8+$0x60]  }
0x295: {  	v14 =	vsub.f32 v14, v18;
	v18 =	vsub.f32 v19, v26;
	v26 =	vld [tilespmem:s8+$0xC050]  }
0x296: {  	v20 =	vand.u32 $0x7FFFFFFF, v20;
	v27 =	vsub.f32 v45, v46;
	v19 =	vsub.f32 v29, v30;
	v29 =	vld [tilespmem:s8+$0xC060]  }
0x297: {  	v15 =	vand.u32 $0x7FFFFFFF, v15;
	v24 =	vsub.f32 v47, v48;
	v25 =	vsub.f32 v25, v22;
	v22 =	vld [tilespmem:s8+$0x50]  }
0x298: {  	v13 =	vand.u32 $0x7FFFFFFF, v13;
	v21 =	vld [tilespmem:s8+$0xCC40];
	v4 =	vadd.f32 v15, v4;
	v5 =	vadd.f32 v20, v0  }
0x299: {  	v11 =	vand.u32 $0x7FFFFFFF, v11;
	v58 =	vsub.f32 v57, v58;
	v60 =	vsub.f32 v59, v60;
	v15 =	vld [tilespmem:s8+$0xCC50]  }
0x29a: {  	v10 =	vand.u32 $0x7FFFFFFF, v10;
	v4 =	vadd.f32 v11, v4;
	v20 =	vld [tilespmem:s8+$0xC40];
	v5 =	vadd.f32 v13, v5  }
0x29b: {  	v9 =	vand.u32 $0x7FFFFFFF, v9;
	v63 =	vsub.f32 v61, v63;
	v30 =	vsub.f32 v31, v32;
	v13 =	vld [tilespmem:s8+$0xC50]  }
0x29c: {  	v31 =	vld [tilespmem:s8+$0x70];
	v0 =	vadd.f32 v9, v4;
	v5 =	vadd.f32 v10, v5  }
0x29d: {  	v8 =	vand.u32 $0x7FFFFFFF, v8;
	v44 =	vsub.f32 v43, v44;
	v22 =	vsub.f32 v22, v26;
	v11 =	vld [tilespmem:s8+$0xCC60]  }
0x29e: {  	v32 =	vand.u32 $0x7FFFFFFF, v19;
	v4 =	vsub.f32 v33, v34;
	[tilespmem:$0x1FC80] =	vst v0;
	v0 =	vadd.f32 v8, v5;
	v8 =	vld [tilespmem:s8+$0xC70]  }
0x29f: {  	v30 =	vand.u32 $0x7FFFFFFF, v30;
	v10 =	vld [tilespmem:s8+$0xC60];
	v2 =	vsub.f32 v20, v21;
	v5 =	vsub.f32 v35, v36  }
0x2a0: {  	v25 =	vand.u32 $0x7FFFFFFF, v25;
	v20 =	vld [tilespmem:s8+$0xC030];
	v35 =	vsub.f32 v41, v42;
	v3 =	vsub.f32 v13, v15  }
0x2a1: {  	v26 =	vand.u32 $0x7FFFFFFF, v1;
	v21 =	vld [tilespmem:s8+$0x40];
	v15 =	vsub.f32 v53, v54;
	v13 =	vsub.f32 v55, v56  }
0x2a2: {  	v33 =	vand.u32 $0x7FFFFFFF, v14;
	[tilespmem:$0x1FC90] =	vst v0;
	v0 =	vsub.f32 v17, v16;
	v17 =	vsub.f32 v49, v50;
	v50 =	vld [tilespmem:s8+$0xC070]  }
0x2a3: {  	v16 =	vsub.f32 v51, v52;
	v36 =	vand.u32 $0x7FFFFFFF, v35;
	v8 =	vsub.f32 v8, v12;
	v12 =	vld [tilespmem:s8+$0xC040]  }
0x2a4: {  	p0 =	sne.s32 s7, $0x3E00;
	v35 =	vand.u32 $0x7FFFFFFF, v44;
	v19 =	vand.u32 $0x7FFFFFFF, v5;
	v9 =	vsub.f32 v10, v11  }
.Ltmp3:
0x2a5: {  	v11 =	vsub.f32 v37, v38;
	v10 =	vsub.f32 v39, v40;
	v14 =	vand.u32 $0x7FFFFFFF, v3;
	(pc) =	sbr.rel @p0 .LBB2_7-.Ltmp3, $4  }
0x2a6: {  	v39 =	vand.u32 $0x7FFFFFFF, v58;
	v38 =	vand.u32 $0x7FFFFFFF, v60;
	v37 =	vand.u32 $0x7FFFFFFF, v63  }
0x2a7: {  	v1 =	vld [tilespmem:$0x1FC50];
	v34 =	vsub.f32 v23, v20;
	v20 =	vsub.f32 v31, v50;
	v31 =	vand.u32 $0x7FFFFFFF, v18  }
0x2a8: {  	v23 =	vsub.f32 v21, v12;
	v21 =	vsub.f32 v28, v29;
	v28 =	vand.u32 $0x7FFFFFFF, v0;
	v0 =	vld [tilespmem:$0x1FC40]  }
0x2a9: {  	s6 =	sadd.s32 $0x80, s6;
	s7 =	sadd.s32 $0x200, s7;
	v18 =	vand.u32 $0x7FFFFFFF, v4;
	v29 =	vand.u32 $0x7FFFFFFF, v62;
	v12 =	vand.u32 $0x7FFFFFFF, v2;
	v2 =	vld [tilespmem:$0x1FC60]  }
0x2aa: {  	s6 =	sor.u32 $0x3000, s5  }
0x2ab: {  	s8 =	simm.s32 $0x0;
	s7 =	sadd.s32 s4, s6  }
0x2ac: {  	[tilespmem:s8], [sflag:$0x1] =	stream.linear.gather [hbm4b:s7+s8], $0x4000, $0x38;
	[tilespmem:$0x18080] =	vst v63  }
0x2ad: {  	s26 =	simm.s32 $0xC000;
	s28 =	simm.s32 $0x2;
	s6 =	sadd.s32 s3, s6  }
0x2ae: {  	[tilespmem:s26], [sflag:$0x4] =	stream.linear.gather [hbm4b:s6+s8], $0x4000, $0x38;
	[tilespmem:$0x18080] =	vst v63  }
0x2af: {  	_ =	swait.ge [sflag:s28], $0x4000  }
0x2b0: {  	[sflag:s28] =	ssyncset.done $0x0  }
0x2b1: {  	s29 =	simm.s32 $0x5;
	[sflag:s28] =	ssyncadd.s32 $0xFFFFC000  }
0x2b2: {  	_ =	swait.ge [sflag:s29], $0x4000  }
0x2b3: {  	s30 =	sand.u32 $0x3000, s8;
	s8 =	sand.u32 $0x380, s8;
	[sflag:s29] =	ssyncset.done $0x0  }
0x2b4: {  	s31 =	sor.u32 s8, s30;
	[sflag:s29] =	ssyncadd.s32 $0xFFFFC000  }
0x2b5: {  	v3 =	vld [tilespmem:s31+$0x4C00];
	_ =	sdelay $0x4  }
0x2b6: {  	[tilespmem:$0x1FB90] =	vst v3;
	v3 =	vld [tilespmem:s31+$0x10C00];
	_ =	sdelay $0x4  }
0x2b7: {  	[tilespmem:$0x1FBA0] =	vst v3;
	v3 =	vld [tilespmem:s31+$0x4C10];
	_ =	sdelay $0x4  }
0x2b8: {  	[tilespmem:$0x1FBB0] =	vst v3;
	v3 =	vld [tilespmem:s31+$0x10C10];
	_ =	sdelay $0x4  }
0x2b9: {  	[tilespmem:$0x1FBC0] =	vst v3;
	v3 =	vld [tilespmem:s31+$0x4C20];
	_ =	sdelay $0x4  }
0x2ba: {  	[tilespmem:$0x1FBD0] =	vst v3;
	v3 =	vld [tilespmem:s31+$0x10C20];
	_ =	sdelay $0x4  }
0x2bb: {  	[tilespmem:$0x1FBE0] =	vst v3;
	v3 =	vld [tilespmem:s31+$0x4C30];
	_ =	sdelay $0x4  }
0x2bc: {  	[tilespmem:$0x1FBF0] =	vst v3;
	v3 =	vld [tilespmem:s31+$0x10C30];
	_ =	sdelay $0x4  }
0x2bd: {  	[tilespmem:$0x1FC00] =	vst v3;
	v3 =	vld [tilespmem:s31+$0x4C40];
	_ =	sdelay $0x4  }
0x2be: {  	[tilespmem:$0x1FC10] =	vst v3;
	v3 =	vld [tilespmem:s31+$0x4C50];
	_ =	sdelay $0x4  }
0x2bf: {  	[tilespmem:$0x1FC20] =	vst v3;
	v3 =	vld [tilespmem:s31+$0x4C70]  }
0x2c0: {  	v4 =	vld [tilespmem:$0x1FC70];
	_ =	sdelay $0x3  }
0x2c1: {  	v2 =	vadd.f32 v37, v2;
	v54 =	vld [tilespmem:s31+$0x10C40];
	[tilespmem:$0x1FC30] =	vst v3;
	v3 =	vand.u32 $0x7FFFFFFF, v34  }
0x2c2: {  	v51 =	vld [tilespmem:s31+$0x10C50];
	v3 =	vadd.f32 v3, v4;
	v4 =	vand.u32 $0x7FFFFFFF, v27  }
0x2c3: {  	v52 =	vld [tilespmem:s31+$0x4C60];
	v2 =	vadd.f32 v4, v2;
	v4 =	vand.u32 $0x7FFFFFFF, v24  }
0x2c4: {  	v53 =	vld [tilespmem:s31+$0x10C60];
	v3 =	vadd.f32 v4, v3  }
0x2c5: {  	v55 =	vld [tilespmem:s31+$0x10C70]  }
0x2c6: {  	v56 =	vld [tilespmem:s31+$0x4800];
	v3 =	vadd.f32 v30, v3  }
0x2c7: {  	v57 =	vld [tilespmem:s31+$0x10800]  }
0x2c8: {  	v58 =	vld [tilespmem:s31+$0x4810];
	v3 =	vadd.f32 v25, v3  }
0x2c9: {  	v59 =	vld [tilespmem:s31+$0x10810]  }
0x2ca: {  	[tilespmem:$0x1FB60] =	vst v3;
	v3 =	vld [tilespmem:$0x1FC80]  }
0x2cb: {  	v60 =	vld [tilespmem:s31+$0x4820]  }
0x2cc: {  	v61 =	vld [tilespmem:s31+$0x10820]  }
0x2cd: {  	v5 =	vand.u32 $0x7FFFFFFF, v22;
	v62 =	vld [tilespmem:s31+$0x4830]  }
0x2ce: {  	v5 =	vadd.f32 v5, v6;
	v6 =	vand.u32 $0x7FFFFFFF, v21;
	v63 =	vld [tilespmem:s31+$0x10830]  }
0x2cf: {  	v6 =	vadd.f32 v6, v3;
	v3 =	vld [tilespmem:$0x1FC90]  }
0x2d0: {  	v48 =	vld [tilespmem:s31+$0x4840]  }
0x2d1: {  	v47 =	vld [tilespmem:s31+$0x10840]  }
0x2d2: {  	v17 =	vand.u32 $0x7FFFFFFF, v17;
	v50 =	vld [tilespmem:s31+$0x4850];
	v4 =	vand.u32 $0x7FFFFFFF, v23  }
0x2d3: {  	v15 =	vand.u32 $0x7FFFFFFF, v15;
	v45 =	vld [tilespmem:s31+$0x10850];
	v4 =	vadd.f32 v4, v7;
	v7 =	vand.u32 $0x7FFFFFFF, v20  }
0x2d4: {  	v16 =	vand.u32 $0x7FFFFFFF, v16;
	v46 =	vld [tilespmem:s31+$0x4860];
	v6 =	vadd.f32 v15, v6;
	v7 =	vadd.f32 v7, v3  }
0x2d5: {  	v13 =	vand.u32 $0x7FFFFFFF, v13;
	v11 =	vand.u32 $0x7FFFFFFF, v11;
	v5 =	vadd.f32 v16, v5;
	v42 =	vld [tilespmem:s31+$0x10860]  }
0x2d6: {  	v10 =	vand.u32 $0x7FFFFFFF, v10;
	v49 =	vld [tilespmem:s31+$0x4870];
	v11 =	vadd.f32 v11, v6;
	v7 =	vadd.f32 v13, v7  }
0x2d7: {  	v9 =	vand.u32 $0x7FFFFFFF, v9;
	v5 =	vadd.f32 v19, v5;
	v44 =	vld [tilespmem:s31+$0x10870];
	v4 =	vadd.f32 v17, v4  }
0x2d8: {  	v41 =	vld [tilespmem:s31+$0x4400];
	v3 =	vadd.f32 v9, v11;
	v10 =	vadd.f32 v10, v7  }
0x2d9: {  	v40 =	vld [tilespmem:s31+$0x10400];
	v4 =	vadd.f32 v18, v4;
	v6 =	vadd.f32 v14, v5;
	v5 =	vand.u32 $0x7FFFFFFF, v8  }
0x2da: {  	v0 =	vadd.f32 v39, v0;
	v43 =	vld [tilespmem:s31+$0x4410];
	[tilespmem:$0x1FB70] =	vst v3;
	v3 =	vadd.f32 v5, v10  }
0x2db: {  	v1 =	vadd.f32 v38, v1;
	v7 =	vadd.f32 v12, v4;
	v4 =	vld [tilespmem:$0x1FBA0]  }
0x2dc: {  	v0 =	vadd.f32 v36, v0;
	[tilespmem:$0x1FB80] =	vst v3;
	v3 =	vld [tilespmem:$0x1FB90]  }
0x2dd: {  	v1 =	vadd.f32 v35, v1;
	v39 =	vld [tilespmem:s31+$0x10410]  }
0x2de: {  	v0 =	vadd.f32 v33, v0;
	v33 =	vld [tilespmem:s31+$0x10430]  }
0x2df: {  	v1 =	vadd.f32 v31, v1;
	v31 =	vld [tilespmem:s31+$0x4440]  }
0x2e0: {  	v0 =	vadd.f32 v29, v0;
	v29 =	vld [tilespmem:s31+$0x10440]  }
0x2e1: {  	v1 =	vadd.f32 v28, v1;
	v28 =	vsub.f32 v3, v4;
	v3 =	vld [tilespmem:$0x1FBB0]  }
0x2e2: {  	v4 =	vld [tilespmem:$0x1FBC0]  }
0x2e3: {  	v22 =	vld [tilespmem:s31+$0x10450]  }
0x2e4: {  	v21 =	vld [tilespmem:s31+$0x10460]  }
0x2e5: {  	v19 =	vld [tilespmem:s31+$0x4020]  }
0x2e6: {  	v47 =	vsub.f32 v48, v47;
	v48 =	vld [tilespmem:s31+$0x10050]  }
0x2e7: {  	v2 =	vadd.f32 v32, v2;
	v32 =	vsub.f32 v3, v4;
	v3 =	vld [tilespmem:$0x1FBD0]  }
0x2e8: {  	v4 =	vld [tilespmem:$0x1FBE0]  }
0x2e9: {  	v40 =	vsub.f32 v41, v40;
	v41 =	vld [tilespmem:s31+$0x10060]  }
0x2ea: {  	v34 =	vld [tilespmem:s31+$0x4420]  }
0x2eb: {  	v27 =	vld [tilespmem:s31+$0x10420]  }
0x2ec: {  	v24 =	vld [tilespmem:s31+$0x4430]  }
0x2ed: {  	v35 =	vsub.f32 v3, v4;
	v3 =	vld [tilespmem:$0x1FBF0]  }
0x2ee: {  	v4 =	vld [tilespmem:$0x1FC00]  }
0x2ef: {  	v23 =	vld [tilespmem:s31+$0x4450]  }
0x2f0: {  	v20 =	vld [tilespmem:s31+$0x4460]  }
0x2f1: {  	v30 =	vld [tilespmem:s31+$0x10020]  }
0x2f2: {  	v2 =	vadd.f32 v26, v2;
	v26 =	vld [tilespmem:s31+$0x10470]  }
0x2f3: {  	v37 =	vsub.f32 v3, v4;
	v3 =	vld [tilespmem:$0x1FC10]  }
0x2f4: {  	v17 =	vsub.f32 v31, v29;
	v29 =	vld [tilespmem:s31+$0x10070]  }
0x2f5: {  	v25 =	vld [tilespmem:s31+$0x4470]  }
0x2f6: {  	v18 =	vld [tilespmem:s31+$0x10000]  }
0x2f7: {  	v45 =	vsub.f32 v50, v45;
	v14 =	vld [tilespmem:s31+$0x10010]  }
0x2f8: {  	v9 =	vsub.f32 v52, v53;
	v38 =	vsub.f32 v3, v54;
	v3 =	vld [tilespmem:$0x1FC20]  }
0x2f9: {  	v53 =	vsub.f32 v56, v57;
	v56 =	vsub.f32 v58, v59;
	v58 =	vld [tilespmem:s31+$0x4050]  }
0x2fa: {  	v39 =	vsub.f32 v43, v39;
	v11 =	vsub.f32 v46, v42;
	v42 =	vld [tilespmem:s31+$0x4060]  }
0x2fb: {  	v27 =	vsub.f32 v34, v27;
	v57 =	vsub.f32 v60, v61;
	v60 =	vld [tilespmem:s31+$0x4070]  }
0x2fc: {  	v24 =	vsub.f32 v24, v33;
	v16 =	vsub.f32 v23, v22;
	v13 =	vld [tilespmem:s31+$0x4000]  }
0x2fd: {  	v15 =	vsub.f32 v20, v21;
	v51 =	vsub.f32 v3, v51;
	v3 =	vld [tilespmem:$0x1FC30]  }
0x2fe: {  	v59 =	vsub.f32 v62, v63;
	v63 =	vsub.f32 v19, v30;
	v12 =	vld [tilespmem:s31+$0x4010]  }
0x2ff: {  	v36 =	vld [tilespmem:s31+$0x4030];
	v19 =	vand.u32 $0x7FFFFFFF, v45;
	v33 =	vand.u32 $0x7FFFFFFF, v53;
	v10 =	vsub.f32 v49, v44  }
0x300: {  	v52 =	vld [tilespmem:s31+$0x4040];
	v31 =	vand.u32 $0x7FFFFFFF, v56;
	v22 =	vsub.f32 v58, v48;
	v21 =	vsub.f32 v42, v41  }
0x301: {  	v30 =	vand.u32 $0x7FFFFFFF, v59;
	v20 =	vsub.f32 v60, v29;
	v61 =	vsub.f32 v13, v18;
	v54 =	vld [tilespmem:s31+$0x10030]  }
0x302: {  	v13 =	vsub.f32 v25, v26;
	v18 =	vand.u32 $0x7FFFFFFF, v47;
	v8 =	vsub.f32 v3, v55;
	v55 =	vld [tilespmem:s31+$0x10040]  }
0x303: {  	v62 =	vsub.f32 v12, v14;
	v29 =	vand.u32 $0x7FFFFFFF, v28;
	v28 =	vand.u32 $0x7FFFFFFF, v32  }
0x304: {  	v32 =	vand.u32 $0x7FFFFFFF, v57;
	v26 =	vand.u32 $0x7FFFFFFF, v35;
	v35 =	vand.u32 $0x7FFFFFFF, v39  }
0x305: {  	v39 =	vand.u32 $0x7FFFFFFF, v61;
	v25 =	vand.u32 $0x7FFFFFFF, v37;
	v37 =	vand.u32 $0x7FFFFFFF, v63  }
0x306: {  	v12 =	vand.u32 $0x7FFFFFFF, v38;
	v38 =	vand.u32 $0x7FFFFFFF, v62;
	v34 =	vsub.f32 v36, v54  }
0x307: {  	s7 =	simm.s32 $0x200;
	s6 =	simm.s32 $0x80;
	v36 =	vand.u32 $0x7FFFFFFF, v40;
	v14 =	vand.u32 $0x7FFFFFFF, v51;
	v23 =	vsub.f32 v52, v55  }
.LBB2_9:
0x308: {  	s8 =	sand.u32 $0x3000, s7;
	s9 =	sand.u32 $0x380, s6  }
0x309: {  	v3 =	vld [tilespmem:$0x1FB60];
	s8 =	sor.u32 s9, s8  }
0x30a: {  	v40 =	vand.u32 $0x7FFFFFFF, v27;
	v27 =	vld [tilespmem:s8+$0x4C00]  }
0x30b: {  	v41 =	vand.u32 $0x7FFFFFFF, v24;
	v24 =	vld [tilespmem:s8+$0x10C00]  }
0x30c: {  	v42 =	vand.u32 $0x7FFFFFFF, v17;
	v17 =	vld [tilespmem:s8+$0x4C10]  }
0x30d: {  	v43 =	vand.u32 $0x7FFFFFFF, v16;
	v22 =	vand.u32 $0x7FFFFFFF, v22;
	v16 =	vld [tilespmem:s8+$0x10C10]  }
0x30e: {  	v6 =	vadd.f32 v22, v6;
	v22 =	vld [tilespmem:s8+$0x10C30]  }
0x30f: {  	v44 =	vld [tilespmem:s8+$0x10410]  }
0x310: {  	v45 =	vld [tilespmem:s8+$0x4420]  }
0x311: {  	v46 =	vld [tilespmem:s8+$0x10420]  }
0x312: {  	v47 =	vld [tilespmem:s8+$0x4430]  }
0x313: {  	v48 =	vld [tilespmem:s8+$0x10430]  }
0x314: {  	v49 =	vld [tilespmem:s8+$0x4440]  }
0x315: {  	v50 =	vld [tilespmem:s8+$0x10440]  }
0x316: {  	v51 =	vld [tilespmem:s8+$0x4450]  }
0x317: {  	v52 =	vld [tilespmem:s8+$0x10450]  }
0x318: {  	v53 =	vld [tilespmem:s8+$0x4460]  }
0x319: {  	v54 =	vld [tilespmem:s8+$0x10460]  }
0x31a: {  	v55 =	vld [tilespmem:s8+$0x4470]  }
0x31b: {  	v56 =	vld [tilespmem:s8+$0x10470]  }
0x31c: {  	v57 =	vld [tilespmem:s8+$0x4000]  }
0x31d: {  	v58 =	vld [tilespmem:s8+$0x10000]  }
0x31e: {  	v59 =	vld [tilespmem:s8+$0x4010]  }
0x31f: {  	v60 =	vld [tilespmem:s8+$0x10010]  }
0x320: {  	v61 =	vld [tilespmem:s8+$0x4020]  }
0x321: {  	v63 =	vld [tilespmem:s8+$0x10020]  }
0x322: {  	v2 =	vadd.f32 v37, v2;
	v37 =	vld [tilespmem:s8+$0x4860]  }
0x323: {  	v1 =	vadd.f32 v38, v1;
	v38 =	vld [tilespmem:s8+$0x10860]  }
0x324: {  	v0 =	vadd.f32 v39, v0;
	v39 =	vld [tilespmem:s8+$0x4870]  }
0x325: {  	v34 =	vand.u32 $0x7FFFFFFF, v34;
	v6 =	vadd.f32 v43, v6;
	v43 =	vld [tilespmem:s8+$0x4410]  }
0x326: {  	v3 =	vadd.f32 v34, v3;
	v34 =	vld [tilespmem:s8+$0x10840]  }
0x327: {  	v6 =	vadd.f32 v19, v6;
	v19 =	vld [tilespmem:s8+$0x4810]  }
0x328: {  	v1 =	vadd.f32 v35, v1;
	v35 =	vld [tilespmem:s8+$0x4850]  }
0x329: {  	v0 =	vadd.f32 v36, v0;
	v36 =	vld [tilespmem:s8+$0x10850]  }
0x32a: {  	v2 =	vadd.f32 v40, v2;
	v40 =	vld [tilespmem:s8+$0x10870]  }
0x32b: {  	v3 =	vadd.f32 v41, v3;
	v41 =	vld [tilespmem:s8+$0x4400]  }
0x32c: {  	v0 =	vadd.f32 v33, v0;
	v1 =	vadd.f32 v31, v1;
	v31 =	vand.u32 $0x7FFFFFFF, v23;
	v23 =	vld [tilespmem:s8+$0x4C20]  }
0x32d: {  	v6 =	vadd.f32 v14, v6;
	v14 =	vld [tilespmem:s8+$0x4800]  }
0x32e: {  	v2 =	vadd.f32 v32, v2;
	v32 =	vld [tilespmem:s8+$0x10830];
	v0 =	vadd.f32 v29, v0  }
0x32f: {  	v33 =	vld [tilespmem:s8+$0x4840]  }
0x330: {  	v3 =	vadd.f32 v30, v3;
	v30 =	vld [tilespmem:s8+$0x10820];
	[tilespmem:$0x1FB30] =	vst v0;
	v0 =	vadd.f32 v28, v1  }
0x331: {  	v7 =	vadd.f32 v31, v7;
	v31 =	vld [tilespmem:s8+$0x4830]  }
0x332: {  	v29 =	vld [tilespmem:s8+$0x4820];
	[tilespmem:$0x1FB40] =	vst v0;
	v0 =	vadd.f32 v26, v2  }
0x333: {  	v7 =	vadd.f32 v42, v7;
	v42 =	vld [tilespmem:s8+$0x10400]  }
0x334: {  	v28 =	vld [tilespmem:s8+$0x10C20];
	[tilespmem:$0x1FB50] =	vst v0;
	v0 =	vadd.f32 v25, v3  }
0x335: {  	v7 =	vadd.f32 v18, v7;
	v18 =	vld [tilespmem:s8+$0x10800]  }
0x336: {  	[tilespmem:$0x1FB60] =	vst v0;
	v0 =	vld [tilespmem:$0x1FB70]  }
0x337: {  	v26 =	vld [tilespmem:s8+$0x10810]  }
0x338: {  	v7 =	vadd.f32 v12, v7;
	v12 =	vld [tilespmem:s8+$0x10C70]  }
0x339: {  	v25 =	vld [tilespmem:s8+$0x4C30]  }
0x33a: {  	v21 =	vand.u32 $0x7FFFFFFF, v21;
	v1 =	vsub.f32 v23, v28;
	v23 =	vld [tilespmem:s8+$0x4030]  }
0x33b: {  	v4 =	vadd.f32 v21, v0;
	v0 =	vld [tilespmem:$0x1FB80]  }
0x33c: {  	v62 =	vsub.f32 v27, v24;
	v28 =	vld [tilespmem:s8+$0x4060]  }
0x33d: {  	v14 =	vsub.f32 v14, v18;
	v18 =	vsub.f32 v19, v26;
	v26 =	vld [tilespmem:s8+$0x10050]  }
0x33e: {  	v20 =	vand.u32 $0x7FFFFFFF, v20;
	v27 =	vsub.f32 v45, v46;
	v19 =	vsub.f32 v29, v30;
	v29 =	vld [tilespmem:s8+$0x10060]  }
0x33f: {  	v15 =	vand.u32 $0x7FFFFFFF, v15;
	v24 =	vsub.f32 v47, v48;
	v25 =	vsub.f32 v25, v22;
	v22 =	vld [tilespmem:s8+$0x4050]  }
0x340: {  	v13 =	vand.u32 $0x7FFFFFFF, v13;
	v21 =	vld [tilespmem:s8+$0x10C40];
	v4 =	vadd.f32 v15, v4;
	v5 =	vadd.f32 v20, v0  }
0x341: {  	v11 =	vand.u32 $0x7FFFFFFF, v11;
	v58 =	vsub.f32 v57, v58;
	v60 =	vsub.f32 v59, v60;
	v15 =	vld [tilespmem:s8+$0x10C50]  }
0x342: {  	v10 =	vand.u32 $0x7FFFFFFF, v10;
	v4 =	vadd.f32 v11, v4;
	v20 =	vld [tilespmem:s8+$0x4C40];
	v5 =	vadd.f32 v13, v5  }
0x343: {  	v9 =	vand.u32 $0x7FFFFFFF, v9;
	v63 =	vsub.f32 v61, v63;
	v30 =	vsub.f32 v31, v32;
	v13 =	vld [tilespmem:s8+$0x4C50]  }
0x344: {  	v31 =	vld [tilespmem:s8+$0x4070];
	v0 =	vadd.f32 v9, v4;
	v5 =	vadd.f32 v10, v5  }
0x345: {  	v8 =	vand.u32 $0x7FFFFFFF, v8;
	v44 =	vsub.f32 v43, v44;
	v22 =	vsub.f32 v22, v26;
	v11 =	vld [tilespmem:s8+$0x10C60]  }
0x346: {  	v32 =	vand.u32 $0x7FFFFFFF, v19;
	v4 =	vsub.f32 v33, v34;
	[tilespmem:$0x1FB70] =	vst v0;
	v0 =	vadd.f32 v8, v5;
	v8 =	vld [tilespmem:s8+$0x4C70]  }
0x347: {  	v30 =	vand.u32 $0x7FFFFFFF, v30;
	v10 =	vld [tilespmem:s8+$0x4C60];
	v2 =	vsub.f32 v20, v21;
	v5 =	vsub.f32 v35, v36  }
0x348: {  	v25 =	vand.u32 $0x7FFFFFFF, v25;
	v20 =	vld [tilespmem:s8+$0x10030];
	v35 =	vsub.f32 v41, v42;
	v3 =	vsub.f32 v13, v15  }
0x349: {  	v26 =	vand.u32 $0x7FFFFFFF, v1;
	v21 =	vld [tilespmem:s8+$0x4040];
	v15 =	vsub.f32 v53, v54;
	v13 =	vsub.f32 v55, v56  }
0x34a: {  	v33 =	vand.u32 $0x7FFFFFFF, v14;
	[tilespmem:$0x1FB80] =	vst v0;
	v0 =	vsub.f32 v17, v16;
	v17 =	vsub.f32 v49, v50;
	v50 =	vld [tilespmem:s8+$0x10070]  }
0x34b: {  	v16 =	vsub.f32 v51, v52;
	v36 =	vand.u32 $0x7FFFFFFF, v35;
	v8 =	vsub.f32 v8, v12;
	v12 =	vld [tilespmem:s8+$0x10040]  }
0x34c: {  	p0 =	sne.s32 s7, $0x3E00;
	v35 =	vand.u32 $0x7FFFFFFF, v44;
	v19 =	vand.u32 $0x7FFFFFFF, v5;
	v9 =	vsub.f32 v10, v11  }
.Ltmp4:
0x34d: {  	v11 =	vsub.f32 v37, v38;
	v10 =	vsub.f32 v39, v40;
	v14 =	vand.u32 $0x7FFFFFFF, v3;
	(pc) =	sbr.rel @p0 .LBB2_9-.Ltmp4, $4  }
0x34e: {  	v39 =	vand.u32 $0x7FFFFFFF, v58;
	v38 =	vand.u32 $0x7FFFFFFF, v60;
	v37 =	vand.u32 $0x7FFFFFFF, v63  }
0x34f: {  	v1 =	vld [tilespmem:$0x1FB40];
	v34 =	vsub.f32 v23, v20;
	v20 =	vsub.f32 v31, v50;
	v31 =	vand.u32 $0x7FFFFFFF, v18  }
0x350: {  	v23 =	vsub.f32 v21, v12;
	v21 =	vsub.f32 v28, v29;
	v28 =	vand.u32 $0x7FFFFFFF, v0;
	v0 =	vld [tilespmem:$0x1FB30]  }
0x351: {  	s6 =	sadd.s32 $0x80, s6;
	s7 =	sadd.s32 $0x200, s7;
	v18 =	vand.u32 $0x7FFFFFFF, v4;
	v29 =	vand.u32 $0x7FFFFFFF, v62;
	v12 =	vand.u32 $0x7FFFFFFF, v2;
	v2 =	vld [tilespmem:$0x1FB50]  }
0x352: {  	s5 =	sor.u32 $0x3800, s5  }
0x353: {  	s6 =	simm.s32 $0x0;
	s7 =	simm.s32 $0x4000;
	s4 =	sadd.s32 s4, s5  }
0x354: {  	[tilespmem:s7], [sflag:$0x2] =	stream.linear.gather [hbm4b:s4+s6], $0x4000, $0x38;
	[tilespmem:$0x18080] =	vst v63  }
0x355: {  	s25 =	simm.s32 $0x10000;
	s26 =	simm.s32 $0x3;
	s3 =	sadd.s32 s3, s5  }
0x356: {  	[tilespmem:s25], [sflag:$0x5] =	stream.linear.gather [hbm4b:s3+s6], $0x4000, $0x38;
	[tilespmem:$0x18080] =	vst v63  }
0x357: {  	_ =	swait.ge [sflag:s26], $0x4000  }
0x358: {  	[sflag:s26] =	ssyncset.done $0x0  }
0x359: {  	s28 =	simm.s32 $0x6;
	[sflag:s26] =	ssyncadd.s32 $0xFFFFC000  }
0x35a: {  	_ =	swait.ge [sflag:s28], $0x4000  }
0x35b: {  	s29 =	sand.u32 $0x3000, s6;
	s30 =	sand.u32 $0x380, s6;
	[sflag:s28] =	ssyncset.done $0x0  }
0x35c: {  	s31 =	sor.u32 s30, s29;
	[sflag:s28] =	ssyncadd.s32 $0xFFFFC000  }
0x35d: {  	v3 =	vld [tilespmem:s31+$0x8C00];
	_ =	sdelay $0x4  }
0x35e: {  	[tilespmem:$0x1FA80] =	vst v3;
	v3 =	vld [tilespmem:s31+$0x14C00];
	_ =	sdelay $0x4  }
0x35f: {  	[tilespmem:$0x1FA90] =	vst v3;
	v3 =	vld [tilespmem:s31+$0x8C10];
	_ =	sdelay $0x4  }
0x360: {  	[tilespmem:$0x1FAA0] =	vst v3;
	v3 =	vld [tilespmem:s31+$0x14C10];
	_ =	sdelay $0x4  }
0x361: {  	[tilespmem:$0x1FAB0] =	vst v3;
	v3 =	vld [tilespmem:s31+$0x8C20];
	_ =	sdelay $0x4  }
0x362: {  	[tilespmem:$0x1FAC0] =	vst v3;
	v3 =	vld [tilespmem:s31+$0x14C20];
	_ =	sdelay $0x4  }
0x363: {  	[tilespmem:$0x1FAD0] =	vst v3;
	v3 =	vld [tilespmem:s31+$0x8C30];
	_ =	sdelay $0x4  }
0x364: {  	[tilespmem:$0x1FAE0] =	vst v3;
	v3 =	vld [tilespmem:s31+$0x14C30];
	_ =	sdelay $0x4  }
0x365: {  	[tilespmem:$0x1FAF0] =	vst v3;
	v3 =	vld [tilespmem:s31+$0x8C40];
	_ =	sdelay $0x4  }
0x366: {  	[tilespmem:$0x1FB00] =	vst v3;
	v3 =	vld [tilespmem:s31+$0x8C50];
	_ =	sdelay $0x4  }
0x367: {  	[tilespmem:$0x1FB10] =	vst v3;
	v3 =	vld [tilespmem:s31+$0x8C70]  }
0x368: {  	v4 =	vld [tilespmem:$0x1FB60];
	_ =	sdelay $0x2  }
0x369: {  	v0 =	vadd.f32 v39, v0  }
0x36a: {  	v2 =	vadd.f32 v37, v2;
	v54 =	vld [tilespmem:s31+$0x14C40];
	[tilespmem:$0x1FB20] =	vst v3;
	v3 =	vand.u32 $0x7FFFFFFF, v34  }
0x36b: {  	v0 =	vadd.f32 v36, v0;
	v51 =	vld [tilespmem:s31+$0x14C50];
	v3 =	vadd.f32 v3, v4;
	v4 =	vand.u32 $0x7FFFFFFF, v27  }
0x36c: {  	v52 =	vld [tilespmem:s31+$0x8C60];
	v2 =	vadd.f32 v4, v2;
	v4 =	vand.u32 $0x7FFFFFFF, v24  }
0x36d: {  	v0 =	vadd.f32 v33, v0;
	v53 =	vld [tilespmem:s31+$0x14C60];
	v3 =	vadd.f32 v4, v3  }
0x36e: {  	v55 =	vld [tilespmem:s31+$0x14C70]  }
0x36f: {  	v0 =	vadd.f32 v29, v0;
	v56 =	vld [tilespmem:s31+$0x8800];
	v3 =	vadd.f32 v30, v3  }
0x370: {  	v57 =	vld [tilespmem:s31+$0x14800]  }
0x371: {  	v58 =	vld [tilespmem:s31+$0x8810];
	[tilespmem:$0x1FA40] =	vst v0;
	v0 =	vadd.f32 v25, v3  }
0x372: {  	v59 =	vld [tilespmem:s31+$0x14810]  }
0x373: {  	[tilespmem:$0x1FA50] =	vst v0;
	v0 =	vld [tilespmem:$0x1FB70]  }
0x374: {  	v60 =	vld [tilespmem:s31+$0x8820]  }
0x375: {  	v61 =	vld [tilespmem:s31+$0x14820]  }
0x376: {  	v5 =	vand.u32 $0x7FFFFFFF, v22;
	v62 =	vld [tilespmem:s31+$0x8830]  }
0x377: {  	v5 =	vadd.f32 v5, v6;
	v6 =	vand.u32 $0x7FFFFFFF, v21;
	v63 =	vld [tilespmem:s31+$0x14830]  }
0x378: {  	v6 =	vadd.f32 v6, v0;
	v0 =	vld [tilespmem:$0x1FB80]  }
0x379: {  	v48 =	vld [tilespmem:s31+$0x8840]  }
0x37a: {  	v47 =	vld [tilespmem:s31+$0x14840]  }
0x37b: {  	v50 =	vld [tilespmem:s31+$0x8850];
	v4 =	vand.u32 $0x7FFFFFFF, v23  }
0x37c: {  	v15 =	vand.u32 $0x7FFFFFFF, v15;
	v45 =	vld [tilespmem:s31+$0x14850];
	v4 =	vadd.f32 v4, v7;
	v7 =	vand.u32 $0x7FFFFFFF, v20  }
0x37d: {  	v16 =	vand.u32 $0x7FFFFFFF, v16;
	v46 =	vld [tilespmem:s31+$0x8860];
	v6 =	vadd.f32 v15, v6;
	v7 =	vadd.f32 v7, v0  }
0x37e: {  	v13 =	vand.u32 $0x7FFFFFFF, v13;
	v11 =	vand.u32 $0x7FFFFFFF, v11;
	v5 =	vadd.f32 v16, v5;
	v42 =	vld [tilespmem:s31+$0x14860]  }
0x37f: {  	v49 =	vld [tilespmem:s31+$0x8870];
	v11 =	vadd.f32 v11, v6;
	v7 =	vadd.f32 v13, v7  }
0x380: {  	v10 =	vand.u32 $0x7FFFFFFF, v10;
	v9 =	vand.u32 $0x7FFFFFFF, v9;
	v5 =	vadd.f32 v19, v5;
	v44 =	vld [tilespmem:s31+$0x14870]  }
0x381: {  	v41 =	vld [tilespmem:s31+$0x8400];
	v0 =	vadd.f32 v9, v11;
	v10 =	vadd.f32 v10, v7  }
0x382: {  	v40 =	vld [tilespmem:s31+$0x14400];
	v6 =	vadd.f32 v14, v5;
	v5 =	vand.u32 $0x7FFFFFFF, v8  }
0x383: {  	v43 =	vld [tilespmem:s31+$0x8410];
	[tilespmem:$0x1FA60] =	vst v0;
	v0 =	vadd.f32 v5, v10  }
0x384: {  	v1 =	vadd.f32 v38, v1;
	v3 =	vld [tilespmem:$0x1FA90]  }
0x385: {  	[tilespmem:$0x1FA70] =	vst v0;
	v0 =	vld [tilespmem:$0x1FA80]  }
0x386: {  	v1 =	vadd.f32 v35, v1;
	v39 =	vld [tilespmem:s31+$0x14410]  }
0x387: {  	v33 =	vld [tilespmem:s31+$0x14430]  }
0x388: {  	v1 =	vadd.f32 v31, v1;
	v31 =	vld [tilespmem:s31+$0x8440]  }
0x389: {  	v29 =	vld [tilespmem:s31+$0x14440]  }
0x38a: {  	v1 =	vadd.f32 v28, v1;
	v28 =	vsub.f32 v0, v3;
	v0 =	vld [tilespmem:$0x1FAA0]  }
0x38b: {  	v3 =	vld [tilespmem:$0x1FAB0]  }
0x38c: {  	v22 =	vld [tilespmem:s31+$0x14450]  }
0x38d: {  	v21 =	vld [tilespmem:s31+$0x14460]  }
0x38e: {  	v19 =	vld [tilespmem:s31+$0x8020]  }
0x38f: {  	v47 =	vsub.f32 v48, v47;
	v48 =	vld [tilespmem:s31+$0x14050]  }
0x390: {  	v2 =	vadd.f32 v32, v2;
	v32 =	vsub.f32 v0, v3;
	v0 =	vld [tilespmem:$0x1FAC0]  }
0x391: {  	v3 =	vld [tilespmem:$0x1FAD0]  }
0x392: {  	v40 =	vsub.f32 v41, v40;
	v41 =	vld [tilespmem:s31+$0x14060]  }
0x393: {  	v34 =	vld [tilespmem:s31+$0x8420]  }
0x394: {  	v27 =	vld [tilespmem:s31+$0x14420]  }
0x395: {  	v24 =	vld [tilespmem:s31+$0x8430]  }
0x396: {  	v35 =	vsub.f32 v0, v3;
	v0 =	vld [tilespmem:$0x1FAE0]  }
0x397: {  	v3 =	vld [tilespmem:$0x1FAF0]  }
0x398: {  	v23 =	vld [tilespmem:s31+$0x8450]  }
0x399: {  	v20 =	vld [tilespmem:s31+$0x8460]  }
0x39a: {  	v30 =	vld [tilespmem:s31+$0x14020]  }
0x39b: {  	v2 =	vadd.f32 v26, v2;
	v26 =	vld [tilespmem:s31+$0x14470]  }
0x39c: {  	v17 =	vand.u32 $0x7FFFFFFF, v17;
	v37 =	vsub.f32 v0, v3;
	v0 =	vld [tilespmem:$0x1FB00]  }
0x39d: {  	v4 =	vadd.f32 v17, v4;
	v17 =	vsub.f32 v31, v29;
	v29 =	vld [tilespmem:s31+$0x14070]  }
0x39e: {  	v25 =	vld [tilespmem:s31+$0x8470]  }
0x39f: {  	v4 =	vadd.f32 v18, v4;
	v18 =	vld [tilespmem:s31+$0x14000]  }
0x3a0: {  	v45 =	vsub.f32 v50, v45;
	v39 =	vsub.f32 v43, v39;
	v14 =	vld [tilespmem:s31+$0x14010]  }
0x3a1: {  	v9 =	vsub.f32 v52, v53;
	v38 =	vsub.f32 v0, v54;
	v0 =	vld [tilespmem:$0x1FB10]  }
0x3a2: {  	v53 =	vsub.f32 v56, v57;
	v56 =	vsub.f32 v58, v59;
	v58 =	vld [tilespmem:s31+$0x8050]  }
0x3a3: {  	v27 =	vsub.f32 v34, v27;
	v11 =	vsub.f32 v46, v42;
	v42 =	vld [tilespmem:s31+$0x8060]  }
0x3a4: {  	v24 =	vsub.f32 v24, v33;
	v57 =	vsub.f32 v60, v61;
	v60 =	vld [tilespmem:s31+$0x8070]  }
0x3a5: {  	v16 =	vsub.f32 v23, v22;
	v15 =	vsub.f32 v20, v21;
	v13 =	vld [tilespmem:s31+$0x8000]  }
0x3a6: {  	v59 =	vsub.f32 v62, v63;
	v51 =	vsub.f32 v0, v51;
	v0 =	vld [tilespmem:$0x1FB20]  }
0x3a7: {  	v63 =	vsub.f32 v19, v30;
	v7 =	vadd.f32 v12, v4;
	v12 =	vld [tilespmem:s31+$0x8010]  }
0x3a8: {  	v36 =	vld [tilespmem:s31+$0x8030];
	v19 =	vand.u32 $0x7FFFFFFF, v45;
	v33 =	vand.u32 $0x7FFFFFFF, v53;
	v10 =	vsub.f32 v49, v44  }
0x3a9: {  	v52 =	vld [tilespmem:s31+$0x8040];
	v31 =	vand.u32 $0x7FFFFFFF, v56;
	v22 =	vsub.f32 v58, v48;
	v21 =	vsub.f32 v42, v41  }
0x3aa: {  	v30 =	vand.u32 $0x7FFFFFFF, v59;
	v20 =	vsub.f32 v60, v29;
	v61 =	vsub.f32 v13, v18;
	v54 =	vld [tilespmem:s31+$0x14030]  }
0x3ab: {  	v13 =	vsub.f32 v25, v26;
	v18 =	vand.u32 $0x7FFFFFFF, v47;
	v8 =	vsub.f32 v0, v55;
	v55 =	vld [tilespmem:s31+$0x14040]  }
0x3ac: {  	v62 =	vsub.f32 v12, v14;
	v29 =	vand.u32 $0x7FFFFFFF, v28;
	v28 =	vand.u32 $0x7FFFFFFF, v32  }
0x3ad: {  	v32 =	vand.u32 $0x7FFFFFFF, v57;
	v26 =	vand.u32 $0x7FFFFFFF, v35;
	v35 =	vand.u32 $0x7FFFFFFF, v39  }
0x3ae: {  	v39 =	vand.u32 $0x7FFFFFFF, v61;
	v25 =	vand.u32 $0x7FFFFFFF, v37;
	v37 =	vand.u32 $0x7FFFFFFF, v63  }
0x3af: {  	v12 =	vand.u32 $0x7FFFFFFF, v38;
	v38 =	vand.u32 $0x7FFFFFFF, v62;
	v34 =	vsub.f32 v36, v54  }
0x3b0: {  	s4 =	simm.s32 $0x200;
	s3 =	simm.s32 $0x80;
	v36 =	vand.u32 $0x7FFFFFFF, v40;
	v14 =	vand.u32 $0x7FFFFFFF, v51;
	v23 =	vsub.f32 v52, v55  }
.LBB2_11:
0x3b1: {  	s5 =	sand.u32 $0x3000, s4;
	s6 =	sand.u32 $0x380, s3;
	v0 =	vld [tilespmem:$0x1FA40]  }
0x3b2: {  	v3 =	vld [tilespmem:$0x1FA50];
	s5 =	sor.u32 s6, s5  }
0x3b3: {  	v40 =	vand.u32 $0x7FFFFFFF, v27;
	v27 =	vld [tilespmem:s5+$0x8C00]  }
0x3b4: {  	v41 =	vand.u32 $0x7FFFFFFF, v24;
	v24 =	vld [tilespmem:s5+$0x14C00]  }
0x3b5: {  	v42 =	vand.u32 $0x7FFFFFFF, v17;
	v17 =	vld [tilespmem:s5+$0x8C10]  }
0x3b6: {  	v43 =	vand.u32 $0x7FFFFFFF, v16;
	v22 =	vand.u32 $0x7FFFFFFF, v22;
	v16 =	vld [tilespmem:s5+$0x14C10]  }
0x3b7: {  	v6 =	vadd.f32 v22, v6;
	v22 =	vld [tilespmem:s5+$0x14C30]  }
0x3b8: {  	v44 =	vld [tilespmem:s5+$0x14410]  }
0x3b9: {  	v45 =	vld [tilespmem:s5+$0x8420]  }
0x3ba: {  	v46 =	vld [tilespmem:s5+$0x14420]  }
0x3bb: {  	v47 =	vld [tilespmem:s5+$0x8430]  }
0x3bc: {  	v48 =	vld [tilespmem:s5+$0x14430]  }
0x3bd: {  	v49 =	vld [tilespmem:s5+$0x8440]  }
0x3be: {  	v50 =	vld [tilespmem:s5+$0x14440]  }
0x3bf: {  	v51 =	vld [tilespmem:s5+$0x8450]  }
0x3c0: {  	v52 =	vld [tilespmem:s5+$0x14450]  }
0x3c1: {  	v53 =	vld [tilespmem:s5+$0x8460]  }
0x3c2: {  	v54 =	vld [tilespmem:s5+$0x14460]  }
0x3c3: {  	v55 =	vld [tilespmem:s5+$0x8470]  }
0x3c4: {  	v56 =	vld [tilespmem:s5+$0x14470]  }
0x3c5: {  	v57 =	vld [tilespmem:s5+$0x8000]  }
0x3c6: {  	v58 =	vld [tilespmem:s5+$0x14000]  }
0x3c7: {  	v59 =	vld [tilespmem:s5+$0x8010]  }
0x3c8: {  	v60 =	vld [tilespmem:s5+$0x14010]  }
0x3c9: {  	v61 =	vld [tilespmem:s5+$0x8020]  }
0x3ca: {  	v63 =	vld [tilespmem:s5+$0x14020]  }
0x3cb: {  	v2 =	vadd.f32 v37, v2;
	v37 =	vld [tilespmem:s5+$0x8860]  }
0x3cc: {  	v1 =	vadd.f32 v38, v1;
	v38 =	vld [tilespmem:s5+$0x14860]  }
0x3cd: {  	v34 =	vand.u32 $0x7FFFFFFF, v34;
	v6 =	vadd.f32 v43, v6;
	v43 =	vld [tilespmem:s5+$0x8410]  }
0x3ce: {  	v3 =	vadd.f32 v34, v3;
	v34 =	vld [tilespmem:s5+$0x14840]  }
0x3cf: {  	v0 =	vadd.f32 v39, v0;
	v39 =	vld [tilespmem:s5+$0x8870]  }
0x3d0: {  	v6 =	vadd.f32 v19, v6;
	v19 =	vld [tilespmem:s5+$0x8810]  }
0x3d1: {  	v1 =	vadd.f32 v35, v1;
	v35 =	vld [tilespmem:s5+$0x8850]  }
0x3d2: {  	v2 =	vadd.f32 v40, v2;
	v40 =	vld [tilespmem:s5+$0x14870]  }
0x3d3: {  	v0 =	vadd.f32 v36, v0;
	v36 =	vld [tilespmem:s5+$0x14850]  }
0x3d4: {  	v3 =	vadd.f32 v41, v3;
	v41 =	vld [tilespmem:s5+$0x8400]  }
0x3d5: {  	v1 =	vadd.f32 v31, v1;
	v31 =	vand.u32 $0x7FFFFFFF, v23;
	v23 =	vld [tilespmem:s5+$0x8C20];
	v0 =	vadd.f32 v33, v0  }
0x3d6: {  	v6 =	vadd.f32 v14, v6;
	v14 =	vld [tilespmem:s5+$0x8800]  }
0x3d7: {  	v2 =	vadd.f32 v32, v2;
	v32 =	vld [tilespmem:s5+$0x14830];
	v0 =	vadd.f32 v29, v0  }
0x3d8: {  	v3 =	vadd.f32 v30, v3;
	v30 =	vld [tilespmem:s5+$0x14820]  }
0x3d9: {  	v7 =	vadd.f32 v31, v7;
	v31 =	vld [tilespmem:s5+$0x8830];
	[tilespmem:$0x1FA40] =	vst v0;
	v0 =	vadd.f32 v28, v1  }
0x3da: {  	v33 =	vld [tilespmem:s5+$0x8840]  }
0x3db: {  	v29 =	vld [tilespmem:s5+$0x8820];
	[tilespmem:$0x1FA20] =	vst v0;
	v0 =	vadd.f32 v26, v2  }
0x3dc: {  	v7 =	vadd.f32 v42, v7;
	v42 =	vld [tilespmem:s5+$0x14400]  }
0x3dd: {  	v28 =	vld [tilespmem:s5+$0x14C20];
	[tilespmem:$0x1FA30] =	vst v0;
	v0 =	vadd.f32 v25, v3  }
0x3de: {  	v7 =	vadd.f32 v18, v7;
	v18 =	vld [tilespmem:s5+$0x14800]  }
0x3df: {  	[tilespmem:$0x1FA50] =	vst v0;
	v0 =	vld [tilespmem:$0x1FA60]  }
0x3e0: {  	v7 =	vadd.f32 v12, v7;
	v12 =	vld [tilespmem:s5+$0x14C70]  }
0x3e1: {  	v26 =	vld [tilespmem:s5+$0x14810]  }
0x3e2: {  	v25 =	vld [tilespmem:s5+$0x8C30]  }
0x3e3: {  	v21 =	vand.u32 $0x7FFFFFFF, v21;
	v1 =	vsub.f32 v23, v28;
	v23 =	vld [tilespmem:s5+$0x8030]  }
0x3e4: {  	v4 =	vadd.f32 v21, v0;
	v0 =	vld [tilespmem:$0x1FA70]  }
0x3e5: {  	v62 =	vsub.f32 v27, v24;
	v28 =	vld [tilespmem:s5+$0x8060]  }
0x3e6: {  	v14 =	vsub.f32 v14, v18;
	v18 =	vsub.f32 v19, v26;
	v26 =	vld [tilespmem:s5+$0x14050]  }
0x3e7: {  	v20 =	vand.u32 $0x7FFFFFFF, v20;
	v27 =	vsub.f32 v45, v46;
	v19 =	vsub.f32 v29, v30;
	v29 =	vld [tilespmem:s5+$0x14060]  }
0x3e8: {  	v15 =	vand.u32 $0x7FFFFFFF, v15;
	v24 =	vsub.f32 v47, v48;
	v25 =	vsub.f32 v25, v22;
	v22 =	vld [tilespmem:s5+$0x8050]  }
0x3e9: {  	v13 =	vand.u32 $0x7FFFFFFF, v13;
	v21 =	vld [tilespmem:s5+$0x14C40];
	v4 =	vadd.f32 v15, v4;
	v5 =	vadd.f32 v20, v0  }
0x3ea: {  	v11 =	vand.u32 $0x7FFFFFFF, v11;
	v58 =	vsub.f32 v57, v58;
	v60 =	vsub.f32 v59, v60;
	v15 =	vld [tilespmem:s5+$0x14C50]  }
0x3eb: {  	v10 =	vand.u32 $0x7FFFFFFF, v10;
	v4 =	vadd.f32 v11, v4;
	v20 =	vld [tilespmem:s5+$0x8C40];
	v5 =	vadd.f32 v13, v5  }
0x3ec: {  	v9 =	vand.u32 $0x7FFFFFFF, v9;
	v63 =	vsub.f32 v61, v63;
	v30 =	vsub.f32 v31, v32;
	v13 =	vld [tilespmem:s5+$0x8C50]  }
0x3ed: {  	v31 =	vld [tilespmem:s5+$0x8070];
	v0 =	vadd.f32 v9, v4;
	v5 =	vadd.f32 v10, v5  }
0x3ee: {  	v8 =	vand.u32 $0x7FFFFFFF, v8;
	v44 =	vsub.f32 v43, v44;
	v22 =	vsub.f32 v22, v26;
	v11 =	vld [tilespmem:s5+$0x14C60]  }
0x3ef: {  	v32 =	vand.u32 $0x7FFFFFFF, v19;
	v4 =	vsub.f32 v33, v34;
	[tilespmem:$0x1FA60] =	vst v0;
	v0 =	vadd.f32 v8, v5;
	v8 =	vld [tilespmem:s5+$0x8C70]  }
0x3f0: {  	v30 =	vand.u32 $0x7FFFFFFF, v30;
	v10 =	vld [tilespmem:s5+$0x8C60];
	v2 =	vsub.f32 v20, v21;
	v5 =	vsub.f32 v35, v36  }
0x3f1: {  	v25 =	vand.u32 $0x7FFFFFFF, v25;
	v20 =	vld [tilespmem:s5+$0x14030];
	v35 =	vsub.f32 v41, v42;
	v3 =	vsub.f32 v13, v15  }
0x3f2: {  	v26 =	vand.u32 $0x7FFFFFFF, v1;
	v21 =	vld [tilespmem:s5+$0x8040];
	v15 =	vsub.f32 v53, v54;
	v13 =	vsub.f32 v55, v56  }
0x3f3: {  	v33 =	vand.u32 $0x7FFFFFFF, v14;
	[tilespmem:$0x1FA70] =	vst v0;
	v0 =	vsub.f32 v17, v16;
	v17 =	vsub.f32 v49, v50;
	v50 =	vld [tilespmem:s5+$0x14070]  }
0x3f4: {  	v16 =	vsub.f32 v51, v52;
	v36 =	vand.u32 $0x7FFFFFFF, v35;
	v8 =	vsub.f32 v8, v12;
	v12 =	vld [tilespmem:s5+$0x14040]  }
0x3f5: {  	p0 =	sne.s32 s4, $0x3E00;
	v35 =	vand.u32 $0x7FFFFFFF, v44;
	v19 =	vand.u32 $0x7FFFFFFF, v5;
	v9 =	vsub.f32 v10, v11  }
.Ltmp5:
0x3f6: {  	v11 =	vsub.f32 v37, v38;
	v10 =	vsub.f32 v39, v40;
	v14 =	vand.u32 $0x7FFFFFFF, v3;
	(pc) =	sbr.rel @p0 .LBB2_11-.Ltmp5, $4  }
0x3f7: {  	v39 =	vand.u32 $0x7FFFFFFF, v58;
	v38 =	vand.u32 $0x7FFFFFFF, v60;
	v37 =	vand.u32 $0x7FFFFFFF, v63  }
0x3f8: {  	v34 =	vsub.f32 v23, v20;
	v20 =	vsub.f32 v31, v50;
	v31 =	vand.u32 $0x7FFFFFFF, v18  }
0x3f9: {  	v1 =	vld [tilespmem:$0x1FA20];
	v18 =	vand.u32 $0x7FFFFFFF, v4;
	v23 =	vsub.f32 v21, v12;
	v21 =	vsub.f32 v28, v29  }
0x3fa: {  	s3 =	sadd.s32 $0x80, s3;
	s4 =	sadd.s32 $0x200, s4;
	v29 =	vand.u32 $0x7FFFFFFF, v62;
	v28 =	vand.u32 $0x7FFFFFFF, v0;
	v12 =	vand.u32 $0x7FFFFFFF, v2;
	v2 =	vld [tilespmem:$0x1FA30]  }
0x3fb: {  	s3 =	simm.s32 $0x1  }
0x3fc: {  	_ =	swait.ge [sflag:s3], $0x4000  }
0x3fd: {  	[sflag:s3] =	ssyncset.done $0x0  }
0x3fe: {  	s30 =	simm.s32 $0x4;
	[sflag:s3] =	ssyncadd.s32 $0xFFFFC000  }
0x3ff: {  	s4 =	simm.s32 $0x0;
	_ =	swait.ge [sflag:s30], $0x4000  }
0x400: {  	s5 =	sand.u32 $0x3000, s4;
	s4 =	sand.u32 $0x380, s4;
	[sflag:s30] =	ssyncset.done $0x0  }
0x401: {  	s31 =	sor.u32 s4, s5;
	v4 =	vld [tilespmem:$0x1FA50];
	[sflag:s30] =	ssyncadd.s32 $0xFFFFC000  }
0x402: {  	v0 =	vld [tilespmem:s31+$0xC00]  }
0x403: {  	v54 =	vld [tilespmem:s31+$0xCC40]  }
0x404: {  	v51 =	vld [tilespmem:s31+$0xCC50]  }
0x405: {  	v52 =	vld [tilespmem:s31+$0xC60]  }
0x406: {  	v53 =	vld [tilespmem:s31+$0xCC60]  }
0x407: {  	v55 =	vld [tilespmem:s31+$0xCC70]  }
0x408: {  	v56 =	vld [tilespmem:s31+$0x800]  }
0x409: {  	v57 =	vld [tilespmem:s31+$0xC800]  }
0x40a: {  	v58 =	vld [tilespmem:s31+$0x810]  }
0x40b: {  	v59 =	vld [tilespmem:s31+$0xC810]  }
0x40c: {  	v3 =	vand.u32 $0x7FFFFFFF, v34;
	v2 =	vadd.f32 v37, v2;
	v60 =	vld [tilespmem:s31+$0x820]  }
0x40d: {  	v3 =	vadd.f32 v3, v4;
	v4 =	vand.u32 $0x7FFFFFFF, v27;
	[tilespmem:$0x1F970] =	vst v0;
	v0 =	vld [tilespmem:s31+$0xCC00]  }
0x40e: {  	v61 =	vld [tilespmem:s31+$0xC820];
	v2 =	vadd.f32 v4, v2;
	v4 =	vand.u32 $0x7FFFFFFF, v24  }
0x40f: {  	v62 =	vld [tilespmem:s31+$0x830];
	v3 =	vadd.f32 v4, v3  }
0x410: {  	v63 =	vld [tilespmem:s31+$0xC830]  }
0x411: {  	v48 =	vld [tilespmem:s31+$0x840];
	v3 =	vadd.f32 v30, v3  }
0x412: {  	[tilespmem:$0x1F980] =	vst v0;
	v0 =	vld [tilespmem:s31+$0xC10]  }
0x413: {  	v47 =	vld [tilespmem:s31+$0xC840];
	v3 =	vadd.f32 v25, v3  }
0x414: {  	v50 =	vld [tilespmem:s31+$0x850]  }
0x415: {  	[tilespmem:$0x1F940] =	vst v3;
	v3 =	vld [tilespmem:$0x1FA60]  }
0x416: {  	v45 =	vld [tilespmem:s31+$0xC850]  }
0x417: {  	[tilespmem:$0x1F990] =	vst v0;
	v0 =	vld [tilespmem:s31+$0xCC10]  }
0x418: {  	v5 =	vand.u32 $0x7FFFFFFF, v22;
	v46 =	vld [tilespmem:s31+$0x860]  }
0x419: {  	v5 =	vadd.f32 v5, v6;
	v6 =	vand.u32 $0x7FFFFFFF, v21;
	v42 =	vld [tilespmem:s31+$0xC860]  }
0x41a: {  	v6 =	vadd.f32 v6, v3;
	v3 =	vld [tilespmem:$0x1FA70]  }
0x41b: {  	v49 =	vld [tilespmem:s31+$0x870]  }
0x41c: {  	v17 =	vand.u32 $0x7FFFFFFF, v17;
	v16 =	vand.u32 $0x7FFFFFFF, v16;
	v1 =	vadd.f32 v38, v1;
	[tilespmem:$0x1F9A0] =	vst v0;
	v0 =	vld [tilespmem:s31+$0xC20]  }
0x41d: {  	v15 =	vand.u32 $0x7FFFFFFF, v15;
	v5 =	vadd.f32 v16, v5;
	v44 =	vld [tilespmem:s31+$0xC870];
	v4 =	vand.u32 $0x7FFFFFFF, v23  }
0x41e: {  	v1 =	vadd.f32 v35, v1;
	v41 =	vld [tilespmem:s31+$0x400];
	v4 =	vadd.f32 v4, v7;
	v7 =	vand.u32 $0x7FFFFFFF, v20  }
0x41f: {  	v13 =	vand.u32 $0x7FFFFFFF, v13;
	v40 =	vld [tilespmem:s31+$0xC400];
	v6 =	vadd.f32 v15, v6;
	v7 =	vadd.f32 v7, v3  }
0x420: {  	v11 =	vand.u32 $0x7FFFFFFF, v11;
	v5 =	vadd.f32 v19, v5;
	v43 =	vld [tilespmem:s31+$0x410];
	v4 =	vadd.f32 v17, v4  }
0x421: {  	v10 =	vand.u32 $0x7FFFFFFF, v10;
	v11 =	vadd.f32 v11, v6;
	v7 =	vadd.f32 v13, v7;
	[tilespmem:$0x1F9B0] =	vst v0;
	v0 =	vld [tilespmem:s31+$0xCC20]  }
0x422: {  	v9 =	vand.u32 $0x7FFFFFFF, v9;
	v34 =	vld [tilespmem:s31+$0x420];
	v1 =	vadd.f32 v31, v1;
	v4 =	vadd.f32 v18, v4  }
0x423: {  	v31 =	vld [tilespmem:s31+$0x440];
	v3 =	vadd.f32 v9, v11;
	v10 =	vadd.f32 v10, v7  }
0x424: {  	v22 =	vld [tilespmem:s31+$0xC450];
	v6 =	vadd.f32 v14, v5;
	v5 =	vand.u32 $0x7FFFFFFF, v8  }
0x425: {  	[tilespmem:$0x1F950] =	vst v3;
	v7 =	vadd.f32 v12, v4;
	v4 =	vld [tilespmem:$0x1F980];
	v3 =	vadd.f32 v5, v10  }
0x426: {  	[tilespmem:$0x1F9C0] =	vst v0;
	v0 =	vld [tilespmem:s31+$0xC30]  }
0x427: {  	[tilespmem:$0x1F960] =	vst v3;
	v3 =	vld [tilespmem:$0x1F970]  }
0x428: {  	v21 =	vld [tilespmem:s31+$0xC460]  }
0x429: {  	v19 =	vld [tilespmem:s31+$0x20]  }
0x42a: {  	v27 =	vld [tilespmem:s31+$0xC420]  }
0x42b: {  	[tilespmem:$0x1F9D0] =	vst v0;
	v0 =	vld [tilespmem:s31+$0xCC30]  }
0x42c: {  	v1 =	vadd.f32 v28, v1;
	v28 =	vsub.f32 v3, v4;
	v3 =	vld [tilespmem:$0x1F990]  }
0x42d: {  	v4 =	vld [tilespmem:$0x1F9A0]  }
0x42e: {  	v24 =	vld [tilespmem:s31+$0x430]  }
0x42f: {  	v23 =	vld [tilespmem:s31+$0x450]  }
0x430: {  	[tilespmem:$0x1F9E0] =	vst v0;
	v0 =	vld [tilespmem:s31+$0xC40]  }
0x431: {  	v47 =	vsub.f32 v48, v47;
	v48 =	vld [tilespmem:s31+$0xC050]  }
0x432: {  	v2 =	vadd.f32 v32, v2;
	v32 =	vsub.f32 v3, v4;
	v3 =	vld [tilespmem:$0x1F9B0]  }
0x433: {  	v4 =	vld [tilespmem:$0x1F9C0]  }
0x434: {  	v40 =	vsub.f32 v41, v40;
	v41 =	vld [tilespmem:s31+$0xC060]  }
0x435: {  	[tilespmem:$0x1F9F0] =	vst v0;
	v0 =	vld [tilespmem:s31+$0xC50]  }
0x436: {  	v20 =	vld [tilespmem:s31+$0x460]  }
0x437: {  	v30 =	vld [tilespmem:s31+$0xC020]  }
0x438: {  	v35 =	vsub.f32 v3, v4;
	v3 =	vld [tilespmem:$0x1F9D0]  }
0x439: {  	v4 =	vld [tilespmem:$0x1F9E0]  }
0x43a: {  	[tilespmem:$0x1FA00] =	vst v0;
	v0 =	vld [tilespmem:s31+$0xC70]  }
0x43b: {  	v2 =	vadd.f32 v26, v2;
	v26 =	vld [tilespmem:s31+$0xC470]  }
0x43c: {  	v25 =	vld [tilespmem:s31+$0x470]  }
0x43d: {  	v18 =	vld [tilespmem:s31+$0xC000]  }
0x43e: {  	v37 =	vsub.f32 v3, v4;
	v3 =	vld [tilespmem:$0x1F9F0]  }
0x43f: {  	[tilespmem:$0x1FA10] =	vst v0;
	v0 =	vld [tilespmem:$0x1FA40]  }
0x440: {  	v14 =	vld [tilespmem:s31+$0xC010]  }
0x441: {  	v9 =	vsub.f32 v52, v53;
	v52 =	vld [tilespmem:s31+$0x40]  }
0x442: {  	v53 =	vsub.f32 v56, v57;
	v56 =	vsub.f32 v58, v59;
	v58 =	vld [tilespmem:s31+$0x50]  }
0x443: {  	v11 =	vsub.f32 v46, v42;
	v42 =	vld [tilespmem:s31+$0x60]  }
0x444: {  	v38 =	vsub.f32 v3, v54;
	v3 =	vld [tilespmem:$0x1FA00];
	v0 =	vadd.f32 v39, v0  }
0x445: {  	v57 =	vsub.f32 v60, v61;
	v60 =	vld [tilespmem:s31+$0x70]  }
0x446: {  	v13 =	vld [tilespmem:s31+$0x0];
	v0 =	vadd.f32 v36, v0  }
0x447: {  	v45 =	vsub.f32 v50, v45;
	v12 =	vld [tilespmem:s31+$0x10]  }
0x448: {  	v27 =	vsub.f32 v34, v27;
	v54 =	vld [tilespmem:s31+$0xC030];
	v0 =	vadd.f32 v33, v0  }
0x449: {  	v16 =	vsub.f32 v23, v22;
	v51 =	vsub.f32 v3, v51;
	v3 =	vld [tilespmem:$0x1FA10]  }
0x44a: {  	v15 =	vsub.f32 v20, v21;
	v0 =	vadd.f32 v29, v0;
	v29 =	vld [tilespmem:s31+$0xC440]  }
0x44b: {  	v59 =	vsub.f32 v62, v63;
	v63 =	vsub.f32 v19, v30;
	v39 =	vld [tilespmem:s31+$0xC410]  }
0x44c: {  	v19 =	vand.u32 $0x7FFFFFFF, v45;
	v10 =	vsub.f32 v49, v44;
	v22 =	vsub.f32 v58, v48;
	v36 =	vld [tilespmem:s31+$0x30]  }
0x44d: {  	v30 =	vand.u32 $0x7FFFFFFF, v59;
	v21 =	vsub.f32 v42, v41;
	v61 =	vsub.f32 v13, v18;
	v33 =	vld [tilespmem:s31+$0xC430]  }
0x44e: {  	v13 =	vsub.f32 v25, v26;
	v18 =	vand.u32 $0x7FFFFFFF, v47;
	v8 =	vsub.f32 v3, v55;
	v55 =	vld [tilespmem:s31+$0xC040]  }
0x44f: {  	v62 =	vsub.f32 v12, v14;
	v26 =	vand.u32 $0x7FFFFFFF, v35;
	v17 =	vsub.f32 v31, v29;
	v29 =	vld [tilespmem:s31+$0xC070]  }
0x450: {  	v25 =	vand.u32 $0x7FFFFFFF, v37;
	v37 =	vand.u32 $0x7FFFFFFF, v63;
	v39 =	vsub.f32 v43, v39  }
0x451: {  	v12 =	vand.u32 $0x7FFFFFFF, v38;
	v38 =	vand.u32 $0x7FFFFFFF, v62;
	v14 =	vand.u32 $0x7FFFFFFF, v51  }
0x452: {  	v34 =	vsub.f32 v36, v54;
	v36 =	vand.u32 $0x7FFFFFFF, v40;
	v35 =	vand.u32 $0x7FFFFFFF, v39  }
0x453: {  	v39 =	vand.u32 $0x7FFFFFFF, v61;
	v24 =	vsub.f32 v24, v33;
	v23 =	vsub.f32 v52, v55  }
0x454: {  	v33 =	vand.u32 $0x7FFFFFFF, v53;
	v31 =	vand.u32 $0x7FFFFFFF, v56;
	v20 =	vsub.f32 v60, v29  }
0x455: {  	s4 =	simm.s32 $0x200;
	s3 =	simm.s32 $0x80;
	v29 =	vand.u32 $0x7FFFFFFF, v28;
	v28 =	vand.u32 $0x7FFFFFFF, v32;
	v32 =	vand.u32 $0x7FFFFFFF, v57  }
.LBB2_13:
0x456: {  	s5 =	sand.u32 $0x3000, s4;
	s6 =	sand.u32 $0x380, s3  }
0x457: {  	v3 =	vld [tilespmem:$0x1F940];
	s5 =	sor.u32 s6, s5  }
0x458: {  	v40 =	vand.u32 $0x7FFFFFFF, v27;
	v27 =	vld [tilespmem:s5+$0xC00]  }
0x459: {  	v41 =	vand.u32 $0x7FFFFFFF, v24;
	v24 =	vld [tilespmem:s5+$0xCC00]  }
0x45a: {  	v42 =	vand.u32 $0x7FFFFFFF, v17;
	v17 =	vld [tilespmem:s5+$0xC10]  }
0x45b: {  	v43 =	vand.u32 $0x7FFFFFFF, v16;
	v22 =	vand.u32 $0x7FFFFFFF, v22;
	v16 =	vld [tilespmem:s5+$0xCC10]  }
0x45c: {  	v6 =	vadd.f32 v22, v6;
	v22 =	vld [tilespmem:s5+$0xCC30]  }
0x45d: {  	v44 =	vld [tilespmem:s5+$0xC410]  }
0x45e: {  	v45 =	vld [tilespmem:s5+$0x420]  }
0x45f: {  	v46 =	vld [tilespmem:s5+$0xC420]  }
0x460: {  	v47 =	vld [tilespmem:s5+$0x430]  }
0x461: {  	v48 =	vld [tilespmem:s5+$0xC430]  }
0x462: {  	v49 =	vld [tilespmem:s5+$0x440]  }
0x463: {  	v50 =	vld [tilespmem:s5+$0xC440]  }
0x464: {  	v51 =	vld [tilespmem:s5+$0x450]  }
0x465: {  	v52 =	vld [tilespmem:s5+$0xC450]  }
0x466: {  	v53 =	vld [tilespmem:s5+$0x460]  }
0x467: {  	v54 =	vld [tilespmem:s5+$0xC460]  }
0x468: {  	v55 =	vld [tilespmem:s5+$0x470]  }
0x469: {  	v56 =	vld [tilespmem:s5+$0xC470]  }
0x46a: {  	v57 =	vld [tilespmem:s5+$0x0]  }
0x46b: {  	v58 =	vld [tilespmem:s5+$0xC000]  }
0x46c: {  	v59 =	vld [tilespmem:s5+$0x10]  }
0x46d: {  	v60 =	vld [tilespmem:s5+$0xC010]  }
0x46e: {  	v61 =	vld [tilespmem:s5+$0x20]  }
0x46f: {  	v63 =	vld [tilespmem:s5+$0xC020]  }
0x470: {  	v2 =	vadd.f32 v37, v2;
	v37 =	vld [tilespmem:s5+$0x860]  }
0x471: {  	v1 =	vadd.f32 v38, v1;
	v38 =	vld [tilespmem:s5+$0xC860]  }
0x472: {  	v0 =	vadd.f32 v39, v0;
	v39 =	vld [tilespmem:s5+$0x870]  }
0x473: {  	v34 =	vand.u32 $0x7FFFFFFF, v34;
	v6 =	vadd.f32 v43, v6;
	v43 =	vld [tilespmem:s5+$0x410]  }
0x474: {  	v3 =	vadd.f32 v34, v3;
	v34 =	vld [tilespmem:s5+$0xC840]  }
0x475: {  	v6 =	vadd.f32 v19, v6;
	v19 =	vld [tilespmem:s5+$0x810]  }
0x476: {  	v1 =	vadd.f32 v35, v1;
	v35 =	vld [tilespmem:s5+$0x850]  }
0x477: {  	v0 =	vadd.f32 v36, v0;
	v36 =	vld [tilespmem:s5+$0xC850]  }
0x478: {  	v2 =	vadd.f32 v40, v2;
	v40 =	vld [tilespmem:s5+$0xC870]  }
0x479: {  	v3 =	vadd.f32 v41, v3;
	v41 =	vld [tilespmem:s5+$0x400]  }
0x47a: {  	v0 =	vadd.f32 v33, v0;
	v1 =	vadd.f32 v31, v1;
	v31 =	vand.u32 $0x7FFFFFFF, v23;
	v23 =	vld [tilespmem:s5+$0xC20]  }
0x47b: {  	v6 =	vadd.f32 v14, v6;
	v14 =	vld [tilespmem:s5+$0x800]  }
0x47c: {  	v2 =	vadd.f32 v32, v2;
	v32 =	vld [tilespmem:s5+$0xC830];
	v0 =	vadd.f32 v29, v0  }
0x47d: {  	v33 =	vld [tilespmem:s5+$0x840]  }
0x47e: {  	v3 =	vadd.f32 v30, v3;
	v30 =	vld [tilespmem:s5+$0xC820];
	[tilespmem:$0x1F910] =	vst v0;
	v0 =	vadd.f32 v28, v1  }
0x47f: {  	v7 =	vadd.f32 v31, v7;
	v31 =	vld [tilespmem:s5+$0x830]  }
0x480: {  	v29 =	vld [tilespmem:s5+$0x820];
	[tilespmem:$0x1F920] =	vst v0;
	v0 =	vadd.f32 v26, v2  }
0x481: {  	v7 =	vadd.f32 v42, v7;
	v42 =	vld [tilespmem:s5+$0xC400]  }
0x482: {  	v28 =	vld [tilespmem:s5+$0xCC20];
	[tilespmem:$0x1F930] =	vst v0;
	v0 =	vadd.f32 v25, v3  }
0x483: {  	v7 =	vadd.f32 v18, v7;
	v18 =	vld [tilespmem:s5+$0xC800]  }
0x484: {  	[tilespmem:$0x1F940] =	vst v0;
	v0 =	vld [tilespmem:$0x1F950]  }
0x485: {  	v26 =	vld [tilespmem:s5+$0xC810]  }
0x486: {  	v7 =	vadd.f32 v12, v7;
	v12 =	vld [tilespmem:s5+$0xCC70]  }
0x487: {  	v25 =	vld [tilespmem:s5+$0xC30]  }
0x488: {  	v21 =	vand.u32 $0x7FFFFFFF, v21;
	v1 =	vsub.f32 v23, v28;
	v23 =	vld [tilespmem:s5+$0x30]  }
0x489: {  	v4 =	vadd.f32 v21, v0;
	v0 =	vld [tilespmem:$0x1F960]  }
0x48a: {  	v62 =	vsub.f32 v27, v24;
	v28 =	vld [tilespmem:s5+$0x60]  }
0x48b: {  	v14 =	vsub.f32 v14, v18;
	v18 =	vsub.f32 v19, v26;
	v26 =	vld [tilespmem:s5+$0xC050]  }
0x48c: {  	v20 =	vand.u32 $0x7FFFFFFF, v20;
	v27 =	vsub.f32 v45, v46;
	v19 =	vsub.f32 v29, v30;
	v29 =	vld [tilespmem:s5+$0xC060]  }
0x48d: {  	v15 =	vand.u32 $0x7FFFFFFF, v15;
	v24 =	vsub.f32 v47, v48;
	v25 =	vsub.f32 v25, v22;
	v22 =	vld [tilespmem:s5+$0x50]  }
0x48e: {  	v13 =	vand.u32 $0x7FFFFFFF, v13;
	v21 =	vld [tilespmem:s5+$0xCC40];
	v4 =	vadd.f32 v15, v4;
	v5 =	vadd.f32 v20, v0  }
0x48f: {  	v11 =	vand.u32 $0x7FFFFFFF, v11;
	v58 =	vsub.f32 v57, v58;
	v60 =	vsub.f32 v59, v60;
	v15 =	vld [tilespmem:s5+$0xCC50]  }
0x490: {  	v10 =	vand.u32 $0x7FFFFFFF, v10;
	v4 =	vadd.f32 v11, v4;
	v20 =	vld [tilespmem:s5+$0xC40];
	v5 =	vadd.f32 v13, v5  }
0x491: {  	v9 =	vand.u32 $0x7FFFFFFF, v9;
	v63 =	vsub.f32 v61, v63;
	v30 =	vsub.f32 v31, v32;
	v13 =	vld [tilespmem:s5+$0xC50]  }
0x492: {  	v31 =	vld [tilespmem:s5+$0x70];
	v0 =	vadd.f32 v9, v4;
	v5 =	vadd.f32 v10, v5  }
0x493: {  	v8 =	vand.u32 $0x7FFFFFFF, v8;
	v44 =	vsub.f32 v43, v44;
	v22 =	vsub.f32 v22, v26;
	v11 =	vld [tilespmem:s5+$0xCC60]  }
0x494: {  	v32 =	vand.u32 $0x7FFFFFFF, v19;
	v4 =	vsub.f32 v33, v34;
	[tilespmem:$0x1F950] =	vst v0;
	v0 =	vadd.f32 v8, v5;
	v8 =	vld [tilespmem:s5+$0xC70]  }
0x495: {  	v30 =	vand.u32 $0x7FFFFFFF, v30;
	v10 =	vld [tilespmem:s5+$0xC60];
	v2 =	vsub.f32 v20, v21;
	v5 =	vsub.f32 v35, v36  }
0x496: {  	v25 =	vand.u32 $0x7FFFFFFF, v25;
	v20 =	vld [tilespmem:s5+$0xC030];
	v35 =	vsub.f32 v41, v42;
	v3 =	vsub.f32 v13, v15  }
0x497: {  	v26 =	vand.u32 $0x7FFFFFFF, v1;
	v21 =	vld [tilespmem:s5+$0x40];
	v15 =	vsub.f32 v53, v54;
	v13 =	vsub.f32 v55, v56  }
0x498: {  	v33 =	vand.u32 $0x7FFFFFFF, v14;
	[tilespmem:$0x1F960] =	vst v0;
	v0 =	vsub.f32 v17, v16;
	v17 =	vsub.f32 v49, v50;
	v50 =	vld [tilespmem:s5+$0xC070]  }
0x499: {  	v16 =	vsub.f32 v51, v52;
	v36 =	vand.u32 $0x7FFFFFFF, v35;
	v8 =	vsub.f32 v8, v12;
	v12 =	vld [tilespmem:s5+$0xC040]  }
0x49a: {  	p0 =	sne.s32 s4, $0x3E00;
	v35 =	vand.u32 $0x7FFFFFFF, v44;
	v19 =	vand.u32 $0x7FFFFFFF, v5;
	v9 =	vsub.f32 v10, v11  }
.Ltmp6:
0x49b: {  	v11 =	vsub.f32 v37, v38;
	v10 =	vsub.f32 v39, v40;
	v14 =	vand.u32 $0x7FFFFFFF, v3;
	(pc) =	sbr.rel @p0 .LBB2_13-.Ltmp6, $4  }
0x49c: {  	v39 =	vand.u32 $0x7FFFFFFF, v58;
	v38 =	vand.u32 $0x7FFFFFFF, v60;
	v37 =	vand.u32 $0x7FFFFFFF, v63  }
0x49d: {  	v1 =	vld [tilespmem:$0x1F920];
	v34 =	vsub.f32 v23, v20;
	v20 =	vsub.f32 v31, v50;
	v31 =	vand.u32 $0x7FFFFFFF, v18  }
0x49e: {  	v23 =	vsub.f32 v21, v12;
	v21 =	vsub.f32 v28, v29;
	v28 =	vand.u32 $0x7FFFFFFF, v0;
	v0 =	vld [tilespmem:$0x1F910]  }
0x49f: {  	s3 =	sadd.s32 $0x80, s3;
	s4 =	sadd.s32 $0x200, s4;
	v18 =	vand.u32 $0x7FFFFFFF, v4;
	v29 =	vand.u32 $0x7FFFFFFF, v62;
	v12 =	vand.u32 $0x7FFFFFFF, v2;
	v2 =	vld [tilespmem:$0x1F930]  }
0x4a0: {  	s3 =	simm.s32 $0x2  }
0x4a1: {  	_ =	swait.ge [sflag:s3], $0x4000  }
0x4a2: {  	[sflag:s3] =	ssyncset.done $0x0  }
0x4a3: {  	s30 =	simm.s32 $0x5;
	[sflag:s3] =	ssyncadd.s32 $0xFFFFC000  }
0x4a4: {  	s4 =	simm.s32 $0x0;
	_ =	swait.ge [sflag:s30], $0x4000  }
0x4a5: {  	s5 =	sand.u32 $0x3000, s4;
	s4 =	sand.u32 $0x380, s4;
	[sflag:s30] =	ssyncset.done $0x0  }
0x4a6: {  	s31 =	sor.u32 s4, s5;
	[sflag:s30] =	ssyncadd.s32 $0xFFFFC000  }
0x4a7: {  	v3 =	vld [tilespmem:s31+$0x4C00];
	_ =	sdelay $0x4  }
0x4a8: {  	[tilespmem:$0x1F810] =	vst v3;
	v3 =	vld [tilespmem:s31+$0x10C00];
	_ =	sdelay $0x4  }
0x4a9: {  	[tilespmem:$0x1F820] =	vst v3;
	v3 =	vld [tilespmem:s31+$0x4C10];
	_ =	sdelay $0x4  }
0x4aa: {  	[tilespmem:$0x1F830] =	vst v3;
	v3 =	vld [tilespmem:s31+$0x10C10];
	_ =	sdelay $0x4  }
0x4ab: {  	[tilespmem:$0x1F840] =	vst v3;
	v3 =	vld [tilespmem:s31+$0x4C20];
	_ =	sdelay $0x4  }
0x4ac: {  	[tilespmem:$0x1F850] =	vst v3;
	v3 =	vld [tilespmem:s31+$0x10C20];
	_ =	sdelay $0x4  }
0x4ad: {  	[tilespmem:$0x1F860] =	vst v3;
	v3 =	vld [tilespmem:s31+$0x4C30];
	_ =	sdelay $0x4  }
0x4ae: {  	[tilespmem:$0x1F870] =	vst v3;
	v3 =	vld [tilespmem:s31+$0x10C30];
	_ =	sdelay $0x4  }
0x4af: {  	[tilespmem:$0x1F880] =	vst v3;
	v3 =	vld [tilespmem:s31+$0x4C40];
	_ =	sdelay $0x4  }
0x4b0: {  	[tilespmem:$0x1F890] =	vst v3;
	v3 =	vld [tilespmem:s31+$0x4C50];
	_ =	sdelay $0x4  }
0x4b1: {  	[tilespmem:$0x1F8A0] =	vst v3;
	v3 =	vld [tilespmem:s31+$0x10C50];
	_ =	sdelay $0x4  }
0x4b2: {  	[tilespmem:$0x1F8B0] =	vst v3;
	v3 =	vld [tilespmem:s31+$0x4C60];
	_ =	sdelay $0x4  }
0x4b3: {  	[tilespmem:$0x1F8C0] =	vst v3;
	v3 =	vld [tilespmem:s31+$0x10C60];
	_ =	sdelay $0x4  }
0x4b4: {  	[tilespmem:$0x1F8D0] =	vst v3;
	v3 =	vld [tilespmem:s31+$0x4C70];
	_ =	sdelay $0x4  }
0x4b5: {  	[tilespmem:$0x1F8E0] =	vst v3;
	v3 =	vld [tilespmem:s31+$0x10C70];
	_ =	sdelay $0x4  }
0x4b6: {  	[tilespmem:$0x1F8F0] =	vst v3;
	v3 =	vld [tilespmem:s31+$0x4810]  }
0x4b7: {  	v4 =	vld [tilespmem:$0x1F940];
	_ =	sdelay $0x2  }
0x4b8: {  	v0 =	vadd.f32 v39, v0  }
0x4b9: {  	v2 =	vadd.f32 v37, v2;
	[tilespmem:$0x1F900] =	vst v3;
	v3 =	vand.u32 $0x7FFFFFFF, v34  }
0x4ba: {  	v0 =	vadd.f32 v36, v0;
	v3 =	vadd.f32 v3, v4;
	v4 =	vand.u32 $0x7FFFFFFF, v27  }
0x4bb: {  	v2 =	vadd.f32 v4, v2  }
0x4bc: {  	v0 =	vadd.f32 v33, v0;
	v4 =	vand.u32 $0x7FFFFFFF, v24  }
0x4bd: {  	v3 =	vadd.f32 v4, v3;
	v4 =	vadd.f32 v32, v2  }
0x4be: {  	v2 =	vadd.f32 v29, v0  }
0x4bf: {  	v54 =	vld [tilespmem:s31+$0x10C40];
	v3 =	vadd.f32 v30, v3;
	v0 =	vadd.f32 v26, v4  }
0x4c0: {  	v58 =	vld [tilespmem:s31+$0x4800]  }
0x4c1: {  	v57 =	vld [tilespmem:s31+$0x10800];
	[tilespmem:$0x1F7C0] =	vst v0;
	v0 =	vadd.f32 v25, v3  }
0x4c2: {  	v60 =	vld [tilespmem:s31+$0x4820]  }
0x4c3: {  	[tilespmem:$0x1F7D0] =	vst v0;
	v0 =	vld [tilespmem:$0x1F950]  }
0x4c4: {  	v61 =	vld [tilespmem:s31+$0x10820]  }
0x4c5: {  	v62 =	vld [tilespmem:s31+$0x4830]  }
0x4c6: {  	v5 =	vand.u32 $0x7FFFFFFF, v22;
	v63 =	vld [tilespmem:s31+$0x10830];
	v4 =	vand.u32 $0x7FFFFFFF, v23  }
0x4c7: {  	v5 =	vadd.f32 v5, v6;
	v6 =	vand.u32 $0x7FFFFFFF, v21;
	v55 =	vld [tilespmem:s31+$0x4840];
	v4 =	vadd.f32 v4, v7  }
0x4c8: {  	v17 =	vand.u32 $0x7FFFFFFF, v17;
	v6 =	vadd.f32 v6, v0;
	v0 =	vld [tilespmem:$0x1F960]  }
0x4c9: {  	v16 =	vand.u32 $0x7FFFFFFF, v16;
	v51 =	vld [tilespmem:s31+$0x10840];
	v4 =	vadd.f32 v17, v4  }
0x4ca: {  	v5 =	vadd.f32 v16, v5;
	v53 =	vld [tilespmem:s31+$0x4850]  }
0x4cb: {  	v15 =	vand.u32 $0x7FFFFFFF, v15;
	v49 =	vld [tilespmem:s31+$0x10850];
	v4 =	vadd.f32 v18, v4  }
0x4cc: {  	v5 =	vadd.f32 v19, v5;
	v50 =	vld [tilespmem:s31+$0x4860];
	v7 =	vand.u32 $0x7FFFFFFF, v20;
	v6 =	vadd.f32 v15, v6  }
0x4cd: {  	v48 =	vld [tilespmem:s31+$0x10860];
	v7 =	vadd.f32 v7, v0;
	v0 =	vadd.f32 v12, v4  }
0x4ce: {  	v11 =	vand.u32 $0x7FFFFFFF, v11;
	v56 =	vld [tilespmem:s31+$0x4870]  }
0x4cf: {  	v52 =	vld [tilespmem:s31+$0x10870];
	v6 =	vadd.f32 v11, v6;
	[tilespmem:$0x1F7E0] =	vst v0;
	v0 =	vadd.f32 v14, v5  }
0x4d0: {  	v9 =	vand.u32 $0x7FFFFFFF, v9;
	v46 =	vld [tilespmem:s31+$0x4400]  }
0x4d1: {  	v44 =	vld [tilespmem:s31+$0x10400];
	[tilespmem:$0x1F7F0] =	vst v0;
	v0 =	vadd.f32 v9, v6  }
0x4d2: {  	v3 =	vld [tilespmem:$0x1F820]  }
0x4d3: {  	[tilespmem:$0x1F800] =	vst v0;
	v0 =	vld [tilespmem:$0x1F810]  }
0x4d4: {  	v47 =	vld [tilespmem:s31+$0x4410]  }
0x4d5: {  	v45 =	vld [tilespmem:s31+$0x10410]  }
0x4d6: {  	v1 =	vadd.f32 v38, v1;
	v43 =	vld [tilespmem:s31+$0x4420]  }
0x4d7: {  	v42 =	vld [tilespmem:s31+$0x10420]  }
0x4d8: {  	v1 =	vadd.f32 v35, v1;
	v35 =	vsub.f32 v0, v3;
	v0 =	vld [tilespmem:$0x1F830]  }
0x4d9: {  	v3 =	vld [tilespmem:$0x1F840]  }
0x4da: {  	v41 =	vld [tilespmem:s31+$0x4430]  }
0x4db: {  	v40 =	vld [tilespmem:s31+$0x10430]  }
0x4dc: {  	v39 =	vld [tilespmem:s31+$0x4440]  }
0x4dd: {  	v33 =	vld [tilespmem:s31+$0x4450]  }
0x4de: {  	v37 =	vsub.f32 v0, v3;
	v0 =	vld [tilespmem:$0x1F850]  }
0x4df: {  	v3 =	vld [tilespmem:$0x1F860]  }
0x4e0: {  	v1 =	vadd.f32 v31, v1;
	v31 =	vld [tilespmem:s31+$0x10450]  }
0x4e1: {  	v22 =	vld [tilespmem:s31+$0x4000]  }
0x4e2: {  	v36 =	vld [tilespmem:s31+$0x10020]  }
0x4e3: {  	v1 =	vadd.f32 v28, v1;
	v28 =	vld [tilespmem:s31+$0x4010]  }
0x4e4: {  	v38 =	vsub.f32 v0, v3;
	v0 =	vld [tilespmem:$0x1F870]  }
0x4e5: {  	v3 =	vld [tilespmem:$0x1F880]  }
0x4e6: {  	v57 =	vsub.f32 v58, v57;
	v58 =	vld [tilespmem:s31+$0x10040]  }
0x4e7: {  	v60 =	vsub.f32 v60, v61;
	v61 =	vld [tilespmem:s31+$0x4050]  }
0x4e8: {  	v51 =	vsub.f32 v55, v51;
	v55 =	vld [tilespmem:s31+$0x10050]  }
0x4e9: {  	v44 =	vsub.f32 v46, v44;
	v46 =	vld [tilespmem:s31+$0x10060]  }
0x4ea: {  	v21 =	vsub.f32 v0, v3;
	v0 =	vld [tilespmem:$0x1F890]  }
0x4eb: {  	v34 =	vld [tilespmem:s31+$0x10440]  }
0x4ec: {  	v27 =	vld [tilespmem:s31+$0x10460]  }
0x4ed: {  	v24 =	vld [tilespmem:s31+$0x10470]  }
0x4ee: {  	v3 =	vld [tilespmem:$0x1F8B0]  }
0x4ef: {  	v54 =	vsub.f32 v0, v54;
	v0 =	vld [tilespmem:$0x1F8A0]  }
0x4f0: {  	v29 =	vld [tilespmem:s31+$0x4460]  }
0x4f1: {  	v32 =	vld [tilespmem:s31+$0x4020]  }
0x4f2: {  	v30 =	vld [tilespmem:s31+$0x10010]  }
0x4f3: {  	v26 =	vld [tilespmem:s31+$0x10000]  }
0x4f4: {  	v23 =	vsub.f32 v0, v3;
	v0 =	vld [tilespmem:$0x1F8C0]  }
0x4f5: {  	v3 =	vld [tilespmem:$0x1F8D0]  }
0x4f6: {  	v20 =	vld [tilespmem:s31+$0x4030]  }
0x4f7: {  	v62 =	vsub.f32 v62, v63;
	v25 =	vld [tilespmem:s31+$0x4470]  }
0x4f8: {  	v49 =	vsub.f32 v53, v49;
	v45 =	vsub.f32 v47, v45;
	v15 =	vld [tilespmem:s31+$0x10030]  }
0x4f9: {  	v16 =	vsub.f32 v43, v42;
	v11 =	vsub.f32 v50, v48;
	v48 =	vld [tilespmem:s31+$0x4060]  }
0x4fa: {  	v19 =	vsub.f32 v33, v31;
	v9 =	vsub.f32 v0, v3;
	v0 =	vld [tilespmem:$0x1F8E0]  }
0x4fb: {  	v13 =	vand.u32 $0x7FFFFFFF, v13;
	v17 =	vsub.f32 v41, v40;
	v63 =	vsub.f32 v32, v36;
	v3 =	vld [tilespmem:$0x1F8F0]  }
0x4fc: {  	v18 =	vsub.f32 v39, v34;
	v50 =	vld [tilespmem:s31+$0x4070];
	v7 =	vadd.f32 v13, v7  }
0x4fd: {  	v10 =	vand.u32 $0x7FFFFFFF, v10;
	v53 =	vsub.f32 v22, v26;
	v12 =	vsub.f32 v25, v24;
	v13 =	vld [tilespmem:s31+$0x4040]  }
0x4fe: {  	v8 =	vand.u32 $0x7FFFFFFF, v8;
	v7 =	vadd.f32 v10, v7;
	v10 =	vsub.f32 v56, v52;
	v52 =	vld [tilespmem:s31+$0x10070]  }
0x4ff: {  	v59 =	vld [tilespmem:s31+$0x10810];
	v31 =	vand.u32 $0x7FFFFFFF, v62;
	v25 =	vsub.f32 v61, v55;
	v56 =	vsub.f32 v28, v30  }
0x500: {  	v32 =	vand.u32 $0x7FFFFFFF, v57;
	v7 =	vadd.f32 v8, v7;
	v8 =	vsub.f32 v0, v3;
	v0 =	vld [tilespmem:$0x1F900]  }
0x501: {  	v36 =	vand.u32 $0x7FFFFFFF, v45;
	v14 =	vsub.f32 v29, v27;
	v34 =	vsub.f32 v20, v15  }
0x502: {  	v24 =	vsub.f32 v48, v46;
	v30 =	vand.u32 $0x7FFFFFFF, v60;
	v39 =	vand.u32 $0x7FFFFFFF, v56  }
0x503: {  	v20 =	vsub.f32 v13, v58;
	v22 =	vsub.f32 v50, v52;
	v28 =	vand.u32 $0x7FFFFFFF, v35  }
0x504: {  	v35 =	vand.u32 $0x7FFFFFFF, v44;
	v29 =	vand.u32 $0x7FFFFFFF, v37;
	v37 =	vand.u32 $0x7FFFFFFF, v63  }
0x505: {  	v26 =	vand.u32 $0x7FFFFFFF, v38;
	v38 =	vand.u32 $0x7FFFFFFF, v53;
	v59 =	vsub.f32 v0, v59  }
0x506: {  	v27 =	vand.u32 $0x7FFFFFFF, v21;
	v21 =	vand.u32 $0x7FFFFFFF, v51;
	v13 =	vand.u32 $0x7FFFFFFF, v54  }
0x507: {  	s4 =	simm.s32 $0x200;
	s3 =	simm.s32 $0x80;
	v15 =	vand.u32 $0x7FFFFFFF, v23;
	v23 =	vand.u32 $0x7FFFFFFF, v49;
	v33 =	vand.u32 $0x7FFFFFFF, v59  }
.LBB2_15:
0x508: {  	s5 =	sand.u32 $0x3000, s4;
	s6 =	sand.u32 $0x380, s3  }
0x509: {  	v3 =	vld [tilespmem:$0x1F7D0];
	s5 =	sor.u32 s6, s5  }
0x50a: {  	v40 =	vand.u32 $0x7FFFFFFF, v17;
	v17 =	vld [tilespmem:s5+$0x10C00]  }
0x50b: {  	v41 =	vand.u32 $0x7FFFFFFF, v18;
	v18 =	vld [tilespmem:s5+$0x4C10]  }
0x50c: {  	v42 =	vand.u32 $0x7FFFFFFF, v19;
	v19 =	vld [tilespmem:s5+$0x10C10]  }
0x50d: {  	v43 =	vand.u32 $0x7FFFFFFF, v20;
	v22 =	vand.u32 $0x7FFFFFFF, v22;
	v20 =	vld [tilespmem:s5+$0x4C20]  }
0x50e: {  	v7 =	vadd.f32 v22, v7;
	v22 =	vld [tilespmem:s5+$0x4C40]  }
0x50f: {  	v44 =	vld [tilespmem:s5+$0x10410]  }
0x510: {  	v45 =	vld [tilespmem:s5+$0x4420]  }
0x511: {  	v46 =	vld [tilespmem:s5+$0x10420]  }
0x512: {  	v47 =	vld [tilespmem:s5+$0x4430]  }
0x513: {  	v48 =	vld [tilespmem:s5+$0x10430]  }
0x514: {  	v49 =	vld [tilespmem:s5+$0x4440]  }
0x515: {  	v50 =	vld [tilespmem:s5+$0x10440]  }
0x516: {  	v51 =	vld [tilespmem:s5+$0x4450]  }
0x517: {  	v52 =	vld [tilespmem:s5+$0x10450]  }
0x518: {  	v53 =	vld [tilespmem:s5+$0x4460]  }
0x519: {  	v54 =	vld [tilespmem:s5+$0x10460]  }
0x51a: {  	v55 =	vld [tilespmem:s5+$0x4470]  }
0x51b: {  	v56 =	vld [tilespmem:s5+$0x10470]  }
0x51c: {  	v57 =	vld [tilespmem:s5+$0x4000]  }
0x51d: {  	v58 =	vld [tilespmem:s5+$0x10000]  }
0x51e: {  	v59 =	vld [tilespmem:s5+$0x4010]  }
0x51f: {  	v60 =	vld [tilespmem:s5+$0x10010]  }
0x520: {  	v0 =	vadd.f32 v38, v2;
	v2 =	vadd.f32 v39, v1;
	v1 =	vld [tilespmem:$0x1F7C0]  }
0x521: {  	v61 =	vld [tilespmem:s5+$0x4020]  }
0x522: {  	v34 =	vand.u32 $0x7FFFFFFF, v34;
	v12 =	vand.u32 $0x7FFFFFFF, v12;
	v63 =	vld [tilespmem:s5+$0x10020]  }
0x523: {  	v39 =	vand.u32 $0x7FFFFFFF, v16;
	v16 =	vld [tilespmem:s5+$0x4C00];
	v7 =	vadd.f32 v12, v7;
	v0 =	vadd.f32 v35, v0  }
0x524: {  	v12 =	vld [tilespmem:s5+$0x4C50];
	v3 =	vadd.f32 v34, v3;
	v2 =	vadd.f32 v36, v2  }
0x525: {  	v10 =	vand.u32 $0x7FFFFFFF, v10;
	v38 =	vld [tilespmem:s5+$0x10860];
	v0 =	vadd.f32 v32, v0;
	v1 =	vadd.f32 v37, v1  }
0x526: {  	v34 =	vld [tilespmem:s5+$0x10840];
	v7 =	vadd.f32 v10, v7;
	v2 =	vadd.f32 v33, v2  }
0x527: {  	v10 =	vld [tilespmem:s5+$0x4C60];
	v0 =	vadd.f32 v28, v0;
	v1 =	vadd.f32 v39, v1  }
0x528: {  	v35 =	vld [tilespmem:s5+$0x4850];
	v3 =	vadd.f32 v40, v3  }
0x529: {  	v8 =	vand.u32 $0x7FFFFFFF, v8;
	v36 =	vld [tilespmem:s5+$0x10850];
	[tilespmem:$0x1F7B0] =	vst v0;
	v0 =	vadd.f32 v29, v2;
	v1 =	vadd.f32 v30, v1  }
0x52a: {  	v40 =	vld [tilespmem:s5+$0x10870];
	v7 =	vadd.f32 v8, v7  }
0x52b: {  	v8 =	vld [tilespmem:s5+$0x4C70];
	v3 =	vadd.f32 v31, v3;
	[tilespmem:$0x1F7A0] =	vst v0;
	v0 =	vadd.f32 v26, v1  }
0x52c: {  	v32 =	vld [tilespmem:s5+$0x10830]  }
0x52d: {  	v33 =	vld [tilespmem:s5+$0x4840];
	[tilespmem:$0x1F7C0] =	vst v0;
	v0 =	vadd.f32 v27, v3  }
0x52e: {  	v31 =	vld [tilespmem:s5+$0x4830]  }
0x52f: {  	[tilespmem:$0x1F7D0] =	vst v0;
	v0 =	vld [tilespmem:$0x1F7E0]  }
0x530: {  	v37 =	vld [tilespmem:s5+$0x4860]  }
0x531: {  	v28 =	vld [tilespmem:s5+$0x10C20]  }
0x532: {  	v39 =	vld [tilespmem:s5+$0x4870]  }
0x533: {  	v29 =	vld [tilespmem:s5+$0x4820]  }
0x534: {  	v4 =	vadd.f32 v43, v0;
	v0 =	vld [tilespmem:$0x1F7F0]  }
0x535: {  	v30 =	vld [tilespmem:s5+$0x10820]  }
0x536: {  	v26 =	vld [tilespmem:s5+$0x4C30]  }
0x537: {  	v27 =	vld [tilespmem:s5+$0x10810]  }
0x538: {  	v25 =	vand.u32 $0x7FFFFFFF, v25;
	v43 =	vld [tilespmem:s5+$0x4410]  }
0x539: {  	v5 =	vadd.f32 v25, v0;
	v0 =	vld [tilespmem:$0x1F800]  }
0x53a: {  	v4 =	vadd.f32 v41, v4;
	v41 =	vld [tilespmem:s5+$0x4400]  }
0x53b: {  	v25 =	vld [tilespmem:s5+$0x10C30]  }
0x53c: {  	v58 =	vsub.f32 v57, v58;
	v4 =	vadd.f32 v21, v4;
	v21 =	vld [tilespmem:s5+$0x10800]  }
0x53d: {  	v24 =	vand.u32 $0x7FFFFFFF, v24;
	v60 =	vsub.f32 v59, v60;
	v5 =	vadd.f32 v42, v5;
	v42 =	vld [tilespmem:s5+$0x10400]  }
0x53e: {  	v63 =	vsub.f32 v61, v63;
	v6 =	vadd.f32 v24, v0;
	v24 =	vld [tilespmem:s5+$0x10C40]  }
0x53f: {  	v62 =	vsub.f32 v16, v17;
	v0 =	vadd.f32 v13, v4;
	v13 =	vld [tilespmem:s5+$0x10C70]  }
0x540: {  	v16 =	vsub.f32 v45, v46;
	v2 =	vsub.f32 v26, v25;
	v25 =	vld [tilespmem:s5+$0x4050]  }
0x541: {  	v17 =	vsub.f32 v47, v48;
	v31 =	vsub.f32 v31, v32;
	v26 =	vld [tilespmem:s5+$0x10050]  }
0x542: {  	v14 =	vand.u32 $0x7FFFFFFF, v14;
	v1 =	vsub.f32 v20, v28;
	v5 =	vadd.f32 v23, v5;
	v23 =	vld [tilespmem:s5+$0x4810]  }
0x543: {  	v44 =	vsub.f32 v43, v44;
	v6 =	vadd.f32 v14, v6;
	v14 =	vld [tilespmem:s5+$0x10C50]  }
0x544: {  	v11 =	vand.u32 $0x7FFFFFFF, v11;
	[tilespmem:$0x1F7E0] =	vst v0;
	v0 =	vadd.f32 v15, v5;
	v15 =	vld [tilespmem:s5+$0x4800];
	v5 =	vsub.f32 v33, v34  }
0x545: {  	v20 =	vld [tilespmem:s5+$0x4030];
	v6 =	vadd.f32 v11, v6;
	v3 =	vsub.f32 v22, v24  }
0x546: {  	v9 =	vand.u32 $0x7FFFFFFF, v9;
	v28 =	vld [tilespmem:s5+$0x10060];
	v8 =	vsub.f32 v8, v13;
	v25 =	vsub.f32 v25, v26  }
0x547: {  	[tilespmem:$0x1F7F0] =	vst v0;
	v11 =	vld [tilespmem:s5+$0x10C60];
	v0 =	vadd.f32 v9, v6;
	v6 =	vsub.f32 v35, v36  }
0x548: {  	v22 =	vld [tilespmem:s5+$0x10030];
	v35 =	vsub.f32 v41, v42;
	v4 =	vsub.f32 v12, v14  }
0x549: {  	v24 =	vld [tilespmem:s5+$0x4040];
	v15 =	vsub.f32 v15, v21;
	v21 =	vsub.f32 v23, v27  }
0x54a: {  	v31 =	vand.u32 $0x7FFFFFFF, v31;
	v13 =	vld [tilespmem:s5+$0x10040];
	v23 =	vsub.f32 v29, v30;
	v14 =	vsub.f32 v53, v54  }
0x54b: {  	v26 =	vand.u32 $0x7FFFFFFF, v1;
	v27 =	vld [tilespmem:s5+$0x4060];
	v12 =	vsub.f32 v55, v56;
	[tilespmem:$0x1F800] =	vst v0;
	v0 =	vsub.f32 v18, v19  }
0x54c: {  	v36 =	vand.u32 $0x7FFFFFFF, v44;
	v29 =	vld [tilespmem:s5+$0x4070];
	v18 =	vsub.f32 v49, v50;
	v19 =	vsub.f32 v51, v52  }
0x54d: {  	v30 =	vld [tilespmem:s5+$0x10070];
	v35 =	vand.u32 $0x7FFFFFFF, v35;
	v9 =	vsub.f32 v10, v11;
	v11 =	vsub.f32 v37, v38  }
0x54e: {  	p0 =	sne.s32 s4, $0x3E00;
	v10 =	vsub.f32 v39, v40;
	v32 =	vand.u32 $0x7FFFFFFF, v15;
	v33 =	vand.u32 $0x7FFFFFFF, v21  }
.Ltmp7:
0x54f: {  	v15 =	vand.u32 $0x7FFFFFFF, v4;
	v21 =	vand.u32 $0x7FFFFFFF, v5;
	v38 =	vand.u32 $0x7FFFFFFF, v58;
	(pc) =	sbr.rel @p0 .LBB2_15-.Ltmp7, $4  }
0x550: {  	v39 =	vand.u32 $0x7FFFFFFF, v60;
	v37 =	vand.u32 $0x7FFFFFFF, v63;
	v34 =	vsub.f32 v20, v22  }
0x551: {  	v20 =	vsub.f32 v24, v13;
	v13 =	vand.u32 $0x7FFFFFFF, v3;
	v24 =	vsub.f32 v27, v28  }
0x552: {  	v1 =	vld [tilespmem:$0x1F7A0];
	v22 =	vsub.f32 v29, v30;
	v28 =	vand.u32 $0x7FFFFFFF, v62;
	v29 =	vand.u32 $0x7FFFFFFF, v0  }
0x553: {  	s3 =	sadd.s32 $0x80, s3;
	s4 =	sadd.s32 $0x200, s4;
	v27 =	vand.u32 $0x7FFFFFFF, v2;
	v2 =	vld [tilespmem:$0x1F7B0];
	v30 =	vand.u32 $0x7FFFFFFF, v23;
	v23 =	vand.u32 $0x7FFFFFFF, v6  }
0x554: {  	v3 =	vld [tilespmem:$0x1F7C0]  }
0x555: {  	v4 =	vld [tilespmem:$0x1F7D0]  }
0x556: {  	v53 =	vld [tilespmem:$0x1F7E0]  }
0x557: {  	v54 =	vld [tilespmem:$0x1F7F0]  }
0x558: {  	v47 =	vand.u32 $0x7FFFFFFF, v34;
	v48 =	vand.u32 $0x7FFFFFFF, v16;
	v55 =	vand.u32 $0x7FFFFFFF, v22;
	v56 =	vld [tilespmem:$0x1F800]  }
0x559: {  	v5 =	vand.u32 $0x7FFFFFFF, v17;
	v7 =	vadd.f32 v55, v7;
	v1 =	vadd.f32 v39, v1  }
0x55a: {  	v6 =	vand.u32 $0x7FFFFFFF, v20;
	v0 =	vadd.f32 v38, v2;
	v3 =	vadd.f32 v37, v3  }
0x55b: {  	v51 =	vand.u32 $0x7FFFFFFF, v25;
	v2 =	vadd.f32 v47, v4;
	v1 =	vadd.f32 v36, v1  }
0x55c: {  	v52 =	vand.u32 $0x7FFFFFFF, v24;
	v6 =	vadd.f32 v6, v53;
	v16 =	vadd.f32 v51, v54  }
0x55d: {  	v49 =	vand.u32 $0x7FFFFFFF, v18;
	v17 =	vadd.f32 v52, v56;
	v0 =	vadd.f32 v35, v0  }
0x55e: {  	v50 =	vand.u32 $0x7FFFFFFF, v19;
	v3 =	vadd.f32 v48, v3;
	v2 =	vadd.f32 v5, v2  }
0x55f: {  	v14 =	vand.u32 $0x7FFFFFFF, v14;
	v1 =	vadd.f32 v33, v1;
	v4 =	vadd.f32 v49, v6  }
0x560: {  	v57 =	vand.u32 $0x7FFFFFFF, v12;
	v5 =	vadd.f32 v50, v16;
	v58 =	vadd.f32 v14, v17  }
0x561: {  	v6 =	vadd.f32 v57, v7;
	v0 =	vadd.f32 v32, v0  }
0x562: {  	v3 =	vadd.f32 v30, v3;
	v2 =	vadd.f32 v31, v2  }
0x563: {  	v59 =	vand.u32 $0x7FFFFFFF, v11;
	v1 =	vadd.f32 v29, v1;
	v4 =	vadd.f32 v21, v4  }
0x564: {  	v10 =	vand.u32 $0x7FFFFFFF, v10;
	v5 =	vadd.f32 v23, v5;
	v7 =	vadd.f32 v59, v58  }
0x565: {  	v6 =	vadd.f32 v10, v6;
	v0 =	vadd.f32 v28, v0  }
0x566: {  	v9 =	vand.u32 $0x7FFFFFFF, v9;
	v3 =	vadd.f32 v26, v3;
	v2 =	vadd.f32 v27, v2  }
0x567: {  	v8 =	vand.u32 $0x7FFFFFFF, v8;
	v4 =	vadd.f32 v13, v4;
	v5 =	vadd.f32 v15, v5  }
0x568: {  	v7 =	vadd.f32 v9, v7;
	v6 =	vadd.f32 v8, v6  }
0x569: {  	v0 =	vadd.f32 v1, v0;
	v60 =	vadd.f32 v2, v3  }
0x56a: {  	v61 =	vadd.f32 v5, v4;
	v62 =	vadd.f32 v6, v7;
	_ =	sdelay $0x1  }
0x56b: {  	v0 =	vadd.f32 v60, v0;
	v63 =	vadd.f32 v62, v61;
	_ =	sdelay $0x1  }
0x56c: {  	v0 =	vadd.f32 v63, v0  }
0x56d: {  	s3 =	sshll.u32 s1, $0x4;
	s30 =	simm.s32 $0x0  }
0x56e: {  	s4 =	simm.s32 $0x18000;
	s31 =	simm.s32 $0x7;
	s2 =	sadd.s32 s2, s3;
	[tilespmem:$0x18000] =	vst v0  }
0x56f: {  	[hbm4b:s2+s30] =	stream.linear.scatter [tilespmem:s4], [sflag:$0x7], $0x80, $0x38;
	[tilespmem:$0x18080] =	vst v63  }
0x570: {  	_ =	swait.ge [sflag:s31], $0x80  }
0x571: {  	[sflag:s31] =	ssyncset.done $0x0  }
0x572: {  	[sflag:s31] =	ssyncadd.s32 $0xFFFFFF80  }
0x573: {  	_ =	sfence.sel $0x180000  }
0x574: {  	[bflag:$0x0] =	sbarrier.arrive $0xFFFF  }
0x575: {  	p0 =	sne.s32 s1, $0x0;
	_ =	strace $0x90000047  }
0x576: {  	s0 =	sadd.s32 @!p0 $0x100000, s0;
	[bflag:$0x2] =	sbarrier.arrive $0xFFFF  }
0x577: {  	[sflag:s0] =	ssyncadd.tile.s32 @!p0 $0x1;
	_ =	shalt  }
.Lfunc_end2:
_tile_overlayer_lowered:
.L_overlay_start_2:
0x578: {  	(tag) =	ssettag $0x2  }
0x579: {  	s0 =	rddreg [dreg:$0x0];
	s2 =	stileid.u32  }
0x57a: {  	s1 =	rddreg [dreg:$0x1];
	p0 =	sne.s32 s2, $0x0  }
0x57b: {  	s3 =	rddreg [dreg:$0x2];
	[bflag:$0x3] =	sbarrier.arrive $0xFFFF;
	s2 =	simm.s32 @!p0 $0x1C07  }
0x57c: {  	[timem:s3], [sflag:s2] =	dma.local @!p0 [hbm:s0], s1  }
0x57d: {  	s0 =	simm.s32 @!p0 $0x7  }
0x57e: {  	_ =	swait.ge @!p0 [sflag:s0], s1  }
0x57f: {  	s1 =	ssub.s32 @!p0 $0x0, s1;
	[sflag:s0] =	ssyncset.done @!p0 $0x0  }
0x580: {  	[sflag:s0] =	ssyncadd.s32 @!p0 s1  }
0x581: {  	[bflag:$0x3] =	sbarrier.arrive $0xFFFF  }
0x582: {  	_ =	shalt  }

</sc_bundles>
